<compile_context>
chip_gen: v7x
topology: tpu7x:2x2x1
jax: 0.10.2.dev20260603
libtpu: 0.0.44.dev20260713+nightly
codegen_flags: <defaults>
</compile_context>

<pallas_src>
import functools

import jax
import jax.numpy as jnp
from jax import lax
from jax.experimental import pallas as pl
from jax.experimental.pallas import tpu as pltpu
from jax.experimental.pallas import tpu_sc as plsc

N = 10000
E = 320000
D = 128
N_P = 10240

NC = 2
NS = 16
NW = NC * NS

EPT_DEG = E // NW
CH_DEG = 80
IT_DEG = EPT_DEG // CH_DEG
UNROLL_D = 5

CH = 128
IT_AGG = 80
EPT = CH * IT_AGG
E_PAD = EPT * NW
N_PAD_ROWS = 8
RING = 2
IRING = 4
UNROLL = 10
K_OUT = IT_AGG // UNROLL

RPT = N_P // NS
ZROWS = 64

_f32 = jnp.float32


def _mesh():
    return plsc.VectorSubcoreMesh(
        core_axis_name="c", subcore_axis_name="s",
        num_cores=NC, num_subcores=NS)


@functools.cache
def _sc_degrees_call():
    bufs = {}
    for r in range(IRING):
        bufs[f"idx_s{r}"] = pltpu.VMEM((CH_DEG,), jnp.int32)
        bufs[f"idx_d{r}"] = pltpu.VMEM((CH_DEG,), jnp.int32)
        bufs[f"isem{r}"] = pltpu.SemaphoreType.DMA
        bufs[f"jsem{r}"] = pltpu.SemaphoreType.DMA
    for r in range(2):
        bufs[f"ssem{r}"] = pltpu.SemaphoreType.DMA
        bufs[f"tsem{r}"] = pltpu.SemaphoreType.DMA
    return functools.partial(
        pl.kernel,
        mesh=_mesh(),
        out_type=jax.ShapeDtypeStruct((NC, N_P, D), _f32),
        scratch_types=dict(
            acc=pltpu.VMEM_SHARED((N_P, D), _f32),
            rows_s=pltpu.VMEM((CH_DEG, D), _f32),
            rows_d=pltpu.VMEM((CH_DEG, D), _f32),
            zbuf=pltpu.VMEM((ZROWS, D), _f32),
            **bufs,
        ),
    )(_sc_degrees_body)


def _sc_degrees_body(src_hbm, dst_hbm, degp_hbm, acc, rows_s, rows_d, zbuf,
                     idx_s0, idx_d0, isem0, jsem0,
                     idx_s1, idx_d1, isem1, jsem1,
                     idx_s2, idx_d2, isem2, jsem2,
                     idx_s3, idx_d3, isem3, jsem3,
                     ssem0, tsem0, ssem1, tsem1):
    idx_s = (idx_s0, idx_s1, idx_s2, idx_s3)
    idx_d = (idx_d0, idx_d1, idx_d2, idx_d3)
    isems = (isem0, isem1, isem2, isem3)
    jsems = (jsem0, jsem1, jsem2, jsem3)
    ssems = (ssem0, ssem1)
    tsems = (tsem0, tsem1)
    c = lax.axis_index("c")
    s = lax.axis_index("s")
    wid = s * NC + c

    lane = lax.iota(jnp.int32, 16)
    hot0 = jnp.where(lane == 0, 1.0, 0.0).astype(_f32)
    hot1 = jnp.where(lane == 1, 1.0, 0.0).astype(_f32)
    zv = jnp.zeros((16,), _f32)

    def fill(i, _):
        rows_s[i % CH_DEG, pl.ds(0, 16)] = hot0
        rows_d[i % CH_DEG, pl.ds(0, 16)] = hot1
        for j in range(1, D // 16):
            rows_s[i % CH_DEG, pl.ds(j * 16, 16)] = zv
            rows_d[i % CH_DEG, pl.ds(j * 16, 16)] = zv
        for j in range(D // 16):
            zbuf[i % ZROWS, pl.ds(j * 16, 16)] = zv
        return 0

    lax.fori_loop(0, max(CH_DEG, ZROWS), fill, 0)

    for k in range(RPT // ZROWS):
        pltpu.sync_copy(zbuf, acc.at[pl.ds(s * RPT + k * ZROWS, ZROWS)])
    plsc.subcore_barrier()

    def issue_idx(k, u):
        q = u % IRING
        base = wid * EPT_DEG + (k * UNROLL_D + u) * CH_DEG
        return (pltpu.async_copy(src_hbm.at[pl.ds(base, CH_DEG)],
                                 idx_s[q], isems[q]),
                pltpu.async_copy(dst_hbm.at[pl.ds(base, CH_DEG)],
                                 idx_d[q], jsems[q]))

    def step(k, _):
        idescs = {0: issue_idx(k, 0), 1: issue_idx(k, 1)}
        sdescs = {}
        for u in range(UNROLL_D):
            q = u % IRING
            d1, d2 = idescs.pop(u)
            d1.wait()
            d2.wait()
            if u + 2 < UNROLL_D:
                idescs[u + 2] = issue_idx(k, u + 2)
            sdescs[u] = (
                pltpu.async_copy(rows_s, acc.at[idx_s[q]], ssems[u % 2],
                                 add=True),
                pltpu.async_copy(rows_d, acc.at[idx_d[q]], tsems[u % 2],
                                 add=True))
            if u >= 1:
                p1, p2 = sdescs.pop(u - 1)
                p1.wait()
                p2.wait()
        p1, p2 = sdescs.pop(UNROLL_D - 1)
        p1.wait()
        p2.wait()
        return 0

    lax.fori_loop(0, IT_DEG // UNROLL_D, step, 0)
    plsc.subcore_barrier()

    pltpu.sync_copy(acc.at[pl.ds(s * RPT, RPT)],
                    degp_hbm.at[c, pl.ds(s * RPT, RPT)])


@functools.cache
def _sc_aggregate_call():
    bufs = {}
    for r in range(RING):
        bufs[f"rows{r}"] = pltpu.VMEM((CH, D), _f32)
        bufs[f"gsem{r}"] = pltpu.SemaphoreType.DMA
        bufs[f"wsem{r}"] = pltpu.SemaphoreType.DMA
    for r in range(IRING):
        bufs[f"idx_s{r}"] = pltpu.VMEM((CH,), jnp.int32)
        bufs[f"idx_d{r}"] = pltpu.VMEM((CH,), jnp.int32)
        bufs[f"isem{r}"] = pltpu.SemaphoreType.DMA
        bufs[f"jsem{r}"] = pltpu.SemaphoreType.DMA
    return functools.partial(
        pl.kernel,
        mesh=_mesh(),
        out_type=jax.ShapeDtypeStruct((NC, N_P, D), _f32),
        scratch_types=dict(
            acc=pltpu.VMEM_SHARED((N_P, D), _f32),
            zbuf=pltpu.VMEM((ZROWS, D), _f32),
            **bufs,
        ),
    )(_sc_aggregate_body)


def _sc_aggregate_body(y_hbm, src_hbm, dst_hbm, part_hbm, acc, zbuf,
                       rows0, gsem0, wsem0, rows1, gsem1, wsem1,
                       idx_s0, idx_d0, isem0, jsem0,
                       idx_s1, idx_d1, isem1, jsem1,
                       idx_s2, idx_d2, isem2, jsem2,
                       idx_s3, idx_d3, isem3, jsem3):
    idx_s = (idx_s0, idx_s1, idx_s2, idx_s3)
    idx_d = (idx_d0, idx_d1, idx_d2, idx_d3)
    rows = (rows0, rows1)
    isems = (isem0, isem1, isem2, isem3)
    jsems = (jsem0, jsem1, jsem2, jsem3)
    gsems = (gsem0, gsem1)
    wsems = (wsem0, wsem1)
    c = lax.axis_index("c")
    s = lax.axis_index("s")
    wid = s * NC + c

    zv = jnp.zeros((16,), _f32)

    def zfill(i, _):
        for j in range(D // 16):
            zbuf[i, pl.ds(j * 16, 16)] = zv
        return 0

    lax.fori_loop(0, ZROWS, zfill, 0)
    for k in range(RPT // ZROWS):
        pltpu.sync_copy(zbuf, acc.at[pl.ds(s * RPT + k * ZROWS, ZROWS)])
    plsc.subcore_barrier()

    def issue_idx(k, u):
        q = u % IRING
        base = wid * EPT + (k * UNROLL + u) * CH
        return (pltpu.async_copy(src_hbm.at[pl.ds(base, CH)],
                                 idx_s[q], isems[q]),
                pltpu.async_copy(dst_hbm.at[pl.ds(base, CH)],
                                 idx_d[q], jsems[q]))

    def step(k, _):
        idescs = {0: issue_idx(k, 0), 1: issue_idx(k, 1)}
        gdescs = {}
        sdescs = {}
        for u in range(UNROLL):
            q = u % IRING
            r = u % RING
            d1, d2 = idescs.pop(u)
            d1.wait()
            d2.wait()
            if u >= 2:
                sdescs.pop(u - 2).wait()
            if u + 2 < UNROLL:
                idescs[u + 2] = issue_idx(k, u + 2)
            gdescs[u] = pltpu.async_copy(y_hbm.at[idx_s[q]], rows[r],
                                         gsems[r])
            if u >= 1:
                gdescs.pop(u - 1).wait()
                sdescs[u - 1] = pltpu.async_copy(
                    rows[(u - 1) % RING], acc.at[idx_d[(u - 1) % IRING]],
                    wsems[(u - 1) % 2], add=True)
        gdescs.pop(UNROLL - 1).wait()
        sdescs[UNROLL - 1] = pltpu.async_copy(
            rows[(UNROLL - 1) % RING], acc.at[idx_d[(UNROLL - 1) % IRING]],
            wsems[(UNROLL - 1) % 2], add=True)
        sdescs.pop(UNROLL - 2).wait()
        sdescs.pop(UNROLL - 1).wait()
        return 0

    lax.fori_loop(0, K_OUT, step, 0)
    plsc.subcore_barrier()

    pltpu.sync_copy(acc.at[pl.ds(s * RPT, RPT)],
                    part_hbm.at[c, pl.ds(s * RPT, RPT)])


_RB = 2048
_GRID = N_P // _RB


def _mm_norm_scale_body(x_ref, w_ref, degp_ref, ys_ref, ns_ref, nd_ref):
    p = degp_ref[...]
    d = p[0] + p[1]
    d_out = d[:, 0:1]
    d_in = d[:, 1:2]
    ns = jnp.where(d_out > 0, lax.rsqrt(d_out), 0.0)
    nd = jnp.where(d_in > 0, lax.rsqrt(d_in), 0.0)
    ns_ref[...] = jnp.broadcast_to(ns, (_RB, 16))
    nd_ref[...] = jnp.broadcast_to(nd, (_RB, 16))
    ys_ref[...] = jnp.dot(x_ref[...], w_ref[...],
                          preferred_element_type=_f32) * ns


def _tc_mm_norm_scale(x, w, degp):
    return pl.pallas_call(
        _mm_norm_scale_body,
        grid=(_GRID,),
        in_specs=[
            pl.BlockSpec((_RB, D), lambda i: (i, 0)),
            pl.BlockSpec((D, D), lambda i: (0, 0)),
            pl.BlockSpec((NC, _RB, D), lambda i: (0, i, 0)),
        ],
        out_specs=[
            pl.BlockSpec((_RB, D), lambda i: (i, 0)),
            pl.BlockSpec((_RB, 16), lambda i: (i, 0)),
            pl.BlockSpec((_RB, 16), lambda i: (i, 0)),
        ],
        out_shape=[
            jax.ShapeDtypeStruct((N_P, D), _f32),
            jax.ShapeDtypeStruct((N_P, 16), _f32),
            jax.ShapeDtypeStruct((N_P, 16), _f32),
        ],
    )(x, w, degp)


def _mid_body(p_ref, ns_ref, nd_ref, b_ref, o_ref):
    p = p_ref[...]
    t = (p[0] + p[1]) * nd_ref[...][:, :1] + b_ref[...]
    o_ref[...] = jnp.maximum(t, 0.0) * ns_ref[...][:, :1]


def _tc_mid(parts, ns, nd, b):
    return pl.pallas_call(
        _mid_body,
        grid=(_GRID,),
        in_specs=[
            pl.BlockSpec((NC, _RB, D), lambda i: (0, i, 0)),
            pl.BlockSpec((_RB, 16), lambda i: (i, 0)),
            pl.BlockSpec((_RB, 16), lambda i: (i, 0)),
            pl.BlockSpec((1, D), lambda i: (0, 0)),
        ],
        out_specs=pl.BlockSpec((_RB, D), lambda i: (i, 0)),
        out_shape=jax.ShapeDtypeStruct((N_P, D), _f32),
    )(parts, ns, nd, b)


def _final_body(p_ref, nd_ref, w_ref, b_ref, o_ref):
    p = p_ref[...]
    t = (p[0] + p[1]) * nd_ref[...][:, :1]
    o_ref[...] = jnp.dot(t, w_ref[...],
                         preferred_element_type=_f32) + b_ref[...]


_RBF = 2000


def _tc_final(parts, nd, w, b):
    return pl.pallas_call(
        _final_body,
        grid=(N // _RBF,),
        in_specs=[
            pl.BlockSpec((NC, _RBF, D), lambda i: (0, i, 0)),
            pl.BlockSpec((_RBF, 16), lambda i: (i, 0)),
            pl.BlockSpec((D, D), lambda i: (0, 0)),
            pl.BlockSpec((1, D), lambda i: (0, 0)),
        ],
        out_specs=pl.BlockSpec((_RBF, D), lambda i: (i, 0)),
        out_shape=jax.ShapeDtypeStruct((N, D), _f32),
    )(parts, nd, w, b)


def kernel(x, edge_index, W1, b1, W2, b2):
    src = edge_index[0]
    dst = edge_index[1]

    npad = E_PAD - E
    pad_ar = lax.iota(jnp.int32, npad)
    src_p = jnp.concatenate([src, N + (pad_ar % N_PAD_ROWS)])
    dst_p = jnp.concatenate([dst, pad_ar % N])

    x_p = jnp.concatenate([x, jnp.zeros((N_P - N, D), _f32)])
    b1r = b1.reshape(1, D)
    b2r = b2.reshape(1, D)

    degp = _sc_degrees_call()(src, dst)
    y1s, ns, nd = _tc_mm_norm_scale(x_p, W1, degp)

    p1 = _sc_aggregate_call()(y1s, src_p, dst_p)
    h1s = _tc_mid(p1, ns, nd, b1r)
    p2 = _sc_aggregate_call()(h1s, src_p, dst_p)
    return _tc_final(p2, nd, W2, b2r)

# --- scband reference (transcript-rebuilt; emitter-appended) ---
"""Pipeline reference for scband-gcn-3642132267778 (READ-ONLY COPY).

The authoritative reference and input builder live on the scoring server;
editing this copy changes nothing except your own understanding.
"""

import jax, jax.numpy as jnp
import numpy as np

N = 10000
E = 320000
D_IN = 128
HID = 128
D_OUT = 128


def setup_inputs(seed: int = 0) -> dict:
    key = jax.random.key(seed)
    k1, k2, k3, k4 = jax.random.split(key, 4)
    x = jax.random.normal(k1, (N, D_IN), dtype=jnp.float32)
    edge_index = jax.random.randint(k2, (2, E), 0, N, dtype=jnp.int32)
    W1 = jax.random.normal(k3, (D_IN, HID), dtype=jnp.float32) * 0.05
    b1 = jnp.zeros((HID,), dtype=jnp.float32)
    W2 = jax.random.normal(k4, (HID, D_OUT), dtype=jnp.float32) * 0.05
    b2 = jnp.zeros((D_OUT,), dtype=jnp.float32)
    return {"x": x, "edge_index": edge_index, "W1": W1, "b1": b1, "W2": W2, "b2": b2}


def _gcn_layer(x, edge_index, W, b):
    # DGL GraphConv with norm='both':
    # h_i = sum_{j in N(i)} (1/sqrt(deg_out(j) * deg_in(i))) * x_j  @ W + b
    src = edge_index[0]
    dst = edge_index[1]
    ones = jnp.ones((edge_index.shape[1],), dtype=x.dtype)
    deg_out = jax.ops.segment_sum(ones, src, num_segments=N)
    deg_in = jax.ops.segment_sum(ones, dst, num_segments=N)
    norm_src = jnp.where(deg_out > 0, deg_out ** -0.5, 0.0)
    norm_dst = jnp.where(deg_in > 0, deg_in ** -0.5, 0.0)
    h = x * norm_src[:, None]
    msgs = jnp.take(h, src, axis=0)
    agg = jax.ops.segment_sum(msgs, dst, num_segments=N)
    agg = agg * norm_dst[:, None]
    return agg @ W + b


def reference(x, edge_index, W1, b1, W2, b2):
    h = _gcn_layer(x, edge_index, W1, b1)
    h = jax.nn.relu(h)
    out = _gcn_layer(h, edge_index, W2, b2)
    return out

if __name__ == "__main__":
    import jax
    _d = setup_inputs()
    print(jax.jit(kernel)(*tuple(_d.values())))

</pallas_src>

<mosaic_0001>
#map = affine_map<(d0, d1) -> (0, 0)>
#map1 = affine_map<(d0, d1) -> (0)>
#map2 = affine_map<(d0, d1) -> (0, 0, 0)>
module attributes {stable_mosaic.version = 14 : i64} {
  func.func @_sc_aggregate_body(%arg0: i32, %arg1: i32, %arg2: memref<10240x128xf32, #tpu.memory_space<hbm>>, %arg3: memref<327680xi32, #tpu.memory_space<hbm>>, %arg4: memref<327680xi32, #tpu.memory_space<hbm>>, %arg5: memref<2x10240x128xf32, #tpu.memory_space<hbm>>, %arg6: memref<10240x128xf32, #tpu.memory_space<vmem_shared>>, %arg7: memref<!tpu.dma_semaphore, #tpu.memory_space<semaphore_mem>>, %arg8: memref<!tpu.dma_semaphore, #tpu.memory_space<semaphore_mem>>, %arg9: memref<128xi32, #tpu.memory_space<vmem>>, %arg10: memref<128xi32, #tpu.memory_space<vmem>>, %arg11: memref<128xi32, #tpu.memory_space<vmem>>, %arg12: memref<128xi32, #tpu.memory_space<vmem>>, %arg13: memref<128xi32, #tpu.memory_space<vmem>>, %arg14: memref<128xi32, #tpu.memory_space<vmem>>, %arg15: memref<128xi32, #tpu.memory_space<vmem>>, %arg16: memref<128xi32, #tpu.memory_space<vmem>>, %arg17: memref<!tpu.dma_semaphore, #tpu.memory_space<semaphore_mem>>, %arg18: memref<!tpu.dma_semaphore, #tpu.memory_space<semaphore_mem>>, %arg19: memref<!tpu.dma_semaphore, #tpu.memory_space<semaphore_mem>>, %arg20: memref<!tpu.dma_semaphore, #tpu.memory_space<semaphore_mem>>, %arg21: memref<!tpu.dma_semaphore, #tpu.memory_space<semaphore_mem>>, %arg22: memref<!tpu.dma_semaphore, #tpu.memory_space<semaphore_mem>>, %arg23: memref<!tpu.dma_semaphore, #tpu.memory_space<semaphore_mem>>, %arg24: memref<!tpu.dma_semaphore, #tpu.memory_space<semaphore_mem>>, %arg25: memref<128x128xf32, #tpu.memory_space<vmem>>, %arg26: memref<128x128xf32, #tpu.memory_space<vmem>>, %arg27: memref<!tpu.dma_semaphore, #tpu.memory_space<semaphore_mem>>, %arg28: memref<!tpu.dma_semaphore, #tpu.memory_space<semaphore_mem>>, %arg29: memref<64x128xf32, #tpu.memory_space<vmem>>) attributes {dimension_semantics = [#tpu.dimension_semantics<core_parallel>, #tpu.dimension_semantics<subcore_parallel>], iteration_bounds = array<i64: 2, 16>, scalar_prefetch = 0 : i64, scratch_operands = 24 : i64, tpu.core_type = #tpu.core_type<sc_vector_subcore>, window_params = [{transform_indices = #map}, {transform_indices = #map1}, {transform_indices = #map1}, {transform_indices = #map2}]} {
    %mul3A = arith.constant 2 : i32
    %mul3A_0 = arith.muli %arg1, %mul3A : i32
    %add3A = arith.addi %mul3A_0, %arg0 : i32
    %broadcast_in_dim3A = arith.constant 0.000000e+00 : f32
    %broadcast_in_dim3A_1 = vector.broadcast %broadcast_in_dim3A : f32 to vector<16xf32>
    %scan3A = arith.constant 0 : i32
    %scan3A_2 = arith.constant 0 : i32
    %scan3A_3 = arith.constant 64 : i32
    %scan3A_4 = arith.addi %scan3A_2, %scan3A_3 : i32
    %scan3A_5 = arith.constant 1 : i32
    %scan3A_6 = scf.for %scan3A_60 = %scan3A_2 to %scan3A_4 step %scan3A_5 iter_args(%scan3A_61 = %scan3A) -> (i32)  : i32 {
      %swap3A = arith.index_cast %scan3A_60 : i32 to index
      %swap3A_62 = arith.constant 0 : index
      %swap3A_63 = tpu.vector_load %arg29[%swap3A, %swap3A_62] {strides = array<i32>} : memref<64x128xf32, #tpu.memory_space<vmem>>, vector<1x16xf32>,
      %swap3A_64 = vector.shape_cast %swap3A_63 : vector<1x16xf32> to vector<16xf32>
      %swap3A_65 = vector.shape_cast %broadcast_in_dim3A_1 : vector<16xf32> to vector<1x16xf32>
      tpu.vector_store %arg29[%swap3A, %swap3A_62], %swap3A_65 {strides = array<i32>} : memref<64x128xf32, #tpu.memory_space<vmem>>, vector<1x16xf32>,
      %swap3A_66 = arith.index_cast %scan3A_60 : i32 to index
      %swap3A_67 = arith.constant 16 : index
      %swap3A_68 = tpu.vector_load %arg29[%swap3A_66, %swap3A_67] {strides = array<i32>} : memref<64x128xf32, #tpu.memory_space<vmem>>, vector<1x16xf32>,
      %swap3A_69 = vector.shape_cast %swap3A_68 : vector<1x16xf32> to vector<16xf32>
      %swap3A_70 = vector.shape_cast %broadcast_in_dim3A_1 : vector<16xf32> to vector<1x16xf32>
      tpu.vector_store %arg29[%swap3A_66, %swap3A_67], %swap3A_70 {strides = array<i32>} : memref<64x128xf32, #tpu.memory_space<vmem>>, vector<1x16xf32>,
      %swap3A_71 = arith.index_cast %scan3A_60 : i32 to index
      %swap3A_72 = arith.constant 32 : index
      %swap3A_73 = tpu.vector_load %arg29[%swap3A_71, %swap3A_72] {strides = array<i32>} : memref<64x128xf32, #tpu.memory_space<vmem>>, vector<1x16xf32>,
      %swap3A_74 = vector.shape_cast %swap3A_73 : vector<1x16xf32> to vector<16xf32>
      %swap3A_75 = vector.shape_cast %broadcast_in_dim3A_1 : vector<16xf32> to vector<1x16xf32>
      tpu.vector_store %arg29[%swap3A_71, %swap3A_72], %swap3A_75 {strides = array<i32>} : memref<64x128xf32, #tpu.memory_space<vmem>>, vector<1x16xf32>,
      %swap3A_76 = arith.index_cast %scan3A_60 : i32 to index
      %swap3A_77 = arith.constant 48 : index
      %swap3A_78 = tpu.vector_load %arg29[%swap3A_76, %swap3A_77] {strides = array<i32>} : memref<64x128xf32, #tpu.memory_space<vmem>>, vector<1x16xf32>,
      %swap3A_79 = vector.shape_cast %swap3A_78 : vector<1x16xf32> to vector<16xf32>
      %swap3A_80 = vector.shape_cast %broadcast_in_dim3A_1 : vector<16xf32> to vector<1x16xf32>
      tpu.vector_store %arg29[%swap3A_76, %swap3A_77], %swap3A_80 {strides = array<i32>} : memref<64x128xf32, #tpu.memory_space<vmem>>, vector<1x16xf32>,
      %swap3A_81 = arith.index_cast %scan3A_60 : i32 to index
      %swap3A_82 = arith.constant 64 : index
      %swap3A_83 = tpu.vector_load %arg29[%swap3A_81, %swap3A_82] {strides = array<i32>} : memref<64x128xf32, #tpu.memory_space<vmem>>, vector<1x16xf32>,
      %swap3A_84 = vector.shape_cast %swap3A_83 : vector<1x16xf32> to vector<16xf32>
      %swap3A_85 = vector.shape_cast %broadcast_in_dim3A_1 : vector<16xf32> to vector<1x16xf32>
      tpu.vector_store %arg29[%swap3A_81, %swap3A_82], %swap3A_85 {strides = array<i32>} : memref<64x128xf32, #tpu.memory_space<vmem>>, vector<1x16xf32>,
      %swap3A_86 = arith.index_cast %scan3A_60 : i32 to index
      %swap3A_87 = arith.constant 80 : index
      %swap3A_88 = tpu.vector_load %arg29[%swap3A_86, %swap3A_87] {strides = array<i32>} : memref<64x128xf32, #tpu.memory_space<vmem>>, vector<1x16xf32>,
      %swap3A_89 = vector.shape_cast %swap3A_88 : vector<1x16xf32> to vector<16xf32>
      %swap3A_90 = vector.shape_cast %broadcast_in_dim3A_1 : vector<16xf32> to vector<1x16xf32>
      tpu.vector_store %arg29[%swap3A_86, %swap3A_87], %swap3A_90 {strides = array<i32>} : memref<64x128xf32, #tpu.memory_space<vmem>>, vector<1x16xf32>,
      %swap3A_91 = arith.index_cast %scan3A_60 : i32 to index
      %swap3A_92 = arith.constant 96 : index
      %swap3A_93 = tpu.vector_load %arg29[%swap3A_91, %swap3A_92] {strides = array<i32>} : memref<64x128xf32, #tpu.memory_space<vmem>>, vector<1x16xf32>,
      %swap3A_94 = vector.shape_cast %swap3A_93 : vector<1x16xf32> to vector<16xf32>
      %swap3A_95 = vector.shape_cast %broadcast_in_dim3A_1 : vector<16xf32> to vector<1x16xf32>
      tpu.vector_store %arg29[%swap3A_91, %swap3A_92], %swap3A_95 {strides = array<i32>} : memref<64x128xf32, #tpu.memory_space<vmem>>, vector<1x16xf32>,
      %swap3A_96 = arith.index_cast %scan3A_60 : i32 to index
      %swap3A_97 = arith.constant 112 : index
      %swap3A_98 = tpu.vector_load %arg29[%swap3A_96, %swap3A_97] {strides = array<i32>} : memref<64x128xf32, #tpu.memory_space<vmem>>, vector<1x16xf32>,
      %swap3A_99 = vector.shape_cast %swap3A_98 : vector<1x16xf32> to vector<16xf32>
      %swap3A_100 = vector.shape_cast %broadcast_in_dim3A_1 : vector<16xf32> to vector<1x16xf32>
      tpu.vector_store %arg29[%swap3A_96, %swap3A_97], %swap3A_100 {strides = array<i32>} : memref<64x128xf32, #tpu.memory_space<vmem>>, vector<1x16xf32>,
      %scan3A_101 = arith.constant 0 : i32
      scf.yield %scan3A_101 : i32
    }
    %scan3A_7 = arith.constant 64 : i32
    %mul3A_8 = arith.constant 640 : i32
    %mul3A_9 = arith.muli %arg1, %mul3A_8 : i32
    %add3A_10 = arith.constant 0 : i32
    %add3A_11 = arith.addi %mul3A_9, %add3A_10 : i32
    "tpu.region"() ({
      %run_scoped3A = tpu.sem_alloc : memref<!tpu.dma_semaphore, #tpu.memory_space<semaphore_mem>>
      %dma_start3A = arith.constant 0 : i32
      %dma_start3A_60 = tpu.memref_slice %arg6[%add3A_11, %dma_start3A] : memref<10240x128xf32, #tpu.memory_space<vmem_shared>> -> memref<64x128xf32, #tpu.memory_space<vmem_shared>>
      %dma_start3A_61 = arith.constant 0 : i32
      %dma_start3A_62 = tpu.memref_slice %arg6[%add3A_11, %dma_start3A_61] : memref<10240x128xf32, #tpu.memory_space<vmem_shared>> -> memref<64x128xf32, #tpu.memory_space<vmem_shared>>
      tpu.enqueue_dma source(%arg29 : memref<64x128xf32, #tpu.memory_space<vmem>>) target(%dma_start3A_62 : memref<64x128xf32, #tpu.memory_space<vmem_shared>>) target_semaphore(%run_scoped3A : memref<!tpu.dma_semaphore, #tpu.memory_space<semaphore_mem>>)
      %dma_wait3A = arith.constant 0 : i32
      %dma_wait3A_63 = tpu.memref_slice %arg6[%add3A_11, %dma_wait3A] : memref<10240x128xf32, #tpu.memory_space<vmem_shared>> -> memref<64x128xf32, #tpu.memory_space<vmem_shared>>
      %dma_wait3A_64 = arith.constant 0 : i32
      %dma_wait3A_65 = tpu.memref_slice %arg6[%add3A_11, %dma_wait3A_64] : memref<10240x128xf32, #tpu.memory_space<vmem_shared>> -> memref<64x128xf32, #tpu.memory_space<vmem_shared>>
      tpu.wait_dma2 semaphore(%run_scoped3A : memref<!tpu.dma_semaphore, #tpu.memory_space<semaphore_mem>>) src(%arg29 : memref<64x128xf32, #tpu.memory_space<vmem>>) dst(%dma_wait3A_65 : memref<64x128xf32, #tpu.memory_space<vmem_shared>>)
      tpu.yield
    }) : () -> ()
    %mul3A_12 = arith.constant 640 : i32
    %mul3A_13 = arith.muli %arg1, %mul3A_12 : i32
    %add3A_14 = arith.constant 64 : i32
    %add3A_15 = arith.addi %mul3A_13, %add3A_14 : i32
    "tpu.region"() ({
      %run_scoped3A = tpu.sem_alloc : memref<!tpu.dma_semaphore, #tpu.memory_space<semaphore_mem>>
      %dma_start3A = arith.constant 0 : i32
      %dma_start3A_60 = tpu.memref_slice %arg6[%add3A_15, %dma_start3A] : memref<10240x128xf32, #tpu.memory_space<vmem_shared>> -> memref<64x128xf32, #tpu.memory_space<vmem_shared>>
      %dma_start3A_61 = arith.constant 0 : i32
      %dma_start3A_62 = tpu.memref_slice %arg6[%add3A_15, %dma_start3A_61] : memref<10240x128xf32, #tpu.memory_space<vmem_shared>> -> memref<64x128xf32, #tpu.memory_space<vmem_shared>>
      tpu.enqueue_dma source(%arg29 : memref<64x128xf32, #tpu.memory_space<vmem>>) target(%dma_start3A_62 : memref<64x128xf32, #tpu.memory_space<vmem_shared>>) target_semaphore(%run_scoped3A : memref<!tpu.dma_semaphore, #tpu.memory_space<semaphore_mem>>)
      %dma_wait3A = arith.constant 0 : i32
      %dma_wait3A_63 = tpu.memref_slice %arg6[%add3A_15, %dma_wait3A] : memref<10240x128xf32, #tpu.memory_space<vmem_shared>> -> memref<64x128xf32, #tpu.memory_space<vmem_shared>>
      %dma_wait3A_64 = arith.constant 0 : i32
      %dma_wait3A_65 = tpu.memref_slice %arg6[%add3A_15, %dma_wait3A_64] : memref<10240x128xf32, #tpu.memory_space<vmem_shared>> -> memref<64x128xf32, #tpu.memory_space<vmem_shared>>
      tpu.wait_dma2 semaphore(%run_scoped3A : memref<!tpu.dma_semaphore, #tpu.memory_space<semaphore_mem>>) src(%arg29 : memref<64x128xf32, #tpu.memory_space<vmem>>) dst(%dma_wait3A_65 : memref<64x128xf32, #tpu.memory_space<vmem_shared>>)
      tpu.yield
    }) : () -> ()
    %mul3A_16 = arith.constant 640 : i32
    %mul3A_17 = arith.muli %arg1, %mul3A_16 : i32
    %add3A_18 = arith.constant 128 : i32
    %add3A_19 = arith.addi %mul3A_17, %add3A_18 : i32
    "tpu.region"() ({
      %run_scoped3A = tpu.sem_alloc : memref<!tpu.dma_semaphore, #tpu.memory_space<semaphore_mem>>
      %dma_start3A = arith.constant 0 : i32
      %dma_start3A_60 = tpu.memref_slice %arg6[%add3A_19, %dma_start3A] : memref<10240x128xf32, #tpu.memory_space<vmem_shared>> -> memref<64x128xf32, #tpu.memory_space<vmem_shared>>
      %dma_start3A_61 = arith.constant 0 : i32
      %dma_start3A_62 = tpu.memref_slice %arg6[%add3A_19, %dma_start3A_61] : memref<10240x128xf32, #tpu.memory_space<vmem_shared>> -> memref<64x128xf32, #tpu.memory_space<vmem_shared>>
      tpu.enqueue_dma source(%arg29 : memref<64x128xf32, #tpu.memory_space<vmem>>) target(%dma_start3A_62 : memref<64x128xf32, #tpu.memory_space<vmem_shared>>) target_semaphore(%run_scoped3A : memref<!tpu.dma_semaphore, #tpu.memory_space<semaphore_mem>>)
      %dma_wait3A = arith.constant 0 : i32
      %dma_wait3A_63 = tpu.memref_slice %arg6[%add3A_19, %dma_wait3A] : memref<10240x128xf32, #tpu.memory_space<vmem_shared>> -> memref<64x128xf32, #tpu.memory_space<vmem_shared>>
      %dma_wait3A_64 = arith.constant 0 : i32
      %dma_wait3A_65 = tpu.memref_slice %arg6[%add3A_19, %dma_wait3A_64] : memref<10240x128xf32, #tpu.memory_space<vmem_shared>> -> memref<64x128xf32, #tpu.memory_space<vmem_shared>>
      tpu.wait_dma2 semaphore(%run_scoped3A : memref<!tpu.dma_semaphore, #tpu.memory_space<semaphore_mem>>) src(%arg29 : memref<64x128xf32, #tpu.memory_space<vmem>>) dst(%dma_wait3A_65 : memref<64x128xf32, #tpu.memory_space<vmem_shared>>)
      tpu.yield
    }) : () -> ()
    %mul3A_20 = arith.constant 640 : i32
    %mul3A_21 = arith.muli %arg1, %mul3A_20 : i32
    %add3A_22 = arith.constant 192 : i32
    %add3A_23 = arith.addi %mul3A_21, %add3A_22 : i32
    "tpu.region"() ({
      %run_scoped3A = tpu.sem_alloc : memref<!tpu.dma_semaphore, #tpu.memory_space<semaphore_mem>>
      %dma_start3A = arith.constant 0 : i32
      %dma_start3A_60 = tpu.memref_slice %arg6[%add3A_23, %dma_start3A] : memref<10240x128xf32, #tpu.memory_space<vmem_shared>> -> memref<64x128xf32, #tpu.memory_space<vmem_shared>>
      %dma_start3A_61 = arith.constant 0 : i32
      %dma_start3A_62 = tpu.memref_slice %arg6[%add3A_23, %dma_start3A_61] : memref<10240x128xf32, #tpu.memory_space<vmem_shared>> -> memref<64x128xf32, #tpu.memory_space<vmem_shared>>
      tpu.enqueue_dma source(%arg29 : memref<64x128xf32, #tpu.memory_space<vmem>>) target(%dma_start3A_62 : memref<64x128xf32, #tpu.memory_space<vmem_shared>>) target_semaphore(%run_scoped3A : memref<!tpu.dma_semaphore, #tpu.memory_space<semaphore_mem>>)
      %dma_wait3A = arith.constant 0 : i32
      %dma_wait3A_63 = tpu.memref_slice %arg6[%add3A_23, %dma_wait3A] : memref<10240x128xf32, #tpu.memory_space<vmem_shared>> -> memref<64x128xf32, #tpu.memory_space<vmem_shared>>
      %dma_wait3A_64 = arith.constant 0 : i32
      %dma_wait3A_65 = tpu.memref_slice %arg6[%add3A_23, %dma_wait3A_64] : memref<10240x128xf32, #tpu.memory_space<vmem_shared>> -> memref<64x128xf32, #tpu.memory_space<vmem_shared>>
      tpu.wait_dma2 semaphore(%run_scoped3A : memref<!tpu.dma_semaphore, #tpu.memory_space<semaphore_mem>>) src(%arg29 : memref<64x128xf32, #tpu.memory_space<vmem>>) dst(%dma_wait3A_65 : memref<64x128xf32, #tpu.memory_space<vmem_shared>>)
      tpu.yield
    }) : () -> ()
    %mul3A_24 = arith.constant 640 : i32
    %mul3A_25 = arith.muli %arg1, %mul3A_24 : i32
    %add3A_26 = arith.constant 256 : i32
    %add3A_27 = arith.addi %mul3A_25, %add3A_26 : i32
    "tpu.region"() ({
      %run_scoped3A = tpu.sem_alloc : memref<!tpu.dma_semaphore, #tpu.memory_space<semaphore_mem>>
      %dma_start3A = arith.constant 0 : i32
      %dma_start3A_60 = tpu.memref_slice %arg6[%add3A_27, %dma_start3A] : memref<10240x128xf32, #tpu.memory_space<vmem_shared>> -> memref<64x128xf32, #tpu.memory_space<vmem_shared>>
      %dma_start3A_61 = arith.constant 0 : i32
      %dma_start3A_62 = tpu.memref_slice %arg6[%add3A_27, %dma_start3A_61] : memref<10240x128xf32, #tpu.memory_space<vmem_shared>> -> memref<64x128xf32, #tpu.memory_space<vmem_shared>>
      tpu.enqueue_dma source(%arg29 : memref<64x128xf32, #tpu.memory_space<vmem>>) target(%dma_start3A_62 : memref<64x128xf32, #tpu.memory_space<vmem_shared>>) target_semaphore(%run_scoped3A : memref<!tpu.dma_semaphore, #tpu.memory_space<semaphore_mem>>)
      %dma_wait3A = arith.constant 0 : i32
      %dma_wait3A_63 = tpu.memref_slice %arg6[%add3A_27, %dma_wait3A] : memref<10240x128xf32, #tpu.memory_space<vmem_shared>> -> memref<64x128xf32, #tpu.memory_space<vmem_shared>>
      %dma_wait3A_64 = arith.constant 0 : i32
      %dma_wait3A_65 = tpu.memref_slice %arg6[%add3A_27, %dma_wait3A_64] : memref<10240x128xf32, #tpu.memory_space<vmem_shared>> -> memref<64x128xf32, #tpu.memory_space<vmem_shared>>
      tpu.wait_dma2 semaphore(%run_scoped3A : memref<!tpu.dma_semaphore, #tpu.memory_space<semaphore_mem>>) src(%arg29 : memref<64x128xf32, #tpu.memory_space<vmem>>) dst(%dma_wait3A_65 : memref<64x128xf32, #tpu.memory_space<vmem_shared>>)
      tpu.yield
    }) : () -> ()
    %mul3A_28 = arith.constant 640 : i32
    %mul3A_29 = arith.muli %arg1, %mul3A_28 : i32
    %add3A_30 = arith.constant 320 : i32
    %add3A_31 = arith.addi %mul3A_29, %add3A_30 : i32
    "tpu.region"() ({
      %run_scoped3A = tpu.sem_alloc : memref<!tpu.dma_semaphore, #tpu.memory_space<semaphore_mem>>
      %dma_start3A = arith.constant 0 : i32
      %dma_start3A_60 = tpu.memref_slice %arg6[%add3A_31, %dma_start3A] : memref<10240x128xf32, #tpu.memory_space<vmem_shared>> -> memref<64x128xf32, #tpu.memory_space<vmem_shared>>
      %dma_start3A_61 = arith.constant 0 : i32
      %dma_start3A_62 = tpu.memref_slice %arg6[%add3A_31, %dma_start3A_61] : memref<10240x128xf32, #tpu.memory_space<vmem_shared>> -> memref<64x128xf32, #tpu.memory_space<vmem_shared>>
      tpu.enqueue_dma source(%arg29 : memref<64x128xf32, #tpu.memory_space<vmem>>) target(%dma_start3A_62 : memref<64x128xf32, #tpu.memory_space<vmem_shared>>) target_semaphore(%run_scoped3A : memref<!tpu.dma_semaphore, #tpu.memory_space<semaphore_mem>>)
      %dma_wait3A = arith.constant 0 : i32
      %dma_wait3A_63 = tpu.memref_slice %arg6[%add3A_31, %dma_wait3A] : memref<10240x128xf32, #tpu.memory_space<vmem_shared>> -> memref<64x128xf32, #tpu.memory_space<vmem_shared>>
      %dma_wait3A_64 = arith.constant 0 : i32
      %dma_wait3A_65 = tpu.memref_slice %arg6[%add3A_31, %dma_wait3A_64] : memref<10240x128xf32, #tpu.memory_space<vmem_shared>> -> memref<64x128xf32, #tpu.memory_space<vmem_shared>>
      tpu.wait_dma2 semaphore(%run_scoped3A : memref<!tpu.dma_semaphore, #tpu.memory_space<semaphore_mem>>) src(%arg29 : memref<64x128xf32, #tpu.memory_space<vmem>>) dst(%dma_wait3A_65 : memref<64x128xf32, #tpu.memory_space<vmem_shared>>)
      tpu.yield
    }) : () -> ()
    %mul3A_32 = arith.constant 640 : i32
    %mul3A_33 = arith.muli %arg1, %mul3A_32 : i32
    %add3A_34 = arith.constant 384 : i32
    %add3A_35 = arith.addi %mul3A_33, %add3A_34 : i32
    "tpu.region"() ({
      %run_scoped3A = tpu.sem_alloc : memref<!tpu.dma_semaphore, #tpu.memory_space<semaphore_mem>>
      %dma_start3A = arith.constant 0 : i32
      %dma_start3A_60 = tpu.memref_slice %arg6[%add3A_35, %dma_start3A] : memref<10240x128xf32, #tpu.memory_space<vmem_shared>> -> memref<64x128xf32, #tpu.memory_space<vmem_shared>>
      %dma_start3A_61 = arith.constant 0 : i32
      %dma_start3A_62 = tpu.memref_slice %arg6[%add3A_35, %dma_start3A_61] : memref<10240x128xf32, #tpu.memory_space<vmem_shared>> -> memref<64x128xf32, #tpu.memory_space<vmem_shared>>
      tpu.enqueue_dma source(%arg29 : memref<64x128xf32, #tpu.memory_space<vmem>>) target(%dma_start3A_62 : memref<64x128xf32, #tpu.memory_space<vmem_shared>>) target_semaphore(%run_scoped3A : memref<!tpu.dma_semaphore, #tpu.memory_space<semaphore_mem>>)
      %dma_wait3A = arith.constant 0 : i32
      %dma_wait3A_63 = tpu.memref_slice %arg6[%add3A_35, %dma_wait3A] : memref<10240x128xf32, #tpu.memory_space<vmem_shared>> -> memref<64x128xf32, #tpu.memory_space<vmem_shared>>
      %dma_wait3A_64 = arith.constant 0 : i32
      %dma_wait3A_65 = tpu.memref_slice %arg6[%add3A_35, %dma_wait3A_64] : memref<10240x128xf32, #tpu.memory_space<vmem_shared>> -> memref<64x128xf32, #tpu.memory_space<vmem_shared>>
      tpu.wait_dma2 semaphore(%run_scoped3A : memref<!tpu.dma_semaphore, #tpu.memory_space<semaphore_mem>>) src(%arg29 : memref<64x128xf32, #tpu.memory_space<vmem>>) dst(%dma_wait3A_65 : memref<64x128xf32, #tpu.memory_space<vmem_shared>>)
      tpu.yield
    }) : () -> ()
    %mul3A_36 = arith.constant 640 : i32
    %mul3A_37 = arith.muli %arg1, %mul3A_36 : i32
    %add3A_38 = arith.constant 448 : i32
    %add3A_39 = arith.addi %mul3A_37, %add3A_38 : i32
    "tpu.region"() ({
      %run_scoped3A = tpu.sem_alloc : memref<!tpu.dma_semaphore, #tpu.memory_space<semaphore_mem>>
      %dma_start3A = arith.constant 0 : i32
      %dma_start3A_60 = tpu.memref_slice %arg6[%add3A_39, %dma_start3A] : memref<10240x128xf32, #tpu.memory_space<vmem_shared>> -> memref<64x128xf32, #tpu.memory_space<vmem_shared>>
      %dma_start3A_61 = arith.constant 0 : i32
      %dma_start3A_62 = tpu.memref_slice %arg6[%add3A_39, %dma_start3A_61] : memref<10240x128xf32, #tpu.memory_space<vmem_shared>> -> memref<64x128xf32, #tpu.memory_space<vmem_shared>>
      tpu.enqueue_dma source(%arg29 : memref<64x128xf32, #tpu.memory_space<vmem>>) target(%dma_start3A_62 : memref<64x128xf32, #tpu.memory_space<vmem_shared>>) target_semaphore(%run_scoped3A : memref<!tpu.dma_semaphore, #tpu.memory_space<semaphore_mem>>)
      %dma_wait3A = arith.constant 0 : i32
      %dma_wait3A_63 = tpu.memref_slice %arg6[%add3A_39, %dma_wait3A] : memref<10240x128xf32, #tpu.memory_space<vmem_shared>> -> memref<64x128xf32, #tpu.memory_space<vmem_shared>>
      %dma_wait3A_64 = arith.constant 0 : i32
      %dma_wait3A_65 = tpu.memref_slice %arg6[%add3A_39, %dma_wait3A_64] : memref<10240x128xf32, #tpu.memory_space<vmem_shared>> -> memref<64x128xf32, #tpu.memory_space<vmem_shared>>
      tpu.wait_dma2 semaphore(%run_scoped3A : memref<!tpu.dma_semaphore, #tpu.memory_space<semaphore_mem>>) src(%arg29 : memref<64x128xf32, #tpu.memory_space<vmem>>) dst(%dma_wait3A_65 : memref<64x128xf32, #tpu.memory_space<vmem_shared>>)
      tpu.yield
    }) : () -> ()
    %mul3A_40 = arith.constant 640 : i32
    %mul3A_41 = arith.muli %arg1, %mul3A_40 : i32
    %add3A_42 = arith.constant 512 : i32
    %add3A_43 = arith.addi %mul3A_41, %add3A_42 : i32
    "tpu.region"() ({
      %run_scoped3A = tpu.sem_alloc : memref<!tpu.dma_semaphore, #tpu.memory_space<semaphore_mem>>
      %dma_start3A = arith.constant 0 : i32
      %dma_start3A_60 = tpu.memref_slice %arg6[%add3A_43, %dma_start3A] : memref<10240x128xf32, #tpu.memory_space<vmem_shared>> -> memref<64x128xf32, #tpu.memory_space<vmem_shared>>
      %dma_start3A_61 = arith.constant 0 : i32
      %dma_start3A_62 = tpu.memref_slice %arg6[%add3A_43, %dma_start3A_61] : memref<10240x128xf32, #tpu.memory_space<vmem_shared>> -> memref<64x128xf32, #tpu.memory_space<vmem_shared>>
      tpu.enqueue_dma source(%arg29 : memref<64x128xf32, #tpu.memory_space<vmem>>) target(%dma_start3A_62 : memref<64x128xf32, #tpu.memory_space<vmem_shared>>) target_semaphore(%run_scoped3A : memref<!tpu.dma_semaphore, #tpu.memory_space<semaphore_mem>>)
      %dma_wait3A = arith.constant 0 : i32
      %dma_wait3A_63 = tpu.memref_slice %arg6[%add3A_43, %dma_wait3A] : memref<10240x128xf32, #tpu.memory_space<vmem_shared>> -> memref<64x128xf32, #tpu.memory_space<vmem_shared>>
      %dma_wait3A_64 = arith.constant 0 : i32
      %dma_wait3A_65 = tpu.memref_slice %arg6[%add3A_43, %dma_wait3A_64] : memref<10240x128xf32, #tpu.memory_space<vmem_shared>> -> memref<64x128xf32, #tpu.memory_space<vmem_shared>>
      tpu.wait_dma2 semaphore(%run_scoped3A : memref<!tpu.dma_semaphore, #tpu.memory_space<semaphore_mem>>) src(%arg29 : memref<64x128xf32, #tpu.memory_space<vmem>>) dst(%dma_wait3A_65 : memref<64x128xf32, #tpu.memory_space<vmem_shared>>)
      tpu.yield
    }) : () -> ()
    %mul3A_44 = arith.constant 640 : i32
    %mul3A_45 = arith.muli %arg1, %mul3A_44 : i32
    %add3A_46 = arith.constant 576 : i32
    %add3A_47 = arith.addi %mul3A_45, %add3A_46 : i32
    "tpu.region"() ({
      %run_scoped3A = tpu.sem_alloc : memref<!tpu.dma_semaphore, #tpu.memory_space<semaphore_mem>>
      %dma_start3A = arith.constant 0 : i32
      %dma_start3A_60 = tpu.memref_slice %arg6[%add3A_47, %dma_start3A] : memref<10240x128xf32, #tpu.memory_space<vmem_shared>> -> memref<64x128xf32, #tpu.memory_space<vmem_shared>>
      %dma_start3A_61 = arith.constant 0 : i32
      %dma_start3A_62 = tpu.memref_slice %arg6[%add3A_47, %dma_start3A_61] : memref<10240x128xf32, #tpu.memory_space<vmem_shared>> -> memref<64x128xf32, #tpu.memory_space<vmem_shared>>
      tpu.enqueue_dma source(%arg29 : memref<64x128xf32, #tpu.memory_space<vmem>>) target(%dma_start3A_62 : memref<64x128xf32, #tpu.memory_space<vmem_shared>>) target_semaphore(%run_scoped3A : memref<!tpu.dma_semaphore, #tpu.memory_space<semaphore_mem>>)
      %dma_wait3A = arith.constant 0 : i32
      %dma_wait3A_63 = tpu.memref_slice %arg6[%add3A_47, %dma_wait3A] : memref<10240x128xf32, #tpu.memory_space<vmem_shared>> -> memref<64x128xf32, #tpu.memory_space<vmem_shared>>
      %dma_wait3A_64 = arith.constant 0 : i32
      %dma_wait3A_65 = tpu.memref_slice %arg6[%add3A_47, %dma_wait3A_64] : memref<10240x128xf32, #tpu.memory_space<vmem_shared>> -> memref<64x128xf32, #tpu.memory_space<vmem_shared>>
      tpu.wait_dma2 semaphore(%run_scoped3A : memref<!tpu.dma_semaphore, #tpu.memory_space<semaphore_mem>>) src(%arg29 : memref<64x128xf32, #tpu.memory_space<vmem>>) dst(%dma_wait3A_65 : memref<64x128xf32, #tpu.memory_space<vmem_shared>>)
      tpu.yield
    }) : () -> ()
    %barrier3A = arith.constant 0 : index
    tpu.barrier barrier_id(%barrier3A)
    %scan3A_48 = arith.constant 0 : i32
    %scan3A_49 = arith.constant 0 : i32
    %scan3A_50 = arith.constant 8 : i32
    %scan3A_51 = arith.addi %scan3A_49, %scan3A_50 : i32
    %scan3A_52 = arith.constant 1 : i32
    %scan3A_53 = scf.for %scan3A_60 = %scan3A_49 to %scan3A_51 step %scan3A_52 iter_args(%scan3A_61 = %scan3A_48) -> (i32)  : i32 {
      %mul3A_62 = arith.constant 10240 : i32
      %mul3A_63 = arith.muli %add3A, %mul3A_62 : i32
      %mul3A_64 = arith.constant 10 : i32
      %mul3A_65 = arith.muli %scan3A_60, %mul3A_64 : i32
      %add3A_66 = arith.constant 0 : i32
      %add3A_67 = arith.addi %mul3A_65, %add3A_66 : i32
      %mul3A_68 = arith.constant 128 : i32
      %mul3A_69 = arith.muli %add3A_67, %mul3A_68 : i32
      %add3A_70 = arith.addi %mul3A_63, %mul3A_69 : i32
      %dma_start3A = tpu.memref_slice %arg3[%add3A_70] : memref<327680xi32, #tpu.memory_space<hbm>> -> memref<128xi32, #tpu.memory_space<hbm>>
      %dma_start3A_71 = tpu.memref_slice %arg3[%add3A_70] : memref<327680xi32, #tpu.memory_space<hbm>> -> memref<128xi32, #tpu.memory_space<hbm>>
      tpu.enqueue_dma source(%dma_start3A_71 : memref<128xi32, #tpu.memory_space<hbm>>) target(%arg13 : memref<128xi32, #tpu.memory_space<vmem>>) target_semaphore(%arg17 : memref<!tpu.dma_semaphore, #tpu.memory_space<semaphore_mem>>)
      %dma_start3A_72 = tpu.memref_slice %arg4[%add3A_70] : memref<327680xi32, #tpu.memory_space<hbm>> -> memref<128xi32, #tpu.memory_space<hbm>>
      %dma_start3A_73 = tpu.memref_slice %arg4[%add3A_70] : memref<327680xi32, #tpu.memory_space<hbm>> -> memref<128xi32, #tpu.memory_space<hbm>>
      tpu.enqueue_dma source(%dma_start3A_73 : memref<128xi32, #tpu.memory_space<hbm>>) target(%arg9 : memref<128xi32, #tpu.memory_space<vmem>>) target_semaphore(%arg21 : memref<!tpu.dma_semaphore, #tpu.memory_space<semaphore_mem>>)
      %mul3A_74 = arith.constant 10240 : i32
      %mul3A_75 = arith.muli %add3A, %mul3A_74 : i32
      %mul3A_76 = arith.constant 10 : i32
      %mul3A_77 = arith.muli %scan3A_60, %mul3A_76 : i32
      %add3A_78 = arith.constant 1 : i32
      %add3A_79 = arith.addi %mul3A_77, %add3A_78 : i32
      %mul3A_80 = arith.constant 128 : i32
      %mul3A_81 = arith.muli %add3A_79, %mul3A_80 : i32
      %add3A_82 = arith.addi %mul3A_75, %mul3A_81 : i32
      %dma_start3A_83 = tpu.memref_slice %arg3[%add3A_82] : memref<327680xi32, #tpu.memory_space<hbm>> -> memref<128xi32, #tpu.memory_space<hbm>>
      %dma_start3A_84 = tpu.memref_slice %arg3[%add3A_82] : memref<327680xi32, #tpu.memory_space<hbm>> -> memref<128xi32, #tpu.memory_space<hbm>>
      tpu.enqueue_dma source(%dma_start3A_84 : memref<128xi32, #tpu.memory_space<hbm>>) target(%arg14 : memref<128xi32, #tpu.memory_space<vmem>>) target_semaphore(%arg18 : memref<!tpu.dma_semaphore, #tpu.memory_space<semaphore_mem>>)
      %dma_start3A_85 = tpu.memref_slice %arg4[%add3A_82] : memref<327680xi32, #tpu.memory_space<hbm>> -> memref<128xi32, #tpu.memory_space<hbm>>
      %dma_start3A_86 = tpu.memref_slice %arg4[%add3A_82] : memref<327680xi32, #tpu.memory_space<hbm>> -> memref<128xi32, #tpu.memory_space<hbm>>
      tpu.enqueue_dma source(%dma_start3A_86 : memref<128xi32, #tpu.memory_space<hbm>>) target(%arg10 : memref<128xi32, #tpu.memory_space<vmem>>) target_semaphore(%arg22 : memref<!tpu.dma_semaphore, #tpu.memory_space<semaphore_mem>>)
      %dma_wait3A = tpu.memref_slice %arg3[%add3A_70] : memref<327680xi32, #tpu.memory_space<hbm>> -> memref<128xi32, #tpu.memory_space<hbm>>
      %dma_wait3A_87 = tpu.memref_slice %arg3[%add3A_70] : memref<327680xi32, #tpu.memory_space<hbm>> -> memref<128xi32, #tpu.memory_space<hbm>>
      tpu.wait_dma2 semaphore(%arg17 : memref<!tpu.dma_semaphore, #tpu.memory_space<semaphore_mem>>) src(%dma_wait3A_87 : memref<128xi32, #tpu.memory_space<hbm>>) dst(%arg13 : memref<128xi32, #tpu.memory_space<vmem>>)
      %dma_wait3A_88 = tpu.memref_slice %arg4[%add3A_70] : memref<327680xi32, #tpu.memory_space<hbm>> -> memref<128xi32, #tpu.memory_space<hbm>>
      %dma_wait3A_89 = tpu.memref_slice %arg4[%add3A_70] : memref<327680xi32, #tpu.memory_space<hbm>> -> memref<128xi32, #tpu.memory_space<hbm>>
      tpu.wait_dma2 semaphore(%arg21 : memref<!tpu.dma_semaphore, #tpu.memory_space<semaphore_mem>>) src(%dma_wait3A_89 : memref<128xi32, #tpu.memory_space<hbm>>) dst(%arg9 : memref<128xi32, #tpu.memory_space<vmem>>)
      %mul3A_90 = arith.constant 10240 : i32
      %mul3A_91 = arith.muli %add3A, %mul3A_90 : i32
      %mul3A_92 = arith.constant 10 : i32
      %mul3A_93 = arith.muli %scan3A_60, %mul3A_92 : i32
      %add3A_94 = arith.constant 2 : i32
      %add3A_95 = arith.addi %mul3A_93, %add3A_94 : i32
      %mul3A_96 = arith.constant 128 : i32
      %mul3A_97 = arith.muli %add3A_95, %mul3A_96 : i32
      %add3A_98 = arith.addi %mul3A_91, %mul3A_97 : i32
      %dma_start3A_99 = tpu.memref_slice %arg3[%add3A_98] : memref<327680xi32, #tpu.memory_space<hbm>> -> memref<128xi32, #tpu.memory_space<hbm>>
      %dma_start3A_100 = tpu.memref_slice %arg3[%add3A_98] : memref<327680xi32, #tpu.memory_space<hbm>> -> memref<128xi32, #tpu.memory_space<hbm>>
      tpu.enqueue_dma source(%dma_start3A_100 : memref<128xi32, #tpu.memory_space<hbm>>) target(%arg15 : memref<128xi32, #tpu.memory_space<vmem>>) target_semaphore(%arg19 : memref<!tpu.dma_semaphore, #tpu.memory_space<semaphore_mem>>)
      %dma_start3A_101 = tpu.memref_slice %arg4[%add3A_98] : memref<327680xi32, #tpu.memory_space<hbm>> -> memref<128xi32, #tpu.memory_space<hbm>>
      %dma_start3A_102 = tpu.memref_slice %arg4[%add3A_98] : memref<327680xi32, #tpu.memory_space<hbm>> -> memref<128xi32, #tpu.memory_space<hbm>>
      tpu.enqueue_dma source(%dma_start3A_102 : memref<128xi32, #tpu.memory_space<hbm>>) target(%arg11 : memref<128xi32, #tpu.memory_space<vmem>>) target_semaphore(%arg23 : memref<!tpu.dma_semaphore, #tpu.memory_space<semaphore_mem>>)
      %dma_start3A_103 = arith.constant 0 : i32
      %dma_start3A_104 = arith.constant 0 : i32
      %dma_start3A_105 = tpu.memref_slice %arg2[%dma_start3A_103, %dma_start3A_104] : memref<10240x128xf32, #tpu.memory_space<hbm>> -> memref<10240x128xf32, #tpu.memory_space<hbm>>
      tpu.enqueue_indirect_dma source(%dma_start3A_105 : memref<10240x128xf32, #tpu.memory_space<hbm>>) target(%arg25 : memref<128x128xf32, #tpu.memory_space<vmem>>) offsets(%arg13 : memref<128xi32, #tpu.memory_space<vmem>>) semaphore(%arg7 : memref<!tpu.dma_semaphore, #tpu.memory_space<semaphore_mem>>)
      %dma_wait3A_106 = tpu.memref_slice %arg3[%add3A_82] : memref<327680xi32, #tpu.memory_space<hbm>> -> memref<128xi32, #tpu.memory_space<hbm>>
      %dma_wait3A_107 = tpu.memref_slice %arg3[%add3A_82] : memref<327680xi32, #tpu.memory_space<hbm>> -> memref<128xi32, #tpu.memory_space<hbm>>
      tpu.wait_dma2 semaphore(%arg18 : memref<!tpu.dma_semaphore, #tpu.memory_space<semaphore_mem>>) src(%dma_wait3A_107 : memref<128xi32, #tpu.memory_space<hbm>>) dst(%arg14 : memref<128xi32, #tpu.memory_space<vmem>>)
      %dma_wait3A_108 = tpu.memref_slice %arg4[%add3A_82] : memref<327680xi32, #tpu.memory_space<hbm>> -> memref<128xi32, #tpu.memory_space<hbm>>
      %dma_wait3A_109 = tpu.memref_slice %arg4[%add3A_82] : memref<327680xi32, #tpu.memory_space<hbm>> -> memref<128xi32, #tpu.memory_space<hbm>>
      tpu.wait_dma2 semaphore(%arg22 : memref<!tpu.dma_semaphore, #tpu.memory_space<semaphore_mem>>) src(%dma_wait3A_109 : memref<128xi32, #tpu.memory_space<hbm>>) dst(%arg10 : memref<128xi32, #tpu.memory_space<vmem>>)
      %mul3A_110 = arith.constant 10240 : i32
      %mul3A_111 = arith.muli %add3A, %mul3A_110 : i32
      %mul3A_112 = arith.constant 10 : i32
      %mul3A_113 = arith.muli %scan3A_60, %mul3A_112 : i32
      %add3A_114 = arith.constant 3 : i32
      %add3A_115 = arith.addi %mul3A_113, %add3A_114 : i32
      %mul3A_116 = arith.constant 128 : i32
      %mul3A_117 = arith.muli %add3A_115, %mul3A_116 : i32
      %add3A_118 = arith.addi %mul3A_111, %mul3A_117 : i32
      %dma_start3A_119 = tpu.memref_slice %arg3[%add3A_118] : memref<327680xi32, #tpu.memory_space<hbm>> -> memref<128xi32, #tpu.memory_space<hbm>>
      %dma_start3A_120 = tpu.memref_slice %arg3[%add3A_118] : memref<327680xi32, #tpu.memory_space<hbm>> -> memref<128xi32, #tpu.memory_space<hbm>>
      tpu.enqueue_dma source(%dma_start3A_120 : memref<128xi32, #tpu.memory_space<hbm>>) target(%arg16 : memref<128xi32, #tpu.memory_space<vmem>>) target_semaphore(%arg20 : memref<!tpu.dma_semaphore, #tpu.memory_space<semaphore_mem>>)
      %dma_start3A_121 = tpu.memref_slice %arg4[%add3A_118] : memref<327680xi32, #tpu.memory_space<hbm>> -> memref<128xi32, #tpu.memory_space<hbm>>
      %dma_start3A_122 = tpu.memref_slice %arg4[%add3A_118] : memref<327680xi32, #tpu.memory_space<hbm>> -> memref<128xi32, #tpu.memory_space<hbm>>
      tpu.enqueue_dma source(%dma_start3A_122 : memref<128xi32, #tpu.memory_space<hbm>>) target(%arg12 : memref<128xi32, #tpu.memory_space<vmem>>) target_semaphore(%arg24 : memref<!tpu.dma_semaphore, #tpu.memory_space<semaphore_mem>>)
      %dma_start3A_123 = arith.constant 0 : i32
      %dma_start3A_124 = arith.constant 0 : i32
      %dma_start3A_125 = tpu.memref_slice %arg2[%dma_start3A_123, %dma_start3A_124] : memref<10240x128xf32, #tpu.memory_space<hbm>> -> memref<10240x128xf32, #tpu.memory_space<hbm>>
      tpu.enqueue_indirect_dma source(%dma_start3A_125 : memref<10240x128xf32, #tpu.memory_space<hbm>>) target(%arg26 : memref<128x128xf32, #tpu.memory_space<vmem>>) offsets(%arg14 : memref<128xi32, #tpu.memory_space<vmem>>) semaphore(%arg8 : memref<!tpu.dma_semaphore, #tpu.memory_space<semaphore_mem>>)
      %dma_wait3A_126 = arith.constant 0 : i32
      %dma_wait3A_127 = arith.constant 0 : i32
      %dma_wait3A_128 = tpu.memref_slice %arg2[%dma_wait3A_126, %dma_wait3A_127] : memref<10240x128xf32, #tpu.memory_space<hbm>> -> memref<10240x128xf32, #tpu.memory_space<hbm>>
      tpu.wait_indirect_dma semaphore(%arg7 : memref<!tpu.dma_semaphore, #tpu.memory_space<semaphore_mem>>) src(%dma_wait3A_128 : memref<10240x128xf32, #tpu.memory_space<hbm>>) dst(%arg25 : memref<128x128xf32, #tpu.memory_space<vmem>>)
      %dma_start3A_129 = arith.constant 0 : i32
      %dma_start3A_130 = arith.constant 0 : i32
      %dma_start3A_131 = tpu.memref_slice %arg6[%dma_start3A_129, %dma_start3A_130] : memref<10240x128xf32, #tpu.memory_space<vmem_shared>> -> memref<10240x128xf32, #tpu.memory_space<vmem_shared>>
      tpu.enqueue_indirect_dma source(%arg25 : memref<128x128xf32, #tpu.memory_space<vmem>>) target(%dma_start3A_131 : memref<10240x128xf32, #tpu.memory_space<vmem_shared>>) offsets(%arg9 : memref<128xi32, #tpu.memory_space<vmem>>) semaphore(%arg27 : memref<!tpu.dma_semaphore, #tpu.memory_space<semaphore_mem>>) {add = true}
      %dma_wait3A_132 = tpu.memref_slice %arg3[%add3A_98] : memref<327680xi32, #tpu.memory_space<hbm>> -> memref<128xi32, #tpu.memory_space<hbm>>
      %dma_wait3A_133 = tpu.memref_slice %arg3[%add3A_98] : memref<327680xi32, #tpu.memory_space<hbm>> -> memref<128xi32, #tpu.memory_space<hbm>>
      tpu.wait_dma2 semaphore(%arg19 : memref<!tpu.dma_semaphore, #tpu.memory_space<semaphore_mem>>) src(%dma_wait3A_133 : memref<128xi32, #tpu.memory_space<hbm>>) dst(%arg15 : memref<128xi32, #tpu.memory_space<vmem>>)
      %dma_wait3A_134 = tpu.memref_slice %arg4[%add3A_98] : memref<327680xi32, #tpu.memory_space<hbm>> -> memref<128xi32, #tpu.memory_space<hbm>>
      %dma_wait3A_135 = tpu.memref_slice %arg4[%add3A_98] : memref<327680xi32, #tpu.memory_space<hbm>> -> memref<128xi32, #tpu.memory_space<hbm>>
      tpu.wait_dma2 semaphore(%arg23 : memref<!tpu.dma_semaphore, #tpu.memory_space<semaphore_mem>>) src(%dma_wait3A_135 : memref<128xi32, #tpu.memory_space<hbm>>) dst(%arg11 : memref<128xi32, #tpu.memory_space<vmem>>)
      %dma_wait3A_136 = arith.constant 0 : i32
      %dma_wait3A_137 = arith.constant 0 : i32
      %dma_wait3A_138 = tpu.memref_slice %arg6[%dma_wait3A_136, %dma_wait3A_137] : memref<10240x128xf32, #tpu.memory_space<vmem_shared>> -> memref<10240x128xf32, #tpu.memory_space<vmem_shared>>
      tpu.wait_indirect_dma semaphore(%arg27 : memref<!tpu.dma_semaphore, #tpu.memory_space<semaphore_mem>>) src(%arg25 : memref<128x128xf32, #tpu.memory_space<vmem>>) dst(%dma_wait3A_138 : memref<10240x128xf32, #tpu.memory_space<vmem_shared>>)
      %mul3A_139 = arith.constant 10240 : i32
      %mul3A_140 = arith.muli %add3A, %mul3A_139 : i32
      %mul3A_141 = arith.constant 10 : i32
      %mul3A_142 = arith.muli %scan3A_60, %mul3A_141 : i32
      %add3A_143 = arith.constant 4 : i32
      %add3A_144 = arith.addi %mul3A_142, %add3A_143 : i32
      %mul3A_145 = arith.constant 128 : i32
      %mul3A_146 = arith.muli %add3A_144, %mul3A_145 : i32
      %add3A_147 = arith.addi %mul3A_140, %mul3A_146 : i32
      %dma_start3A_148 = tpu.memref_slice %arg3[%add3A_147] : memref<327680xi32, #tpu.memory_space<hbm>> -> memref<128xi32, #tpu.memory_space<hbm>>
      %dma_start3A_149 = tpu.memref_slice %arg3[%add3A_147] : memref<327680xi32, #tpu.memory_space<hbm>> -> memref<128xi32, #tpu.memory_space<hbm>>
      tpu.enqueue_dma source(%dma_start3A_149 : memref<128xi32, #tpu.memory_space<hbm>>) target(%arg13 : memref<128xi32, #tpu.memory_space<vmem>>) target_semaphore(%arg17 : memref<!tpu.dma_semaphore, #tpu.memory_space<semaphore_mem>>)
      %dma_start3A_150 = tpu.memref_slice %arg4[%add3A_147] : memref<327680xi32, #tpu.memory_space<hbm>> -> memref<128xi32, #tpu.memory_space<hbm>>
      %dma_start3A_151 = tpu.memref_slice %arg4[%add3A_147] : memref<327680xi32, #tpu.memory_space<hbm>> -> memref<128xi32, #tpu.memory_space<hbm>>
      tpu.enqueue_dma source(%dma_start3A_151 : memref<128xi32, #tpu.memory_space<hbm>>) target(%arg9 : memref<128xi32, #tpu.memory_space<vmem>>) target_semaphore(%arg21 : memref<!tpu.dma_semaphore, #tpu.memory_space<semaphore_mem>>)
      %dma_start3A_152 = arith.constant 0 : i32
      %dma_start3A_153 = arith.constant 0 : i32
      %dma_start3A_154 = tpu.memref_slice %arg2[%dma_start3A_152, %dma_start3A_153] : memref<10240x128xf32, #tpu.memory_space<hbm>> -> memref<10240x128xf32, #tpu.memory_space<hbm>>
      tpu.enqueue_indirect_dma source(%dma_start3A_154 : memref<10240x128xf32, #tpu.memory_space<hbm>>) target(%arg25 : memref<128x128xf32, #tpu.memory_space<vmem>>) offsets(%arg15 : memref<128xi32, #tpu.memory_space<vmem>>) semaphore(%arg7 : memref<!tpu.dma_semaphore, #tpu.memory_space<semaphore_mem>>)
      %dma_wait3A_155 = arith.constant 0 : i32
      %dma_wait3A_156 = arith.constant 0 : i32
      %dma_wait3A_157 = tpu.memref_slice %arg2[%dma_wait3A_155, %dma_wait3A_156] : memref<10240x128xf32, #tpu.memory_space<hbm>> -> memref<10240x128xf32, #tpu.memory_space<hbm>>
      tpu.wait_indirect_dma semaphore(%arg8 : memref<!tpu.dma_semaphore, #tpu.memory_space<semaphore_mem>>) src(%dma_wait3A_157 : memref<10240x128xf32, #tpu.memory_space<hbm>>) dst(%arg26 : memref<128x128xf32, #tpu.memory_space<vmem>>)
      %dma_start3A_158 = arith.constant 0 : i32
      %dma_start3A_159 = arith.constant 0 : i32
      %dma_start3A_160 = tpu.memref_slice %arg6[%dma_start3A_158, %dma_start3A_159] : memref<10240x128xf32, #tpu.memory_space<vmem_shared>> -> memref<10240x128xf32, #tpu.memory_space<vmem_shared>>
      tpu.enqueue_indirect_dma source(%arg26 : memref<128x128xf32, #tpu.memory_space<vmem>>) target(%dma_start3A_160 : memref<10240x128xf32, #tpu.memory_space<vmem_shared>>) offsets(%arg10 : memref<128xi32, #tpu.memory_space<vmem>>) semaphore(%arg28 : memref<!tpu.dma_semaphore, #tpu.memory_space<semaphore_mem>>) {add = true}
      %dma_wait3A_161 = tpu.memref_slice %arg3[%add3A_118] : memref<327680xi32, #tpu.memory_space<hbm>> -> memref<128xi32, #tpu.memory_space<hbm>>
      %dma_wait3A_162 = tpu.memref_slice %arg3[%add3A_118] : memref<327680xi32, #tpu.memory_space<hbm>> -> memref<128xi32, #tpu.memory_space<hbm>>
      tpu.wait_dma2 semaphore(%arg20 : memref<!tpu.dma_semaphore, #tpu.memory_space<semaphore_mem>>) src(%dma_wait3A_162 : memref<128xi32, #tpu.memory_space<hbm>>) dst(%arg16 : memref<128xi32, #tpu.memory_space<vmem>>)
      %dma_wait3A_163 = tpu.memref_slice %arg4[%add3A_118] : memref<327680xi32, #tpu.memory_space<hbm>> -> memref<128xi32, #tpu.memory_space<hbm>>
      %dma_wait3A_164 = tpu.memref_slice %arg4[%add3A_118] : memref<327680xi32, #tpu.memory_space<hbm>> -> memref<128xi32, #tpu.memory_space<hbm>>
      tpu.wait_dma2 semaphore(%arg24 : memref<!tpu.dma_semaphore, #tpu.memory_space<semaphore_mem>>) src(%dma_wait3A_164 : memref<128xi32, #tpu.memory_space<hbm>>) dst(%arg12 : memref<128xi32, #tpu.memory_space<vmem>>)
      %dma_wait3A_165 = arith.constant 0 : i32
      %dma_wait3A_166 = arith.constant 0 : i32
      %dma_wait3A_167 = tpu.memref_slice %arg6[%dma_wait3A_165, %dma_wait3A_166] : memref<10240x128xf32, #tpu.memory_space<vmem_shared>> -> memref<10240x128xf32, #tpu.memory_space<vmem_shared>>
      tpu.wait_indirect_dma semaphore(%arg28 : memref<!tpu.dma_semaphore, #tpu.memory_space<semaphore_mem>>) src(%arg26 : memref<128x128xf32, #tpu.memory_space<vmem>>) dst(%dma_wait3A_167 : memref<10240x128xf32, #tpu.memory_space<vmem_shared>>)
      %mul3A_168 = arith.constant 10240 : i32
      %mul3A_169 = arith.muli %add3A, %mul3A_168 : i32
      %mul3A_170 = arith.constant 10 : i32
      %mul3A_171 = arith.muli %scan3A_60, %mul3A_170 : i32
      %add3A_172 = arith.constant 5 : i32
      %add3A_173 = arith.addi %mul3A_171, %add3A_172 : i32
      %mul3A_174 = arith.constant 128 : i32
      %mul3A_175 = arith.muli %add3A_173, %mul3A_174 : i32
      %add3A_176 = arith.addi %mul3A_169, %mul3A_175 : i32
      %dma_start3A_177 = tpu.memref_slice %arg3[%add3A_176] : memref<327680xi32, #tpu.memory_space<hbm>> -> memref<128xi32, #tpu.memory_space<hbm>>
      %dma_start3A_178 = tpu.memref_slice %arg3[%add3A_176] : memref<327680xi32, #tpu.memory_space<hbm>> -> memref<128xi32, #tpu.memory_space<hbm>>
      tpu.enqueue_dma source(%dma_start3A_178 : memref<128xi32, #tpu.memory_space<hbm>>) target(%arg14 : memref<128xi32, #tpu.memory_space<vmem>>) target_semaphore(%arg18 : memref<!tpu.dma_semaphore, #tpu.memory_space<semaphore_mem>>)
      %dma_start3A_179 = tpu.memref_slice %arg4[%add3A_176] : memref<327680xi32, #tpu.memory_space<hbm>> -> memref<128xi32, #tpu.memory_space<hbm>>
      %dma_start3A_180 = tpu.memref_slice %arg4[%add3A_176] : memref<327680xi32, #tpu.memory_space<hbm>> -> memref<128xi32, #tpu.memory_space<hbm>>
      tpu.enqueue_dma source(%dma_start3A_180 : memref<128xi32, #tpu.memory_space<hbm>>) target(%arg10 : memref<128xi32, #tpu.memory_space<vmem>>) target_semaphore(%arg22 : memref<!tpu.dma_semaphore, #tpu.memory_space<semaphore_mem>>)
      %dma_start3A_181 = arith.constant 0 : i32
      %dma_start3A_182 = arith.constant 0 : i32
      %dma_start3A_183 = tpu.memref_slice %arg2[%dma_start3A_181, %dma_start3A_182] : memref<10240x128xf32, #tpu.memory_space<hbm>> -> memref<10240x128xf32, #tpu.memory_space<hbm>>
      tpu.enqueue_indirect_dma source(%dma_start3A_183 : memref<10240x128xf32, #tpu.memory_space<hbm>>) target(%arg26 : memref<128x128xf32, #tpu.memory_space<vmem>>) offsets(%arg16 : memref<128xi32, #tpu.memory_space<vmem>>) semaphore(%arg8 : memref<!tpu.dma_semaphore, #tpu.memory_space<semaphore_mem>>)
      %dma_wait3A_184 = arith.constant 0 : i32
      %dma_wait3A_185 = arith.constant 0 : i32
      %dma_wait3A_186 = tpu.memref_slice %arg2[%dma_wait3A_184, %dma_wait3A_185] : memref<10240x128xf32, #tpu.memory_space<hbm>> -> memref<10240x128xf32, #tpu.memory_space<hbm>>
      tpu.wait_indirect_dma semaphore(%arg7 : memref<!tpu.dma_semaphore, #tpu.memory_space<semaphore_mem>>) src(%dma_wait3A_186 : memref<10240x128xf32, #tpu.memory_space<hbm>>) dst(%arg25 : memref<128x128xf32, #tpu.memory_space<vmem>>)
      %dma_start3A_187 = arith.constant 0 : i32
      %dma_start3A_188 = arith.constant 0 : i32
      %dma_start3A_189 = tpu.memref_slice %arg6[%dma_start3A_187, %dma_start3A_188] : memref<10240x128xf32, #tpu.memory_space<vmem_shared>> -> memref<10240x128xf32, #tpu.memory_space<vmem_shared>>
      tpu.enqueue_indirect_dma source(%arg25 : memref<128x128xf32, #tpu.memory_space<vmem>>) target(%dma_start3A_189 : memref<10240x128xf32, #tpu.memory_space<vmem_shared>>) offsets(%arg11 : memref<128xi32, #tpu.memory_space<vmem>>) semaphore(%arg27 : memref<!tpu.dma_semaphore, #tpu.memory_space<semaphore_mem>>) {add = true}
      %dma_wait3A_190 = tpu.memref_slice %arg3[%add3A_147] : memref<327680xi32, #tpu.memory_space<hbm>> -> memref<128xi32, #tpu.memory_space<hbm>>
      %dma_wait3A_191 = tpu.memref_slice %arg3[%add3A_147] : memref<327680xi32, #tpu.memory_space<hbm>> -> memref<128xi32, #tpu.memory_space<hbm>>
      tpu.wait_dma2 semaphore(%arg17 : memref<!tpu.dma_semaphore, #tpu.memory_space<semaphore_mem>>) src(%dma_wait3A_191 : memref<128xi32, #tpu.memory_space<hbm>>) dst(%arg13 : memref<128xi32, #tpu.memory_space<vmem>>)
      %dma_wait3A_192 = tpu.memref_slice %arg4[%add3A_147] : memref<327680xi32, #tpu.memory_space<hbm>> -> memref<128xi32, #tpu.memory_space<hbm>>
      %dma_wait3A_193 = tpu.memref_slice %arg4[%add3A_147] : memref<327680xi32, #tpu.memory_space<hbm>> -> memref<128xi32, #tpu.memory_space<hbm>>
      tpu.wait_dma2 semaphore(%arg21 : memref<!tpu.dma_semaphore, #tpu.memory_space<semaphore_mem>>) src(%dma_wait3A_193 : memref<128xi32, #tpu.memory_space<hbm>>) dst(%arg9 : memref<128xi32, #tpu.memory_space<vmem>>)
      %dma_wait3A_194 = arith.constant 0 : i32
      %dma_wait3A_195 = arith.constant 0 : i32
      %dma_wait3A_196 = tpu.memref_slice %arg6[%dma_wait3A_194, %dma_wait3A_195] : memref<10240x128xf32, #tpu.memory_space<vmem_shared>> -> memref<10240x128xf32, #tpu.memory_space<vmem_shared>>
      tpu.wait_indirect_dma semaphore(%arg27 : memref<!tpu.dma_semaphore, #tpu.memory_space<semaphore_mem>>) src(%arg25 : memref<128x128xf32, #tpu.memory_space<vmem>>) dst(%dma_wait3A_196 : memref<10240x128xf32, #tpu.memory_space<vmem_shared>>)
      %mul3A_197 = arith.constant 10240 : i32
      %mul3A_198 = arith.muli %add3A, %mul3A_197 : i32
      %mul3A_199 = arith.constant 10 : i32
      %mul3A_200 = arith.muli %scan3A_60, %mul3A_199 : i32
      %add3A_201 = arith.constant 6 : i32
      %add3A_202 = arith.addi %mul3A_200, %add3A_201 : i32
      %mul3A_203 = arith.constant 128 : i32
      %mul3A_204 = arith.muli %add3A_202, %mul3A_203 : i32
      %add3A_205 = arith.addi %mul3A_198, %mul3A_204 : i32
      %dma_start3A_206 = tpu.memref_slice %arg3[%add3A_205] : memref<327680xi32, #tpu.memory_space<hbm>> -> memref<128xi32, #tpu.memory_space<hbm>>
      %dma_start3A_207 = tpu.memref_slice %arg3[%add3A_205] : memref<327680xi32, #tpu.memory_space<hbm>> -> memref<128xi32, #tpu.memory_space<hbm>>
      tpu.enqueue_dma source(%dma_start3A_207 : memref<128xi32, #tpu.memory_space<hbm>>) target(%arg15 : memref<128xi32, #tpu.memory_space<vmem>>) target_semaphore(%arg19 : memref<!tpu.dma_semaphore, #tpu.memory_space<semaphore_mem>>)
      %dma_start3A_208 = tpu.memref_slice %arg4[%add3A_205] : memref<327680xi32, #tpu.memory_space<hbm>> -> memref<128xi32, #tpu.memory_space<hbm>>
      %dma_start3A_209 = tpu.memref_slice %arg4[%add3A_205] : memref<327680xi32, #tpu.memory_space<hbm>> -> memref<128xi32, #tpu.memory_space<hbm>>
      tpu.enqueue_dma source(%dma_start3A_209 : memref<128xi32, #tpu.memory_space<hbm>>) target(%arg11 : memref<128xi32, #tpu.memory_space<vmem>>) target_semaphore(%arg23 : memref<!tpu.dma_semaphore, #tpu.memory_space<semaphore_mem>>)
      %dma_start3A_210 = arith.constant 0 : i32
      %dma_start3A_211 = arith.constant 0 : i32
      %dma_start3A_212 = tpu.memref_slice %arg2[%dma_start3A_210, %dma_start3A_211] : memref<10240x128xf32, #tpu.memory_space<hbm>> -> memref<10240x128xf32, #tpu.memory_space<hbm>>
      tpu.enqueue_indirect_dma source(%dma_start3A_212 : memref<10240x128xf32, #tpu.memory_space<hbm>>) target(%arg25 : memref<128x128xf32, #tpu.memory_space<vmem>>) offsets(%arg13 : memref<128xi32, #tpu.memory_space<vmem>>) semaphore(%arg7 : memref<!tpu.dma_semaphore, #tpu.memory_space<semaphore_mem>>)
      %dma_wait3A_213 = arith.constant 0 : i32
      %dma_wait3A_214 = arith.constant 0 : i32
      %dma_wait3A_215 = tpu.memref_slice %arg2[%dma_wait3A_213, %dma_wait3A_214] : memref<10240x128xf32, #tpu.memory_space<hbm>> -> memref<10240x128xf32, #tpu.memory_space<hbm>>
      tpu.wait_indirect_dma semaphore(%arg8 : memref<!tpu.dma_semaphore, #tpu.memory_space<semaphore_mem>>) src(%dma_wait3A_215 : memref<10240x128xf32, #tpu.memory_space<hbm>>) dst(%arg26 : memref<128x128xf32, #tpu.memory_space<vmem>>)
      %dma_start3A_216 = arith.constant 0 : i32
      %dma_start3A_217 = arith.constant 0 : i32
      %dma_start3A_218 = tpu.memref_slice %arg6[%dma_start3A_216, %dma_start3A_217] : memref<10240x128xf32, #tpu.memory_space<vmem_shared>> -> memref<10240x128xf32, #tpu.memory_space<vmem_shared>>
      tpu.enqueue_indirect_dma source(%arg26 : memref<128x128xf32, #tpu.memory_space<vmem>>) target(%dma_start3A_218 : memref<10240x128xf32, #tpu.memory_space<vmem_shared>>) offsets(%arg12 : memref<128xi32, #tpu.memory_space<vmem>>) semaphore(%arg28 : memref<!tpu.dma_semaphore, #tpu.memory_space<semaphore_mem>>) {add = true}
      %dma_wait3A_219 = tpu.memref_slice %arg3[%add3A_176] : memref<327680xi32, #tpu.memory_space<hbm>> -> memref<128xi32, #tpu.memory_space<hbm>>
      %dma_wait3A_220 = tpu.memref_slice %arg3[%add3A_176] : memref<327680xi32, #tpu.memory_space<hbm>> -> memref<128xi32, #tpu.memory_space<hbm>>
      tpu.wait_dma2 semaphore(%arg18 : memref<!tpu.dma_semaphore, #tpu.memory_space<semaphore_mem>>) src(%dma_wait3A_220 : memref<128xi32, #tpu.memory_space<hbm>>) dst(%arg14 : memref<128xi32, #tpu.memory_space<vmem>>)
      %dma_wait3A_221 = tpu.memref_slice %arg4[%add3A_176] : memref<327680xi32, #tpu.memory_space<hbm>> -> memref<128xi32, #tpu.memory_space<hbm>>
      %dma_wait3A_222 = tpu.memref_slice %arg4[%add3A_176] : memref<327680xi32, #tpu.memory_space<hbm>> -> memref<128xi32, #tpu.memory_space<hbm>>
      tpu.wait_dma2 semaphore(%arg22 : memref<!tpu.dma_semaphore, #tpu.memory_space<semaphore_mem>>) src(%dma_wait3A_222 : memref<128xi32, #tpu.memory_space<hbm>>) dst(%arg10 : memref<128xi32, #tpu.memory_space<vmem>>)
      %dma_wait3A_223 = arith.constant 0 : i32
      %dma_wait3A_224 = arith.constant 0 : i32
      %dma_wait3A_225 = tpu.memref_slice %arg6[%dma_wait3A_223, %dma_wait3A_224] : memref<10240x128xf32, #tpu.memory_space<vmem_shared>> -> memref<10240x128xf32, #tpu.memory_space<vmem_shared>>
      tpu.wait_indirect_dma semaphore(%arg28 : memref<!tpu.dma_semaphore, #tpu.memory_space<semaphore_mem>>) src(%arg26 : memref<128x128xf32, #tpu.memory_space<vmem>>) dst(%dma_wait3A_225 : memref<10240x128xf32, #tpu.memory_space<vmem_shared>>)
      %mul3A_226 = arith.constant 10240 : i32
      %mul3A_227 = arith.muli %add3A, %mul3A_226 : i32
      %mul3A_228 = arith.constant 10 : i32
      %mul3A_229 = arith.muli %scan3A_60, %mul3A_228 : i32
      %add3A_230 = arith.constant 7 : i32
      %add3A_231 = arith.addi %mul3A_229, %add3A_230 : i32
      %mul3A_232 = arith.constant 128 : i32
      %mul3A_233 = arith.muli %add3A_231, %mul3A_232 : i32
      %add3A_234 = arith.addi %mul3A_227, %mul3A_233 : i32
      %dma_start3A_235 = tpu.memref_slice %arg3[%add3A_234] : memref<327680xi32, #tpu.memory_space<hbm>> -> memref<128xi32, #tpu.memory_space<hbm>>
      %dma_start3A_236 = tpu.memref_slice %arg3[%add3A_234] : memref<327680xi32, #tpu.memory_space<hbm>> -> memref<128xi32, #tpu.memory_space<hbm>>
      tpu.enqueue_dma source(%dma_start3A_236 : memref<128xi32, #tpu.memory_space<hbm>>) target(%arg16 : memref<128xi32, #tpu.memory_space<vmem>>) target_semaphore(%arg20 : memref<!tpu.dma_semaphore, #tpu.memory_space<semaphore_mem>>)
      %dma_start3A_237 = tpu.memref_slice %arg4[%add3A_234] : memref<327680xi32, #tpu.memory_space<hbm>> -> memref<128xi32, #tpu.memory_space<hbm>>
      %dma_start3A_238 = tpu.memref_slice %arg4[%add3A_234] : memref<327680xi32, #tpu.memory_space<hbm>> -> memref<128xi32, #tpu.memory_space<hbm>>
      tpu.enqueue_dma source(%dma_start3A_238 : memref<128xi32, #tpu.memory_space<hbm>>) target(%arg12 : memref<128xi32, #tpu.memory_space<vmem>>) target_semaphore(%arg24 : memref<!tpu.dma_semaphore, #tpu.memory_space<semaphore_mem>>)
      %dma_start3A_239 = arith.constant 0 : i32
      %dma_start3A_240 = arith.constant 0 : i32
      %dma_start3A_241 = tpu.memref_slice %arg2[%dma_start3A_239, %dma_start3A_240] : memref<10240x128xf32, #tpu.memory_space<hbm>> -> memref<10240x128xf32, #tpu.memory_space<hbm>>
      tpu.enqueue_indirect_dma source(%dma_start3A_241 : memref<10240x128xf32, #tpu.memory_space<hbm>>) target(%arg26 : memref<128x128xf32, #tpu.memory_space<vmem>>) offsets(%arg14 : memref<128xi32, #tpu.memory_space<vmem>>) semaphore(%arg8 : memref<!tpu.dma_semaphore, #tpu.memory_space<semaphore_mem>>)
      %dma_wait3A_242 = arith.constant 0 : i32
      %dma_wait3A_243 = arith.constant 0 : i32
      %dma_wait3A_244 = tpu.memref_slice %arg2[%dma_wait3A_242, %dma_wait3A_243] : memref<10240x128xf32, #tpu.memory_space<hbm>> -> memref<10240x128xf32, #tpu.memory_space<hbm>>
      tpu.wait_indirect_dma semaphore(%arg7 : memref<!tpu.dma_semaphore, #tpu.memory_space<semaphore_mem>>) src(%dma_wait3A_244 : memref<10240x128xf32, #tpu.memory_space<hbm>>) dst(%arg25 : memref<128x128xf32, #tpu.memory_space<vmem>>)
      %dma_start3A_245 = arith.constant 0 : i32
      %dma_start3A_246 = arith.constant 0 : i32
      %dma_start3A_247 = tpu.memref_slice %arg6[%dma_start3A_245, %dma_start3A_246] : memref<10240x128xf32, #tpu.memory_space<vmem_shared>> -> memref<10240x128xf32, #tpu.memory_space<vmem_shared>>
      tpu.enqueue_indirect_dma source(%arg25 : memref<128x128xf32, #tpu.memory_space<vmem>>) target(%dma_start3A_247 : memref<10240x128xf32, #tpu.memory_space<vmem_shared>>) offsets(%arg9 : memref<128xi32, #tpu.memory_space<vmem>>) semaphore(%arg27 : memref<!tpu.dma_semaphore, #tpu.memory_space<semaphore_mem>>) {add = true}
      %dma_wait3A_248 = tpu.memref_slice %arg3[%add3A_205] : memref<327680xi32, #tpu.memory_space<hbm>> -> memref<128xi32, #tpu.memory_space<hbm>>
      %dma_wait3A_249 = tpu.memref_slice %arg3[%add3A_205] : memref<327680xi32, #tpu.memory_space<hbm>> -> memref<128xi32, #tpu.memory_space<hbm>>
      tpu.wait_dma2 semaphore(%arg19 : memref<!tpu.dma_semaphore, #tpu.memory_space<semaphore_mem>>) src(%dma_wait3A_249 : memref<128xi32, #tpu.memory_space<hbm>>) dst(%arg15 : memref<128xi32, #tpu.memory_space<vmem>>)
      %dma_wait3A_250 = tpu.memref_slice %arg4[%add3A_205] : memref<327680xi32, #tpu.memory_space<hbm>> -> memref<128xi32, #tpu.memory_space<hbm>>
      %dma_wait3A_251 = tpu.memref_slice %arg4[%add3A_205] : memref<327680xi32, #tpu.memory_space<hbm>> -> memref<128xi32, #tpu.memory_space<hbm>>
      tpu.wait_dma2 semaphore(%arg23 : memref<!tpu.dma_semaphore, #tpu.memory_space<semaphore_mem>>) src(%dma_wait3A_251 : memref<128xi32, #tpu.memory_space<hbm>>) dst(%arg11 : memref<128xi32, #tpu.memory_space<vmem>>)
      %dma_wait3A_252 = arith.constant 0 : i32
      %dma_wait3A_253 = arith.constant 0 : i32
      %dma_wait3A_254 = tpu.memref_slice %arg6[%dma_wait3A_252, %dma_wait3A_253] : memref<10240x128xf32, #tpu.memory_space<vmem_shared>> -> memref<10240x128xf32, #tpu.memory_space<vmem_shared>>
      tpu.wait_indirect_dma semaphore(%arg27 : memref<!tpu.dma_semaphore, #tpu.memory_space<semaphore_mem>>) src(%arg25 : memref<128x128xf32, #tpu.memory_space<vmem>>) dst(%dma_wait3A_254 : memref<10240x128xf32, #tpu.memory_space<vmem_shared>>)
      %mul3A_255 = arith.constant 10240 : i32
      %mul3A_256 = arith.muli %add3A, %mul3A_255 : i32
      %mul3A_257 = arith.constant 10 : i32
      %mul3A_258 = arith.muli %scan3A_60, %mul3A_257 : i32
      %add3A_259 = arith.constant 8 : i32
      %add3A_260 = arith.addi %mul3A_258, %add3A_259 : i32
      %mul3A_261 = arith.constant 128 : i32
      %mul3A_262 = arith.muli %add3A_260, %mul3A_261 : i32
      %add3A_263 = arith.addi %mul3A_256, %mul3A_262 : i32
      %dma_start3A_264 = tpu.memref_slice %arg3[%add3A_263] : memref<327680xi32, #tpu.memory_space<hbm>> -> memref<128xi32, #tpu.memory_space<hbm>>
      %dma_start3A_265 = tpu.memref_slice %arg3[%add3A_263] : memref<327680xi32, #tpu.memory_space<hbm>> -> memref<128xi32, #tpu.memory_space<hbm>>
      tpu.enqueue_dma source(%dma_start3A_265 : memref<128xi32, #tpu.memory_space<hbm>>) target(%arg13 : memref<128xi32, #tpu.memory_space<vmem>>) target_semaphore(%arg17 : memref<!tpu.dma_semaphore, #tpu.memory_space<semaphore_mem>>)
      %dma_start3A_266 = tpu.memref_slice %arg4[%add3A_263] : memref<327680xi32, #tpu.memory_space<hbm>> -> memref<128xi32, #tpu.memory_space<hbm>>
      %dma_start3A_267 = tpu.memref_slice %arg4[%add3A_263] : memref<327680xi32, #tpu.memory_space<hbm>> -> memref<128xi32, #tpu.memory_space<hbm>>
      tpu.enqueue_dma source(%dma_start3A_267 : memref<128xi32, #tpu.memory_space<hbm>>) target(%arg9 : memref<128xi32, #tpu.memory_space<vmem>>) target_semaphore(%arg21 : memref<!tpu.dma_semaphore, #tpu.memory_space<semaphore_mem>>)
      %dma_start3A_268 = arith.constant 0 : i32
      %dma_start3A_269 = arith.constant 0 : i32
      %dma_start3A_270 = tpu.memref_slice %arg2[%dma_start3A_268, %dma_start3A_269] : memref<10240x128xf32, #tpu.memory_space<hbm>> -> memref<10240x128xf32, #tpu.memory_space<hbm>>
      tpu.enqueue_indirect_dma source(%dma_start3A_270 : memref<10240x128xf32, #tpu.memory_space<hbm>>) target(%arg25 : memref<128x128xf32, #tpu.memory_space<vmem>>) offsets(%arg15 : memref<128xi32, #tpu.memory_space<vmem>>) semaphore(%arg7 : memref<!tpu.dma_semaphore, #tpu.memory_space<semaphore_mem>>)
      %dma_wait3A_271 = arith.constant 0 : i32
      %dma_wait3A_272 = arith.constant 0 : i32
      %dma_wait3A_273 = tpu.memref_slice %arg2[%dma_wait3A_271, %dma_wait3A_272] : memref<10240x128xf32, #tpu.memory_space<hbm>> -> memref<10240x128xf32, #tpu.memory_space<hbm>>
      tpu.wait_indirect_dma semaphore(%arg8 : memref<!tpu.dma_semaphore, #tpu.memory_space<semaphore_mem>>) src(%dma_wait3A_273 : memref<10240x128xf32, #tpu.memory_space<hbm>>) dst(%arg26 : memref<128x128xf32, #tpu.memory_space<vmem>>)
      %dma_start3A_274 = arith.constant 0 : i32
      %dma_start3A_275 = arith.constant 0 : i32
      %dma_start3A_276 = tpu.memref_slice %arg6[%dma_start3A_274, %dma_start3A_275] : memref<10240x128xf32, #tpu.memory_space<vmem_shared>> -> memref<10240x128xf32, #tpu.memory_space<vmem_shared>>
      tpu.enqueue_indirect_dma source(%arg26 : memref<128x128xf32, #tpu.memory_space<vmem>>) target(%dma_start3A_276 : memref<10240x128xf32, #tpu.memory_space<vmem_shared>>) offsets(%arg10 : memref<128xi32, #tpu.memory_space<vmem>>) semaphore(%arg28 : memref<!tpu.dma_semaphore, #tpu.memory_space<semaphore_mem>>) {add = true}
      %dma_wait3A_277 = tpu.memref_slice %arg3[%add3A_234] : memref<327680xi32, #tpu.memory_space<hbm>> -> memref<128xi32, #tpu.memory_space<hbm>>
      %dma_wait3A_278 = tpu.memref_slice %arg3[%add3A_234] : memref<327680xi32, #tpu.memory_space<hbm>> -> memref<128xi32, #tpu.memory_space<hbm>>
      tpu.wait_dma2 semaphore(%arg20 : memref<!tpu.dma_semaphore, #tpu.memory_space<semaphore_mem>>) src(%dma_wait3A_278 : memref<128xi32, #tpu.memory_space<hbm>>) dst(%arg16 : memref<128xi32, #tpu.memory_space<vmem>>)
      %dma_wait3A_279 = tpu.memref_slice %arg4[%add3A_234] : memref<327680xi32, #tpu.memory_space<hbm>> -> memref<128xi32, #tpu.memory_space<hbm>>
      %dma_wait3A_280 = tpu.memref_slice %arg4[%add3A_234] : memref<327680xi32, #tpu.memory_space<hbm>> -> memref<128xi32, #tpu.memory_space<hbm>>
      tpu.wait_dma2 semaphore(%arg24 : memref<!tpu.dma_semaphore, #tpu.memory_space<semaphore_mem>>) src(%dma_wait3A_280 : memref<128xi32, #tpu.memory_space<hbm>>) dst(%arg12 : memref<128xi32, #tpu.memory_space<vmem>>)
      %dma_wait3A_281 = arith.constant 0 : i32
      %dma_wait3A_282 = arith.constant 0 : i32
      %dma_wait3A_283 = tpu.memref_slice %arg6[%dma_wait3A_281, %dma_wait3A_282] : memref<10240x128xf32, #tpu.memory_space<vmem_shared>> -> memref<10240x128xf32, #tpu.memory_space<vmem_shared>>
      tpu.wait_indirect_dma semaphore(%arg28 : memref<!tpu.dma_semaphore, #tpu.memory_space<semaphore_mem>>) src(%arg26 : memref<128x128xf32, #tpu.memory_space<vmem>>) dst(%dma_wait3A_283 : memref<10240x128xf32, #tpu.memory_space<vmem_shared>>)
      %mul3A_284 = arith.constant 10240 : i32
      %mul3A_285 = arith.muli %add3A, %mul3A_284 : i32
      %mul3A_286 = arith.constant 10 : i32
      %mul3A_287 = arith.muli %scan3A_60, %mul3A_286 : i32
      %add3A_288 = arith.constant 9 : i32
      %add3A_289 = arith.addi %mul3A_287, %add3A_288 : i32
      %mul3A_290 = arith.constant 128 : i32
      %mul3A_291 = arith.muli %add3A_289, %mul3A_290 : i32
      %add3A_292 = arith.addi %mul3A_285, %mul3A_291 : i32
      %dma_start3A_293 = tpu.memref_slice %arg3[%add3A_292] : memref<327680xi32, #tpu.memory_space<hbm>> -> memref<128xi32, #tpu.memory_space<hbm>>
      %dma_start3A_294 = tpu.memref_slice %arg3[%add3A_292] : memref<327680xi32, #tpu.memory_space<hbm>> -> memref<128xi32, #tpu.memory_space<hbm>>
      tpu.enqueue_dma source(%dma_start3A_294 : memref<128xi32, #tpu.memory_space<hbm>>) target(%arg14 : memref<128xi32, #tpu.memory_space<vmem>>) target_semaphore(%arg18 : memref<!tpu.dma_semaphore, #tpu.memory_space<semaphore_mem>>)
      %dma_start3A_295 = tpu.memref_slice %arg4[%add3A_292] : memref<327680xi32, #tpu.memory_space<hbm>> -> memref<128xi32, #tpu.memory_space<hbm>>
      %dma_start3A_296 = tpu.memref_slice %arg4[%add3A_292] : memref<327680xi32, #tpu.memory_space<hbm>> -> memref<128xi32, #tpu.memory_space<hbm>>
      tpu.enqueue_dma source(%dma_start3A_296 : memref<128xi32, #tpu.memory_space<hbm>>) target(%arg10 : memref<128xi32, #tpu.memory_space<vmem>>) target_semaphore(%arg22 : memref<!tpu.dma_semaphore, #tpu.memory_space<semaphore_mem>>)
      %dma_start3A_297 = arith.constant 0 : i32
      %dma_start3A_298 = arith.constant 0 : i32
      %dma_start3A_299 = tpu.memref_slice %arg2[%dma_start3A_297, %dma_start3A_298] : memref<10240x128xf32, #tpu.memory_space<hbm>> -> memref<10240x128xf32, #tpu.memory_space<hbm>>
      tpu.enqueue_indirect_dma source(%dma_start3A_299 : memref<10240x128xf32, #tpu.memory_space<hbm>>) target(%arg26 : memref<128x128xf32, #tpu.memory_space<vmem>>) offsets(%arg16 : memref<128xi32, #tpu.memory_space<vmem>>) semaphore(%arg8 : memref<!tpu.dma_semaphore, #tpu.memory_space<semaphore_mem>>)
      %dma_wait3A_300 = arith.constant 0 : i32
      %dma_wait3A_301 = arith.constant 0 : i32
      %dma_wait3A_302 = tpu.memref_slice %arg2[%dma_wait3A_300, %dma_wait3A_301] : memref<10240x128xf32, #tpu.memory_space<hbm>> -> memref<10240x128xf32, #tpu.memory_space<hbm>>
      tpu.wait_indirect_dma semaphore(%arg7 : memref<!tpu.dma_semaphore, #tpu.memory_space<semaphore_mem>>) src(%dma_wait3A_302 : memref<10240x128xf32, #tpu.memory_space<hbm>>) dst(%arg25 : memref<128x128xf32, #tpu.memory_space<vmem>>)
      %dma_start3A_303 = arith.constant 0 : i32
      %dma_start3A_304 = arith.constant 0 : i32
      %dma_start3A_305 = tpu.memref_slice %arg6[%dma_start3A_303, %dma_start3A_304] : memref<10240x128xf32, #tpu.memory_space<vmem_shared>> -> memref<10240x128xf32, #tpu.memory_space<vmem_shared>>
      tpu.enqueue_indirect_dma source(%arg25 : memref<128x128xf32, #tpu.memory_space<vmem>>) target(%dma_start3A_305 : memref<10240x128xf32, #tpu.memory_space<vmem_shared>>) offsets(%arg11 : memref<128xi32, #tpu.memory_space<vmem>>) semaphore(%arg27 : memref<!tpu.dma_semaphore, #tpu.memory_space<semaphore_mem>>) {add = true}
      %dma_wait3A_306 = tpu.memref_slice %arg3[%add3A_263] : memref<327680xi32, #tpu.memory_space<hbm>> -> memref<128xi32, #tpu.memory_space<hbm>>
      %dma_wait3A_307 = tpu.memref_slice %arg3[%add3A_263] : memref<327680xi32, #tpu.memory_space<hbm>> -> memref<128xi32, #tpu.memory_space<hbm>>
      tpu.wait_dma2 semaphore(%arg17 : memref<!tpu.dma_semaphore, #tpu.memory_space<semaphore_mem>>) src(%dma_wait3A_307 : memref<128xi32, #tpu.memory_space<hbm>>) dst(%arg13 : memref<128xi32, #tpu.memory_space<vmem>>)
      %dma_wait3A_308 = tpu.memref_slice %arg4[%add3A_263] : memref<327680xi32, #tpu.memory_space<hbm>> -> memref<128xi32, #tpu.memory_space<hbm>>
      %dma_wait3A_309 = tpu.memref_slice %arg4[%add3A_263] : memref<327680xi32, #tpu.memory_space<hbm>> -> memref<128xi32, #tpu.memory_space<hbm>>
      tpu.wait_dma2 semaphore(%arg21 : memref<!tpu.dma_semaphore, #tpu.memory_space<semaphore_mem>>) src(%dma_wait3A_309 : memref<128xi32, #tpu.memory_space<hbm>>) dst(%arg9 : memref<128xi32, #tpu.memory_space<vmem>>)
      %dma_wait3A_310 = arith.constant 0 : i32
      %dma_wait3A_311 = arith.constant 0 : i32
      %dma_wait3A_312 = tpu.memref_slice %arg6[%dma_wait3A_310, %dma_wait3A_311] : memref<10240x128xf32, #tpu.memory_space<vmem_shared>> -> memref<10240x128xf32, #tpu.memory_space<vmem_shared>>
      tpu.wait_indirect_dma semaphore(%arg27 : memref<!tpu.dma_semaphore, #tpu.memory_space<semaphore_mem>>) src(%arg25 : memref<128x128xf32, #tpu.memory_space<vmem>>) dst(%dma_wait3A_312 : memref<10240x128xf32, #tpu.memory_space<vmem_shared>>)
      %dma_start3A_313 = arith.constant 0 : i32
      %dma_start3A_314 = arith.constant 0 : i32
      %dma_start3A_315 = tpu.memref_slice %arg2[%dma_start3A_313, %dma_start3A_314] : memref<10240x128xf32, #tpu.memory_space<hbm>> -> memref<10240x128xf32, #tpu.memory_space<hbm>>
      tpu.enqueue_indirect_dma source(%dma_start3A_315 : memref<10240x128xf32, #tpu.memory_space<hbm>>) target(%arg25 : memref<128x128xf32, #tpu.memory_space<vmem>>) offsets(%arg13 : memref<128xi32, #tpu.memory_space<vmem>>) semaphore(%arg7 : memref<!tpu.dma_semaphore, #tpu.memory_space<semaphore_mem>>)
      %dma_wait3A_316 = arith.constant 0 : i32
      %dma_wait3A_317 = arith.constant 0 : i32
      %dma_wait3A_318 = tpu.memref_slice %arg2[%dma_wait3A_316, %dma_wait3A_317] : memref<10240x128xf32, #tpu.memory_space<hbm>> -> memref<10240x128xf32, #tpu.memory_space<hbm>>
      tpu.wait_indirect_dma semaphore(%arg8 : memref<!tpu.dma_semaphore, #tpu.memory_space<semaphore_mem>>) src(%dma_wait3A_318 : memref<10240x128xf32, #tpu.memory_space<hbm>>) dst(%arg26 : memref<128x128xf32, #tpu.memory_space<vmem>>)
      %dma_start3A_319 = arith.constant 0 : i32
      %dma_start3A_320 = arith.constant 0 : i32
      %dma_start3A_321 = tpu.memref_slice %arg6[%dma_start3A_319, %dma_start3A_320] : memref<10240x128xf32, #tpu.memory_space<vmem_shared>> -> memref<10240x128xf32, #tpu.memory_space<vmem_shared>>
      tpu.enqueue_indirect_dma source(%arg26 : memref<128x128xf32, #tpu.memory_space<vmem>>) target(%dma_start3A_321 : memref<10240x128xf32, #tpu.memory_space<vmem_shared>>) offsets(%arg12 : memref<128xi32, #tpu.memory_space<vmem>>) semaphore(%arg28 : memref<!tpu.dma_semaphore, #tpu.memory_space<semaphore_mem>>) {add = true}
      %dma_wait3A_322 = tpu.memref_slice %arg3[%add3A_292] : memref<327680xi32, #tpu.memory_space<hbm>> -> memref<128xi32, #tpu.memory_space<hbm>>
      %dma_wait3A_323 = tpu.memref_slice %arg3[%add3A_292] : memref<327680xi32, #tpu.memory_space<hbm>> -> memref<128xi32, #tpu.memory_space<hbm>>
      tpu.wait_dma2 semaphore(%arg18 : memref<!tpu.dma_semaphore, #tpu.memory_space<semaphore_mem>>) src(%dma_wait3A_323 : memref<128xi32, #tpu.memory_space<hbm>>) dst(%arg14 : memref<128xi32, #tpu.memory_space<vmem>>)
      %dma_wait3A_324 = tpu.memref_slice %arg4[%add3A_292] : memref<327680xi32, #tpu.memory_space<hbm>> -> memref<128xi32, #tpu.memory_space<hbm>>
      %dma_wait3A_325 = tpu.memref_slice %arg4[%add3A_292] : memref<327680xi32, #tpu.memory_space<hbm>> -> memref<128xi32, #tpu.memory_space<hbm>>
      tpu.wait_dma2 semaphore(%arg22 : memref<!tpu.dma_semaphore, #tpu.memory_space<semaphore_mem>>) src(%dma_wait3A_325 : memref<128xi32, #tpu.memory_space<hbm>>) dst(%arg10 : memref<128xi32, #tpu.memory_space<vmem>>)
      %dma_wait3A_326 = arith.constant 0 : i32
      %dma_wait3A_327 = arith.constant 0 : i32
      %dma_wait3A_328 = tpu.memref_slice %arg6[%dma_wait3A_326, %dma_wait3A_327] : memref<10240x128xf32, #tpu.memory_space<vmem_shared>> -> memref<10240x128xf32, #tpu.memory_space<vmem_shared>>
      tpu.wait_indirect_dma semaphore(%arg28 : memref<!tpu.dma_semaphore, #tpu.memory_space<semaphore_mem>>) src(%arg26 : memref<128x128xf32, #tpu.memory_space<vmem>>) dst(%dma_wait3A_328 : memref<10240x128xf32, #tpu.memory_space<vmem_shared>>)
      %dma_start3A_329 = arith.constant 0 : i32
      %dma_start3A_330 = arith.constant 0 : i32
      %dma_start3A_331 = tpu.memref_slice %arg2[%dma_start3A_329, %dma_start3A_330] : memref<10240x128xf32, #tpu.memory_space<hbm>> -> memref<10240x128xf32, #tpu.memory_space<hbm>>
      tpu.enqueue_indirect_dma source(%dma_start3A_331 : memref<10240x128xf32, #tpu.memory_space<hbm>>) target(%arg26 : memref<128x128xf32, #tpu.memory_space<vmem>>) offsets(%arg14 : memref<128xi32, #tpu.memory_space<vmem>>) semaphore(%arg8 : memref<!tpu.dma_semaphore, #tpu.memory_space<semaphore_mem>>)
      %dma_wait3A_332 = arith.constant 0 : i32
      %dma_wait3A_333 = arith.constant 0 : i32
      %dma_wait3A_334 = tpu.memref_slice %arg2[%dma_wait3A_332, %dma_wait3A_333] : memref<10240x128xf32, #tpu.memory_space<hbm>> -> memref<10240x128xf32, #tpu.memory_space<hbm>>
      tpu.wait_indirect_dma semaphore(%arg7 : memref<!tpu.dma_semaphore, #tpu.memory_space<semaphore_mem>>) src(%dma_wait3A_334 : memref<10240x128xf32, #tpu.memory_space<hbm>>) dst(%arg25 : memref<128x128xf32, #tpu.memory_space<vmem>>)
      %dma_start3A_335 = arith.constant 0 : i32
      %dma_start3A_336 = arith.constant 0 : i32
      %dma_start3A_337 = tpu.memref_slice %arg6[%dma_start3A_335, %dma_start3A_336] : memref<10240x128xf32, #tpu.memory_space<vmem_shared>> -> memref<10240x128xf32, #tpu.memory_space<vmem_shared>>
      tpu.enqueue_indirect_dma source(%arg25 : memref<128x128xf32, #tpu.memory_space<vmem>>) target(%dma_start3A_337 : memref<10240x128xf32, #tpu.memory_space<vmem_shared>>) offsets(%arg9 : memref<128xi32, #tpu.memory_space<vmem>>) semaphore(%arg27 : memref<!tpu.dma_semaphore, #tpu.memory_space<semaphore_mem>>) {add = true}
      %dma_wait3A_338 = arith.constant 0 : i32
      %dma_wait3A_339 = arith.constant 0 : i32
      %dma_wait3A_340 = tpu.memref_slice %arg2[%dma_wait3A_338, %dma_wait3A_339] : memref<10240x128xf32, #tpu.memory_space<hbm>> -> memref<10240x128xf32, #tpu.memory_space<hbm>>
      tpu.wait_indirect_dma semaphore(%arg8 : memref<!tpu.dma_semaphore, #tpu.memory_space<semaphore_mem>>) src(%dma_wait3A_340 : memref<10240x128xf32, #tpu.memory_space<hbm>>) dst(%arg26 : memref<128x128xf32, #tpu.memory_space<vmem>>)
      %dma_start3A_341 = arith.constant 0 : i32
      %dma_start3A_342 = arith.constant 0 : i32
      %dma_start3A_343 = tpu.memref_slice %arg6[%dma_start3A_341, %dma_start3A_342] : memref<10240x128xf32, #tpu.memory_space<vmem_shared>> -> memref<10240x128xf32, #tpu.memory_space<vmem_shared>>
      tpu.enqueue_indirect_dma source(%arg26 : memref<128x128xf32, #tpu.memory_space<vmem>>) target(%dma_start3A_343 : memref<10240x128xf32, #tpu.memory_space<vmem_shared>>) offsets(%arg10 : memref<128xi32, #tpu.memory_space<vmem>>) semaphore(%arg28 : memref<!tpu.dma_semaphore, #tpu.memory_space<semaphore_mem>>) {add = true}
      %dma_wait3A_344 = arith.constant 0 : i32
      %dma_wait3A_345 = arith.constant 0 : i32
      %dma_wait3A_346 = tpu.memref_slice %arg6[%dma_wait3A_344, %dma_wait3A_345] : memref<10240x128xf32, #tpu.memory_space<vmem_shared>> -> memref<10240x128xf32, #tpu.memory_space<vmem_shared>>
      tpu.wait_indirect_dma semaphore(%arg27 : memref<!tpu.dma_semaphore, #tpu.memory_space<semaphore_mem>>) src(%arg25 : memref<128x128xf32, #tpu.memory_space<vmem>>) dst(%dma_wait3A_346 : memref<10240x128xf32, #tpu.memory_space<vmem_shared>>)
      %dma_wait3A_347 = arith.constant 0 : i32
      %dma_wait3A_348 = arith.constant 0 : i32
      %dma_wait3A_349 = tpu.memref_slice %arg6[%dma_wait3A_347, %dma_wait3A_348] : memref<10240x128xf32, #tpu.memory_space<vmem_shared>> -> memref<10240x128xf32, #tpu.memory_space<vmem_shared>>
      tpu.wait_indirect_dma semaphore(%arg28 : memref<!tpu.dma_semaphore, #tpu.memory_space<semaphore_mem>>) src(%arg26 : memref<128x128xf32, #tpu.memory_space<vmem>>) dst(%dma_wait3A_349 : memref<10240x128xf32, #tpu.memory_space<vmem_shared>>)
      %scan3A_350 = arith.constant 0 : i32
      scf.yield %scan3A_350 : i32
    }
    %scan3A_54 = arith.constant 8 : i32
    %barrier3A_55 = arith.constant 0 : index
    tpu.barrier barrier_id(%barrier3A_55)
    %mul3A_56 = arith.constant 640 : i32
    %mul3A_57 = arith.muli %arg1, %mul3A_56 : i32
    %mul3A_58 = arith.constant 640 : i32
    %mul3A_59 = arith.muli %arg1, %mul3A_58 : i32
    "tpu.region"() ({
      %run_scoped3A = tpu.sem_alloc : memref<!tpu.dma_semaphore, #tpu.memory_space<semaphore_mem>>
      %dma_start3A = arith.constant 0 : i32
      %dma_start3A_60 = tpu.memref_slice %arg5[%arg0, %mul3A_59, %dma_start3A] : memref<2x10240x128xf32, #tpu.memory_space<hbm>> -> memref<1x640x128xf32, #tpu.memory_space<hbm>>
      %dma_start3A_61 = tpu.memref_squeeze %dma_start3A_60 : memref<1x640x128xf32, #tpu.memory_space<hbm>> -> memref<640x128xf32, #tpu.memory_space<hbm>>
      %dma_start3A_62 = arith.constant 0 : i32
      %dma_start3A_63 = tpu.memref_slice %arg6[%mul3A_57, %dma_start3A_62] : memref<10240x128xf32, #tpu.memory_space<vmem_shared>> -> memref<640x128xf32, #tpu.memory_space<vmem_shared>>
      tpu.enqueue_dma source(%dma_start3A_63 : memref<640x128xf32, #tpu.memory_space<vmem_shared>>) target(%dma_start3A_61 : memref<640x128xf32, #tpu.memory_space<hbm>>) target_semaphore(%run_scoped3A : memref<!tpu.dma_semaphore, #tpu.memory_space<semaphore_mem>>)
      %dma_wait3A = arith.constant 0 : i32
      %dma_wait3A_64 = tpu.memref_slice %arg5[%arg0, %mul3A_59, %dma_wait3A] : memref<2x10240x128xf32, #tpu.memory_space<hbm>> -> memref<1x640x128xf32, #tpu.memory_space<hbm>>
      %dma_wait3A_65 = tpu.memref_squeeze %dma_wait3A_64 : memref<1x640x128xf32, #tpu.memory_space<hbm>> -> memref<640x128xf32, #tpu.memory_space<hbm>>
      %dma_wait3A_66 = arith.constant 0 : i32
      %dma_wait3A_67 = tpu.memref_slice %arg6[%mul3A_57, %dma_wait3A_66] : memref<10240x128xf32, #tpu.memory_space<vmem_shared>> -> memref<640x128xf32, #tpu.memory_space<vmem_shared>>
      tpu.wait_dma2 semaphore(%run_scoped3A : memref<!tpu.dma_semaphore, #tpu.memory_space<semaphore_mem>>) src(%dma_wait3A_67 : memref<640x128xf32, #tpu.memory_space<vmem_shared>>) dst(%dma_wait3A_65 : memref<640x128xf32, #tpu.memory_space<hbm>>)
      tpu.yield
    }) : () -> ()
    return
  }
}

#map = affine_map<(d0, d1) -> (0, 0)>
#map1 = affine_map<(d0, d1) -> (0)>
#map2 = affine_map<(d0, d1) -> (0, 0, 0)>
module attributes {stable_mosaic.version = 14 : i64} {
  func.func @_sc_aggregate_body(%arg0: i32, %arg1: i32, %arg2: memref<10240x128xf32, #tpu.memory_space<hbm>>, %arg3: memref<327680xi32, #tpu.memory_space<hbm>>, %arg4: memref<327680xi32, #tpu.memory_space<hbm>>, %arg5: memref<2x10240x128xf32, #tpu.memory_space<hbm>>, %arg6: memref<10240x128xf32, #tpu.memory_space<vmem_shared>>, %arg7: memref<!tpu.dma_semaphore, #tpu.memory_space<semaphore_mem>>, %arg8: memref<!tpu.dma_semaphore, #tpu.memory_space<semaphore_mem>>, %arg9: memref<128xi32, #tpu.memory_space<vmem>>, %arg10: memref<128xi32, #tpu.memory_space<vmem>>, %arg11: memref<128xi32, #tpu.memory_space<vmem>>, %arg12: memref<128xi32, #tpu.memory_space<vmem>>, %arg13: memref<128xi32, #tpu.memory_space<vmem>>, %arg14: memref<128xi32, #tpu.memory_space<vmem>>, %arg15: memref<128xi32, #tpu.memory_space<vmem>>, %arg16: memref<128xi32, #tpu.memory_space<vmem>>, %arg17: memref<!tpu.dma_semaphore, #tpu.memory_space<semaphore_mem>>, %arg18: memref<!tpu.dma_semaphore, #tpu.memory_space<semaphore_mem>>, %arg19: memref<!tpu.dma_semaphore, #tpu.memory_space<semaphore_mem>>, %arg20: memref<!tpu.dma_semaphore, #tpu.memory_space<semaphore_mem>>, %arg21: memref<!tpu.dma_semaphore, #tpu.memory_space<semaphore_mem>>, %arg22: memref<!tpu.dma_semaphore, #tpu.memory_space<semaphore_mem>>, %arg23: memref<!tpu.dma_semaphore, #tpu.memory_space<semaphore_mem>>, %arg24: memref<!tpu.dma_semaphore, #tpu.memory_space<semaphore_mem>>, %arg25: memref<128x128xf32, #tpu.memory_space<vmem>>, %arg26: memref<128x128xf32, #tpu.memory_space<vmem>>, %arg27: memref<!tpu.dma_semaphore, #tpu.memory_space<semaphore_mem>>, %arg28: memref<!tpu.dma_semaphore, #tpu.memory_space<semaphore_mem>>, %arg29: memref<64x128xf32, #tpu.memory_space<vmem>>) attributes {dimension_semantics = [#tpu.dimension_semantics<core_parallel>, #tpu.dimension_semantics<subcore_parallel>], iteration_bounds = array<i64: 2, 16>, scalar_prefetch = 0 : i64, scratch_operands = 24 : i64, tpu.core_type = #tpu.core_type<sc_vector_subcore>, window_params = [{transform_indices = #map}, {transform_indices = #map1}, {transform_indices = #map1}, {transform_indices = #map2}]} {
    %mul3A = arith.constant 2 : i32
    %mul3A_0 = arith.muli %arg1, %mul3A : i32
    %add3A = arith.addi %mul3A_0, %arg0 : i32
    %broadcast_in_dim3A = arith.constant 0.000000e+00 : f32
    %broadcast_in_dim3A_1 = vector.broadcast %broadcast_in_dim3A : f32 to vector<16xf32>
    %scan3A = arith.constant 0 : i32
    %scan3A_2 = arith.constant 0 : i32
    %scan3A_3 = arith.constant 64 : i32
    %scan3A_4 = arith.addi %scan3A_2, %scan3A_3 : i32
    %scan3A_5 = arith.constant 1 : i32
    %scan3A_6 = scf.for %scan3A_60 = %scan3A_2 to %scan3A_4 step %scan3A_5 iter_args(%scan3A_61 = %scan3A) -> (i32)  : i32 {
      %swap3A = arith.index_cast %scan3A_60 : i32 to index
      %swap3A_62 = arith.constant 0 : index
      %swap3A_63 = tpu.vector_load %arg29[%swap3A, %swap3A_62] {strides = array<i32>} : memref<64x128xf32, #tpu.memory_space<vmem>>, vector<1x16xf32>,
      %swap3A_64 = vector.shape_cast %swap3A_63 : vector<1x16xf32> to vector<16xf32>
      %swap3A_65 = vector.shape_cast %broadcast_in_dim3A_1 : vector<16xf32> to vector<1x16xf32>
      tpu.vector_store %arg29[%swap3A, %swap3A_62], %swap3A_65 {strides = array<i32>} : memref<64x128xf32, #tpu.memory_space<vmem>>, vector<1x16xf32>,
      %swap3A_66 = arith.index_cast %scan3A_60 : i32 to index
      %swap3A_67 = arith.constant 16 : index
      %swap3A_68 = tpu.vector_load %arg29[%swap3A_66, %swap3A_67] {strides = array<i32>} : memref<64x128xf32, #tpu.memory_space<vmem>>, vector<1x16xf32>,
      %swap3A_69 = vector.shape_cast %swap3A_68 : vector<1x16xf32> to vector<16xf32>
      %swap3A_70 = vector.shape_cast %broadcast_in_dim3A_1 : vector<16xf32> to vector<1x16xf32>
      tpu.vector_store %arg29[%swap3A_66, %swap3A_67], %swap3A_70 {strides = array<i32>} : memref<64x128xf32, #tpu.memory_space<vmem>>, vector<1x16xf32>,
      %swap3A_71 = arith.index_cast %scan3A_60 : i32 to index
      %swap3A_72 = arith.constant 32 : index
      %swap3A_73 = tpu.vector_load %arg29[%swap3A_71, %swap3A_72] {strides = array<i32>} : memref<64x128xf32, #tpu.memory_space<vmem>>, vector<1x16xf32>,
      %swap3A_74 = vector.shape_cast %swap3A_73 : vector<1x16xf32> to vector<16xf32>
      %swap3A_75 = vector.shape_cast %broadcast_in_dim3A_1 : vector<16xf32> to vector<1x16xf32>
      tpu.vector_store %arg29[%swap3A_71, %swap3A_72], %swap3A_75 {strides = array<i32>} : memref<64x128xf32, #tpu.memory_space<vmem>>, vector<1x16xf32>,
      %swap3A_76 = arith.index_cast %scan3A_60 : i32 to index
      %swap3A_77 = arith.constant 48 : index
      %swap3A_78 = tpu.vector_load %arg29[%swap3A_76, %swap3A_77] {strides = array<i32>} : memref<64x128xf32, #tpu.memory_space<vmem>>, vector<1x16xf32>,
      %swap3A_79 = vector.shape_cast %swap3A_78 : vector<1x16xf32> to vector<16xf32>
      %swap3A_80 = vector.shape_cast %broadcast_in_dim3A_1 : vector<16xf32> to vector<1x16xf32>
      tpu.vector_store %arg29[%swap3A_76, %swap3A_77], %swap3A_80 {strides = array<i32>} : memref<64x128xf32, #tpu.memory_space<vmem>>, vector<1x16xf32>,
      %swap3A_81 = arith.index_cast %scan3A_60 : i32 to index
      %swap3A_82 = arith.constant 64 : index
      %swap3A_83 = tpu.vector_load %arg29[%swap3A_81, %swap3A_82] {strides = array<i32>} : memref<64x128xf32, #tpu.memory_space<vmem>>, vector<1x16xf32>,
      %swap3A_84 = vector.shape_cast %swap3A_83 : vector<1x16xf32> to vector<16xf32>
      %swap3A_85 = vector.shape_cast %broadcast_in_dim3A_1 : vector<16xf32> to vector<1x16xf32>
      tpu.vector_store %arg29[%swap3A_81, %swap3A_82], %swap3A_85 {strides = array<i32>} : memref<64x128xf32, #tpu.memory_space<vmem>>, vector<1x16xf32>,
      %swap3A_86 = arith.index_cast %scan3A_60 : i32 to index
      %swap3A_87 = arith.constant 80 : index
      %swap3A_88 = tpu.vector_load %arg29[%swap3A_86, %swap3A_87] {strides = array<i32>} : memref<64x128xf32, #tpu.memory_space<vmem>>, vector<1x16xf32>,
      %swap3A_89 = vector.shape_cast %swap3A_88 : vector<1x16xf32> to vector<16xf32>
      %swap3A_90 = vector.shape_cast %broadcast_in_dim3A_1 : vector<16xf32> to vector<1x16xf32>
      tpu.vector_store %arg29[%swap3A_86, %swap3A_87], %swap3A_90 {strides = array<i32>} : memref<64x128xf32, #tpu.memory_space<vmem>>, vector<1x16xf32>,
      %swap3A_91 = arith.index_cast %scan3A_60 : i32 to index
      %swap3A_92 = arith.constant 96 : index
      %swap3A_93 = tpu.vector_load %arg29[%swap3A_91, %swap3A_92] {strides = array<i32>} : memref<64x128xf32, #tpu.memory_space<vmem>>, vector<1x16xf32>,
      %swap3A_94 = vector.shape_cast %swap3A_93 : vector<1x16xf32> to vector<16xf32>
      %swap3A_95 = vector.shape_cast %broadcast_in_dim3A_1 : vector<16xf32> to vector<1x16xf32>
      tpu.vector_store %arg29[%swap3A_91, %swap3A_92], %swap3A_95 {strides = array<i32>} : memref<64x128xf32, #tpu.memory_space<vmem>>, vector<1x16xf32>,
      %swap3A_96 = arith.index_cast %scan3A_60 : i32 to index
      %swap3A_97 = arith.constant 112 : index
      %swap3A_98 = tpu.vector_load %arg29[%swap3A_96, %swap3A_97] {strides = array<i32>} : memref<64x128xf32, #tpu.memory_space<vmem>>, vector<1x16xf32>,
      %swap3A_99 = vector.shape_cast %swap3A_98 : vector<1x16xf32> to vector<16xf32>
      %swap3A_100 = vector.shape_cast %broadcast_in_dim3A_1 : vector<16xf32> to vector<1x16xf32>
      tpu.vector_store %arg29[%swap3A_96, %swap3A_97], %swap3A_100 {strides = array<i32>} : memref<64x128xf32, #tpu.memory_space<vmem>>, vector<1x16xf32>,
      %scan3A_101 = arith.constant 0 : i32
      scf.yield %scan3A_101 : i32
    }
    %scan3A_7 = arith.constant 64 : i32
    %mul3A_8 = arith.constant 640 : i32
    %mul3A_9 = arith.muli %arg1, %mul3A_8 : i32
    %add3A_10 = arith.constant 0 : i32
    %add3A_11 = arith.addi %mul3A_9, %add3A_10 : i32
    "tpu.region"() ({
      %run_scoped3A = tpu.sem_alloc : memref<!tpu.dma_semaphore, #tpu.memory_space<semaphore_mem>>
      %dma_start3A = arith.constant 0 : i32
      %dma_start3A_60 = tpu.memref_slice %arg6[%add3A_11, %dma_start3A] : memref<10240x128xf32, #tpu.memory_space<vmem_shared>> -> memref<64x128xf32, #tpu.memory_space<vmem_shared>>
      %dma_start3A_61 = arith.constant 0 : i32
      %dma_start3A_62 = tpu.memref_slice %arg6[%add3A_11, %dma_start3A_61] : memref<10240x128xf32, #tpu.memory_space<vmem_shared>> -> memref<64x128xf32, #tpu.memory_space<vmem_shared>>
      tpu.enqueue_dma source(%arg29 : memref<64x128xf32, #tpu.memory_space<vmem>>) target(%dma_start3A_62 : memref<64x128xf32, #tpu.memory_space<vmem_shared>>) target_semaphore(%run_scoped3A : memref<!tpu.dma_semaphore, #tpu.memory_space<semaphore_mem>>)
      %dma_wait3A = arith.constant 0 : i32
      %dma_wait3A_63 = tpu.memref_slice %arg6[%add3A_11, %dma_wait3A] : memref<10240x128xf32, #tpu.memory_space<vmem_shared>> -> memref<64x128xf32, #tpu.memory_space<vmem_shared>>
      %dma_wait3A_64 = arith.constant 0 : i32
      %dma_wait3A_65 = tpu.memref_slice %arg6[%add3A_11, %dma_wait3A_64] : memref<10240x128xf32, #tpu.memory_space<vmem_shared>> -> memref<64x128xf32, #tpu.memory_space<vmem_shared>>
      tpu.wait_dma2 semaphore(%run_scoped3A : memref<!tpu.dma_semaphore, #tpu.memory_space<semaphore_mem>>) src(%arg29 : memref<64x128xf32, #tpu.memory_space<vmem>>) dst(%dma_wait3A_65 : memref<64x128xf32, #tpu.memory_space<vmem_shared>>)
      tpu.yield
    }) : () -> ()
    %mul3A_12 = arith.constant 640 : i32
    %mul3A_13 = arith.muli %arg1, %mul3A_12 : i32
    %add3A_14 = arith.constant 64 : i32
    %add3A_15 = arith.addi %mul3A_13, %add3A_14 : i32
    "tpu.region"() ({
      %run_scoped3A = tpu.sem_alloc : memref<!tpu.dma_semaphore, #tpu.memory_space<semaphore_mem>>
      %dma_start3A = arith.constant 0 : i32
      %dma_start3A_60 = tpu.memref_slice %arg6[%add3A_15, %dma_start3A] : memref<10240x128xf32, #tpu.memory_space<vmem_shared>> -> memref<64x128xf32, #tpu.memory_space<vmem_shared>>
      %dma_start3A_61 = arith.constant 0 : i32
      %dma_start3A_62 = tpu.memref_slice %arg6[%add3A_15, %dma_start3A_61] : memref<10240x128xf32, #tpu.memory_space<vmem_shared>> -> memref<64x128xf32, #tpu.memory_space<vmem_shared>>
      tpu.enqueue_dma source(%arg29 : memref<64x128xf32, #tpu.memory_space<vmem>>) target(%dma_start3A_62 : memref<64x128xf32, #tpu.memory_space<vmem_shared>>) target_semaphore(%run_scoped3A : memref<!tpu.dma_semaphore, #tpu.memory_space<semaphore_mem>>)
      %dma_wait3A = arith.constant 0 : i32
      %dma_wait3A_63 = tpu.memref_slice %arg6[%add3A_15, %dma_wait3A] : memref<10240x128xf32, #tpu.memory_space<vmem_shared>> -> memref<64x128xf32, #tpu.memory_space<vmem_shared>>
      %dma_wait3A_64 = arith.constant 0 : i32
      %dma_wait3A_65 = tpu.memref_slice %arg6[%add3A_15, %dma_wait3A_64] : memref<10240x128xf32, #tpu.memory_space<vmem_shared>> -> memref<64x128xf32, #tpu.memory_space<vmem_shared>>
      tpu.wait_dma2 semaphore(%run_scoped3A : memref<!tpu.dma_semaphore, #tpu.memory_space<semaphore_mem>>) src(%arg29 : memref<64x128xf32, #tpu.memory_space<vmem>>) dst(%dma_wait3A_65 : memref<64x128xf32, #tpu.memory_space<vmem_shared>>)
      tpu.yield
    }) : () -> ()
    %mul3A_16 = arith.constant 640 : i32
    %mul3A_17 = arith.muli %arg1, %mul3A_16 : i32
    %add3A_18 = arith.constant 128 : i32
    %add3A_19 = arith.addi %mul3A_17, %add3A_18 : i32
    "tpu.region"() ({
      %run_scoped3A = tpu.sem_alloc : memref<!tpu.dma_semaphore, #tpu.memory_space<semaphore_mem>>
      %dma_start3A = arith.constant 0 : i32
      %dma_start3A_60 = tpu.memref_slice %arg6[%add3A_19, %dma_start3A] : memref<10240x128xf32, #tpu.memory_space<vmem_shared>> -> memref<64x128xf32, #tpu.memory_space<vmem_shared>>
      %dma_start3A_61 = arith.constant 0 : i32
      %dma_start3A_62 = tpu.memref_slice %arg6[%add3A_19, %dma_start3A_61] : memref<10240x128xf32, #tpu.memory_space<vmem_shared>> -> memref<64x128xf32, #tpu.memory_space<vmem_shared>>
      tpu.enqueue_dma source(%arg29 : memref<64x128xf32, #tpu.memory_space<vmem>>) target(%dma_start3A_62 : memref<64x128xf32, #tpu.memory_space<vmem_shared>>) target_semaphore(%run_scoped3A : memref<!tpu.dma_semaphore, #tpu.memory_space<semaphore_mem>>)
      %dma_wait3A = arith.constant 0 : i32
      %dma_wait3A_63 = tpu.memref_slice %arg6[%add3A_19, %dma_wait3A] : memref<10240x128xf32, #tpu.memory_space<vmem_shared>> -> memref<64x128xf32, #tpu.memory_space<vmem_shared>>
      %dma_wait3A_64 = arith.constant 0 : i32
      %dma_wait3A_65 = tpu.memref_slice %arg6[%add3A_19, %dma_wait3A_64] : memref<10240x128xf32, #tpu.memory_space<vmem_shared>> -> memref<64x128xf32, #tpu.memory_space<vmem_shared>>
      tpu.wait_dma2 semaphore(%run_scoped3A : memref<!tpu.dma_semaphore, #tpu.memory_space<semaphore_mem>>) src(%arg29 : memref<64x128xf32, #tpu.memory_space<vmem>>) dst(%dma_wait3A_65 : memref<64x128xf32, #tpu.memory_space<vmem_shared>>)
      tpu.yield
    }) : () -> ()
    %mul3A_20 = arith.constant 640 : i32
    %mul3A_21 = arith.muli %arg1, %mul3A_20 : i32
    %add3A_22 = arith.constant 192 : i32
    %add3A_23 = arith.addi %mul3A_21, %add3A_22 : i32
    "tpu.region"() ({
      %run_scoped3A = tpu.sem_alloc : memref<!tpu.dma_semaphore, #tpu.memory_space<semaphore_mem>>
      %dma_start3A = arith.constant 0 : i32
      %dma_start3A_60 = tpu.memref_slice %arg6[%add3A_23, %dma_start3A] : memref<10240x128xf32, #tpu.memory_space<vmem_shared>> -> memref<64x128xf32, #tpu.memory_space<vmem_shared>>
      %dma_start3A_61 = arith.constant 0 : i32
      %dma_start3A_62 = tpu.memref_slice %arg6[%add3A_23, %dma_start3A_61] : memref<10240x128xf32, #tpu.memory_space<vmem_shared>> -> memref<64x128xf32, #tpu.memory_space<vmem_shared>>
      tpu.enqueue_dma source(%arg29 : memref<64x128xf32, #tpu.memory_space<vmem>>) target(%dma_start3A_62 : memref<64x128xf32, #tpu.memory_space<vmem_shared>>) target_semaphore(%run_scoped3A : memref<!tpu.dma_semaphore, #tpu.memory_space<semaphore_mem>>)
      %dma_wait3A = arith.constant 0 : i32
      %dma_wait3A_63 = tpu.memref_slice %arg6[%add3A_23, %dma_wait3A] : memref<10240x128xf32, #tpu.memory_space<vmem_shared>> -> memref<64x128xf32, #tpu.memory_space<vmem_shared>>
      %dma_wait3A_64 = arith.constant 0 : i32
      %dma_wait3A_65 = tpu.memref_slice %arg6[%add3A_23, %dma_wait3A_64] : memref<10240x128xf32, #tpu.memory_space<vmem_shared>> -> memref<64x128xf32, #tpu.memory_space<vmem_shared>>
      tpu.wait_dma2 semaphore(%run_scoped3A : memref<!tpu.dma_semaphore, #tpu.memory_space<semaphore_mem>>) src(%arg29 : memref<64x128xf32, #tpu.memory_space<vmem>>) dst(%dma_wait3A_65 : memref<64x128xf32, #tpu.memory_space<vmem_shared>>)
      tpu.yield
    }) : () -> ()
    %mul3A_24 = arith.constant 640 : i32
    %mul3A_25 = arith.muli %arg1, %mul3A_24 : i32
    %add3A_26 = arith.constant 256 : i32
    %add3A_27 = arith.addi %mul3A_25, %add3A_26 : i32
    "tpu.region"() ({
      %run_scoped3A = tpu.sem_alloc : memref<!tpu.dma_semaphore, #tpu.memory_space<semaphore_mem>>
      %dma_start3A = arith.constant 0 : i32
      %dma_start3A_60 = tpu.memref_slice %arg6[%add3A_27, %dma_start3A] : memref<10240x128xf32, #tpu.memory_space<vmem_shared>> -> memref<64x128xf32, #tpu.memory_space<vmem_shared>>
      %dma_start3A_61 = arith.constant 0 : i32
      %dma_start3A_62 = tpu.memref_slice %arg6[%add3A_27, %dma_start3A_61] : memref<10240x128xf32, #tpu.memory_space<vmem_shared>> -> memref<64x128xf32, #tpu.memory_space<vmem_shared>>
      tpu.enqueue_dma source(%arg29 : memref<64x128xf32, #tpu.memory_space<vmem>>) target(%dma_start3A_62 : memref<64x128xf32, #tpu.memory_space<vmem_shared>>) target_semaphore(%run_scoped3A : memref<!tpu.dma_semaphore, #tpu.memory_space<semaphore_mem>>)
      %dma_wait3A = arith.constant 0 : i32
      %dma_wait3A_63 = tpu.memref_slice %arg6[%add3A_27, %dma_wait3A] : memref<10240x128xf32, #tpu.memory_space<vmem_shared>> -> memref<64x128xf32, #tpu.memory_space<vmem_shared>>
      %dma_wait3A_64 = arith.constant 0 : i32
      %dma_wait3A_65 = tpu.memref_slice %arg6[%add3A_27, %dma_wait3A_64] : memref<10240x128xf32, #tpu.memory_space<vmem_shared>> -> memref<64x128xf32, #tpu.memory_space<vmem_shared>>
      tpu.wait_dma2 semaphore(%run_scoped3A : memref<!tpu.dma_semaphore, #tpu.memory_space<semaphore_mem>>) src(%arg29 : memref<64x128xf32, #tpu.memory_space<vmem>>) dst(%dma_wait3A_65 : memref<64x128xf32, #tpu.memory_space<vmem_shared>>)
      tpu.yield
    }) : () -> ()
    %mul3A_28 = arith.constant 640 : i32
    %mul3A_29 = arith.muli %arg1, %mul3A_28 : i32
    %add3A_30 = arith.constant 320 : i32
    %add3A_31 = arith.addi %mul3A_29, %add3A_30 : i32
    "tpu.region"() ({
      %run_scoped3A = tpu.sem_alloc : memref<!tpu.dma_semaphore, #tpu.memory_space<semaphore_mem>>
      %dma_start3A = arith.constant 0 : i32
      %dma_start3A_60 = tpu.memref_slice %arg6[%add3A_31, %dma_start3A] : memref<10240x128xf32, #tpu.memory_space<vmem_shared>> -> memref<64x128xf32, #tpu.memory_space<vmem_shared>>
      %dma_start3A_61 = arith.constant 0 : i32
      %dma_start3A_62 = tpu.memref_slice %arg6[%add3A_31, %dma_start3A_61] : memref<10240x128xf32, #tpu.memory_space<vmem_shared>> -> memref<64x128xf32, #tpu.memory_space<vmem_shared>>
      tpu.enqueue_dma source(%arg29 : memref<64x128xf32, #tpu.memory_space<vmem>>) target(%dma_start3A_62 : memref<64x128xf32, #tpu.memory_space<vmem_shared>>) target_semaphore(%run_scoped3A : memref<!tpu.dma_semaphore, #tpu.memory_space<semaphore_mem>>)
      %dma_wait3A = arith.constant 0 : i32
      %dma_wait3A_63 = tpu.memref_slice %arg6[%add3A_31, %dma_wait3A] : memref<10240x128xf32, #tpu.memory_space<vmem_shared>> -> memref<64x128xf32, #tpu.memory_space<vmem_shared>>
      %dma_wait3A_64 = arith.constant 0 : i32
      %dma_wait3A_65 = tpu.memref_slice %arg6[%add3A_31, %dma_wait3A_64] : memref<10240x128xf32, #tpu.memory_space<vmem_shared>> -> memref<64x128xf32, #tpu.memory_space<vmem_shared>>
      tpu.wait_dma2 semaphore(%run_scoped3A : memref<!tpu.dma_semaphore, #tpu.memory_space<semaphore_mem>>) src(%arg29 : memref<64x128xf32, #tpu.memory_space<vmem>>) dst(%dma_wait3A_65 : memref<64x128xf32, #tpu.memory_space<vmem_shared>>)
      tpu.yield
    }) : () -> ()
    %mul3A_32 = arith.constant 640 : i32
    %mul3A_33 = arith.muli %arg1, %mul3A_32 : i32
    %add3A_34 = arith.constant 384 : i32
    %add3A_35 = arith.addi %mul3A_33, %add3A_34 : i32
    "tpu.region"() ({
      %run_scoped3A = tpu.sem_alloc : memref<!tpu.dma_semaphore, #tpu.memory_space<semaphore_mem>>
      %dma_start3A = arith.constant 0 : i32
      %dma_start3A_60 = tpu.memref_slice %arg6[%add3A_35, %dma_start3A] : memref<10240x128xf32, #tpu.memory_space<vmem_shared>> -> memref<64x128xf32, #tpu.memory_space<vmem_shared>>
      %dma_start3A_61 = arith.constant 0 : i32
      %dma_start3A_62 = tpu.memref_slice %arg6[%add3A_35, %dma_start3A_61] : memref<10240x128xf32, #tpu.memory_space<vmem_shared>> -> memref<64x128xf32, #tpu.memory_space<vmem_shared>>
      tpu.enqueue_dma source(%arg29 : memref<64x128xf32, #tpu.memory_space<vmem>>) target(%dma_start3A_62 : memref<64x128xf32, #tpu.memory_space<vmem_shared>>) target_semaphore(%run_scoped3A : memref<!tpu.dma_semaphore, #tpu.memory_space<semaphore_mem>>)
      %dma_wait3A = arith.constant 0 : i32
      %dma_wait3A_63 = tpu.memref_slice %arg6[%add3A_35, %dma_wait3A] : memref<10240x128xf32, #tpu.memory_space<vmem_shared>> -> memref<64x128xf32, #tpu.memory_space<vmem_shared>>
      %dma_wait3A_64 = arith.constant 0 : i32
      %dma_wait3A_65 = tpu.memref_slice %arg6[%add3A_35, %dma_wait3A_64] : memref<10240x128xf32, #tpu.memory_space<vmem_shared>> -> memref<64x128xf32, #tpu.memory_space<vmem_shared>>
      tpu.wait_dma2 semaphore(%run_scoped3A : memref<!tpu.dma_semaphore, #tpu.memory_space<semaphore_mem>>) src(%arg29 : memref<64x128xf32, #tpu.memory_space<vmem>>) dst(%dma_wait3A_65 : memref<64x128xf32, #tpu.memory_space<vmem_shared>>)
      tpu.yield
    }) : () -> ()
    %mul3A_36 = arith.constant 640 : i32
    %mul3A_37 = arith.muli %arg1, %mul3A_36 : i32
    %add3A_38 = arith.constant 448 : i32
    %add3A_39 = arith.addi %mul3A_37, %add3A_38 : i32
    "tpu.region"() ({
      %run_scoped3A = tpu.sem_alloc : memref<!tpu.dma_semaphore, #tpu.memory_space<semaphore_mem>>
      %dma_start3A = arith.constant 0 : i32
      %dma_start3A_60 = tpu.memref_slice %arg6[%add3A_39, %dma_start3A] : memref<10240x128xf32, #tpu.memory_space<vmem_shared>> -> memref<64x128xf32, #tpu.memory_space<vmem_shared>>
      %dma_start3A_61 = arith.constant 0 : i32
      %dma_start3A_62 = tpu.memref_slice %arg6[%add3A_39, %dma_start3A_61] : memref<10240x128xf32, #tpu.memory_space<vmem_shared>> -> memref<64x128xf32, #tpu.memory_space<vmem_shared>>
      tpu.enqueue_dma source(%arg29 : memref<64x128xf32, #tpu.memory_space<vmem>>) target(%dma_start3A_62 : memref<64x128xf32, #tpu.memory_space<vmem_shared>>) target_semaphore(%run_scoped3A : memref<!tpu.dma_semaphore, #tpu.memory_space<semaphore_mem>>)
      %dma_wait3A = arith.constant 0 : i32
      %dma_wait3A_63 = tpu.memref_slice %arg6[%add3A_39, %dma_wait3A] : memref<10240x128xf32, #tpu.memory_space<vmem_shared>> -> memref<64x128xf32, #tpu.memory_space<vmem_shared>>
      %dma_wait3A_64 = arith.constant 0 : i32
      %dma_wait3A_65 = tpu.memref_slice %arg6[%add3A_39, %dma_wait3A_64] : memref<10240x128xf32, #tpu.memory_space<vmem_shared>> -> memref<64x128xf32, #tpu.memory_space<vmem_shared>>
      tpu.wait_dma2 semaphore(%run_scoped3A : memref<!tpu.dma_semaphore, #tpu.memory_space<semaphore_mem>>) src(%arg29 : memref<64x128xf32, #tpu.memory_space<vmem>>) dst(%dma_wait3A_65 : memref<64x128xf32, #tpu.memory_space<vmem_shared>>)
      tpu.yield
    }) : () -> ()
    %mul3A_40 = arith.constant 640 : i32
    %mul3A_41 = arith.muli %arg1, %mul3A_40 : i32
    %add3A_42 = arith.constant 512 : i32
    %add3A_43 = arith.addi %mul3A_41, %add3A_42 : i32
    "tpu.region"() ({
      %run_scoped3A = tpu.sem_alloc : memref<!tpu.dma_semaphore, #tpu.memory_space<semaphore_mem>>
      %dma_start3A = arith.constant 0 : i32
      %dma_start3A_60 = tpu.memref_slice %arg6[%add3A_43, %dma_start3A] : memref<10240x128xf32, #tpu.memory_space<vmem_shared>> -> memref<64x128xf32, #tpu.memory_space<vmem_shared>>
      %dma_start3A_61 = arith.constant 0 : i32
      %dma_start3A_62 = tpu.memref_slice %arg6[%add3A_43, %dma_start3A_61] : memref<10240x128xf32, #tpu.memory_space<vmem_shared>> -> memref<64x128xf32, #tpu.memory_space<vmem_shared>>
      tpu.enqueue_dma source(%arg29 : memref<64x128xf32, #tpu.memory_space<vmem>>) target(%dma_start3A_62 : memref<64x128xf32, #tpu.memory_space<vmem_shared>>) target_semaphore(%run_scoped3A : memref<!tpu.dma_semaphore, #tpu.memory_space<semaphore_mem>>)
      %dma_wait3A = arith.constant 0 : i32
      %dma_wait3A_63 = tpu.memref_slice %arg6[%add3A_43, %dma_wait3A] : memref<10240x128xf32, #tpu.memory_space<vmem_shared>> -> memref<64x128xf32, #tpu.memory_space<vmem_shared>>
      %dma_wait3A_64 = arith.constant 0 : i32
      %dma_wait3A_65 = tpu.memref_slice %arg6[%add3A_43, %dma_wait3A_64] : memref<10240x128xf32, #tpu.memory_space<vmem_shared>> -> memref<64x128xf32, #tpu.memory_space<vmem_shared>>
      tpu.wait_dma2 semaphore(%run_scoped3A : memref<!tpu.dma_semaphore, #tpu.memory_space<semaphore_mem>>) src(%arg29 : memref<64x128xf32, #tpu.memory_space<vmem>>) dst(%dma_wait3A_65 : memref<64x128xf32, #tpu.memory_space<vmem_shared>>)
      tpu.yield
    }) : () -> ()
    %mul3A_44 = arith.constant 640 : i32
    %mul3A_45 = arith.muli %arg1, %mul3A_44 : i32
    %add3A_46 = arith.constant 576 : i32
    %add3A_47 = arith.addi %mul3A_45, %add3A_46 : i32
    "tpu.region"() ({
      %run_scoped3A = tpu.sem_alloc : memref<!tpu.dma_semaphore, #tpu.memory_space<semaphore_mem>>
      %dma_start3A = arith.constant 0 : i32
      %dma_start3A_60 = tpu.memref_slice %arg6[%add3A_47, %dma_start3A] : memref<10240x128xf32, #tpu.memory_space<vmem_shared>> -> memref<64x128xf32, #tpu.memory_space<vmem_shared>>
      %dma_start3A_61 = arith.constant 0 : i32
      %dma_start3A_62 = tpu.memref_slice %arg6[%add3A_47, %dma_start3A_61] : memref<10240x128xf32, #tpu.memory_space<vmem_shared>> -> memref<64x128xf32, #tpu.memory_space<vmem_shared>>
      tpu.enqueue_dma source(%arg29 : memref<64x128xf32, #tpu.memory_space<vmem>>) target(%dma_start3A_62 : memref<64x128xf32, #tpu.memory_space<vmem_shared>>) target_semaphore(%run_scoped3A : memref<!tpu.dma_semaphore, #tpu.memory_space<semaphore_mem>>)
      %dma_wait3A = arith.constant 0 : i32
      %dma_wait3A_63 = tpu.memref_slice %arg6[%add3A_47, %dma_wait3A] : memref<10240x128xf32, #tpu.memory_space<vmem_shared>> -> memref<64x128xf32, #tpu.memory_space<vmem_shared>>
      %dma_wait3A_64 = arith.constant 0 : i32
      %dma_wait3A_65 = tpu.memref_slice %arg6[%add3A_47, %dma_wait3A_64] : memref<10240x128xf32, #tpu.memory_space<vmem_shared>> -> memref<64x128xf32, #tpu.memory_space<vmem_shared>>
      tpu.wait_dma2 semaphore(%run_scoped3A : memref<!tpu.dma_semaphore, #tpu.memory_space<semaphore_mem>>) src(%arg29 : memref<64x128xf32, #tpu.memory_space<vmem>>) dst(%dma_wait3A_65 : memref<64x128xf32, #tpu.memory_space<vmem_shared>>)
      tpu.yield
    }) : () -> ()
    %barrier3A = arith.constant 0 : index
    tpu.barrier barrier_id(%barrier3A)
    %scan3A_48 = arith.constant 0 : i32
    %scan3A_49 = arith.constant 0 : i32
    %scan3A_50 = arith.constant 8 : i32
    %scan3A_51 = arith.addi %scan3A_49, %scan3A_50 : i32
    %scan3A_52 = arith.constant 1 : i32
    %scan3A_53 = scf.for %scan3A_60 = %scan3A_49 to %scan3A_51 step %scan3A_52 iter_args(%scan3A_61 = %scan3A_48) -> (i32)  : i32 {
      %mul3A_62 = arith.constant 10240 : i32
      %mul3A_63 = arith.muli %add3A, %mul3A_62 : i32
      %mul3A_64 = arith.constant 10 : i32
      %mul3A_65 = arith.muli %scan3A_60, %mul3A_64 : i32
      %add3A_66 = arith.constant 0 : i32
      %add3A_67 = arith.addi %mul3A_65, %add3A_66 : i32
      %mul3A_68 = arith.constant 128 : i32
      %mul3A_69 = arith.muli %add3A_67, %mul3A_68 : i32
      %add3A_70 = arith.addi %mul3A_63, %mul3A_69 : i32
      %dma_start3A = tpu.memref_slice %arg3[%add3A_70] : memref<327680xi32, #tpu.memory_space<hbm>> -> memref<128xi32, #tpu.memory_space<hbm>>
      %dma_start3A_71 = tpu.memref_slice %arg3[%add3A_70] : memref<327680xi32, #tpu.memory_space<hbm>> -> memref<128xi32, #tpu.memory_space<hbm>>
      tpu.enqueue_dma source(%dma_start3A_71 : memref<128xi32, #tpu.memory_space<hbm>>) target(%arg13 : memref<128xi32, #tpu.memory_space<vmem>>) target_semaphore(%arg17 : memref<!tpu.dma_semaphore, #tpu.memory_space<semaphore_mem>>)
      %dma_start3A_72 = tpu.memref_slice %arg4[%add3A_70] : memref<327680xi32, #tpu.memory_space<hbm>> -> memref<128xi32, #tpu.memory_space<hbm>>
      %dma_start3A_73 = tpu.memref_slice %arg4[%add3A_70] : memref<327680xi32, #tpu.memory_space<hbm>> -> memref<128xi32, #tpu.memory_space<hbm>>
      tpu.enqueue_dma source(%dma_start3A_73 : memref<128xi32, #tpu.memory_space<hbm>>) target(%arg9 : memref<128xi32, #tpu.memory_space<vmem>>) target_semaphore(%arg21 : memref<!tpu.dma_semaphore, #tpu.memory_space<semaphore_mem>>)
      %mul3A_74 = arith.constant 10240 : i32
      %mul3A_75 = arith.muli %add3A, %mul3A_74 : i32
      %mul3A_76 = arith.constant 10 : i32
      %mul3A_77 = arith.muli %scan3A_60, %mul3A_76 : i32
      %add3A_78 = arith.constant 1 : i32
      %add3A_79 = arith.addi %mul3A_77, %add3A_78 : i32
      %mul3A_80 = arith.constant 128 : i32
      %mul3A_81 = arith.muli %add3A_79, %mul3A_80 : i32
      %add3A_82 = arith.addi %mul3A_75, %mul3A_81 : i32
      %dma_start3A_83 = tpu.memref_slice %arg3[%add3A_82] : memref<327680xi32, #tpu.memory_space<hbm>> -> memref<128xi32, #tpu.memory_space<hbm>>
      %dma_start3A_84 = tpu.memref_slice %arg3[%add3A_82] : memref<327680xi32, #tpu.memory_space<hbm>> -> memref<128xi32, #tpu.memory_space<hbm>>
      tpu.enqueue_dma source(%dma_start3A_84 : memref<128xi32, #tpu.memory_space<hbm>>) target(%arg14 : memref<128xi32, #tpu.memory_space<vmem>>) target_semaphore(%arg18 : memref<!tpu.dma_semaphore, #tpu.memory_space<semaphore_mem>>)
      %dma_start3A_85 = tpu.memref_slice %arg4[%add3A_82] : memref<327680xi32, #tpu.memory_space<hbm>> -> memref<128xi32, #tpu.memory_space<hbm>>
      %dma_start3A_86 = tpu.memref_slice %arg4[%add3A_82] : memref<327680xi32, #tpu.memory_space<hbm>> -> memref<128xi32, #tpu.memory_space<hbm>>
      tpu.enqueue_dma source(%dma_start3A_86 : memref<128xi32, #tpu.memory_space<hbm>>) target(%arg10 : memref<128xi32, #tpu.memory_space<vmem>>) target_semaphore(%arg22 : memref<!tpu.dma_semaphore, #tpu.memory_space<semaphore_mem>>)
      %dma_wait3A = tpu.memref_slice %arg3[%add3A_70] : memref<327680xi32, #tpu.memory_space<hbm>> -> memref<128xi32, #tpu.memory_space<hbm>>
      %dma_wait3A_87 = tpu.memref_slice %arg3[%add3A_70] : memref<327680xi32, #tpu.memory_space<hbm>> -> memref<128xi32, #tpu.memory_space<hbm>>
      tpu.wait_dma2 semaphore(%arg17 : memref<!tpu.dma_semaphore, #tpu.memory_space<semaphore_mem>>) src(%dma_wait3A_87 : memref<128xi32, #tpu.memory_space<hbm>>) dst(%arg13 : memref<128xi32, #tpu.memory_space<vmem>>)
      %dma_wait3A_88 = tpu.memref_slice %arg4[%add3A_70] : memref<327680xi32, #tpu.memory_space<hbm>> -> memref<128xi32, #tpu.memory_space<hbm>>
      %dma_wait3A_89 = tpu.memref_slice %arg4[%add3A_70] : memref<327680xi32, #tpu.memory_space<hbm>> -> memref<128xi32, #tpu.memory_space<hbm>>
      tpu.wait_dma2 semaphore(%arg21 : memref<!tpu.dma_semaphore, #tpu.memory_space<semaphore_mem>>) src(%dma_wait3A_89 : memref<128xi32, #tpu.memory_space<hbm>>) dst(%arg9 : memref<128xi32, #tpu.memory_space<vmem>>)
      %mul3A_90 = arith.constant 10240 : i32
      %mul3A_91 = arith.muli %add3A, %mul3A_90 : i32
      %mul3A_92 = arith.constant 10 : i32
      %mul3A_93 = arith.muli %scan3A_60, %mul3A_92 : i32
      %add3A_94 = arith.constant 2 : i32
      %add3A_95 = arith.addi %mul3A_93, %add3A_94 : i32
      %mul3A_96 = arith.constant 128 : i32
      %mul3A_97 = arith.muli %add3A_95, %mul3A_96 : i32
      %add3A_98 = arith.addi %mul3A_91, %mul3A_97 : i32
      %dma_start3A_99 = tpu.memref_slice %arg3[%add3A_98] : memref<327680xi32, #tpu.memory_space<hbm>> -> memref<128xi32, #tpu.memory_space<hbm>>
      %dma_start3A_100 = tpu.memref_slice %arg3[%add3A_98] : memref<327680xi32, #tpu.memory_space<hbm>> -> memref<128xi32, #tpu.memory_space<hbm>>
      tpu.enqueue_dma source(%dma_start3A_100 : memref<128xi32, #tpu.memory_space<hbm>>) target(%arg15 : memref<128xi32, #tpu.memory_space<vmem>>) target_semaphore(%arg19 : memref<!tpu.dma_semaphore, #tpu.memory_space<semaphore_mem>>)
      %dma_start3A_101 = tpu.memref_slice %arg4[%add3A_98] : memref<327680xi32, #tpu.memory_space<hbm>> -> memref<128xi32, #tpu.memory_space<hbm>>
      %dma_start3A_102 = tpu.memref_slice %arg4[%add3A_98] : memref<327680xi32, #tpu.memory_space<hbm>> -> memref<128xi32, #tpu.memory_space<hbm>>
      tpu.enqueue_dma source(%dma_start3A_102 : memref<128xi32, #tpu.memory_space<hbm>>) target(%arg11 : memref<128xi32, #tpu.memory_space<vmem>>) target_semaphore(%arg23 : memref<!tpu.dma_semaphore, #tpu.memory_space<semaphore_mem>>)
      %dma_start3A_103 = arith.constant 0 : i32
      %dma_start3A_104 = arith.constant 0 : i32
      %dma_start3A_105 = tpu.memref_slice %arg2[%dma_start3A_103, %dma_start3A_104] : memref<10240x128xf32, #tpu.memory_space<hbm>> -> memref<10240x128xf32, #tpu.memory_space<hbm>>
      tpu.enqueue_indirect_dma source(%dma_start3A_105 : memref<10240x128xf32, #tpu.memory_space<hbm>>) target(%arg25 : memref<128x128xf32, #tpu.memory_space<vmem>>) offsets(%arg13 : memref<128xi32, #tpu.memory_space<vmem>>) semaphore(%arg7 : memref<!tpu.dma_semaphore, #tpu.memory_space<semaphore_mem>>)
      %dma_wait3A_106 = tpu.memref_slice %arg3[%add3A_82] : memref<327680xi32, #tpu.memory_space<hbm>> -> memref<128xi32, #tpu.memory_space<hbm>>
      %dma_wait3A_107 = tpu.memref_slice %arg3[%add3A_82] : memref<327680xi32, #tpu.memory_space<hbm>> -> memref<128xi32, #tpu.memory_space<hbm>>
      tpu.wait_dma2 semaphore(%arg18 : memref<!tpu.dma_semaphore, #tpu.memory_space<semaphore_mem>>) src(%dma_wait3A_107 : memref<128xi32, #tpu.memory_space<hbm>>) dst(%arg14 : memref<128xi32, #tpu.memory_space<vmem>>)
      %dma_wait3A_108 = tpu.memref_slice %arg4[%add3A_82] : memref<327680xi32, #tpu.memory_space<hbm>> -> memref<128xi32, #tpu.memory_space<hbm>>
      %dma_wait3A_109 = tpu.memref_slice %arg4[%add3A_82] : memref<327680xi32, #tpu.memory_space<hbm>> -> memref<128xi32, #tpu.memory_space<hbm>>
      tpu.wait_dma2 semaphore(%arg22 : memref<!tpu.dma_semaphore, #tpu.memory_space<semaphore_mem>>) src(%dma_wait3A_109 : memref<128xi32, #tpu.memory_space<hbm>>) dst(%arg10 : memref<128xi32, #tpu.memory_space<vmem>>)
      %mul3A_110 = arith.constant 10240 : i32
      %mul3A_111 = arith.muli %add3A, %mul3A_110 : i32
      %mul3A_112 = arith.constant 10 : i32
      %mul3A_113 = arith.muli %scan3A_60, %mul3A_112 : i32
      %add3A_114 = arith.constant 3 : i32
      %add3A_115 = arith.addi %mul3A_113, %add3A_114 : i32
      %mul3A_116 = arith.constant 128 : i32
      %mul3A_117 = arith.muli %add3A_115, %mul3A_116 : i32
      %add3A_118 = arith.addi %mul3A_111, %mul3A_117 : i32
      %dma_start3A_119 = tpu.memref_slice %arg3[%add3A_118] : memref<327680xi32, #tpu.memory_space<hbm>> -> memref<128xi32, #tpu.memory_space<hbm>>
      %dma_start3A_120 = tpu.memref_slice %arg3[%add3A_118] : memref<327680xi32, #tpu.memory_space<hbm>> -> memref<128xi32, #tpu.memory_space<hbm>>
      tpu.enqueue_dma source(%dma_start3A_120 : memref<128xi32, #tpu.memory_space<hbm>>) target(%arg16 : memref<128xi32, #tpu.memory_space<vmem>>) target_semaphore(%arg20 : memref<!tpu.dma_semaphore, #tpu.memory_space<semaphore_mem>>)
      %dma_start3A_121 = tpu.memref_slice %arg4[%add3A_118] : memref<327680xi32, #tpu.memory_space<hbm>> -> memref<128xi32, #tpu.memory_space<hbm>>
      %dma_start3A_122 = tpu.memref_slice %arg4[%add3A_118] : memref<327680xi32, #tpu.memory_space<hbm>> -> memref<128xi32, #tpu.memory_space<hbm>>
      tpu.enqueue_dma source(%dma_start3A_122 : memref<128xi32, #tpu.memory_space<hbm>>) target(%arg12 : memref<128xi32, #tpu.memory_space<vmem>>) target_semaphore(%arg24 : memref<!tpu.dma_semaphore, #tpu.memory_space<semaphore_mem>>)
      %dma_start3A_123 = arith.constant 0 : i32
      %dma_start3A_124 = arith.constant 0 : i32
      %dma_start3A_125 = tpu.memref_slice %arg2[%dma_start3A_123, %dma_start3A_124] : memref<10240x128xf32, #tpu.memory_space<hbm>> -> memref<10240x128xf32, #tpu.memory_space<hbm>>
      tpu.enqueue_indirect_dma source(%dma_start3A_125 : memref<10240x128xf32, #tpu.memory_space<hbm>>) target(%arg26 : memref<128x128xf32, #tpu.memory_space<vmem>>) offsets(%arg14 : memref<128xi32, #tpu.memory_space<vmem>>) semaphore(%arg8 : memref<!tpu.dma_semaphore, #tpu.memory_space<semaphore_mem>>)
      %dma_wait3A_126 = arith.constant 0 : i32
      %dma_wait3A_127 = arith.constant 0 : i32
      %dma_wait3A_128 = tpu.memref_slice %arg2[%dma_wait3A_126, %dma_wait3A_127] : memref<10240x128xf32, #tpu.memory_space<hbm>> -> memref<10240x128xf32, #tpu.memory_space<hbm>>
      tpu.wait_indirect_dma semaphore(%arg7 : memref<!tpu.dma_semaphore, #tpu.memory_space<semaphore_mem>>) src(%dma_wait3A_128 : memref<10240x128xf32, #tpu.memory_space<hbm>>) dst(%arg25 : memref<128x128xf32, #tpu.memory_space<vmem>>)
      %dma_start3A_129 = arith.constant 0 : i32
      %dma_start3A_130 = arith.constant 0 : i32
      %dma_start3A_131 = tpu.memref_slice %arg6[%dma_start3A_129, %dma_start3A_130] : memref<10240x128xf32, #tpu.memory_space<vmem_shared>> -> memref<10240x128xf32, #tpu.memory_space<vmem_shared>>
      tpu.enqueue_indirect_dma source(%arg25 : memref<128x128xf32, #tpu.memory_space<vmem>>) target(%dma_start3A_131 : memref<10240x128xf32, #tpu.memory_space<vmem_shared>>) offsets(%arg9 : memref<128xi32, #tpu.memory_space<vmem>>) semaphore(%arg27 : memref<!tpu.dma_semaphore, #tpu.memory_space<semaphore_mem>>) {add = true}
      %dma_wait3A_132 = tpu.memref_slice %arg3[%add3A_98] : memref<327680xi32, #tpu.memory_space<hbm>> -> memref<128xi32, #tpu.memory_space<hbm>>
      %dma_wait3A_133 = tpu.memref_slice %arg3[%add3A_98] : memref<327680xi32, #tpu.memory_space<hbm>> -> memref<128xi32, #tpu.memory_space<hbm>>
      tpu.wait_dma2 semaphore(%arg19 : memref<!tpu.dma_semaphore, #tpu.memory_space<semaphore_mem>>) src(%dma_wait3A_133 : memref<128xi32, #tpu.memory_space<hbm>>) dst(%arg15 : memref<128xi32, #tpu.memory_space<vmem>>)
      %dma_wait3A_134 = tpu.memref_slice %arg4[%add3A_98] : memref<327680xi32, #tpu.memory_space<hbm>> -> memref<128xi32, #tpu.memory_space<hbm>>
      %dma_wait3A_135 = tpu.memref_slice %arg4[%add3A_98] : memref<327680xi32, #tpu.memory_space<hbm>> -> memref<128xi32, #tpu.memory_space<hbm>>
      tpu.wait_dma2 semaphore(%arg23 : memref<!tpu.dma_semaphore, #tpu.memory_space<semaphore_mem>>) src(%dma_wait3A_135 : memref<128xi32, #tpu.memory_space<hbm>>) dst(%arg11 : memref<128xi32, #tpu.memory_space<vmem>>)
      %dma_wait3A_136 = arith.constant 0 : i32
      %dma_wait3A_137 = arith.constant 0 : i32
      %dma_wait3A_138 = tpu.memref_slice %arg6[%dma_wait3A_136, %dma_wait3A_137] : memref<10240x128xf32, #tpu.memory_space<vmem_shared>> -> memref<10240x128xf32, #tpu.memory_space<vmem_shared>>
      tpu.wait_indirect_dma semaphore(%arg27 : memref<!tpu.dma_semaphore, #tpu.memory_space<semaphore_mem>>) src(%arg25 : memref<128x128xf32, #tpu.memory_space<vmem>>) dst(%dma_wait3A_138 : memref<10240x128xf32, #tpu.memory_space<vmem_shared>>)
      %mul3A_139 = arith.constant 10240 : i32
      %mul3A_140 = arith.muli %add3A, %mul3A_139 : i32
      %mul3A_141 = arith.constant 10 : i32
      %mul3A_142 = arith.muli %scan3A_60, %mul3A_141 : i32
      %add3A_143 = arith.constant 4 : i32
      %add3A_144 = arith.addi %mul3A_142, %add3A_143 : i32
      %mul3A_145 = arith.constant 128 : i32
      %mul3A_146 = arith.muli %add3A_144, %mul3A_145 : i32
      %add3A_147 = arith.addi %mul3A_140, %mul3A_146 : i32
      %dma_start3A_148 = tpu.memref_slice %arg3[%add3A_147] : memref<327680xi32, #tpu.memory_space<hbm>> -> memref<128xi32, #tpu.memory_space<hbm>>
      %dma_start3A_149 = tpu.memref_slice %arg3[%add3A_147] : memref<327680xi32, #tpu.memory_space<hbm>> -> memref<128xi32, #tpu.memory_space<hbm>>
      tpu.enqueue_dma source(%dma_start3A_149 : memref<128xi32, #tpu.memory_space<hbm>>) target(%arg13 : memref<128xi32, #tpu.memory_space<vmem>>) target_semaphore(%arg17 : memref<!tpu.dma_semaphore, #tpu.memory_space<semaphore_mem>>)
      %dma_start3A_150 = tpu.memref_slice %arg4[%add3A_147] : memref<327680xi32, #tpu.memory_space<hbm>> -> memref<128xi32, #tpu.memory_space<hbm>>
      %dma_start3A_151 = tpu.memref_slice %arg4[%add3A_147] : memref<327680xi32, #tpu.memory_space<hbm>> -> memref<128xi32, #tpu.memory_space<hbm>>
      tpu.enqueue_dma source(%dma_start3A_151 : memref<128xi32, #tpu.memory_space<hbm>>) target(%arg9 : memref<128xi32, #tpu.memory_space<vmem>>) target_semaphore(%arg21 : memref<!tpu.dma_semaphore, #tpu.memory_space<semaphore_mem>>)
      %dma_start3A_152 = arith.constant 0 : i32
      %dma_start3A_153 = arith.constant 0 : i32
      %dma_start3A_154 = tpu.memref_slice %arg2[%dma_start3A_152, %dma_start3A_153] : memref<10240x128xf32, #tpu.memory_space<hbm>> -> memref<10240x128xf32, #tpu.memory_space<hbm>>
      tpu.enqueue_indirect_dma source(%dma_start3A_154 : memref<10240x128xf32, #tpu.memory_space<hbm>>) target(%arg25 : memref<128x128xf32, #tpu.memory_space<vmem>>) offsets(%arg15 : memref<128xi32, #tpu.memory_space<vmem>>) semaphore(%arg7 : memref<!tpu.dma_semaphore, #tpu.memory_space<semaphore_mem>>)
      %dma_wait3A_155 = arith.constant 0 : i32
      %dma_wait3A_156 = arith.constant 0 : i32
      %dma_wait3A_157 = tpu.memref_slice %arg2[%dma_wait3A_155, %dma_wait3A_156] : memref<10240x128xf32, #tpu.memory_space<hbm>> -> memref<10240x128xf32, #tpu.memory_space<hbm>>
      tpu.wait_indirect_dma semaphore(%arg8 : memref<!tpu.dma_semaphore, #tpu.memory_space<semaphore_mem>>) src(%dma_wait3A_157 : memref<10240x128xf32, #tpu.memory_space<hbm>>) dst(%arg26 : memref<128x128xf32, #tpu.memory_space<vmem>>)
      %dma_start3A_158 = arith.constant 0 : i32
      %dma_start3A_159 = arith.constant 0 : i32
      %dma_start3A_160 = tpu.memref_slice %arg6[%dma_start3A_158, %dma_start3A_159] : memref<10240x128xf32, #tpu.memory_space<vmem_shared>> -> memref<10240x128xf32, #tpu.memory_space<vmem_shared>>
      tpu.enqueue_indirect_dma source(%arg26 : memref<128x128xf32, #tpu.memory_space<vmem>>) target(%dma_start3A_160 : memref<10240x128xf32, #tpu.memory_space<vmem_shared>>) offsets(%arg10 : memref<128xi32, #tpu.memory_space<vmem>>) semaphore(%arg28 : memref<!tpu.dma_semaphore, #tpu.memory_space<semaphore_mem>>) {add = true}
      %dma_wait3A_161 = tpu.memref_slice %arg3[%add3A_118] : memref<327680xi32, #tpu.memory_space<hbm>> -> memref<128xi32, #tpu.memory_space<hbm>>
      %dma_wait3A_162 = tpu.memref_slice %arg3[%add3A_118] : memref<327680xi32, #tpu.memory_space<hbm>> -> memref<128xi32, #tpu.memory_space<hbm>>
      tpu.wait_dma2 semaphore(%arg20 : memref<!tpu.dma_semaphore, #tpu.memory_space<semaphore_mem>>) src(%dma_wait3A_162 : memref<128xi32, #tpu.memory_space<hbm>>) dst(%arg16 : memref<128xi32, #tpu.memory_space<vmem>>)
      %dma_wait3A_163 = tpu.memref_slice %arg4[%add3A_118] : memref<327680xi32, #tpu.memory_space<hbm>> -> memref<128xi32, #tpu.memory_space<hbm>>
      %dma_wait3A_164 = tpu.memref_slice %arg4[%add3A_118] : memref<327680xi32, #tpu.memory_space<hbm>> -> memref<128xi32, #tpu.memory_space<hbm>>
      tpu.wait_dma2 semaphore(%arg24 : memref<!tpu.dma_semaphore, #tpu.memory_space<semaphore_mem>>) src(%dma_wait3A_164 : memref<128xi32, #tpu.memory_space<hbm>>) dst(%arg12 : memref<128xi32, #tpu.memory_space<vmem>>)
      %dma_wait3A_165 = arith.constant 0 : i32
      %dma_wait3A_166 = arith.constant 0 : i32
      %dma_wait3A_167 = tpu.memref_slice %arg6[%dma_wait3A_165, %dma_wait3A_166] : memref<10240x128xf32, #tpu.memory_space<vmem_shared>> -> memref<10240x128xf32, #tpu.memory_space<vmem_shared>>
      tpu.wait_indirect_dma semaphore(%arg28 : memref<!tpu.dma_semaphore, #tpu.memory_space<semaphore_mem>>) src(%arg26 : memref<128x128xf32, #tpu.memory_space<vmem>>) dst(%dma_wait3A_167 : memref<10240x128xf32, #tpu.memory_space<vmem_shared>>)
      %mul3A_168 = arith.constant 10240 : i32
      %mul3A_169 = arith.muli %add3A, %mul3A_168 : i32
      %mul3A_170 = arith.constant 10 : i32
      %mul3A_171 = arith.muli %scan3A_60, %mul3A_170 : i32
      %add3A_172 = arith.constant 5 : i32
      %add3A_173 = arith.addi %mul3A_171, %add3A_172 : i32
      %mul3A_174 = arith.constant 128 : i32
      %mul3A_175 = arith.muli %add3A_173, %mul3A_174 : i32
      %add3A_176 = arith.addi %mul3A_169, %mul3A_175 : i32
      %dma_start3A_177 = tpu.memref_slice %arg3[%add3A_176] : memref<327680xi32, #tpu.memory_space<hbm>> -> memref<128xi32, #tpu.memory_space<hbm>>
      %dma_start3A_178 = tpu.memref_slice %arg3[%add3A_176] : memref<327680xi32, #tpu.memory_space<hbm>> -> memref<128xi32, #tpu.memory_space<hbm>>
      tpu.enqueue_dma source(%dma_start3A_178 : memref<128xi32, #tpu.memory_space<hbm>>) target(%arg14 : memref<128xi32, #tpu.memory_space<vmem>>) target_semaphore(%arg18 : memref<!tpu.dma_semaphore, #tpu.memory_space<semaphore_mem>>)
      %dma_start3A_179 = tpu.memref_slice %arg4[%add3A_176] : memref<327680xi32, #tpu.memory_space<hbm>> -> memref<128xi32, #tpu.memory_space<hbm>>
      %dma_start3A_180 = tpu.memref_slice %arg4[%add3A_176] : memref<327680xi32, #tpu.memory_space<hbm>> -> memref<128xi32, #tpu.memory_space<hbm>>
      tpu.enqueue_dma source(%dma_start3A_180 : memref<128xi32, #tpu.memory_space<hbm>>) target(%arg10 : memref<128xi32, #tpu.memory_space<vmem>>) target_semaphore(%arg22 : memref<!tpu.dma_semaphore, #tpu.memory_space<semaphore_mem>>)
      %dma_start3A_181 = arith.constant 0 : i32
      %dma_start3A_182 = arith.constant 0 : i32
      %dma_start3A_183 = tpu.memref_slice %arg2[%dma_start3A_181, %dma_start3A_182] : memref<10240x128xf32, #tpu.memory_space<hbm>> -> memref<10240x128xf32, #tpu.memory_space<hbm>>
      tpu.enqueue_indirect_dma source(%dma_start3A_183 : memref<10240x128xf32, #tpu.memory_space<hbm>>) target(%arg26 : memref<128x128xf32, #tpu.memory_space<vmem>>) offsets(%arg16 : memref<128xi32, #tpu.memory_space<vmem>>) semaphore(%arg8 : memref<!tpu.dma_semaphore, #tpu.memory_space<semaphore_mem>>)
      %dma_wait3A_184 = arith.constant 0 : i32
      %dma_wait3A_185 = arith.constant 0 : i32
      %dma_wait3A_186 = tpu.memref_slice %arg2[%dma_wait3A_184, %dma_wait3A_185] : memref<10240x128xf32, #tpu.memory_space<hbm>> -> memref<10240x128xf32, #tpu.memory_space<hbm>>
      tpu.wait_indirect_dma semaphore(%arg7 : memref<!tpu.dma_semaphore, #tpu.memory_space<semaphore_mem>>) src(%dma_wait3A_186 : memref<10240x128xf32, #tpu.memory_space<hbm>>) dst(%arg25 : memref<128x128xf32, #tpu.memory_space<vmem>>)
      %dma_start3A_187 = arith.constant 0 : i32
      %dma_start3A_188 = arith.constant 0 : i32
      %dma_start3A_189 = tpu.memref_slice %arg6[%dma_start3A_187, %dma_start3A_188] : memref<10240x128xf32, #tpu.memory_space<vmem_shared>> -> memref<10240x128xf32, #tpu.memory_space<vmem_shared>>
      tpu.enqueue_indirect_dma source(%arg25 : memref<128x128xf32, #tpu.memory_space<vmem>>) target(%dma_start3A_189 : memref<10240x128xf32, #tpu.memory_space<vmem_shared>>) offsets(%arg11 : memref<128xi32, #tpu.memory_space<vmem>>) semaphore(%arg27 : memref<!tpu.dma_semaphore, #tpu.memory_space<semaphore_mem>>) {add = true}
      %dma_wait3A_190 = tpu.memref_slice %arg3[%add3A_147] : memref<327680xi32, #tpu.memory_space<hbm>> -> memref<128xi32, #tpu.memory_space<hbm>>
      %dma_wait3A_191 = tpu.memref_slice %arg3[%add3A_147] : memref<327680xi32, #tpu.memory_space<hbm>> -> memref<128xi32, #tpu.memory_space<hbm>>
      tpu.wait_dma2 semaphore(%arg17 : memref<!tpu.dma_semaphore, #tpu.memory_space<semaphore_mem>>) src(%dma_wait3A_191 : memref<128xi32, #tpu.memory_space<hbm>>) dst(%arg13 : memref<128xi32, #tpu.memory_space<vmem>>)
      %dma_wait3A_192 = tpu.memref_slice %arg4[%add3A_147] : memref<327680xi32, #tpu.memory_space<hbm>> -> memref<128xi32, #tpu.memory_space<hbm>>
      %dma_wait3A_193 = tpu.memref_slice %arg4[%add3A_147] : memref<327680xi32, #tpu.memory_space<hbm>> -> memref<128xi32, #tpu.memory_space<hbm>>
      tpu.wait_dma2 semaphore(%arg21 : memref<!tpu.dma_semaphore, #tpu.memory_space<semaphore_mem>>) src(%dma_wait3A_193 : memref<128xi32, #tpu.memory_space<hbm>>) dst(%arg9 : memref<128xi32, #tpu.memory_space<vmem>>)
      %dma_wait3A_194 = arith.constant 0 : i32
      %dma_wait3A_195 = arith.constant 0 : i32
      %dma_wait3A_196 = tpu.memref_slice %arg6[%dma_wait3A_194, %dma_wait3A_195] : memref<10240x128xf32, #tpu.memory_space<vmem_shared>> -> memref<10240x128xf32, #tpu.memory_space<vmem_shared>>
      tpu.wait_indirect_dma semaphore(%arg27 : memref<!tpu.dma_semaphore, #tpu.memory_space<semaphore_mem>>) src(%arg25 : memref<128x128xf32, #tpu.memory_space<vmem>>) dst(%dma_wait3A_196 : memref<10240x128xf32, #tpu.memory_space<vmem_shared>>)
      %mul3A_197 = arith.constant 10240 : i32
      %mul3A_198 = arith.muli %add3A, %mul3A_197 : i32
      %mul3A_199 = arith.constant 10 : i32
      %mul3A_200 = arith.muli %scan3A_60, %mul3A_199 : i32
      %add3A_201 = arith.constant 6 : i32
      %add3A_202 = arith.addi %mul3A_200, %add3A_201 : i32
      %mul3A_203 = arith.constant 128 : i32
      %mul3A_204 = arith.muli %add3A_202, %mul3A_203 : i32
      %add3A_205 = arith.addi %mul3A_198, %mul3A_204 : i32
      %dma_start3A_206 = tpu.memref_slice %arg3[%add3A_205] : memref<327680xi32, #tpu.memory_space<hbm>> -> memref<128xi32, #tpu.memory_space<hbm>>
      %dma_start3A_207 = tpu.memref_slice %arg3[%add3A_205] : memref<327680xi32, #tpu.memory_space<hbm>> -> memref<128xi32, #tpu.memory_space<hbm>>
      tpu.enqueue_dma source(%dma_start3A_207 : memref<128xi32, #tpu.memory_space<hbm>>) target(%arg15 : memref<128xi32, #tpu.memory_space<vmem>>) target_semaphore(%arg19 : memref<!tpu.dma_semaphore, #tpu.memory_space<semaphore_mem>>)
      %dma_start3A_208 = tpu.memref_slice %arg4[%add3A_205] : memref<327680xi32, #tpu.memory_space<hbm>> -> memref<128xi32, #tpu.memory_space<hbm>>
      %dma_start3A_209 = tpu.memref_slice %arg4[%add3A_205] : memref<327680xi32, #tpu.memory_space<hbm>> -> memref<128xi32, #tpu.memory_space<hbm>>
      tpu.enqueue_dma source(%dma_start3A_209 : memref<128xi32, #tpu.memory_space<hbm>>) target(%arg11 : memref<128xi32, #tpu.memory_space<vmem>>) target_semaphore(%arg23 : memref<!tpu.dma_semaphore, #tpu.memory_space<semaphore_mem>>)
      %dma_start3A_210 = arith.constant 0 : i32
      %dma_start3A_211 = arith.constant 0 : i32
      %dma_start3A_212 = tpu.memref_slice %arg2[%dma_start3A_210, %dma_start3A_211] : memref<10240x128xf32, #tpu.memory_space<hbm>> -> memref<10240x128xf32, #tpu.memory_space<hbm>>
      tpu.enqueue_indirect_dma source(%dma_start3A_212 : memref<10240x128xf32, #tpu.memory_space<hbm>>) target(%arg25 : memref<128x128xf32, #tpu.memory_space<vmem>>) offsets(%arg13 : memref<128xi32, #tpu.memory_space<vmem>>) semaphore(%arg7 : memref<!tpu.dma_semaphore, #tpu.memory_space<semaphore_mem>>)
      %dma_wait3A_213 = arith.constant 0 : i32
      %dma_wait3A_214 = arith.constant 0 : i32
      %dma_wait3A_215 = tpu.memref_slice %arg2[%dma_wait3A_213, %dma_wait3A_214] : memref<10240x128xf32, #tpu.memory_space<hbm>> -> memref<10240x128xf32, #tpu.memory_space<hbm>>
      tpu.wait_indirect_dma semaphore(%arg8 : memref<!tpu.dma_semaphore, #tpu.memory_space<semaphore_mem>>) src(%dma_wait3A_215 : memref<10240x128xf32, #tpu.memory_space<hbm>>) dst(%arg26 : memref<128x128xf32, #tpu.memory_space<vmem>>)
      %dma_start3A_216 = arith.constant 0 : i32
      %dma_start3A_217 = arith.constant 0 : i32
      %dma_start3A_218 = tpu.memref_slice %arg6[%dma_start3A_216, %dma_start3A_217] : memref<10240x128xf32, #tpu.memory_space<vmem_shared>> -> memref<10240x128xf32, #tpu.memory_space<vmem_shared>>
      tpu.enqueue_indirect_dma source(%arg26 : memref<128x128xf32, #tpu.memory_space<vmem>>) target(%dma_start3A_218 : memref<10240x128xf32, #tpu.memory_space<vmem_shared>>) offsets(%arg12 : memref<128xi32, #tpu.memory_space<vmem>>) semaphore(%arg28 : memref<!tpu.dma_semaphore, #tpu.memory_space<semaphore_mem>>) {add = true}
      %dma_wait3A_219 = tpu.memref_slice %arg3[%add3A_176] : memref<327680xi32, #tpu.memory_space<hbm>> -> memref<128xi32, #tpu.memory_space<hbm>>
      %dma_wait3A_220 = tpu.memref_slice %arg3[%add3A_176] : memref<327680xi32, #tpu.memory_space<hbm>> -> memref<128xi32, #tpu.memory_space<hbm>>
      tpu.wait_dma2 semaphore(%arg18 : memref<!tpu.dma_semaphore, #tpu.memory_space<semaphore_mem>>) src(%dma_wait3A_220 : memref<128xi32, #tpu.memory_space<hbm>>) dst(%arg14 : memref<128xi32, #tpu.memory_space<vmem>>)
      %dma_wait3A_221 = tpu.memref_slice %arg4[%add3A_176] : memref<327680xi32, #tpu.memory_space<hbm>> -> memref<128xi32, #tpu.memory_space<hbm>>
      %dma_wait3A_222 = tpu.memref_slice %arg4[%add3A_176] : memref<327680xi32, #tpu.memory_space<hbm>> -> memref<128xi32, #tpu.memory_space<hbm>>
      tpu.wait_dma2 semaphore(%arg22 : memref<!tpu.dma_semaphore, #tpu.memory_space<semaphore_mem>>) src(%dma_wait3A_222 : memref<128xi32, #tpu.memory_space<hbm>>) dst(%arg10 : memref<128xi32, #tpu.memory_space<vmem>>)
      %dma_wait3A_223 = arith.constant 0 : i32
      %dma_wait3A_224 = arith.constant 0 : i32
      %dma_wait3A_225 = tpu.memref_slice %arg6[%dma_wait3A_223, %dma_wait3A_224] : memref<10240x128xf32, #tpu.memory_space<vmem_shared>> -> memref<10240x128xf32, #tpu.memory_space<vmem_shared>>
      tpu.wait_indirect_dma semaphore(%arg28 : memref<!tpu.dma_semaphore, #tpu.memory_space<semaphore_mem>>) src(%arg26 : memref<128x128xf32, #tpu.memory_space<vmem>>) dst(%dma_wait3A_225 : memref<10240x128xf32, #tpu.memory_space<vmem_shared>>)
      %mul3A_226 = arith.constant 10240 : i32
      %mul3A_227 = arith.muli %add3A, %mul3A_226 : i32
      %mul3A_228 = arith.constant 10 : i32
      %mul3A_229 = arith.muli %scan3A_60, %mul3A_228 : i32
      %add3A_230 = arith.constant 7 : i32
      %add3A_231 = arith.addi %mul3A_229, %add3A_230 : i32
      %mul3A_232 = arith.constant 128 : i32
      %mul3A_233 = arith.muli %add3A_231, %mul3A_232 : i32
      %add3A_234 = arith.addi %mul3A_227, %mul3A_233 : i32
      %dma_start3A_235 = tpu.memref_slice %arg3[%add3A_234] : memref<327680xi32, #tpu.memory_space<hbm>> -> memref<128xi32, #tpu.memory_space<hbm>>
      %dma_start3A_236 = tpu.memref_slice %arg3[%add3A_234] : memref<327680xi32, #tpu.memory_space<hbm>> -> memref<128xi32, #tpu.memory_space<hbm>>
      tpu.enqueue_dma source(%dma_start3A_236 : memref<128xi32, #tpu.memory_space<hbm>>) target(%arg16 : memref<128xi32, #tpu.memory_space<vmem>>) target_semaphore(%arg20 : memref<!tpu.dma_semaphore, #tpu.memory_space<semaphore_mem>>)
      %dma_start3A_237 = tpu.memref_slice %arg4[%add3A_234] : memref<327680xi32, #tpu.memory_space<hbm>> -> memref<128xi32, #tpu.memory_space<hbm>>
      %dma_start3A_238 = tpu.memref_slice %arg4[%add3A_234] : memref<327680xi32, #tpu.memory_space<hbm>> -> memref<128xi32, #tpu.memory_space<hbm>>
      tpu.enqueue_dma source(%dma_start3A_238 : memref<128xi32, #tpu.memory_space<hbm>>) target(%arg12 : memref<128xi32, #tpu.memory_space<vmem>>) target_semaphore(%arg24 : memref<!tpu.dma_semaphore, #tpu.memory_space<semaphore_mem>>)
      %dma_start3A_239 = arith.constant 0 : i32
      %dma_start3A_240 = arith.constant 0 : i32
      %dma_start3A_241 = tpu.memref_slice %arg2[%dma_start3A_239, %dma_start3A_240] : memref<10240x128xf32, #tpu.memory_space<hbm>> -> memref<10240x128xf32, #tpu.memory_space<hbm>>
      tpu.enqueue_indirect_dma source(%dma_start3A_241 : memref<10240x128xf32, #tpu.memory_space<hbm>>) target(%arg26 : memref<128x128xf32, #tpu.memory_space<vmem>>) offsets(%arg14 : memref<128xi32, #tpu.memory_space<vmem>>) semaphore(%arg8 : memref<!tpu.dma_semaphore, #tpu.memory_space<semaphore_mem>>)
      %dma_wait3A_242 = arith.constant 0 : i32
      %dma_wait3A_243 = arith.constant 0 : i32
      %dma_wait3A_244 = tpu.memref_slice %arg2[%dma_wait3A_242, %dma_wait3A_243] : memref<10240x128xf32, #tpu.memory_space<hbm>> -> memref<10240x128xf32, #tpu.memory_space<hbm>>
      tpu.wait_indirect_dma semaphore(%arg7 : memref<!tpu.dma_semaphore, #tpu.memory_space<semaphore_mem>>) src(%dma_wait3A_244 : memref<10240x128xf32, #tpu.memory_space<hbm>>) dst(%arg25 : memref<128x128xf32, #tpu.memory_space<vmem>>)
      %dma_start3A_245 = arith.constant 0 : i32
      %dma_start3A_246 = arith.constant 0 : i32
      %dma_start3A_247 = tpu.memref_slice %arg6[%dma_start3A_245, %dma_start3A_246] : memref<10240x128xf32, #tpu.memory_space<vmem_shared>> -> memref<10240x128xf32, #tpu.memory_space<vmem_shared>>
      tpu.enqueue_indirect_dma source(%arg25 : memref<128x128xf32, #tpu.memory_space<vmem>>) target(%dma_start3A_247 : memref<10240x128xf32, #tpu.memory_space<vmem_shared>>) offsets(%arg9 : memref<128xi32, #tpu.memory_space<vmem>>) semaphore(%arg27 : memref<!tpu.dma_semaphore, #tpu.memory_space<semaphore_mem>>) {add = true}
      %dma_wait3A_248 = tpu.memref_slice %arg3[%add3A_205] : memref<327680xi32, #tpu.memory_space<hbm>> -> memref<128xi32, #tpu.memory_space<hbm>>
      %dma_wait3A_249 = tpu.memref_slice %arg3[%add3A_205] : memref<327680xi32, #tpu.memory_space<hbm>> -> memref<128xi32, #tpu.memory_space<hbm>>
      tpu.wait_dma2 semaphore(%arg19 : memref<!tpu.dma_semaphore, #tpu.memory_space<semaphore_mem>>) src(%dma_wait3A_249 : memref<128xi32, #tpu.memory_space<hbm>>) dst(%arg15 : memref<128xi32, #tpu.memory_space<vmem>>)
      %dma_wait3A_250 = tpu.memref_slice %arg4[%add3A_205] : memref<327680xi32, #tpu.memory_space<hbm>> -> memref<128xi32, #tpu.memory_space<hbm>>
      %dma_wait3A_251 = tpu.memref_slice %arg4[%add3A_205] : memref<327680xi32, #tpu.memory_space<hbm>> -> memref<128xi32, #tpu.memory_space<hbm>>
      tpu.wait_dma2 semaphore(%arg23 : memref<!tpu.dma_semaphore, #tpu.memory_space<semaphore_mem>>) src(%dma_wait3A_251 : memref<128xi32, #tpu.memory_space<hbm>>) dst(%arg11 : memref<128xi32, #tpu.memory_space<vmem>>)
      %dma_wait3A_252 = arith.constant 0 : i32
      %dma_wait3A_253 = arith.constant 0 : i32
      %dma_wait3A_254 = tpu.memref_slice %arg6[%dma_wait3A_252, %dma_wait3A_253] : memref<10240x128xf32, #tpu.memory_space<vmem_shared>> -> memref<10240x128xf32, #tpu.memory_space<vmem_shared>>
      tpu.wait_indirect_dma semaphore(%arg27 : memref<!tpu.dma_semaphore, #tpu.memory_space<semaphore_mem>>) src(%arg25 : memref<128x128xf32, #tpu.memory_space<vmem>>) dst(%dma_wait3A_254 : memref<10240x128xf32, #tpu.memory_space<vmem_shared>>)
      %mul3A_255 = arith.constant 10240 : i32
      %mul3A_256 = arith.muli %add3A, %mul3A_255 : i32
      %mul3A_257 = arith.constant 10 : i32
      %mul3A_258 = arith.muli %scan3A_60, %mul3A_257 : i32
      %add3A_259 = arith.constant 8 : i32
      %add3A_260 = arith.addi %mul3A_258, %add3A_259 : i32
      %mul3A_261 = arith.constant 128 : i32
      %mul3A_262 = arith.muli %add3A_260, %mul3A_261 : i32
      %add3A_263 = arith.addi %mul3A_256, %mul3A_262 : i32
      %dma_start3A_264 = tpu.memref_slice %arg3[%add3A_263] : memref<327680xi32, #tpu.memory_space<hbm>> -> memref<128xi32, #tpu.memory_space<hbm>>
      %dma_start3A_265 = tpu.memref_slice %arg3[%add3A_263] : memref<327680xi32, #tpu.memory_space<hbm>> -> memref<128xi32, #tpu.memory_space<hbm>>
      tpu.enqueue_dma source(%dma_start3A_265 : memref<128xi32, #tpu.memory_space<hbm>>) target(%arg13 : memref<128xi32, #tpu.memory_space<vmem>>) target_semaphore(%arg17 : memref<!tpu.dma_semaphore, #tpu.memory_space<semaphore_mem>>)
      %dma_start3A_266 = tpu.memref_slice %arg4[%add3A_263] : memref<327680xi32, #tpu.memory_space<hbm>> -> memref<128xi32, #tpu.memory_space<hbm>>
      %dma_start3A_267 = tpu.memref_slice %arg4[%add3A_263] : memref<327680xi32, #tpu.memory_space<hbm>> -> memref<128xi32, #tpu.memory_space<hbm>>
      tpu.enqueue_dma source(%dma_start3A_267 : memref<128xi32, #tpu.memory_space<hbm>>) target(%arg9 : memref<128xi32, #tpu.memory_space<vmem>>) target_semaphore(%arg21 : memref<!tpu.dma_semaphore, #tpu.memory_space<semaphore_mem>>)
      %dma_start3A_268 = arith.constant 0 : i32
      %dma_start3A_269 = arith.constant 0 : i32
      %dma_start3A_270 = tpu.memref_slice %arg2[%dma_start3A_268, %dma_start3A_269] : memref<10240x128xf32, #tpu.memory_space<hbm>> -> memref<10240x128xf32, #tpu.memory_space<hbm>>
      tpu.enqueue_indirect_dma source(%dma_start3A_270 : memref<10240x128xf32, #tpu.memory_space<hbm>>) target(%arg25 : memref<128x128xf32, #tpu.memory_space<vmem>>) offsets(%arg15 : memref<128xi32, #tpu.memory_space<vmem>>) semaphore(%arg7 : memref<!tpu.dma_semaphore, #tpu.memory_space<semaphore_mem>>)
      %dma_wait3A_271 = arith.constant 0 : i32
      %dma_wait3A_272 = arith.constant 0 : i32
      %dma_wait3A_273 = tpu.memref_slice %arg2[%dma_wait3A_271, %dma_wait3A_272] : memref<10240x128xf32, #tpu.memory_space<hbm>> -> memref<10240x128xf32, #tpu.memory_space<hbm>>
      tpu.wait_indirect_dma semaphore(%arg8 : memref<!tpu.dma_semaphore, #tpu.memory_space<semaphore_mem>>) src(%dma_wait3A_273 : memref<10240x128xf32, #tpu.memory_space<hbm>>) dst(%arg26 : memref<128x128xf32, #tpu.memory_space<vmem>>)
      %dma_start3A_274 = arith.constant 0 : i32
      %dma_start3A_275 = arith.constant 0 : i32
      %dma_start3A_276 = tpu.memref_slice %arg6[%dma_start3A_274, %dma_start3A_275] : memref<10240x128xf32, #tpu.memory_space<vmem_shared>> -> memref<10240x128xf32, #tpu.memory_space<vmem_shared>>
      tpu.enqueue_indirect_dma source(%arg26 : memref<128x128xf32, #tpu.memory_space<vmem>>) target(%dma_start3A_276 : memref<10240x128xf32, #tpu.memory_space<vmem_shared>>) offsets(%arg10 : memref<128xi32, #tpu.memory_space<vmem>>) semaphore(%arg28 : memref<!tpu.dma_semaphore, #tpu.memory_space<semaphore_mem>>) {add = true}
      %dma_wait3A_277 = tpu.memref_slice %arg3[%add3A_234] : memref<327680xi32, #tpu.memory_space<hbm>> -> memref<128xi32, #tpu.memory_space<hbm>>
      %dma_wait3A_278 = tpu.memref_slice %arg3[%add3A_234] : memref<327680xi32, #tpu.memory_space<hbm>> -> memref<128xi32, #tpu.memory_space<hbm>>
      tpu.wait_dma2 semaphore(%arg20 : memref<!tpu.dma_semaphore, #tpu.memory_space<semaphore_mem>>) src(%dma_wait3A_278 : memref<128xi32, #tpu.memory_space<hbm>>) dst(%arg16 : memref<128xi32, #tpu.memory_space<vmem>>)
      %dma_wait3A_279 = tpu.memref_slice %arg4[%add3A_234] : memref<327680xi32, #tpu.memory_space<hbm>> -> memref<128xi32, #tpu.memory_space<hbm>>
      %dma_wait3A_280 = tpu.memref_slice %arg4[%add3A_234] : memref<327680xi32, #tpu.memory_space<hbm>> -> memref<128xi32, #tpu.memory_space<hbm>>
      tpu.wait_dma2 semaphore(%arg24 : memref<!tpu.dma_semaphore, #tpu.memory_space<semaphore_mem>>) src(%dma_wait3A_280 : memref<128xi32, #tpu.memory_space<hbm>>) dst(%arg12 : memref<128xi32, #tpu.memory_space<vmem>>)
      %dma_wait3A_281 = arith.constant 0 : i32
      %dma_wait3A_282 = arith.constant 0 : i32
      %dma_wait3A_283 = tpu.memref_slice %arg6[%dma_wait3A_281, %dma_wait3A_282] : memref<10240x128xf32, #tpu.memory_space<vmem_shared>> -> memref<10240x128xf32, #tpu.memory_space<vmem_shared>>
      tpu.wait_indirect_dma semaphore(%arg28 : memref<!tpu.dma_semaphore, #tpu.memory_space<semaphore_mem>>) src(%arg26 : memref<128x128xf32, #tpu.memory_space<vmem>>) dst(%dma_wait3A_283 : memref<10240x128xf32, #tpu.memory_space<vmem_shared>>)
      %mul3A_284 = arith.constant 10240 : i32
      %mul3A_285 = arith.muli %add3A, %mul3A_284 : i32
      %mul3A_286 = arith.constant 10 : i32
      %mul3A_287 = arith.muli %scan3A_60, %mul3A_286 : i32
      %add3A_288 = arith.constant 9 : i32
      %add3A_289 = arith.addi %mul3A_287, %add3A_288 : i32
      %mul3A_290 = arith.constant 128 : i32
      %mul3A_291 = arith.muli %add3A_289, %mul3A_290 : i32
      %add3A_292 = arith.addi %mul3A_285, %mul3A_291 : i32
      %dma_start3A_293 = tpu.memref_slice %arg3[%add3A_292] : memref<327680xi32, #tpu.memory_space<hbm>> -> memref<128xi32, #tpu.memory_space<hbm>>
      %dma_start3A_294 = tpu.memref_slice %arg3[%add3A_292] : memref<327680xi32, #tpu.memory_space<hbm>> -> memref<128xi32, #tpu.memory_space<hbm>>
      tpu.enqueue_dma source(%dma_start3A_294 : memref<128xi32, #tpu.memory_space<hbm>>) target(%arg14 : memref<128xi32, #tpu.memory_space<vmem>>) target_semaphore(%arg18 : memref<!tpu.dma_semaphore, #tpu.memory_space<semaphore_mem>>)
      %dma_start3A_295 = tpu.memref_slice %arg4[%add3A_292] : memref<327680xi32, #tpu.memory_space<hbm>> -> memref<128xi32, #tpu.memory_space<hbm>>
      %dma_start3A_296 = tpu.memref_slice %arg4[%add3A_292] : memref<327680xi32, #tpu.memory_space<hbm>> -> memref<128xi32, #tpu.memory_space<hbm>>
      tpu.enqueue_dma source(%dma_start3A_296 : memref<128xi32, #tpu.memory_space<hbm>>) target(%arg10 : memref<128xi32, #tpu.memory_space<vmem>>) target_semaphore(%arg22 : memref<!tpu.dma_semaphore, #tpu.memory_space<semaphore_mem>>)
      %dma_start3A_297 = arith.constant 0 : i32
      %dma_start3A_298 = arith.constant 0 : i32
      %dma_start3A_299 = tpu.memref_slice %arg2[%dma_start3A_297, %dma_start3A_298] : memref<10240x128xf32, #tpu.memory_space<hbm>> -> memref<10240x128xf32, #tpu.memory_space<hbm>>
      tpu.enqueue_indirect_dma source(%dma_start3A_299 : memref<10240x128xf32, #tpu.memory_space<hbm>>) target(%arg26 : memref<128x128xf32, #tpu.memory_space<vmem>>) offsets(%arg16 : memref<128xi32, #tpu.memory_space<vmem>>) semaphore(%arg8 : memref<!tpu.dma_semaphore, #tpu.memory_space<semaphore_mem>>)
      %dma_wait3A_300 = arith.constant 0 : i32
      %dma_wait3A_301 = arith.constant 0 : i32
      %dma_wait3A_302 = tpu.memref_slice %arg2[%dma_wait3A_300, %dma_wait3A_301] : memref<10240x128xf32, #tpu.memory_space<hbm>> -> memref<10240x128xf32, #tpu.memory_space<hbm>>
      tpu.wait_indirect_dma semaphore(%arg7 : memref<!tpu.dma_semaphore, #tpu.memory_space<semaphore_mem>>) src(%dma_wait3A_302 : memref<10240x128xf32, #tpu.memory_space<hbm>>) dst(%arg25 : memref<128x128xf32, #tpu.memory_space<vmem>>)
      %dma_start3A_303 = arith.constant 0 : i32
      %dma_start3A_304 = arith.constant 0 : i32
      %dma_start3A_305 = tpu.memref_slice %arg6[%dma_start3A_303, %dma_start3A_304] : memref<10240x128xf32, #tpu.memory_space<vmem_shared>> -> memref<10240x128xf32, #tpu.memory_space<vmem_shared>>
      tpu.enqueue_indirect_dma source(%arg25 : memref<128x128xf32, #tpu.memory_space<vmem>>) target(%dma_start3A_305 : memref<10240x128xf32, #tpu.memory_space<vmem_shared>>) offsets(%arg11 : memref<128xi32, #tpu.memory_space<vmem>>) semaphore(%arg27 : memref<!tpu.dma_semaphore, #tpu.memory_space<semaphore_mem>>) {add = true}
      %dma_wait3A_306 = tpu.memref_slice %arg3[%add3A_263] : memref<327680xi32, #tpu.memory_space<hbm>> -> memref<128xi32, #tpu.memory_space<hbm>>
      %dma_wait3A_307 = tpu.memref_slice %arg3[%add3A_263] : memref<327680xi32, #tpu.memory_space<hbm>> -> memref<128xi32, #tpu.memory_space<hbm>>
      tpu.wait_dma2 semaphore(%arg17 : memref<!tpu.dma_semaphore, #tpu.memory_space<semaphore_mem>>) src(%dma_wait3A_307 : memref<128xi32, #tpu.memory_space<hbm>>) dst(%arg13 : memref<128xi32, #tpu.memory_space<vmem>>)
      %dma_wait3A_308 = tpu.memref_slice %arg4[%add3A_263] : memref<327680xi32, #tpu.memory_space<hbm>> -> memref<128xi32, #tpu.memory_space<hbm>>
      %dma_wait3A_309 = tpu.memref_slice %arg4[%add3A_263] : memref<327680xi32, #tpu.memory_space<hbm>> -> memref<128xi32, #tpu.memory_space<hbm>>
      tpu.wait_dma2 semaphore(%arg21 : memref<!tpu.dma_semaphore, #tpu.memory_space<semaphore_mem>>) src(%dma_wait3A_309 : memref<128xi32, #tpu.memory_space<hbm>>) dst(%arg9 : memref<128xi32, #tpu.memory_space<vmem>>)
      %dma_wait3A_310 = arith.constant 0 : i32
      %dma_wait3A_311 = arith.constant 0 : i32
      %dma_wait3A_312 = tpu.memref_slice %arg6[%dma_wait3A_310, %dma_wait3A_311] : memref<10240x128xf32, #tpu.memory_space<vmem_shared>> -> memref<10240x128xf32, #tpu.memory_space<vmem_shared>>
      tpu.wait_indirect_dma semaphore(%arg27 : memref<!tpu.dma_semaphore, #tpu.memory_space<semaphore_mem>>) src(%arg25 : memref<128x128xf32, #tpu.memory_space<vmem>>) dst(%dma_wait3A_312 : memref<10240x128xf32, #tpu.memory_space<vmem_shared>>)
      %dma_start3A_313 = arith.constant 0 : i32
      %dma_start3A_314 = arith.constant 0 : i32
      %dma_start3A_315 = tpu.memref_slice %arg2[%dma_start3A_313, %dma_start3A_314] : memref<10240x128xf32, #tpu.memory_space<hbm>> -> memref<10240x128xf32, #tpu.memory_space<hbm>>
      tpu.enqueue_indirect_dma source(%dma_start3A_315 : memref<10240x128xf32, #tpu.memory_space<hbm>>) target(%arg25 : memref<128x128xf32, #tpu.memory_space<vmem>>) offsets(%arg13 : memref<128xi32, #tpu.memory_space<vmem>>) semaphore(%arg7 : memref<!tpu.dma_semaphore, #tpu.memory_space<semaphore_mem>>)
      %dma_wait3A_316 = arith.constant 0 : i32
      %dma_wait3A_317 = arith.constant 0 : i32
      %dma_wait3A_318 = tpu.memref_slice %arg2[%dma_wait3A_316, %dma_wait3A_317] : memref<10240x128xf32, #tpu.memory_space<hbm>> -> memref<10240x128xf32, #tpu.memory_space<hbm>>
      tpu.wait_indirect_dma semaphore(%arg8 : memref<!tpu.dma_semaphore, #tpu.memory_space<semaphore_mem>>) src(%dma_wait3A_318 : memref<10240x128xf32, #tpu.memory_space<hbm>>) dst(%arg26 : memref<128x128xf32, #tpu.memory_space<vmem>>)
      %dma_start3A_319 = arith.constant 0 : i32
      %dma_start3A_320 = arith.constant 0 : i32
      %dma_start3A_321 = tpu.memref_slice %arg6[%dma_start3A_319, %dma_start3A_320] : memref<10240x128xf32, #tpu.memory_space<vmem_shared>> -> memref<10240x128xf32, #tpu.memory_space<vmem_shared>>
      tpu.enqueue_indirect_dma source(%arg26 : memref<128x128xf32, #tpu.memory_space<vmem>>) target(%dma_start3A_321 : memref<10240x128xf32, #tpu.memory_space<vmem_shared>>) offsets(%arg12 : memref<128xi32, #tpu.memory_space<vmem>>) semaphore(%arg28 : memref<!tpu.dma_semaphore, #tpu.memory_space<semaphore_mem>>) {add = true}
      %dma_wait3A_322 = tpu.memref_slice %arg3[%add3A_292] : memref<327680xi32, #tpu.memory_space<hbm>> -> memref<128xi32, #tpu.memory_space<hbm>>
      %dma_wait3A_323 = tpu.memref_slice %arg3[%add3A_292] : memref<327680xi32, #tpu.memory_space<hbm>> -> memref<128xi32, #tpu.memory_space<hbm>>
      tpu.wait_dma2 semaphore(%arg18 : memref<!tpu.dma_semaphore, #tpu.memory_space<semaphore_mem>>) src(%dma_wait3A_323 : memref<128xi32, #tpu.memory_space<hbm>>) dst(%arg14 : memref<128xi32, #tpu.memory_space<vmem>>)
      %dma_wait3A_324 = tpu.memref_slice %arg4[%add3A_292] : memref<327680xi32, #tpu.memory_space<hbm>> -> memref<128xi32, #tpu.memory_space<hbm>>
      %dma_wait3A_325 = tpu.memref_slice %arg4[%add3A_292] : memref<327680xi32, #tpu.memory_space<hbm>> -> memref<128xi32, #tpu.memory_space<hbm>>
      tpu.wait_dma2 semaphore(%arg22 : memref<!tpu.dma_semaphore, #tpu.memory_space<semaphore_mem>>) src(%dma_wait3A_325 : memref<128xi32, #tpu.memory_space<hbm>>) dst(%arg10 : memref<128xi32, #tpu.memory_space<vmem>>)
      %dma_wait3A_326 = arith.constant 0 : i32
      %dma_wait3A_327 = arith.constant 0 : i32
      %dma_wait3A_328 = tpu.memref_slice %arg6[%dma_wait3A_326, %dma_wait3A_327] : memref<10240x128xf32, #tpu.memory_space<vmem_shared>> -> memref<10240x128xf32, #tpu.memory_space<vmem_shared>>
      tpu.wait_indirect_dma semaphore(%arg28 : memref<!tpu.dma_semaphore, #tpu.memory_space<semaphore_mem>>) src(%arg26 : memref<128x128xf32, #tpu.memory_space<vmem>>) dst(%dma_wait3A_328 : memref<10240x128xf32, #tpu.memory_space<vmem_shared>>)
      %dma_start3A_329 = arith.constant 0 : i32
      %dma_start3A_330 = arith.constant 0 : i32
      %dma_start3A_331 = tpu.memref_slice %arg2[%dma_start3A_329, %dma_start3A_330] : memref<10240x128xf32, #tpu.memory_space<hbm>> -> memref<10240x128xf32, #tpu.memory_space<hbm>>
      tpu.enqueue_indirect_dma source(%dma_start3A_331 : memref<10240x128xf32, #tpu.memory_space<hbm>>) target(%arg26 : memref<128x128xf32, #tpu.memory_space<vmem>>) offsets(%arg14 : memref<128xi32, #tpu.memory_space<vmem>>) semaphore(%arg8 : memref<!tpu.dma_semaphore, #tpu.memory_space<semaphore_mem>>)
      %dma_wait3A_332 = arith.constant 0 : i32
      %dma_wait3A_333 = arith.constant 0 : i32
      %dma_wait3A_334 = tpu.memref_slice %arg2[%dma_wait3A_332, %dma_wait3A_333] : memref<10240x128xf32, #tpu.memory_space<hbm>> -> memref<10240x128xf32, #tpu.memory_space<hbm>>
      tpu.wait_indirect_dma semaphore(%arg7 : memref<!tpu.dma_semaphore, #tpu.memory_space<semaphore_mem>>) src(%dma_wait3A_334 : memref<10240x128xf32, #tpu.memory_space<hbm>>) dst(%arg25 : memref<128x128xf32, #tpu.memory_space<vmem>>)
      %dma_start3A_335 = arith.constant 0 : i32
      %dma_start3A_336 = arith.constant 0 : i32
      %dma_start3A_337 = tpu.memref_slice %arg6[%dma_start3A_335, %dma_start3A_336] : memref<10240x128xf32, #tpu.memory_space<vmem_shared>> -> memref<10240x128xf32, #tpu.memory_space<vmem_shared>>
      tpu.enqueue_indirect_dma source(%arg25 : memref<128x128xf32, #tpu.memory_space<vmem>>) target(%dma_start3A_337 : memref<10240x128xf32, #tpu.memory_space<vmem_shared>>) offsets(%arg9 : memref<128xi32, #tpu.memory_space<vmem>>) semaphore(%arg27 : memref<!tpu.dma_semaphore, #tpu.memory_space<semaphore_mem>>) {add = true}
      %dma_wait3A_338 = arith.constant 0 : i32
      %dma_wait3A_339 = arith.constant 0 : i32
      %dma_wait3A_340 = tpu.memref_slice %arg2[%dma_wait3A_338, %dma_wait3A_339] : memref<10240x128xf32, #tpu.memory_space<hbm>> -> memref<10240x128xf32, #tpu.memory_space<hbm>>
      tpu.wait_indirect_dma semaphore(%arg8 : memref<!tpu.dma_semaphore, #tpu.memory_space<semaphore_mem>>) src(%dma_wait3A_340 : memref<10240x128xf32, #tpu.memory_space<hbm>>) dst(%arg26 : memref<128x128xf32, #tpu.memory_space<vmem>>)
      %dma_start3A_341 = arith.constant 0 : i32
      %dma_start3A_342 = arith.constant 0 : i32
      %dma_start3A_343 = tpu.memref_slice %arg6[%dma_start3A_341, %dma_start3A_342] : memref<10240x128xf32, #tpu.memory_space<vmem_shared>> -> memref<10240x128xf32, #tpu.memory_space<vmem_shared>>
      tpu.enqueue_indirect_dma source(%arg26 : memref<128x128xf32, #tpu.memory_space<vmem>>) target(%dma_start3A_343 : memref<10240x128xf32, #tpu.memory_space<vmem_shared>>) offsets(%arg10 : memref<128xi32, #tpu.memory_space<vmem>>) semaphore(%arg28 : memref<!tpu.dma_semaphore, #tpu.memory_space<semaphore_mem>>) {add = true}
      %dma_wait3A_344 = arith.constant 0 : i32
      %dma_wait3A_345 = arith.constant 0 : i32
      %dma_wait3A_346 = tpu.memref_slice %arg6[%dma_wait3A_344, %dma_wait3A_345] : memref<10240x128xf32, #tpu.memory_space<vmem_shared>> -> memref<10240x128xf32, #tpu.memory_space<vmem_shared>>
      tpu.wait_indirect_dma semaphore(%arg27 : memref<!tpu.dma_semaphore, #tpu.memory_space<semaphore_mem>>) src(%arg25 : memref<128x128xf32, #tpu.memory_space<vmem>>) dst(%dma_wait3A_346 : memref<10240x128xf32, #tpu.memory_space<vmem_shared>>)
      %dma_wait3A_347 = arith.constant 0 : i32
      %dma_wait3A_348 = arith.constant 0 : i32
      %dma_wait3A_349 = tpu.memref_slice %arg6[%dma_wait3A_347, %dma_wait3A_348] : memref<10240x128xf32, #tpu.memory_space<vmem_shared>> -> memref<10240x128xf32, #tpu.memory_space<vmem_shared>>
      tpu.wait_indirect_dma semaphore(%arg28 : memref<!tpu.dma_semaphore, #tpu.memory_space<semaphore_mem>>) src(%arg26 : memref<128x128xf32, #tpu.memory_space<vmem>>) dst(%dma_wait3A_349 : memref<10240x128xf32, #tpu.memory_space<vmem_shared>>)
      %scan3A_350 = arith.constant 0 : i32
      scf.yield %scan3A_350 : i32
    }
    %scan3A_54 = arith.constant 8 : i32
    %barrier3A_55 = arith.constant 0 : index
    tpu.barrier barrier_id(%barrier3A_55)
    %mul3A_56 = arith.constant 640 : i32
    %mul3A_57 = arith.muli %arg1, %mul3A_56 : i32
    %mul3A_58 = arith.constant 640 : i32
    %mul3A_59 = arith.muli %arg1, %mul3A_58 : i32
    "tpu.region"() ({
      %run_scoped3A = tpu.sem_alloc : memref<!tpu.dma_semaphore, #tpu.memory_space<semaphore_mem>>
      %dma_start3A = arith.constant 0 : i32
      %dma_start3A_60 = tpu.memref_slice %arg5[%arg0, %mul3A_59, %dma_start3A] : memref<2x10240x128xf32, #tpu.memory_space<hbm>> -> memref<1x640x128xf32, #tpu.memory_space<hbm>>
      %dma_start3A_61 = tpu.memref_squeeze %dma_start3A_60 : memref<1x640x128xf32, #tpu.memory_space<hbm>> -> memref<640x128xf32, #tpu.memory_space<hbm>>
      %dma_start3A_62 = arith.constant 0 : i32
      %dma_start3A_63 = tpu.memref_slice %arg6[%mul3A_57, %dma_start3A_62] : memref<10240x128xf32, #tpu.memory_space<vmem_shared>> -> memref<640x128xf32, #tpu.memory_space<vmem_shared>>
      tpu.enqueue_dma source(%dma_start3A_63 : memref<640x128xf32, #tpu.memory_space<vmem_shared>>) target(%dma_start3A_61 : memref<640x128xf32, #tpu.memory_space<hbm>>) target_semaphore(%run_scoped3A : memref<!tpu.dma_semaphore, #tpu.memory_space<semaphore_mem>>)
      %dma_wait3A = arith.constant 0 : i32
      %dma_wait3A_64 = tpu.memref_slice %arg5[%arg0, %mul3A_59, %dma_wait3A] : memref<2x10240x128xf32, #tpu.memory_space<hbm>> -> memref<1x640x128xf32, #tpu.memory_space<hbm>>
      %dma_wait3A_65 = tpu.memref_squeeze %dma_wait3A_64 : memref<1x640x128xf32, #tpu.memory_space<hbm>> -> memref<640x128xf32, #tpu.memory_space<hbm>>
      %dma_wait3A_66 = arith.constant 0 : i32
      %dma_wait3A_67 = tpu.memref_slice %arg6[%mul3A_57, %dma_wait3A_66] : memref<10240x128xf32, #tpu.memory_space<vmem_shared>> -> memref<640x128xf32, #tpu.memory_space<vmem_shared>>
      tpu.wait_dma2 semaphore(%run_scoped3A : memref<!tpu.dma_semaphore, #tpu.memory_space<semaphore_mem>>) src(%dma_wait3A_67 : memref<640x128xf32, #tpu.memory_space<vmem_shared>>) dst(%dma_wait3A_65 : memref<640x128xf32, #tpu.memory_space<hbm>>)
      tpu.yield
    }) : () -> ()
    return
  }
}

#map = affine_map<(d0, d1) -> (0)>
#map1 = affine_map<(d0, d1) -> (0, 0, 0)>
module attributes {stable_mosaic.version = 14 : i64} {
  func.func @_sc_degrees_body(%arg0: i32, %arg1: i32, %arg2: memref<320000xi32, #tpu.memory_space<hbm>>, %arg3: memref<320000xi32, #tpu.memory_space<hbm>>, %arg4: memref<2x10240x128xf32, #tpu.memory_space<hbm>>, %arg5: memref<10240x128xf32, #tpu.memory_space<vmem_shared>>, %arg6: memref<80xi32, #tpu.memory_space<vmem>>, %arg7: memref<80xi32, #tpu.memory_space<vmem>>, %arg8: memref<80xi32, #tpu.memory_space<vmem>>, %arg9: memref<80xi32, #tpu.memory_space<vmem>>, %arg10: memref<80xi32, #tpu.memory_space<vmem>>, %arg11: memref<80xi32, #tpu.memory_space<vmem>>, %arg12: memref<80xi32, #tpu.memory_space<vmem>>, %arg13: memref<80xi32, #tpu.memory_space<vmem>>, %arg14: memref<!tpu.dma_semaphore, #tpu.memory_space<semaphore_mem>>, %arg15: memref<!tpu.dma_semaphore, #tpu.memory_space<semaphore_mem>>, %arg16: memref<!tpu.dma_semaphore, #tpu.memory_space<semaphore_mem>>, %arg17: memref<!tpu.dma_semaphore, #tpu.memory_space<semaphore_mem>>, %arg18: memref<!tpu.dma_semaphore, #tpu.memory_space<semaphore_mem>>, %arg19: memref<!tpu.dma_semaphore, #tpu.memory_space<semaphore_mem>>, %arg20: memref<!tpu.dma_semaphore, #tpu.memory_space<semaphore_mem>>, %arg21: memref<!tpu.dma_semaphore, #tpu.memory_space<semaphore_mem>>, %arg22: memref<80x128xf32, #tpu.memory_space<vmem>>, %arg23: memref<80x128xf32, #tpu.memory_space<vmem>>, %arg24: memref<!tpu.dma_semaphore, #tpu.memory_space<semaphore_mem>>, %arg25: memref<!tpu.dma_semaphore, #tpu.memory_space<semaphore_mem>>, %arg26: memref<!tpu.dma_semaphore, #tpu.memory_space<semaphore_mem>>, %arg27: memref<!tpu.dma_semaphore, #tpu.memory_space<semaphore_mem>>, %arg28: memref<64x128xf32, #tpu.memory_space<vmem>>) attributes {dimension_semantics = [#tpu.dimension_semantics<core_parallel>, #tpu.dimension_semantics<subcore_parallel>], iteration_bounds = array<i64: 2, 16>, scalar_prefetch = 0 : i64, scratch_operands = 24 : i64, tpu.core_type = #tpu.core_type<sc_vector_subcore>, window_params = [{transform_indices = #map}, {transform_indices = #map}, {transform_indices = #map1}]} {
    %mul3A = arith.constant 2 : i32
    %mul3A_0 = arith.muli %arg1, %mul3A : i32
    %add3A = arith.addi %mul3A_0, %arg0 : i32
    %iota3A = tpu.iota {dimensions = array<i32: 0>} : vector<16xi32>
    %eq3A = arith.constant 0 : i32
    %eq3A_1 = vector.broadcast %eq3A : i32 to vector<16xi32>
    %eq3A_2 = arith.cmpi eq, %iota3A, %eq3A_1 : vector<16xi32>
    %jit3A = arith.constant 1.000000e+00 : f32
    %jit3A_3 = arith.constant 0.000000e+00 : f32
    %broadcast_in_dim3A = vector.broadcast %jit3A : f32 to vector<16xf32>
    %broadcast_in_dim3A_4 = vector.broadcast %jit3A_3 : f32 to vector<16xf32>
    %select_n3A = arith.select %eq3A_2, %broadcast_in_dim3A, %broadcast_in_dim3A_4 : vector<16xi1>, vector<16xf32>
    %eq3A_5 = arith.constant 1 : i32
    %eq3A_6 = vector.broadcast %eq3A_5 : i32 to vector<16xi32>
    %eq3A_7 = arith.cmpi eq, %iota3A, %eq3A_6 : vector<16xi32>
    %jit3A_8 = arith.constant 1.000000e+00 : f32
    %jit3A_9 = arith.constant 0.000000e+00 : f32
    %broadcast_in_dim3A_10 = vector.broadcast %jit3A_8 : f32 to vector<16xf32>
    %broadcast_in_dim3A_11 = vector.broadcast %jit3A_9 : f32 to vector<16xf32>
    %select_n3A_12 = arith.select %eq3A_7, %broadcast_in_dim3A_10, %broadcast_in_dim3A_11 : vector<16xi1>, vector<16xf32>
    %broadcast_in_dim3A_13 = arith.constant 0.000000e+00 : f32
    %broadcast_in_dim3A_14 = vector.broadcast %broadcast_in_dim3A_13 : f32 to vector<16xf32>
    %scan3A = arith.constant 0 : i32
    %scan3A_15 = arith.constant 0 : i32
    %scan3A_16 = arith.constant 80 : i32
    %scan3A_17 = arith.addi %scan3A_15, %scan3A_16 : i32
    %scan3A_18 = arith.constant 1 : i32
    %scan3A_19 = scf.for %scan3A_73 = %scan3A_15 to %scan3A_17 step %scan3A_18 iter_args(%scan3A_74 = %scan3A) -> (i32)  : i32 {
      %jit3A_75 = arith.constant 80 : i32
      %eq3A_76 = arith.constant 0 : i32
      %eq3A_77 = arith.cmpi eq, %jit3A_75, %eq3A_76 : i32
      %jit3A_78 = arith.constant 1 : i32
      %select_n3A_79 = arith.select %eq3A_77, %jit3A_78, %jit3A_75 : i32
      %rem3A = arith.remsi %scan3A_73, %select_n3A_79 : i32
      %ne3A = arith.constant 0 : i32
      %ne3A_80 = arith.cmpi ne, %rem3A, %ne3A : i32
      %lt3A = arith.constant 0 : i32
      %lt3A_81 = arith.cmpi slt, %rem3A, %lt3A : i32
      %lt3A_82 = arith.constant 0 : i32
      %lt3A_83 = arith.cmpi slt, %select_n3A_79, %lt3A_82 : i32
      %ne3A_84 = arith.xori %lt3A_81, %lt3A_83 : i1
      %and3A = arith.andi %ne3A_84, %ne3A_80 : i1
      %add3A_85 = arith.addi %rem3A, %select_n3A_79 : i32
      %select_n3A_86 = arith.select %and3A, %add3A_85, %rem3A : i32
      %swap3A = arith.index_cast %select_n3A_86 : i32 to index
      %swap3A_87 = arith.constant 0 : index
      %swap3A_88 = tpu.vector_load %arg23[%swap3A, %swap3A_87] {strides = array<i32>} : memref<80x128xf32, #tpu.memory_space<vmem>>, vector<1x16xf32>,
      %swap3A_89 = vector.shape_cast %swap3A_88 : vector<1x16xf32> to vector<16xf32>
      %swap3A_90 = vector.shape_cast %select_n3A : vector<16xf32> to vector<1x16xf32>
      tpu.vector_store %arg23[%swap3A, %swap3A_87], %swap3A_90 {strides = array<i32>} : memref<80x128xf32, #tpu.memory_space<vmem>>, vector<1x16xf32>,
      %jit3A_91 = arith.constant 80 : i32
      %eq3A_92 = arith.constant 0 : i32
      %eq3A_93 = arith.cmpi eq, %jit3A_91, %eq3A_92 : i32
      %jit3A_94 = arith.constant 1 : i32
      %select_n3A_95 = arith.select %eq3A_93, %jit3A_94, %jit3A_91 : i32
      %rem3A_96 = arith.remsi %scan3A_73, %select_n3A_95 : i32
      %ne3A_97 = arith.constant 0 : i32
      %ne3A_98 = arith.cmpi ne, %rem3A_96, %ne3A_97 : i32
      %lt3A_99 = arith.constant 0 : i32
      %lt3A_100 = arith.cmpi slt, %rem3A_96, %lt3A_99 : i32
      %lt3A_101 = arith.constant 0 : i32
      %lt3A_102 = arith.cmpi slt, %select_n3A_95, %lt3A_101 : i32
      %ne3A_103 = arith.xori %lt3A_100, %lt3A_102 : i1
      %and3A_104 = arith.andi %ne3A_103, %ne3A_98 : i1
      %add3A_105 = arith.addi %rem3A_96, %select_n3A_95 : i32
      %select_n3A_106 = arith.select %and3A_104, %add3A_105, %rem3A_96 : i32
      %swap3A_107 = arith.index_cast %select_n3A_106 : i32 to index
      %swap3A_108 = arith.constant 0 : index
      %swap3A_109 = tpu.vector_load %arg22[%swap3A_107, %swap3A_108] {strides = array<i32>} : memref<80x128xf32, #tpu.memory_space<vmem>>, vector<1x16xf32>,
      %swap3A_110 = vector.shape_cast %swap3A_109 : vector<1x16xf32> to vector<16xf32>
      %swap3A_111 = vector.shape_cast %select_n3A_12 : vector<16xf32> to vector<1x16xf32>
      tpu.vector_store %arg22[%swap3A_107, %swap3A_108], %swap3A_111 {strides = array<i32>} : memref<80x128xf32, #tpu.memory_space<vmem>>, vector<1x16xf32>,
      %jit3A_112 = arith.constant 80 : i32
      %eq3A_113 = arith.constant 0 : i32
      %eq3A_114 = arith.cmpi eq, %jit3A_112, %eq3A_113 : i32
      %jit3A_115 = arith.constant 1 : i32
      %select_n3A_116 = arith.select %eq3A_114, %jit3A_115, %jit3A_112 : i32
      %rem3A_117 = arith.remsi %scan3A_73, %select_n3A_116 : i32
      %ne3A_118 = arith.constant 0 : i32
      %ne3A_119 = arith.cmpi ne, %rem3A_117, %ne3A_118 : i32
      %lt3A_120 = arith.constant 0 : i32
      %lt3A_121 = arith.cmpi slt, %rem3A_117, %lt3A_120 : i32
      %lt3A_122 = arith.constant 0 : i32
      %lt3A_123 = arith.cmpi slt, %select_n3A_116, %lt3A_122 : i32
      %ne3A_124 = arith.xori %lt3A_121, %lt3A_123 : i1
      %and3A_125 = arith.andi %ne3A_124, %ne3A_119 : i1
      %add3A_126 = arith.addi %rem3A_117, %select_n3A_116 : i32
      %select_n3A_127 = arith.select %and3A_125, %add3A_126, %rem3A_117 : i32
      %swap3A_128 = arith.index_cast %select_n3A_127 : i32 to index
      %swap3A_129 = arith.constant 16 : index
      %swap3A_130 = tpu.vector_load %arg23[%swap3A_128, %swap3A_129] {strides = array<i32>} : memref<80x128xf32, #tpu.memory_space<vmem>>, vector<1x16xf32>,
      %swap3A_131 = vector.shape_cast %swap3A_130 : vector<1x16xf32> to vector<16xf32>
      %swap3A_132 = vector.shape_cast %broadcast_in_dim3A_14 : vector<16xf32> to vector<1x16xf32>
      tpu.vector_store %arg23[%swap3A_128, %swap3A_129], %swap3A_132 {strides = array<i32>} : memref<80x128xf32, #tpu.memory_space<vmem>>, vector<1x16xf32>,
      %jit3A_133 = arith.constant 80 : i32
      %eq3A_134 = arith.constant 0 : i32
      %eq3A_135 = arith.cmpi eq, %jit3A_133, %eq3A_134 : i32
      %jit3A_136 = arith.constant 1 : i32
      %select_n3A_137 = arith.select %eq3A_135, %jit3A_136, %jit3A_133 : i32
      %rem3A_138 = arith.remsi %scan3A_73, %select_n3A_137 : i32
      %ne3A_139 = arith.constant 0 : i32
      %ne3A_140 = arith.cmpi ne, %rem3A_138, %ne3A_139 : i32
      %lt3A_141 = arith.constant 0 : i32
      %lt3A_142 = arith.cmpi slt, %rem3A_138, %lt3A_141 : i32
      %lt3A_143 = arith.constant 0 : i32
      %lt3A_144 = arith.cmpi slt, %select_n3A_137, %lt3A_143 : i32
      %ne3A_145 = arith.xori %lt3A_142, %lt3A_144 : i1
      %and3A_146 = arith.andi %ne3A_145, %ne3A_140 : i1
      %add3A_147 = arith.addi %rem3A_138, %select_n3A_137 : i32
      %select_n3A_148 = arith.select %and3A_146, %add3A_147, %rem3A_138 : i32
      %swap3A_149 = arith.index_cast %select_n3A_148 : i32 to index
      %swap3A_150 = arith.constant 16 : index
      %swap3A_151 = tpu.vector_load %arg22[%swap3A_149, %swap3A_150] {strides = array<i32>} : memref<80x128xf32, #tpu.memory_space<vmem>>, vector<1x16xf32>,
      %swap3A_152 = vector.shape_cast %swap3A_151 : vector<1x16xf32> to vector<16xf32>
      %swap3A_153 = vector.shape_cast %broadcast_in_dim3A_14 : vector<16xf32> to vector<1x16xf32>
      tpu.vector_store %arg22[%swap3A_149, %swap3A_150], %swap3A_153 {strides = array<i32>} : memref<80x128xf32, #tpu.memory_space<vmem>>, vector<1x16xf32>,
      %jit3A_154 = arith.constant 80 : i32
      %eq3A_155 = arith.constant 0 : i32
      %eq3A_156 = arith.cmpi eq, %jit3A_154, %eq3A_155 : i32
      %jit3A_157 = arith.constant 1 : i32
      %select_n3A_158 = arith.select %eq3A_156, %jit3A_157, %jit3A_154 : i32
      %rem3A_159 = arith.remsi %scan3A_73, %select_n3A_158 : i32
      %ne3A_160 = arith.constant 0 : i32
      %ne3A_161 = arith.cmpi ne, %rem3A_159, %ne3A_160 : i32
      %lt3A_162 = arith.constant 0 : i32
      %lt3A_163 = arith.cmpi slt, %rem3A_159, %lt3A_162 : i32
      %lt3A_164 = arith.constant 0 : i32
      %lt3A_165 = arith.cmpi slt, %select_n3A_158, %lt3A_164 : i32
      %ne3A_166 = arith.xori %lt3A_163, %lt3A_165 : i1
      %and3A_167 = arith.andi %ne3A_166, %ne3A_161 : i1
      %add3A_168 = arith.addi %rem3A_159, %select_n3A_158 : i32
      %select_n3A_169 = arith.select %and3A_167, %add3A_168, %rem3A_159 : i32
      %swap3A_170 = arith.index_cast %select_n3A_169 : i32 to index
      %swap3A_171 = arith.constant 32 : index
      %swap3A_172 = tpu.vector_load %arg23[%swap3A_170, %swap3A_171] {strides = array<i32>} : memref<80x128xf32, #tpu.memory_space<vmem>>, vector<1x16xf32>,
      %swap3A_173 = vector.shape_cast %swap3A_172 : vector<1x16xf32> to vector<16xf32>
      %swap3A_174 = vector.shape_cast %broadcast_in_dim3A_14 : vector<16xf32> to vector<1x16xf32>
      tpu.vector_store %arg23[%swap3A_170, %swap3A_171], %swap3A_174 {strides = array<i32>} : memref<80x128xf32, #tpu.memory_space<vmem>>, vector<1x16xf32>,
      %jit3A_175 = arith.constant 80 : i32
      %eq3A_176 = arith.constant 0 : i32
      %eq3A_177 = arith.cmpi eq, %jit3A_175, %eq3A_176 : i32
      %jit3A_178 = arith.constant 1 : i32
      %select_n3A_179 = arith.select %eq3A_177, %jit3A_178, %jit3A_175 : i32
      %rem3A_180 = arith.remsi %scan3A_73, %select_n3A_179 : i32
      %ne3A_181 = arith.constant 0 : i32
      %ne3A_182 = arith.cmpi ne, %rem3A_180, %ne3A_181 : i32
      %lt3A_183 = arith.constant 0 : i32
      %lt3A_184 = arith.cmpi slt, %rem3A_180, %lt3A_183 : i32
      %lt3A_185 = arith.constant 0 : i32
      %lt3A_186 = arith.cmpi slt, %select_n3A_179, %lt3A_185 : i32
      %ne3A_187 = arith.xori %lt3A_184, %lt3A_186 : i1
      %and3A_188 = arith.andi %ne3A_187, %ne3A_182 : i1
      %add3A_189 = arith.addi %rem3A_180, %select_n3A_179 : i32
      %select_n3A_190 = arith.select %and3A_188, %add3A_189, %rem3A_180 : i32
      %swap3A_191 = arith.index_cast %select_n3A_190 : i32 to index
      %swap3A_192 = arith.constant 32 : index
      %swap3A_193 = tpu.vector_load %arg22[%swap3A_191, %swap3A_192] {strides = array<i32>} : memref<80x128xf32, #tpu.memory_space<vmem>>, vector<1x16xf32>,
      %swap3A_194 = vector.shape_cast %swap3A_193 : vector<1x16xf32> to vector<16xf32>
      %swap3A_195 = vector.shape_cast %broadcast_in_dim3A_14 : vector<16xf32> to vector<1x16xf32>
      tpu.vector_store %arg22[%swap3A_191, %swap3A_192], %swap3A_195 {strides = array<i32>} : memref<80x128xf32, #tpu.memory_space<vmem>>, vector<1x16xf32>,
      %jit3A_196 = arith.constant 80 : i32
      %eq3A_197 = arith.constant 0 : i32
      %eq3A_198 = arith.cmpi eq, %jit3A_196, %eq3A_197 : i32
      %jit3A_199 = arith.constant 1 : i32
      %select_n3A_200 = arith.select %eq3A_198, %jit3A_199, %jit3A_196 : i32
      %rem3A_201 = arith.remsi %scan3A_73, %select_n3A_200 : i32
      %ne3A_202 = arith.constant 0 : i32
      %ne3A_203 = arith.cmpi ne, %rem3A_201, %ne3A_202 : i32
      %lt3A_204 = arith.constant 0 : i32
      %lt3A_205 = arith.cmpi slt, %rem3A_201, %lt3A_204 : i32
      %lt3A_206 = arith.constant 0 : i32
      %lt3A_207 = arith.cmpi slt, %select_n3A_200, %lt3A_206 : i32
      %ne3A_208 = arith.xori %lt3A_205, %lt3A_207 : i1
      %and3A_209 = arith.andi %ne3A_208, %ne3A_203 : i1
      %add3A_210 = arith.addi %rem3A_201, %select_n3A_200 : i32
      %select_n3A_211 = arith.select %and3A_209, %add3A_210, %rem3A_201 : i32
      %swap3A_212 = arith.index_cast %select_n3A_211 : i32 to index
      %swap3A_213 = arith.constant 48 : index
      %swap3A_214 = tpu.vector_load %arg23[%swap3A_212, %swap3A_213] {strides = array<i32>} : memref<80x128xf32, #tpu.memory_space<vmem>>, vector<1x16xf32>,
      %swap3A_215 = vector.shape_cast %swap3A_214 : vector<1x16xf32> to vector<16xf32>
      %swap3A_216 = vector.shape_cast %broadcast_in_dim3A_14 : vector<16xf32> to vector<1x16xf32>
      tpu.vector_store %arg23[%swap3A_212, %swap3A_213], %swap3A_216 {strides = array<i32>} : memref<80x128xf32, #tpu.memory_space<vmem>>, vector<1x16xf32>,
      %jit3A_217 = arith.constant 80 : i32
      %eq3A_218 = arith.constant 0 : i32
      %eq3A_219 = arith.cmpi eq, %jit3A_217, %eq3A_218 : i32
      %jit3A_220 = arith.constant 1 : i32
      %select_n3A_221 = arith.select %eq3A_219, %jit3A_220, %jit3A_217 : i32
      %rem3A_222 = arith.remsi %scan3A_73, %select_n3A_221 : i32
      %ne3A_223 = arith.constant 0 : i32
      %ne3A_224 = arith.cmpi ne, %rem3A_222, %ne3A_223 : i32
      %lt3A_225 = arith.constant 0 : i32
      %lt3A_226 = arith.cmpi slt, %rem3A_222, %lt3A_225 : i32
      %lt3A_227 = arith.constant 0 : i32
      %lt3A_228 = arith.cmpi slt, %select_n3A_221, %lt3A_227 : i32
      %ne3A_229 = arith.xori %lt3A_226, %lt3A_228 : i1
      %and3A_230 = arith.andi %ne3A_229, %ne3A_224 : i1
      %add3A_231 = arith.addi %rem3A_222, %select_n3A_221 : i32
      %select_n3A_232 = arith.select %and3A_230, %add3A_231, %rem3A_222 : i32
      %swap3A_233 = arith.index_cast %select_n3A_232 : i32 to index
      %swap3A_234 = arith.constant 48 : index
      %swap3A_235 = tpu.vector_load %arg22[%swap3A_233, %swap3A_234] {strides = array<i32>} : memref<80x128xf32, #tpu.memory_space<vmem>>, vector<1x16xf32>,
      %swap3A_236 = vector.shape_cast %swap3A_235 : vector<1x16xf32> to vector<16xf32>
      %swap3A_237 = vector.shape_cast %broadcast_in_dim3A_14 : vector<16xf32> to vector<1x16xf32>
      tpu.vector_store %arg22[%swap3A_233, %swap3A_234], %swap3A_237 {strides = array<i32>} : memref<80x128xf32, #tpu.memory_space<vmem>>, vector<1x16xf32>,
      %jit3A_238 = arith.constant 80 : i32
      %eq3A_239 = arith.constant 0 : i32
      %eq3A_240 = arith.cmpi eq, %jit3A_238, %eq3A_239 : i32
      %jit3A_241 = arith.constant 1 : i32
      %select_n3A_242 = arith.select %eq3A_240, %jit3A_241, %jit3A_238 : i32
      %rem3A_243 = arith.remsi %scan3A_73, %select_n3A_242 : i32
      %ne3A_244 = arith.constant 0 : i32
      %ne3A_245 = arith.cmpi ne, %rem3A_243, %ne3A_244 : i32
      %lt3A_246 = arith.constant 0 : i32
      %lt3A_247 = arith.cmpi slt, %rem3A_243, %lt3A_246 : i32
      %lt3A_248 = arith.constant 0 : i32
      %lt3A_249 = arith.cmpi slt, %select_n3A_242, %lt3A_248 : i32
      %ne3A_250 = arith.xori %lt3A_247, %lt3A_249 : i1
      %and3A_251 = arith.andi %ne3A_250, %ne3A_245 : i1
      %add3A_252 = arith.addi %rem3A_243, %select_n3A_242 : i32
      %select_n3A_253 = arith.select %and3A_251, %add3A_252, %rem3A_243 : i32
      %swap3A_254 = arith.index_cast %select_n3A_253 : i32 to index
      %swap3A_255 = arith.constant 64 : index
      %swap3A_256 = tpu.vector_load %arg23[%swap3A_254, %swap3A_255] {strides = array<i32>} : memref<80x128xf32, #tpu.memory_space<vmem>>, vector<1x16xf32>,
      %swap3A_257 = vector.shape_cast %swap3A_256 : vector<1x16xf32> to vector<16xf32>
      %swap3A_258 = vector.shape_cast %broadcast_in_dim3A_14 : vector<16xf32> to vector<1x16xf32>
      tpu.vector_store %arg23[%swap3A_254, %swap3A_255], %swap3A_258 {strides = array<i32>} : memref<80x128xf32, #tpu.memory_space<vmem>>, vector<1x16xf32>,
      %jit3A_259 = arith.constant 80 : i32
      %eq3A_260 = arith.constant 0 : i32
      %eq3A_261 = arith.cmpi eq, %jit3A_259, %eq3A_260 : i32
      %jit3A_262 = arith.constant 1 : i32
      %select_n3A_263 = arith.select %eq3A_261, %jit3A_262, %jit3A_259 : i32
      %rem3A_264 = arith.remsi %scan3A_73, %select_n3A_263 : i32
      %ne3A_265 = arith.constant 0 : i32
      %ne3A_266 = arith.cmpi ne, %rem3A_264, %ne3A_265 : i32
      %lt3A_267 = arith.constant 0 : i32
      %lt3A_268 = arith.cmpi slt, %rem3A_264, %lt3A_267 : i32
      %lt3A_269 = arith.constant 0 : i32
      %lt3A_270 = arith.cmpi slt, %select_n3A_263, %lt3A_269 : i32
      %ne3A_271 = arith.xori %lt3A_268, %lt3A_270 : i1
      %and3A_272 = arith.andi %ne3A_271, %ne3A_266 : i1
      %add3A_273 = arith.addi %rem3A_264, %select_n3A_263 : i32
      %select_n3A_274 = arith.select %and3A_272, %add3A_273, %rem3A_264 : i32
      %swap3A_275 = arith.index_cast %select_n3A_274 : i32 to index
      %swap3A_276 = arith.constant 64 : index
      %swap3A_277 = tpu.vector_load %arg22[%swap3A_275, %swap3A_276] {strides = array<i32>} : memref<80x128xf32, #tpu.memory_space<vmem>>, vector<1x16xf32>,
      %swap3A_278 = vector.shape_cast %swap3A_277 : vector<1x16xf32> to vector<16xf32>
      %swap3A_279 = vector.shape_cast %broadcast_in_dim3A_14 : vector<16xf32> to vector<1x16xf32>
      tpu.vector_store %arg22[%swap3A_275, %swap3A_276], %swap3A_279 {strides = array<i32>} : memref<80x128xf32, #tpu.memory_space<vmem>>, vector<1x16xf32>,
      %jit3A_280 = arith.constant 80 : i32
      %eq3A_281 = arith.constant 0 : i32
      %eq3A_282 = arith.cmpi eq, %jit3A_280, %eq3A_281 : i32
      %jit3A_283 = arith.constant 1 : i32
      %select_n3A_284 = arith.select %eq3A_282, %jit3A_283, %jit3A_280 : i32
      %rem3A_285 = arith.remsi %scan3A_73, %select_n3A_284 : i32
      %ne3A_286 = arith.constant 0 : i32
      %ne3A_287 = arith.cmpi ne, %rem3A_285, %ne3A_286 : i32
      %lt3A_288 = arith.constant 0 : i32
      %lt3A_289 = arith.cmpi slt, %rem3A_285, %lt3A_288 : i32
      %lt3A_290 = arith.constant 0 : i32
      %lt3A_291 = arith.cmpi slt, %select_n3A_284, %lt3A_290 : i32
      %ne3A_292 = arith.xori %lt3A_289, %lt3A_291 : i1
      %and3A_293 = arith.andi %ne3A_292, %ne3A_287 : i1
      %add3A_294 = arith.addi %rem3A_285, %select_n3A_284 : i32
      %select_n3A_295 = arith.select %and3A_293, %add3A_294, %rem3A_285 : i32
      %swap3A_296 = arith.index_cast %select_n3A_295 : i32 to index
      %swap3A_297 = arith.constant 80 : index
      %swap3A_298 = tpu.vector_load %arg23[%swap3A_296, %swap3A_297] {strides = array<i32>} : memref<80x128xf32, #tpu.memory_space<vmem>>, vector<1x16xf32>,
      %swap3A_299 = vector.shape_cast %swap3A_298 : vector<1x16xf32> to vector<16xf32>
      %swap3A_300 = vector.shape_cast %broadcast_in_dim3A_14 : vector<16xf32> to vector<1x16xf32>
      tpu.vector_store %arg23[%swap3A_296, %swap3A_297], %swap3A_300 {strides = array<i32>} : memref<80x128xf32, #tpu.memory_space<vmem>>, vector<1x16xf32>,
      %jit3A_301 = arith.constant 80 : i32
      %eq3A_302 = arith.constant 0 : i32
      %eq3A_303 = arith.cmpi eq, %jit3A_301, %eq3A_302 : i32
      %jit3A_304 = arith.constant 1 : i32
      %select_n3A_305 = arith.select %eq3A_303, %jit3A_304, %jit3A_301 : i32
      %rem3A_306 = arith.remsi %scan3A_73, %select_n3A_305 : i32
      %ne3A_307 = arith.constant 0 : i32
      %ne3A_308 = arith.cmpi ne, %rem3A_306, %ne3A_307 : i32
      %lt3A_309 = arith.constant 0 : i32
      %lt3A_310 = arith.cmpi slt, %rem3A_306, %lt3A_309 : i32
      %lt3A_311 = arith.constant 0 : i32
      %lt3A_312 = arith.cmpi slt, %select_n3A_305, %lt3A_311 : i32
      %ne3A_313 = arith.xori %lt3A_310, %lt3A_312 : i1
      %and3A_314 = arith.andi %ne3A_313, %ne3A_308 : i1
      %add3A_315 = arith.addi %rem3A_306, %select_n3A_305 : i32
      %select_n3A_316 = arith.select %and3A_314, %add3A_315, %rem3A_306 : i32
      %swap3A_317 = arith.index_cast %select_n3A_316 : i32 to index
      %swap3A_318 = arith.constant 80 : index
      %swap3A_319 = tpu.vector_load %arg22[%swap3A_317, %swap3A_318] {strides = array<i32>} : memref<80x128xf32, #tpu.memory_space<vmem>>, vector<1x16xf32>,
      %swap3A_320 = vector.shape_cast %swap3A_319 : vector<1x16xf32> to vector<16xf32>
      %swap3A_321 = vector.shape_cast %broadcast_in_dim3A_14 : vector<16xf32> to vector<1x16xf32>
      tpu.vector_store %arg22[%swap3A_317, %swap3A_318], %swap3A_321 {strides = array<i32>} : memref<80x128xf32, #tpu.memory_space<vmem>>, vector<1x16xf32>,
      %jit3A_322 = arith.constant 80 : i32
      %eq3A_323 = arith.constant 0 : i32
      %eq3A_324 = arith.cmpi eq, %jit3A_322, %eq3A_323 : i32
      %jit3A_325 = arith.constant 1 : i32
      %select_n3A_326 = arith.select %eq3A_324, %jit3A_325, %jit3A_322 : i32
      %rem3A_327 = arith.remsi %scan3A_73, %select_n3A_326 : i32
      %ne3A_328 = arith.constant 0 : i32
      %ne3A_329 = arith.cmpi ne, %rem3A_327, %ne3A_328 : i32
      %lt3A_330 = arith.constant 0 : i32
      %lt3A_331 = arith.cmpi slt, %rem3A_327, %lt3A_330 : i32
      %lt3A_332 = arith.constant 0 : i32
      %lt3A_333 = arith.cmpi slt, %select_n3A_326, %lt3A_332 : i32
      %ne3A_334 = arith.xori %lt3A_331, %lt3A_333 : i1
      %and3A_335 = arith.andi %ne3A_334, %ne3A_329 : i1
      %add3A_336 = arith.addi %rem3A_327, %select_n3A_326 : i32
      %select_n3A_337 = arith.select %and3A_335, %add3A_336, %rem3A_327 : i32
      %swap3A_338 = arith.index_cast %select_n3A_337 : i32 to index
      %swap3A_339 = arith.constant 96 : index
      %swap3A_340 = tpu.vector_load %arg23[%swap3A_338, %swap3A_339] {strides = array<i32>} : memref<80x128xf32, #tpu.memory_space<vmem>>, vector<1x16xf32>,
      %swap3A_341 = vector.shape_cast %swap3A_340 : vector<1x16xf32> to vector<16xf32>
      %swap3A_342 = vector.shape_cast %broadcast_in_dim3A_14 : vector<16xf32> to vector<1x16xf32>
      tpu.vector_store %arg23[%swap3A_338, %swap3A_339], %swap3A_342 {strides = array<i32>} : memref<80x128xf32, #tpu.memory_space<vmem>>, vector<1x16xf32>,
      %jit3A_343 = arith.constant 80 : i32
      %eq3A_344 = arith.constant 0 : i32
      %eq3A_345 = arith.cmpi eq, %jit3A_343, %eq3A_344 : i32
      %jit3A_346 = arith.constant 1 : i32
      %select_n3A_347 = arith.select %eq3A_345, %jit3A_346, %jit3A_343 : i32
      %rem3A_348 = arith.remsi %scan3A_73, %select_n3A_347 : i32
      %ne3A_349 = arith.constant 0 : i32
      %ne3A_350 = arith.cmpi ne, %rem3A_348, %ne3A_349 : i32
      %lt3A_351 = arith.constant 0 : i32
      %lt3A_352 = arith.cmpi slt, %rem3A_348, %lt3A_351 : i32
      %lt3A_353 = arith.constant 0 : i32
      %lt3A_354 = arith.cmpi slt, %select_n3A_347, %lt3A_353 : i32
      %ne3A_355 = arith.xori %lt3A_352, %lt3A_354 : i1
      %and3A_356 = arith.andi %ne3A_355, %ne3A_350 : i1
      %add3A_357 = arith.addi %rem3A_348, %select_n3A_347 : i32
      %select_n3A_358 = arith.select %and3A_356, %add3A_357, %rem3A_348 : i32
      %swap3A_359 = arith.index_cast %select_n3A_358 : i32 to index
      %swap3A_360 = arith.constant 96 : index
      %swap3A_361 = tpu.vector_load %arg22[%swap3A_359, %swap3A_360] {strides = array<i32>} : memref<80x128xf32, #tpu.memory_space<vmem>>, vector<1x16xf32>,
      %swap3A_362 = vector.shape_cast %swap3A_361 : vector<1x16xf32> to vector<16xf32>
      %swap3A_363 = vector.shape_cast %broadcast_in_dim3A_14 : vector<16xf32> to vector<1x16xf32>
      tpu.vector_store %arg22[%swap3A_359, %swap3A_360], %swap3A_363 {strides = array<i32>} : memref<80x128xf32, #tpu.memory_space<vmem>>, vector<1x16xf32>,
      %jit3A_364 = arith.constant 80 : i32
      %eq3A_365 = arith.constant 0 : i32
      %eq3A_366 = arith.cmpi eq, %jit3A_364, %eq3A_365 : i32
      %jit3A_367 = arith.constant 1 : i32
      %select_n3A_368 = arith.select %eq3A_366, %jit3A_367, %jit3A_364 : i32
      %rem3A_369 = arith.remsi %scan3A_73, %select_n3A_368 : i32
      %ne3A_370 = arith.constant 0 : i32
      %ne3A_371 = arith.cmpi ne, %rem3A_369, %ne3A_370 : i32
      %lt3A_372 = arith.constant 0 : i32
      %lt3A_373 = arith.cmpi slt, %rem3A_369, %lt3A_372 : i32
      %lt3A_374 = arith.constant 0 : i32
      %lt3A_375 = arith.cmpi slt, %select_n3A_368, %lt3A_374 : i32
      %ne3A_376 = arith.xori %lt3A_373, %lt3A_375 : i1
      %and3A_377 = arith.andi %ne3A_376, %ne3A_371 : i1
      %add3A_378 = arith.addi %rem3A_369, %select_n3A_368 : i32
      %select_n3A_379 = arith.select %and3A_377, %add3A_378, %rem3A_369 : i32
      %swap3A_380 = arith.index_cast %select_n3A_379 : i32 to index
      %swap3A_381 = arith.constant 112 : index
      %swap3A_382 = tpu.vector_load %arg23[%swap3A_380, %swap3A_381] {strides = array<i32>} : memref<80x128xf32, #tpu.memory_space<vmem>>, vector<1x16xf32>,
      %swap3A_383 = vector.shape_cast %swap3A_382 : vector<1x16xf32> to vector<16xf32>
      %swap3A_384 = vector.shape_cast %broadcast_in_dim3A_14 : vector<16xf32> to vector<1x16xf32>
      tpu.vector_store %arg23[%swap3A_380, %swap3A_381], %swap3A_384 {strides = array<i32>} : memref<80x128xf32, #tpu.memory_space<vmem>>, vector<1x16xf32>,
      %jit3A_385 = arith.constant 80 : i32
      %eq3A_386 = arith.constant 0 : i32
      %eq3A_387 = arith.cmpi eq, %jit3A_385, %eq3A_386 : i32
      %jit3A_388 = arith.constant 1 : i32
      %select_n3A_389 = arith.select %eq3A_387, %jit3A_388, %jit3A_385 : i32
      %rem3A_390 = arith.remsi %scan3A_73, %select_n3A_389 : i32
      %ne3A_391 = arith.constant 0 : i32
      %ne3A_392 = arith.cmpi ne, %rem3A_390, %ne3A_391 : i32
      %lt3A_393 = arith.constant 0 : i32
      %lt3A_394 = arith.cmpi slt, %rem3A_390, %lt3A_393 : i32
      %lt3A_395 = arith.constant 0 : i32
      %lt3A_396 = arith.cmpi slt, %select_n3A_389, %lt3A_395 : i32
      %ne3A_397 = arith.xori %lt3A_394, %lt3A_396 : i1
      %and3A_398 = arith.andi %ne3A_397, %ne3A_392 : i1
      %add3A_399 = arith.addi %rem3A_390, %select_n3A_389 : i32
      %select_n3A_400 = arith.select %and3A_398, %add3A_399, %rem3A_390 : i32
      %swap3A_401 = arith.index_cast %select_n3A_400 : i32 to index
      %swap3A_402 = arith.constant 112 : index
      %swap3A_403 = tpu.vector_load %arg22[%swap3A_401, %swap3A_402] {strides = array<i32>} : memref<80x128xf32, #tpu.memory_space<vmem>>, vector<1x16xf32>,
      %swap3A_404 = vector.shape_cast %swap3A_403 : vector<1x16xf32> to vector<16xf32>
      %swap3A_405 = vector.shape_cast %broadcast_in_dim3A_14 : vector<16xf32> to vector<1x16xf32>
      tpu.vector_store %arg22[%swap3A_401, %swap3A_402], %swap3A_405 {strides = array<i32>} : memref<80x128xf32, #tpu.memory_space<vmem>>, vector<1x16xf32>,
      %jit3A_406 = arith.constant 64 : i32
      %eq3A_407 = arith.constant 0 : i32
      %eq3A_408 = arith.cmpi eq, %jit3A_406, %eq3A_407 : i32
      %jit3A_409 = arith.constant 1 : i32
      %select_n3A_410 = arith.select %eq3A_408, %jit3A_409, %jit3A_406 : i32
      %rem3A_411 = arith.remsi %scan3A_73, %select_n3A_410 : i32
      %ne3A_412 = arith.constant 0 : i32
      %ne3A_413 = arith.cmpi ne, %rem3A_411, %ne3A_412 : i32
      %lt3A_414 = arith.constant 0 : i32
      %lt3A_415 = arith.cmpi slt, %rem3A_411, %lt3A_414 : i32
      %lt3A_416 = arith.constant 0 : i32
      %lt3A_417 = arith.cmpi slt, %select_n3A_410, %lt3A_416 : i32
      %ne3A_418 = arith.xori %lt3A_415, %lt3A_417 : i1
      %and3A_419 = arith.andi %ne3A_418, %ne3A_413 : i1
      %add3A_420 = arith.addi %rem3A_411, %select_n3A_410 : i32
      %select_n3A_421 = arith.select %and3A_419, %add3A_420, %rem3A_411 : i32
      %swap3A_422 = arith.index_cast %select_n3A_421 : i32 to index
      %swap3A_423 = arith.constant 0 : index
      %swap3A_424 = tpu.vector_load %arg28[%swap3A_422, %swap3A_423] {strides = array<i32>} : memref<64x128xf32, #tpu.memory_space<vmem>>, vector<1x16xf32>,
      %swap3A_425 = vector.shape_cast %swap3A_424 : vector<1x16xf32> to vector<16xf32>
      %swap3A_426 = vector.shape_cast %broadcast_in_dim3A_14 : vector<16xf32> to vector<1x16xf32>
      tpu.vector_store %arg28[%swap3A_422, %swap3A_423], %swap3A_426 {strides = array<i32>} : memref<64x128xf32, #tpu.memory_space<vmem>>, vector<1x16xf32>,
      %jit3A_427 = arith.constant 64 : i32
      %eq3A_428 = arith.constant 0 : i32
      %eq3A_429 = arith.cmpi eq, %jit3A_427, %eq3A_428 : i32
      %jit3A_430 = arith.constant 1 : i32
      %select_n3A_431 = arith.select %eq3A_429, %jit3A_430, %jit3A_427 : i32
      %rem3A_432 = arith.remsi %scan3A_73, %select_n3A_431 : i32
      %ne3A_433 = arith.constant 0 : i32
      %ne3A_434 = arith.cmpi ne, %rem3A_432, %ne3A_433 : i32
      %lt3A_435 = arith.constant 0 : i32
      %lt3A_436 = arith.cmpi slt, %rem3A_432, %lt3A_435 : i32
      %lt3A_437 = arith.constant 0 : i32
      %lt3A_438 = arith.cmpi slt, %select_n3A_431, %lt3A_437 : i32
      %ne3A_439 = arith.xori %lt3A_436, %lt3A_438 : i1
      %and3A_440 = arith.andi %ne3A_439, %ne3A_434 : i1
      %add3A_441 = arith.addi %rem3A_432, %select_n3A_431 : i32
      %select_n3A_442 = arith.select %and3A_440, %add3A_441, %rem3A_432 : i32
      %swap3A_443 = arith.index_cast %select_n3A_442 : i32 to index
      %swap3A_444 = arith.constant 16 : index
      %swap3A_445 = tpu.vector_load %arg28[%swap3A_443, %swap3A_444] {strides = array<i32>} : memref<64x128xf32, #tpu.memory_space<vmem>>, vector<1x16xf32>,
      %swap3A_446 = vector.shape_cast %swap3A_445 : vector<1x16xf32> to vector<16xf32>
      %swap3A_447 = vector.shape_cast %broadcast_in_dim3A_14 : vector<16xf32> to vector<1x16xf32>
      tpu.vector_store %arg28[%swap3A_443, %swap3A_444], %swap3A_447 {strides = array<i32>} : memref<64x128xf32, #tpu.memory_space<vmem>>, vector<1x16xf32>,
      %jit3A_448 = arith.constant 64 : i32
      %eq3A_449 = arith.constant 0 : i32
      %eq3A_450 = arith.cmpi eq, %jit3A_448, %eq3A_449 : i32
      %jit3A_451 = arith.constant 1 : i32
      %select_n3A_452 = arith.select %eq3A_450, %jit3A_451, %jit3A_448 : i32
      %rem3A_453 = arith.remsi %scan3A_73, %select_n3A_452 : i32
      %ne3A_454 = arith.constant 0 : i32
      %ne3A_455 = arith.cmpi ne, %rem3A_453, %ne3A_454 : i32
      %lt3A_456 = arith.constant 0 : i32
      %lt3A_457 = arith.cmpi slt, %rem3A_453, %lt3A_456 : i32
      %lt3A_458 = arith.constant 0 : i32
      %lt3A_459 = arith.cmpi slt, %select_n3A_452, %lt3A_458 : i32
      %ne3A_460 = arith.xori %lt3A_457, %lt3A_459 : i1
      %and3A_461 = arith.andi %ne3A_460, %ne3A_455 : i1
      %add3A_462 = arith.addi %rem3A_453, %select_n3A_452 : i32
      %select_n3A_463 = arith.select %and3A_461, %add3A_462, %rem3A_453 : i32
      %swap3A_464 = arith.index_cast %select_n3A_463 : i32 to index
      %swap3A_465 = arith.constant 32 : index
      %swap3A_466 = tpu.vector_load %arg28[%swap3A_464, %swap3A_465] {strides = array<i32>} : memref<64x128xf32, #tpu.memory_space<vmem>>, vector<1x16xf32>,
      %swap3A_467 = vector.shape_cast %swap3A_466 : vector<1x16xf32> to vector<16xf32>
      %swap3A_468 = vector.shape_cast %broadcast_in_dim3A_14 : vector<16xf32> to vector<1x16xf32>
      tpu.vector_store %arg28[%swap3A_464, %swap3A_465], %swap3A_468 {strides = array<i32>} : memref<64x128xf32, #tpu.memory_space<vmem>>, vector<1x16xf32>,
      %jit3A_469 = arith.constant 64 : i32
      %eq3A_470 = arith.constant 0 : i32
      %eq3A_471 = arith.cmpi eq, %jit3A_469, %eq3A_470 : i32
      %jit3A_472 = arith.constant 1 : i32
      %select_n3A_473 = arith.select %eq3A_471, %jit3A_472, %jit3A_469 : i32
      %rem3A_474 = arith.remsi %scan3A_73, %select_n3A_473 : i32
      %ne3A_475 = arith.constant 0 : i32
      %ne3A_476 = arith.cmpi ne, %rem3A_474, %ne3A_475 : i32
      %lt3A_477 = arith.constant 0 : i32
      %lt3A_478 = arith.cmpi slt, %rem3A_474, %lt3A_477 : i32
      %lt3A_479 = arith.constant 0 : i32
      %lt3A_480 = arith.cmpi slt, %select_n3A_473, %lt3A_479 : i32
      %ne3A_481 = arith.xori %lt3A_478, %lt3A_480 : i1
      %and3A_482 = arith.andi %ne3A_481, %ne3A_476 : i1
      %add3A_483 = arith.addi %rem3A_474, %select_n3A_473 : i32
      %select_n3A_484 = arith.select %and3A_482, %add3A_483, %rem3A_474 : i32
      %swap3A_485 = arith.index_cast %select_n3A_484 : i32 to index
      %swap3A_486 = arith.constant 48 : index
      %swap3A_487 = tpu.vector_load %arg28[%swap3A_485, %swap3A_486] {strides = array<i32>} : memref<64x128xf32, #tpu.memory_space<vmem>>, vector<1x16xf32>,
      %swap3A_488 = vector.shape_cast %swap3A_487 : vector<1x16xf32> to vector<16xf32>
      %swap3A_489 = vector.shape_cast %broadcast_in_dim3A_14 : vector<16xf32> to vector<1x16xf32>
      tpu.vector_store %arg28[%swap3A_485, %swap3A_486], %swap3A_489 {strides = array<i32>} : memref<64x128xf32, #tpu.memory_space<vmem>>, vector<1x16xf32>,
      %jit3A_490 = arith.constant 64 : i32
      %eq3A_491 = arith.constant 0 : i32
      %eq3A_492 = arith.cmpi eq, %jit3A_490, %eq3A_491 : i32
      %jit3A_493 = arith.constant 1 : i32
      %select_n3A_494 = arith.select %eq3A_492, %jit3A_493, %jit3A_490 : i32
      %rem3A_495 = arith.remsi %scan3A_73, %select_n3A_494 : i32
      %ne3A_496 = arith.constant 0 : i32
      %ne3A_497 = arith.cmpi ne, %rem3A_495, %ne3A_496 : i32
      %lt3A_498 = arith.constant 0 : i32
      %lt3A_499 = arith.cmpi slt, %rem3A_495, %lt3A_498 : i32
      %lt3A_500 = arith.constant 0 : i32
      %lt3A_501 = arith.cmpi slt, %select_n3A_494, %lt3A_500 : i32
      %ne3A_502 = arith.xori %lt3A_499, %lt3A_501 : i1
      %and3A_503 = arith.andi %ne3A_502, %ne3A_497 : i1
      %add3A_504 = arith.addi %rem3A_495, %select_n3A_494 : i32
      %select_n3A_505 = arith.select %and3A_503, %add3A_504, %rem3A_495 : i32
      %swap3A_506 = arith.index_cast %select_n3A_505 : i32 to index
      %swap3A_507 = arith.constant 64 : index
      %swap3A_508 = tpu.vector_load %arg28[%swap3A_506, %swap3A_507] {strides = array<i32>} : memref<64x128xf32, #tpu.memory_space<vmem>>, vector<1x16xf32>,
      %swap3A_509 = vector.shape_cast %swap3A_508 : vector<1x16xf32> to vector<16xf32>
      %swap3A_510 = vector.shape_cast %broadcast_in_dim3A_14 : vector<16xf32> to vector<1x16xf32>
      tpu.vector_store %arg28[%swap3A_506, %swap3A_507], %swap3A_510 {strides = array<i32>} : memref<64x128xf32, #tpu.memory_space<vmem>>, vector<1x16xf32>,
      %jit3A_511 = arith.constant 64 : i32
      %eq3A_512 = arith.constant 0 : i32
      %eq3A_513 = arith.cmpi eq, %jit3A_511, %eq3A_512 : i32
      %jit3A_514 = arith.constant 1 : i32
      %select_n3A_515 = arith.select %eq3A_513, %jit3A_514, %jit3A_511 : i32
      %rem3A_516 = arith.remsi %scan3A_73, %select_n3A_515 : i32
      %ne3A_517 = arith.constant 0 : i32
      %ne3A_518 = arith.cmpi ne, %rem3A_516, %ne3A_517 : i32
      %lt3A_519 = arith.constant 0 : i32
      %lt3A_520 = arith.cmpi slt, %rem3A_516, %lt3A_519 : i32
      %lt3A_521 = arith.constant 0 : i32
      %lt3A_522 = arith.cmpi slt, %select_n3A_515, %lt3A_521 : i32
      %ne3A_523 = arith.xori %lt3A_520, %lt3A_522 : i1
      %and3A_524 = arith.andi %ne3A_523, %ne3A_518 : i1
      %add3A_525 = arith.addi %rem3A_516, %select_n3A_515 : i32
      %select_n3A_526 = arith.select %and3A_524, %add3A_525, %rem3A_516 : i32
      %swap3A_527 = arith.index_cast %select_n3A_526 : i32 to index
      %swap3A_528 = arith.constant 80 : index
      %swap3A_529 = tpu.vector_load %arg28[%swap3A_527, %swap3A_528] {strides = array<i32>} : memref<64x128xf32, #tpu.memory_space<vmem>>, vector<1x16xf32>,
      %swap3A_530 = vector.shape_cast %swap3A_529 : vector<1x16xf32> to vector<16xf32>
      %swap3A_531 = vector.shape_cast %broadcast_in_dim3A_14 : vector<16xf32> to vector<1x16xf32>
      tpu.vector_store %arg28[%swap3A_527, %swap3A_528], %swap3A_531 {strides = array<i32>} : memref<64x128xf32, #tpu.memory_space<vmem>>, vector<1x16xf32>,
      %jit3A_532 = arith.constant 64 : i32
      %eq3A_533 = arith.constant 0 : i32
      %eq3A_534 = arith.cmpi eq, %jit3A_532, %eq3A_533 : i32
      %jit3A_535 = arith.constant 1 : i32
      %select_n3A_536 = arith.select %eq3A_534, %jit3A_535, %jit3A_532 : i32
      %rem3A_537 = arith.remsi %scan3A_73, %select_n3A_536 : i32
      %ne3A_538 = arith.constant 0 : i32
      %ne3A_539 = arith.cmpi ne, %rem3A_537, %ne3A_538 : i32
      %lt3A_540 = arith.constant 0 : i32
      %lt3A_541 = arith.cmpi slt, %rem3A_537, %lt3A_540 : i32
      %lt3A_542 = arith.constant 0 : i32
      %lt3A_543 = arith.cmpi slt, %select_n3A_536, %lt3A_542 : i32
      %ne3A_544 = arith.xori %lt3A_541, %lt3A_543 : i1
      %and3A_545 = arith.andi %ne3A_544, %ne3A_539 : i1
      %add3A_546 = arith.addi %rem3A_537, %select_n3A_536 : i32
      %select_n3A_547 = arith.select %and3A_545, %add3A_546, %rem3A_537 : i32
      %swap3A_548 = arith.index_cast %select_n3A_547 : i32 to index
      %swap3A_549 = arith.constant 96 : index
      %swap3A_550 = tpu.vector_load %arg28[%swap3A_548, %swap3A_549] {strides = array<i32>} : memref<64x128xf32, #tpu.memory_space<vmem>>, vector<1x16xf32>,
      %swap3A_551 = vector.shape_cast %swap3A_550 : vector<1x16xf32> to vector<16xf32>
      %swap3A_552 = vector.shape_cast %broadcast_in_dim3A_14 : vector<16xf32> to vector<1x16xf32>
      tpu.vector_store %arg28[%swap3A_548, %swap3A_549], %swap3A_552 {strides = array<i32>} : memref<64x128xf32, #tpu.memory_space<vmem>>, vector<1x16xf32>,
      %jit3A_553 = arith.constant 64 : i32
      %eq3A_554 = arith.constant 0 : i32
      %eq3A_555 = arith.cmpi eq, %jit3A_553, %eq3A_554 : i32
      %jit3A_556 = arith.constant 1 : i32
      %select_n3A_557 = arith.select %eq3A_555, %jit3A_556, %jit3A_553 : i32
      %rem3A_558 = arith.remsi %scan3A_73, %select_n3A_557 : i32
      %ne3A_559 = arith.constant 0 : i32
      %ne3A_560 = arith.cmpi ne, %rem3A_558, %ne3A_559 : i32
      %lt3A_561 = arith.constant 0 : i32
      %lt3A_562 = arith.cmpi slt, %rem3A_558, %lt3A_561 : i32
      %lt3A_563 = arith.constant 0 : i32
      %lt3A_564 = arith.cmpi slt, %select_n3A_557, %lt3A_563 : i32
      %ne3A_565 = arith.xori %lt3A_562, %lt3A_564 : i1
      %and3A_566 = arith.andi %ne3A_565, %ne3A_560 : i1
      %add3A_567 = arith.addi %rem3A_558, %select_n3A_557 : i32
      %select_n3A_568 = arith.select %and3A_566, %add3A_567, %rem3A_558 : i32
      %swap3A_569 = arith.index_cast %select_n3A_568 : i32 to index
      %swap3A_570 = arith.constant 112 : index
      %swap3A_571 = tpu.vector_load %arg28[%swap3A_569, %swap3A_570] {strides = array<i32>} : memref<64x128xf32, #tpu.memory_space<vmem>>, vector<1x16xf32>,
      %swap3A_572 = vector.shape_cast %swap3A_571 : vector<1x16xf32> to vector<16xf32>
      %swap3A_573 = vector.shape_cast %broadcast_in_dim3A_14 : vector<16xf32> to vector<1x16xf32>
      tpu.vector_store %arg28[%swap3A_569, %swap3A_570], %swap3A_573 {strides = array<i32>} : memref<64x128xf32, #tpu.memory_space<vmem>>, vector<1x16xf32>,
      %scan3A_574 = arith.constant 0 : i32
      scf.yield %scan3A_574 : i32
    }
    %scan3A_20 = arith.constant 80 : i32
    %mul3A_21 = arith.constant 640 : i32
    %mul3A_22 = arith.muli %arg1, %mul3A_21 : i32
    %add3A_23 = arith.constant 0 : i32
    %add3A_24 = arith.addi %mul3A_22, %add3A_23 : i32
    "tpu.region"() ({
      %run_scoped3A = tpu.sem_alloc : memref<!tpu.dma_semaphore, #tpu.memory_space<semaphore_mem>>
      %dma_start3A = arith.constant 0 : i32
      %dma_start3A_73 = tpu.memref_slice %arg5[%add3A_24, %dma_start3A] : memref<10240x128xf32, #tpu.memory_space<vmem_shared>> -> memref<64x128xf32, #tpu.memory_space<vmem_shared>>
      %dma_start3A_74 = arith.constant 0 : i32
      %dma_start3A_75 = tpu.memref_slice %arg5[%add3A_24, %dma_start3A_74] : memref<10240x128xf32, #tpu.memory_space<vmem_shared>> -> memref<64x128xf32, #tpu.memory_space<vmem_shared>>
      tpu.enqueue_dma source(%arg28 : memref<64x128xf32, #tpu.memory_space<vmem>>) target(%dma_start3A_75 : memref<64x128xf32, #tpu.memory_space<vmem_shared>>) target_semaphore(%run_scoped3A : memref<!tpu.dma_semaphore, #tpu.memory_space<semaphore_mem>>)
      %dma_wait3A = arith.constant 0 : i32
      %dma_wait3A_76 = tpu.memref_slice %arg5[%add3A_24, %dma_wait3A] : memref<10240x128xf32, #tpu.memory_space<vmem_shared>> -> memref<64x128xf32, #tpu.memory_space<vmem_shared>>
      %dma_wait3A_77 = arith.constant 0 : i32
      %dma_wait3A_78 = tpu.memref_slice %arg5[%add3A_24, %dma_wait3A_77] : memref<10240x128xf32, #tpu.memory_space<vmem_shared>> -> memref<64x128xf32, #tpu.memory_space<vmem_shared>>
      tpu.wait_dma2 semaphore(%run_scoped3A : memref<!tpu.dma_semaphore, #tpu.memory_space<semaphore_mem>>) src(%arg28 : memref<64x128xf32, #tpu.memory_space<vmem>>) dst(%dma_wait3A_78 : memref<64x128xf32, #tpu.memory_space<vmem_shared>>)
      tpu.yield
    }) : () -> ()
    %mul3A_25 = arith.constant 640 : i32
    %mul3A_26 = arith.muli %arg1, %mul3A_25 : i32
    %add3A_27 = arith.constant 64 : i32
    %add3A_28 = arith.addi %mul3A_26, %add3A_27 : i32
    "tpu.region"() ({
      %run_scoped3A = tpu.sem_alloc : memref<!tpu.dma_semaphore, #tpu.memory_space<semaphore_mem>>
      %dma_start3A = arith.constant 0 : i32
      %dma_start3A_73 = tpu.memref_slice %arg5[%add3A_28, %dma_start3A] : memref<10240x128xf32, #tpu.memory_space<vmem_shared>> -> memref<64x128xf32, #tpu.memory_space<vmem_shared>>
      %dma_start3A_74 = arith.constant 0 : i32
      %dma_start3A_75 = tpu.memref_slice %arg5[%add3A_28, %dma_start3A_74] : memref<10240x128xf32, #tpu.memory_space<vmem_shared>> -> memref<64x128xf32, #tpu.memory_space<vmem_shared>>
      tpu.enqueue_dma source(%arg28 : memref<64x128xf32, #tpu.memory_space<vmem>>) target(%dma_start3A_75 : memref<64x128xf32, #tpu.memory_space<vmem_shared>>) target_semaphore(%run_scoped3A : memref<!tpu.dma_semaphore, #tpu.memory_space<semaphore_mem>>)
      %dma_wait3A = arith.constant 0 : i32
      %dma_wait3A_76 = tpu.memref_slice %arg5[%add3A_28, %dma_wait3A] : memref<10240x128xf32, #tpu.memory_space<vmem_shared>> -> memref<64x128xf32, #tpu.memory_space<vmem_shared>>
      %dma_wait3A_77 = arith.constant 0 : i32
      %dma_wait3A_78 = tpu.memref_slice %arg5[%add3A_28, %dma_wait3A_77] : memref<10240x128xf32, #tpu.memory_space<vmem_shared>> -> memref<64x128xf32, #tpu.memory_space<vmem_shared>>
      tpu.wait_dma2 semaphore(%run_scoped3A : memref<!tpu.dma_semaphore, #tpu.memory_space<semaphore_mem>>) src(%arg28 : memref<64x128xf32, #tpu.memory_space<vmem>>) dst(%dma_wait3A_78 : memref<64x128xf32, #tpu.memory_space<vmem_shared>>)
      tpu.yield
    }) : () -> ()
    %mul3A_29 = arith.constant 640 : i32
    %mul3A_30 = arith.muli %arg1, %mul3A_29 : i32
    %add3A_31 = arith.constant 128 : i32
    %add3A_32 = arith.addi %mul3A_30, %add3A_31 : i32
    "tpu.region"() ({
      %run_scoped3A = tpu.sem_alloc : memref<!tpu.dma_semaphore, #tpu.memory_space<semaphore_mem>>
      %dma_start3A = arith.constant 0 : i32
      %dma_start3A_73 = tpu.memref_slice %arg5[%add3A_32, %dma_start3A] : memref<10240x128xf32, #tpu.memory_space<vmem_shared>> -> memref<64x128xf32, #tpu.memory_space<vmem_shared>>
      %dma_start3A_74 = arith.constant 0 : i32
      %dma_start3A_75 = tpu.memref_slice %arg5[%add3A_32, %dma_start3A_74] : memref<10240x128xf32, #tpu.memory_space<vmem_shared>> -> memref<64x128xf32, #tpu.memory_space<vmem_shared>>
      tpu.enqueue_dma source(%arg28 : memref<64x128xf32, #tpu.memory_space<vmem>>) target(%dma_start3A_75 : memref<64x128xf32, #tpu.memory_space<vmem_shared>>) target_semaphore(%run_scoped3A : memref<!tpu.dma_semaphore, #tpu.memory_space<semaphore_mem>>)
      %dma_wait3A = arith.constant 0 : i32
      %dma_wait3A_76 = tpu.memref_slice %arg5[%add3A_32, %dma_wait3A] : memref<10240x128xf32, #tpu.memory_space<vmem_shared>> -> memref<64x128xf32, #tpu.memory_space<vmem_shared>>
      %dma_wait3A_77 = arith.constant 0 : i32
      %dma_wait3A_78 = tpu.memref_slice %arg5[%add3A_32, %dma_wait3A_77] : memref<10240x128xf32, #tpu.memory_space<vmem_shared>> -> memref<64x128xf32, #tpu.memory_space<vmem_shared>>
      tpu.wait_dma2 semaphore(%run_scoped3A : memref<!tpu.dma_semaphore, #tpu.memory_space<semaphore_mem>>) src(%arg28 : memref<64x128xf32, #tpu.memory_space<vmem>>) dst(%dma_wait3A_78 : memref<64x128xf32, #tpu.memory_space<vmem_shared>>)
      tpu.yield
    }) : () -> ()
    %mul3A_33 = arith.constant 640 : i32
    %mul3A_34 = arith.muli %arg1, %mul3A_33 : i32
    %add3A_35 = arith.constant 192 : i32
    %add3A_36 = arith.addi %mul3A_34, %add3A_35 : i32
    "tpu.region"() ({
      %run_scoped3A = tpu.sem_alloc : memref<!tpu.dma_semaphore, #tpu.memory_space<semaphore_mem>>
      %dma_start3A = arith.constant 0 : i32
      %dma_start3A_73 = tpu.memref_slice %arg5[%add3A_36, %dma_start3A] : memref<10240x128xf32, #tpu.memory_space<vmem_shared>> -> memref<64x128xf32, #tpu.memory_space<vmem_shared>>
      %dma_start3A_74 = arith.constant 0 : i32
      %dma_start3A_75 = tpu.memref_slice %arg5[%add3A_36, %dma_start3A_74] : memref<10240x128xf32, #tpu.memory_space<vmem_shared>> -> memref<64x128xf32, #tpu.memory_space<vmem_shared>>
      tpu.enqueue_dma source(%arg28 : memref<64x128xf32, #tpu.memory_space<vmem>>) target(%dma_start3A_75 : memref<64x128xf32, #tpu.memory_space<vmem_shared>>) target_semaphore(%run_scoped3A : memref<!tpu.dma_semaphore, #tpu.memory_space<semaphore_mem>>)
      %dma_wait3A = arith.constant 0 : i32
      %dma_wait3A_76 = tpu.memref_slice %arg5[%add3A_36, %dma_wait3A] : memref<10240x128xf32, #tpu.memory_space<vmem_shared>> -> memref<64x128xf32, #tpu.memory_space<vmem_shared>>
      %dma_wait3A_77 = arith.constant 0 : i32
      %dma_wait3A_78 = tpu.memref_slice %arg5[%add3A_36, %dma_wait3A_77] : memref<10240x128xf32, #tpu.memory_space<vmem_shared>> -> memref<64x128xf32, #tpu.memory_space<vmem_shared>>
      tpu.wait_dma2 semaphore(%run_scoped3A : memref<!tpu.dma_semaphore, #tpu.memory_space<semaphore_mem>>) src(%arg28 : memref<64x128xf32, #tpu.memory_space<vmem>>) dst(%dma_wait3A_78 : memref<64x128xf32, #tpu.memory_space<vmem_shared>>)
      tpu.yield
    }) : () -> ()
    %mul3A_37 = arith.constant 640 : i32
    %mul3A_38 = arith.muli %arg1, %mul3A_37 : i32
    %add3A_39 = arith.constant 256 : i32
    %add3A_40 = arith.addi %mul3A_38, %add3A_39 : i32
    "tpu.region"() ({
      %run_scoped3A = tpu.sem_alloc : memref<!tpu.dma_semaphore, #tpu.memory_space<semaphore_mem>>
      %dma_start3A = arith.constant 0 : i32
      %dma_start3A_73 = tpu.memref_slice %arg5[%add3A_40, %dma_start3A] : memref<10240x128xf32, #tpu.memory_space<vmem_shared>> -> memref<64x128xf32, #tpu.memory_space<vmem_shared>>
      %dma_start3A_74 = arith.constant 0 : i32
      %dma_start3A_75 = tpu.memref_slice %arg5[%add3A_40, %dma_start3A_74] : memref<10240x128xf32, #tpu.memory_space<vmem_shared>> -> memref<64x128xf32, #tpu.memory_space<vmem_shared>>
      tpu.enqueue_dma source(%arg28 : memref<64x128xf32, #tpu.memory_space<vmem>>) target(%dma_start3A_75 : memref<64x128xf32, #tpu.memory_space<vmem_shared>>) target_semaphore(%run_scoped3A : memref<!tpu.dma_semaphore, #tpu.memory_space<semaphore_mem>>)
      %dma_wait3A = arith.constant 0 : i32
      %dma_wait3A_76 = tpu.memref_slice %arg5[%add3A_40, %dma_wait3A] : memref<10240x128xf32, #tpu.memory_space<vmem_shared>> -> memref<64x128xf32, #tpu.memory_space<vmem_shared>>
      %dma_wait3A_77 = arith.constant 0 : i32
      %dma_wait3A_78 = tpu.memref_slice %arg5[%add3A_40, %dma_wait3A_77] : memref<10240x128xf32, #tpu.memory_space<vmem_shared>> -> memref<64x128xf32, #tpu.memory_space<vmem_shared>>
      tpu.wait_dma2 semaphore(%run_scoped3A : memref<!tpu.dma_semaphore, #tpu.memory_space<semaphore_mem>>) src(%arg28 : memref<64x128xf32, #tpu.memory_space<vmem>>) dst(%dma_wait3A_78 : memref<64x128xf32, #tpu.memory_space<vmem_shared>>)
      tpu.yield
    }) : () -> ()
    %mul3A_41 = arith.constant 640 : i32
    %mul3A_42 = arith.muli %arg1, %mul3A_41 : i32
    %add3A_43 = arith.constant 320 : i32
    %add3A_44 = arith.addi %mul3A_42, %add3A_43 : i32
    "tpu.region"() ({
      %run_scoped3A = tpu.sem_alloc : memref<!tpu.dma_semaphore, #tpu.memory_space<semaphore_mem>>
      %dma_start3A = arith.constant 0 : i32
      %dma_start3A_73 = tpu.memref_slice %arg5[%add3A_44, %dma_start3A] : memref<10240x128xf32, #tpu.memory_space<vmem_shared>> -> memref<64x128xf32, #tpu.memory_space<vmem_shared>>
      %dma_start3A_74 = arith.constant 0 : i32
      %dma_start3A_75 = tpu.memref_slice %arg5[%add3A_44, %dma_start3A_74] : memref<10240x128xf32, #tpu.memory_space<vmem_shared>> -> memref<64x128xf32, #tpu.memory_space<vmem_shared>>
      tpu.enqueue_dma source(%arg28 : memref<64x128xf32, #tpu.memory_space<vmem>>) target(%dma_start3A_75 : memref<64x128xf32, #tpu.memory_space<vmem_shared>>) target_semaphore(%run_scoped3A : memref<!tpu.dma_semaphore, #tpu.memory_space<semaphore_mem>>)
      %dma_wait3A = arith.constant 0 : i32
      %dma_wait3A_76 = tpu.memref_slice %arg5[%add3A_44, %dma_wait3A] : memref<10240x128xf32, #tpu.memory_space<vmem_shared>> -> memref<64x128xf32, #tpu.memory_space<vmem_shared>>
      %dma_wait3A_77 = arith.constant 0 : i32
      %dma_wait3A_78 = tpu.memref_slice %arg5[%add3A_44, %dma_wait3A_77] : memref<10240x128xf32, #tpu.memory_space<vmem_shared>> -> memref<64x128xf32, #tpu.memory_space<vmem_shared>>
      tpu.wait_dma2 semaphore(%run_scoped3A : memref<!tpu.dma_semaphore, #tpu.memory_space<semaphore_mem>>) src(%arg28 : memref<64x128xf32, #tpu.memory_space<vmem>>) dst(%dma_wait3A_78 : memref<64x128xf32, #tpu.memory_space<vmem_shared>>)
      tpu.yield
    }) : () -> ()
    %mul3A_45 = arith.constant 640 : i32
    %mul3A_46 = arith.muli %arg1, %mul3A_45 : i32
    %add3A_47 = arith.constant 384 : i32
    %add3A_48 = arith.addi %mul3A_46, %add3A_47 : i32
    "tpu.region"() ({
      %run_scoped3A = tpu.sem_alloc : memref<!tpu.dma_semaphore, #tpu.memory_space<semaphore_mem>>
      %dma_start3A = arith.constant 0 : i32
      %dma_start3A_73 = tpu.memref_slice %arg5[%add3A_48, %dma_start3A] : memref<10240x128xf32, #tpu.memory_space<vmem_shared>> -> memref<64x128xf32, #tpu.memory_space<vmem_shared>>
      %dma_start3A_74 = arith.constant 0 : i32
      %dma_start3A_75 = tpu.memref_slice %arg5[%add3A_48, %dma_start3A_74] : memref<10240x128xf32, #tpu.memory_space<vmem_shared>> -> memref<64x128xf32, #tpu.memory_space<vmem_shared>>
      tpu.enqueue_dma source(%arg28 : memref<64x128xf32, #tpu.memory_space<vmem>>) target(%dma_start3A_75 : memref<64x128xf32, #tpu.memory_space<vmem_shared>>) target_semaphore(%run_scoped3A : memref<!tpu.dma_semaphore, #tpu.memory_space<semaphore_mem>>)
      %dma_wait3A = arith.constant 0 : i32
      %dma_wait3A_76 = tpu.memref_slice %arg5[%add3A_48, %dma_wait3A] : memref<10240x128xf32, #tpu.memory_space<vmem_shared>> -> memref<64x128xf32, #tpu.memory_space<vmem_shared>>
      %dma_wait3A_77 = arith.constant 0 : i32
      %dma_wait3A_78 = tpu.memref_slice %arg5[%add3A_48, %dma_wait3A_77] : memref<10240x128xf32, #tpu.memory_space<vmem_shared>> -> memref<64x128xf32, #tpu.memory_space<vmem_shared>>
      tpu.wait_dma2 semaphore(%run_scoped3A : memref<!tpu.dma_semaphore, #tpu.memory_space<semaphore_mem>>) src(%arg28 : memref<64x128xf32, #tpu.memory_space<vmem>>) dst(%dma_wait3A_78 : memref<64x128xf32, #tpu.memory_space<vmem_shared>>)
      tpu.yield
    }) : () -> ()
    %mul3A_49 = arith.constant 640 : i32
    %mul3A_50 = arith.muli %arg1, %mul3A_49 : i32
    %add3A_51 = arith.constant 448 : i32
    %add3A_52 = arith.addi %mul3A_50, %add3A_51 : i32
    "tpu.region"() ({
      %run_scoped3A = tpu.sem_alloc : memref<!tpu.dma_semaphore, #tpu.memory_space<semaphore_mem>>
      %dma_start3A = arith.constant 0 : i32
      %dma_start3A_73 = tpu.memref_slice %arg5[%add3A_52, %dma_start3A] : memref<10240x128xf32, #tpu.memory_space<vmem_shared>> -> memref<64x128xf32, #tpu.memory_space<vmem_shared>>
      %dma_start3A_74 = arith.constant 0 : i32
      %dma_start3A_75 = tpu.memref_slice %arg5[%add3A_52, %dma_start3A_74] : memref<10240x128xf32, #tpu.memory_space<vmem_shared>> -> memref<64x128xf32, #tpu.memory_space<vmem_shared>>
      tpu.enqueue_dma source(%arg28 : memref<64x128xf32, #tpu.memory_space<vmem>>) target(%dma_start3A_75 : memref<64x128xf32, #tpu.memory_space<vmem_shared>>) target_semaphore(%run_scoped3A : memref<!tpu.dma_semaphore, #tpu.memory_space<semaphore_mem>>)
      %dma_wait3A = arith.constant 0 : i32
      %dma_wait3A_76 = tpu.memref_slice %arg5[%add3A_52, %dma_wait3A] : memref<10240x128xf32, #tpu.memory_space<vmem_shared>> -> memref<64x128xf32, #tpu.memory_space<vmem_shared>>
      %dma_wait3A_77 = arith.constant 0 : i32
      %dma_wait3A_78 = tpu.memref_slice %arg5[%add3A_52, %dma_wait3A_77] : memref<10240x128xf32, #tpu.memory_space<vmem_shared>> -> memref<64x128xf32, #tpu.memory_space<vmem_shared>>
      tpu.wait_dma2 semaphore(%run_scoped3A : memref<!tpu.dma_semaphore, #tpu.memory_space<semaphore_mem>>) src(%arg28 : memref<64x128xf32, #tpu.memory_space<vmem>>) dst(%dma_wait3A_78 : memref<64x128xf32, #tpu.memory_space<vmem_shared>>)
      tpu.yield
    }) : () -> ()
    %mul3A_53 = arith.constant 640 : i32
    %mul3A_54 = arith.muli %arg1, %mul3A_53 : i32
    %add3A_55 = arith.constant 512 : i32
    %add3A_56 = arith.addi %mul3A_54, %add3A_55 : i32
    "tpu.region"() ({
      %run_scoped3A = tpu.sem_alloc : memref<!tpu.dma_semaphore, #tpu.memory_space<semaphore_mem>>
      %dma_start3A = arith.constant 0 : i32
      %dma_start3A_73 = tpu.memref_slice %arg5[%add3A_56, %dma_start3A] : memref<10240x128xf32, #tpu.memory_space<vmem_shared>> -> memref<64x128xf32, #tpu.memory_space<vmem_shared>>
      %dma_start3A_74 = arith.constant 0 : i32
      %dma_start3A_75 = tpu.memref_slice %arg5[%add3A_56, %dma_start3A_74] : memref<10240x128xf32, #tpu.memory_space<vmem_shared>> -> memref<64x128xf32, #tpu.memory_space<vmem_shared>>
      tpu.enqueue_dma source(%arg28 : memref<64x128xf32, #tpu.memory_space<vmem>>) target(%dma_start3A_75 : memref<64x128xf32, #tpu.memory_space<vmem_shared>>) target_semaphore(%run_scoped3A : memref<!tpu.dma_semaphore, #tpu.memory_space<semaphore_mem>>)
      %dma_wait3A = arith.constant 0 : i32
      %dma_wait3A_76 = tpu.memref_slice %arg5[%add3A_56, %dma_wait3A] : memref<10240x128xf32, #tpu.memory_space<vmem_shared>> -> memref<64x128xf32, #tpu.memory_space<vmem_shared>>
      %dma_wait3A_77 = arith.constant 0 : i32
      %dma_wait3A_78 = tpu.memref_slice %arg5[%add3A_56, %dma_wait3A_77] : memref<10240x128xf32, #tpu.memory_space<vmem_shared>> -> memref<64x128xf32, #tpu.memory_space<vmem_shared>>
      tpu.wait_dma2 semaphore(%run_scoped3A : memref<!tpu.dma_semaphore, #tpu.memory_space<semaphore_mem>>) src(%arg28 : memref<64x128xf32, #tpu.memory_space<vmem>>) dst(%dma_wait3A_78 : memref<64x128xf32, #tpu.memory_space<vmem_shared>>)
      tpu.yield
    }) : () -> ()
    %mul3A_57 = arith.constant 640 : i32
    %mul3A_58 = arith.muli %arg1, %mul3A_57 : i32
    %add3A_59 = arith.constant 576 : i32
    %add3A_60 = arith.addi %mul3A_58, %add3A_59 : i32
    "tpu.region"() ({
      %run_scoped3A = tpu.sem_alloc : memref<!tpu.dma_semaphore, #tpu.memory_space<semaphore_mem>>
      %dma_start3A = arith.constant 0 : i32
      %dma_start3A_73 = tpu.memref_slice %arg5[%add3A_60, %dma_start3A] : memref<10240x128xf32, #tpu.memory_space<vmem_shared>> -> memref<64x128xf32, #tpu.memory_space<vmem_shared>>
      %dma_start3A_74 = arith.constant 0 : i32
      %dma_start3A_75 = tpu.memref_slice %arg5[%add3A_60, %dma_start3A_74] : memref<10240x128xf32, #tpu.memory_space<vmem_shared>> -> memref<64x128xf32, #tpu.memory_space<vmem_shared>>
      tpu.enqueue_dma source(%arg28 : memref<64x128xf32, #tpu.memory_space<vmem>>) target(%dma_start3A_75 : memref<64x128xf32, #tpu.memory_space<vmem_shared>>) target_semaphore(%run_scoped3A : memref<!tpu.dma_semaphore, #tpu.memory_space<semaphore_mem>>)
      %dma_wait3A = arith.constant 0 : i32
      %dma_wait3A_76 = tpu.memref_slice %arg5[%add3A_60, %dma_wait3A] : memref<10240x128xf32, #tpu.memory_space<vmem_shared>> -> memref<64x128xf32, #tpu.memory_space<vmem_shared>>
      %dma_wait3A_77 = arith.constant 0 : i32
      %dma_wait3A_78 = tpu.memref_slice %arg5[%add3A_60, %dma_wait3A_77] : memref<10240x128xf32, #tpu.memory_space<vmem_shared>> -> memref<64x128xf32, #tpu.memory_space<vmem_shared>>
      tpu.wait_dma2 semaphore(%run_scoped3A : memref<!tpu.dma_semaphore, #tpu.memory_space<semaphore_mem>>) src(%arg28 : memref<64x128xf32, #tpu.memory_space<vmem>>) dst(%dma_wait3A_78 : memref<64x128xf32, #tpu.memory_space<vmem_shared>>)
      tpu.yield
    }) : () -> ()
    %barrier3A = arith.constant 0 : index
    tpu.barrier barrier_id(%barrier3A)
    %scan3A_61 = arith.constant 0 : i32
    %scan3A_62 = arith.constant 0 : i32
    %scan3A_63 = arith.constant 25 : i32
    %scan3A_64 = arith.addi %scan3A_62, %scan3A_63 : i32
    %scan3A_65 = arith.constant 1 : i32
    %scan3A_66 = scf.for %scan3A_73 = %scan3A_62 to %scan3A_64 step %scan3A_65 iter_args(%scan3A_74 = %scan3A_61) -> (i32)  : i32 {
      %mul3A_75 = arith.constant 10000 : i32
      %mul3A_76 = arith.muli %add3A, %mul3A_75 : i32
      %mul3A_77 = arith.constant 5 : i32
      %mul3A_78 = arith.muli %scan3A_73, %mul3A_77 : i32
      %add3A_79 = arith.constant 0 : i32
      %add3A_80 = arith.addi %mul3A_78, %add3A_79 : i32
      %mul3A_81 = arith.constant 80 : i32
      %mul3A_82 = arith.muli %add3A_80, %mul3A_81 : i32
      %add3A_83 = arith.addi %mul3A_76, %mul3A_82 : i32
      %dma_start3A = tpu.memref_slice %arg2[%add3A_83] : memref<320000xi32, #tpu.memory_space<hbm>> -> memref<80xi32, #tpu.memory_space<hbm>>
      %dma_start3A_84 = tpu.memref_slice %arg2[%add3A_83] : memref<320000xi32, #tpu.memory_space<hbm>> -> memref<80xi32, #tpu.memory_space<hbm>>
      tpu.enqueue_dma source(%dma_start3A_84 : memref<80xi32, #tpu.memory_space<hbm>>) target(%arg10 : memref<80xi32, #tpu.memory_space<vmem>>) target_semaphore(%arg14 : memref<!tpu.dma_semaphore, #tpu.memory_space<semaphore_mem>>)
      %dma_start3A_85 = tpu.memref_slice %arg3[%add3A_83] : memref<320000xi32, #tpu.memory_space<hbm>> -> memref<80xi32, #tpu.memory_space<hbm>>
      %dma_start3A_86 = tpu.memref_slice %arg3[%add3A_83] : memref<320000xi32, #tpu.memory_space<hbm>> -> memref<80xi32, #tpu.memory_space<hbm>>
      tpu.enqueue_dma source(%dma_start3A_86 : memref<80xi32, #tpu.memory_space<hbm>>) target(%arg6 : memref<80xi32, #tpu.memory_space<vmem>>) target_semaphore(%arg18 : memref<!tpu.dma_semaphore, #tpu.memory_space<semaphore_mem>>)
      %mul3A_87 = arith.constant 10000 : i32
      %mul3A_88 = arith.muli %add3A, %mul3A_87 : i32
      %mul3A_89 = arith.constant 5 : i32
      %mul3A_90 = arith.muli %scan3A_73, %mul3A_89 : i32
      %add3A_91 = arith.constant 1 : i32
      %add3A_92 = arith.addi %mul3A_90, %add3A_91 : i32
      %mul3A_93 = arith.constant 80 : i32
      %mul3A_94 = arith.muli %add3A_92, %mul3A_93 : i32
      %add3A_95 = arith.addi %mul3A_88, %mul3A_94 : i32
      %dma_start3A_96 = tpu.memref_slice %arg2[%add3A_95] : memref<320000xi32, #tpu.memory_space<hbm>> -> memref<80xi32, #tpu.memory_space<hbm>>
      %dma_start3A_97 = tpu.memref_slice %arg2[%add3A_95] : memref<320000xi32, #tpu.memory_space<hbm>> -> memref<80xi32, #tpu.memory_space<hbm>>
      tpu.enqueue_dma source(%dma_start3A_97 : memref<80xi32, #tpu.memory_space<hbm>>) target(%arg11 : memref<80xi32, #tpu.memory_space<vmem>>) target_semaphore(%arg15 : memref<!tpu.dma_semaphore, #tpu.memory_space<semaphore_mem>>)
      %dma_start3A_98 = tpu.memref_slice %arg3[%add3A_95] : memref<320000xi32, #tpu.memory_space<hbm>> -> memref<80xi32, #tpu.memory_space<hbm>>
      %dma_start3A_99 = tpu.memref_slice %arg3[%add3A_95] : memref<320000xi32, #tpu.memory_space<hbm>> -> memref<80xi32, #tpu.memory_space<hbm>>
      tpu.enqueue_dma source(%dma_start3A_99 : memref<80xi32, #tpu.memory_space<hbm>>) target(%arg7 : memref<80xi32, #tpu.memory_space<vmem>>) target_semaphore(%arg19 : memref<!tpu.dma_semaphore, #tpu.memory_space<semaphore_mem>>)
      %dma_wait3A = tpu.memref_slice %arg2[%add3A_83] : memref<320000xi32, #tpu.memory_space<hbm>> -> memref<80xi32, #tpu.memory_space<hbm>>
      %dma_wait3A_100 = tpu.memref_slice %arg2[%add3A_83] : memref<320000xi32, #tpu.memory_space<hbm>> -> memref<80xi32, #tpu.memory_space<hbm>>
      tpu.wait_dma2 semaphore(%arg14 : memref<!tpu.dma_semaphore, #tpu.memory_space<semaphore_mem>>) src(%dma_wait3A_100 : memref<80xi32, #tpu.memory_space<hbm>>) dst(%arg10 : memref<80xi32, #tpu.memory_space<vmem>>)
      %dma_wait3A_101 = tpu.memref_slice %arg3[%add3A_83] : memref<320000xi32, #tpu.memory_space<hbm>> -> memref<80xi32, #tpu.memory_space<hbm>>
      %dma_wait3A_102 = tpu.memref_slice %arg3[%add3A_83] : memref<320000xi32, #tpu.memory_space<hbm>> -> memref<80xi32, #tpu.memory_space<hbm>>
      tpu.wait_dma2 semaphore(%arg18 : memref<!tpu.dma_semaphore, #tpu.memory_space<semaphore_mem>>) src(%dma_wait3A_102 : memref<80xi32, #tpu.memory_space<hbm>>) dst(%arg6 : memref<80xi32, #tpu.memory_space<vmem>>)
      %mul3A_103 = arith.constant 10000 : i32
      %mul3A_104 = arith.muli %add3A, %mul3A_103 : i32
      %mul3A_105 = arith.constant 5 : i32
      %mul3A_106 = arith.muli %scan3A_73, %mul3A_105 : i32
      %add3A_107 = arith.constant 2 : i32
      %add3A_108 = arith.addi %mul3A_106, %add3A_107 : i32
      %mul3A_109 = arith.constant 80 : i32
      %mul3A_110 = arith.muli %add3A_108, %mul3A_109 : i32
      %add3A_111 = arith.addi %mul3A_104, %mul3A_110 : i32
      %dma_start3A_112 = tpu.memref_slice %arg2[%add3A_111] : memref<320000xi32, #tpu.memory_space<hbm>> -> memref<80xi32, #tpu.memory_space<hbm>>
      %dma_start3A_113 = tpu.memref_slice %arg2[%add3A_111] : memref<320000xi32, #tpu.memory_space<hbm>> -> memref<80xi32, #tpu.memory_space<hbm>>
      tpu.enqueue_dma source(%dma_start3A_113 : memref<80xi32, #tpu.memory_space<hbm>>) target(%arg12 : memref<80xi32, #tpu.memory_space<vmem>>) target_semaphore(%arg16 : memref<!tpu.dma_semaphore, #tpu.memory_space<semaphore_mem>>)
      %dma_start3A_114 = tpu.memref_slice %arg3[%add3A_111] : memref<320000xi32, #tpu.memory_space<hbm>> -> memref<80xi32, #tpu.memory_space<hbm>>
      %dma_start3A_115 = tpu.memref_slice %arg3[%add3A_111] : memref<320000xi32, #tpu.memory_space<hbm>> -> memref<80xi32, #tpu.memory_space<hbm>>
      tpu.enqueue_dma source(%dma_start3A_115 : memref<80xi32, #tpu.memory_space<hbm>>) target(%arg8 : memref<80xi32, #tpu.memory_space<vmem>>) target_semaphore(%arg20 : memref<!tpu.dma_semaphore, #tpu.memory_space<semaphore_mem>>)
      %dma_start3A_116 = arith.constant 0 : i32
      %dma_start3A_117 = arith.constant 0 : i32
      %dma_start3A_118 = tpu.memref_slice %arg5[%dma_start3A_116, %dma_start3A_117] : memref<10240x128xf32, #tpu.memory_space<vmem_shared>> -> memref<10240x128xf32, #tpu.memory_space<vmem_shared>>
      tpu.enqueue_indirect_dma source(%arg23 : memref<80x128xf32, #tpu.memory_space<vmem>>) target(%dma_start3A_118 : memref<10240x128xf32, #tpu.memory_space<vmem_shared>>) offsets(%arg10 : memref<80xi32, #tpu.memory_space<vmem>>) semaphore(%arg24 : memref<!tpu.dma_semaphore, #tpu.memory_space<semaphore_mem>>) {add = true}
      %dma_start3A_119 = arith.constant 0 : i32
      %dma_start3A_120 = arith.constant 0 : i32
      %dma_start3A_121 = tpu.memref_slice %arg5[%dma_start3A_119, %dma_start3A_120] : memref<10240x128xf32, #tpu.memory_space<vmem_shared>> -> memref<10240x128xf32, #tpu.memory_space<vmem_shared>>
      tpu.enqueue_indirect_dma source(%arg22 : memref<80x128xf32, #tpu.memory_space<vmem>>) target(%dma_start3A_121 : memref<10240x128xf32, #tpu.memory_space<vmem_shared>>) offsets(%arg6 : memref<80xi32, #tpu.memory_space<vmem>>) semaphore(%arg26 : memref<!tpu.dma_semaphore, #tpu.memory_space<semaphore_mem>>) {add = true}
      %dma_wait3A_122 = tpu.memref_slice %arg2[%add3A_95] : memref<320000xi32, #tpu.memory_space<hbm>> -> memref<80xi32, #tpu.memory_space<hbm>>
      %dma_wait3A_123 = tpu.memref_slice %arg2[%add3A_95] : memref<320000xi32, #tpu.memory_space<hbm>> -> memref<80xi32, #tpu.memory_space<hbm>>
      tpu.wait_dma2 semaphore(%arg15 : memref<!tpu.dma_semaphore, #tpu.memory_space<semaphore_mem>>) src(%dma_wait3A_123 : memref<80xi32, #tpu.memory_space<hbm>>) dst(%arg11 : memref<80xi32, #tpu.memory_space<vmem>>)
      %dma_wait3A_124 = tpu.memref_slice %arg3[%add3A_95] : memref<320000xi32, #tpu.memory_space<hbm>> -> memref<80xi32, #tpu.memory_space<hbm>>
      %dma_wait3A_125 = tpu.memref_slice %arg3[%add3A_95] : memref<320000xi32, #tpu.memory_space<hbm>> -> memref<80xi32, #tpu.memory_space<hbm>>
      tpu.wait_dma2 semaphore(%arg19 : memref<!tpu.dma_semaphore, #tpu.memory_space<semaphore_mem>>) src(%dma_wait3A_125 : memref<80xi32, #tpu.memory_space<hbm>>) dst(%arg7 : memref<80xi32, #tpu.memory_space<vmem>>)
      %mul3A_126 = arith.constant 10000 : i32
      %mul3A_127 = arith.muli %add3A, %mul3A_126 : i32
      %mul3A_128 = arith.constant 5 : i32
      %mul3A_129 = arith.muli %scan3A_73, %mul3A_128 : i32
      %add3A_130 = arith.constant 3 : i32
      %add3A_131 = arith.addi %mul3A_129, %add3A_130 : i32
      %mul3A_132 = arith.constant 80 : i32
      %mul3A_133 = arith.muli %add3A_131, %mul3A_132 : i32
      %add3A_134 = arith.addi %mul3A_127, %mul3A_133 : i32
      %dma_start3A_135 = tpu.memref_slice %arg2[%add3A_134] : memref<320000xi32, #tpu.memory_space<hbm>> -> memref<80xi32, #tpu.memory_space<hbm>>
      %dma_start3A_136 = tpu.memref_slice %arg2[%add3A_134] : memref<320000xi32, #tpu.memory_space<hbm>> -> memref<80xi32, #tpu.memory_space<hbm>>
      tpu.enqueue_dma source(%dma_start3A_136 : memref<80xi32, #tpu.memory_space<hbm>>) target(%arg13 : memref<80xi32, #tpu.memory_space<vmem>>) target_semaphore(%arg17 : memref<!tpu.dma_semaphore, #tpu.memory_space<semaphore_mem>>)
      %dma_start3A_137 = tpu.memref_slice %arg3[%add3A_134] : memref<320000xi32, #tpu.memory_space<hbm>> -> memref<80xi32, #tpu.memory_space<hbm>>
      %dma_start3A_138 = tpu.memref_slice %arg3[%add3A_134] : memref<320000xi32, #tpu.memory_space<hbm>> -> memref<80xi32, #tpu.memory_space<hbm>>
      tpu.enqueue_dma source(%dma_start3A_138 : memref<80xi32, #tpu.memory_space<hbm>>) target(%arg9 : memref<80xi32, #tpu.memory_space<vmem>>) target_semaphore(%arg21 : memref<!tpu.dma_semaphore, #tpu.memory_space<semaphore_mem>>)
      %dma_start3A_139 = arith.constant 0 : i32
      %dma_start3A_140 = arith.constant 0 : i32
      %dma_start3A_141 = tpu.memref_slice %arg5[%dma_start3A_139, %dma_start3A_140] : memref<10240x128xf32, #tpu.memory_space<vmem_shared>> -> memref<10240x128xf32, #tpu.memory_space<vmem_shared>>
      tpu.enqueue_indirect_dma source(%arg23 : memref<80x128xf32, #tpu.memory_space<vmem>>) target(%dma_start3A_141 : memref<10240x128xf32, #tpu.memory_space<vmem_shared>>) offsets(%arg11 : memref<80xi32, #tpu.memory_space<vmem>>) semaphore(%arg25 : memref<!tpu.dma_semaphore, #tpu.memory_space<semaphore_mem>>) {add = true}
      %dma_start3A_142 = arith.constant 0 : i32
      %dma_start3A_143 = arith.constant 0 : i32
      %dma_start3A_144 = tpu.memref_slice %arg5[%dma_start3A_142, %dma_start3A_143] : memref<10240x128xf32, #tpu.memory_space<vmem_shared>> -> memref<10240x128xf32, #tpu.memory_space<vmem_shared>>
      tpu.enqueue_indirect_dma source(%arg22 : memref<80x128xf32, #tpu.memory_space<vmem>>) target(%dma_start3A_144 : memref<10240x128xf32, #tpu.memory_space<vmem_shared>>) offsets(%arg7 : memref<80xi32, #tpu.memory_space<vmem>>) semaphore(%arg27 : memref<!tpu.dma_semaphore, #tpu.memory_space<semaphore_mem>>) {add = true}
      %dma_wait3A_145 = arith.constant 0 : i32
      %dma_wait3A_146 = arith.constant 0 : i32
      %dma_wait3A_147 = tpu.memref_slice %arg5[%dma_wait3A_145, %dma_wait3A_146] : memref<10240x128xf32, #tpu.memory_space<vmem_shared>> -> memref<10240x128xf32, #tpu.memory_space<vmem_shared>>
      tpu.wait_indirect_dma semaphore(%arg24 : memref<!tpu.dma_semaphore, #tpu.memory_space<semaphore_mem>>) src(%arg23 : memref<80x128xf32, #tpu.memory_space<vmem>>) dst(%dma_wait3A_147 : memref<10240x128xf32, #tpu.memory_space<vmem_shared>>)
      %dma_wait3A_148 = arith.constant 0 : i32
      %dma_wait3A_149 = arith.constant 0 : i32
      %dma_wait3A_150 = tpu.memref_slice %arg5[%dma_wait3A_148, %dma_wait3A_149] : memref<10240x128xf32, #tpu.memory_space<vmem_shared>> -> memref<10240x128xf32, #tpu.memory_space<vmem_shared>>
      tpu.wait_indirect_dma semaphore(%arg26 : memref<!tpu.dma_semaphore, #tpu.memory_space<semaphore_mem>>) src(%arg22 : memref<80x128xf32, #tpu.memory_space<vmem>>) dst(%dma_wait3A_150 : memref<10240x128xf32, #tpu.memory_space<vmem_shared>>)
      %dma_wait3A_151 = tpu.memref_slice %arg2[%add3A_111] : memref<320000xi32, #tpu.memory_space<hbm>> -> memref<80xi32, #tpu.memory_space<hbm>>
      %dma_wait3A_152 = tpu.memref_slice %arg2[%add3A_111] : memref<320000xi32, #tpu.memory_space<hbm>> -> memref<80xi32, #tpu.memory_space<hbm>>
      tpu.wait_dma2 semaphore(%arg16 : memref<!tpu.dma_semaphore, #tpu.memory_space<semaphore_mem>>) src(%dma_wait3A_152 : memref<80xi32, #tpu.memory_space<hbm>>) dst(%arg12 : memref<80xi32, #tpu.memory_space<vmem>>)
      %dma_wait3A_153 = tpu.memref_slice %arg3[%add3A_111] : memref<320000xi32, #tpu.memory_space<hbm>> -> memref<80xi32, #tpu.memory_space<hbm>>
      %dma_wait3A_154 = tpu.memref_slice %arg3[%add3A_111] : memref<320000xi32, #tpu.memory_space<hbm>> -> memref<80xi32, #tpu.memory_space<hbm>>
      tpu.wait_dma2 semaphore(%arg20 : memref<!tpu.dma_semaphore, #tpu.memory_space<semaphore_mem>>) src(%dma_wait3A_154 : memref<80xi32, #tpu.memory_space<hbm>>) dst(%arg8 : memref<80xi32, #tpu.memory_space<vmem>>)
      %mul3A_155 = arith.constant 10000 : i32
      %mul3A_156 = arith.muli %add3A, %mul3A_155 : i32
      %mul3A_157 = arith.constant 5 : i32
      %mul3A_158 = arith.muli %scan3A_73, %mul3A_157 : i32
      %add3A_159 = arith.constant 4 : i32
      %add3A_160 = arith.addi %mul3A_158, %add3A_159 : i32
      %mul3A_161 = arith.constant 80 : i32
      %mul3A_162 = arith.muli %add3A_160, %mul3A_161 : i32
      %add3A_163 = arith.addi %mul3A_156, %mul3A_162 : i32
      %dma_start3A_164 = tpu.memref_slice %arg2[%add3A_163] : memref<320000xi32, #tpu.memory_space<hbm>> -> memref<80xi32, #tpu.memory_space<hbm>>
      %dma_start3A_165 = tpu.memref_slice %arg2[%add3A_163] : memref<320000xi32, #tpu.memory_space<hbm>> -> memref<80xi32, #tpu.memory_space<hbm>>
      tpu.enqueue_dma source(%dma_start3A_165 : memref<80xi32, #tpu.memory_space<hbm>>) target(%arg10 : memref<80xi32, #tpu.memory_space<vmem>>) target_semaphore(%arg14 : memref<!tpu.dma_semaphore, #tpu.memory_space<semaphore_mem>>)
      %dma_start3A_166 = tpu.memref_slice %arg3[%add3A_163] : memref<320000xi32, #tpu.memory_space<hbm>> -> memref<80xi32, #tpu.memory_space<hbm>>
      %dma_start3A_167 = tpu.memref_slice %arg3[%add3A_163] : memref<320000xi32, #tpu.memory_space<hbm>> -> memref<80xi32, #tpu.memory_space<hbm>>
      tpu.enqueue_dma source(%dma_start3A_167 : memref<80xi32, #tpu.memory_space<hbm>>) target(%arg6 : memref<80xi32, #tpu.memory_space<vmem>>) target_semaphore(%arg18 : memref<!tpu.dma_semaphore, #tpu.memory_space<semaphore_mem>>)
      %dma_start3A_168 = arith.constant 0 : i32
      %dma_start3A_169 = arith.constant 0 : i32
      %dma_start3A_170 = tpu.memref_slice %arg5[%dma_start3A_168, %dma_start3A_169] : memref<10240x128xf32, #tpu.memory_space<vmem_shared>> -> memref<10240x128xf32, #tpu.memory_space<vmem_shared>>
      tpu.enqueue_indirect_dma source(%arg23 : memref<80x128xf32, #tpu.memory_space<vmem>>) target(%dma_start3A_170 : memref<10240x128xf32, #tpu.memory_space<vmem_shared>>) offsets(%arg12 : memref<80xi32, #tpu.memory_space<vmem>>) semaphore(%arg24 : memref<!tpu.dma_semaphore, #tpu.memory_space<semaphore_mem>>) {add = true}
      %dma_start3A_171 = arith.constant 0 : i32
      %dma_start3A_172 = arith.constant 0 : i32
      %dma_start3A_173 = tpu.memref_slice %arg5[%dma_start3A_171, %dma_start3A_172] : memref<10240x128xf32, #tpu.memory_space<vmem_shared>> -> memref<10240x128xf32, #tpu.memory_space<vmem_shared>>
      tpu.enqueue_indirect_dma source(%arg22 : memref<80x128xf32, #tpu.memory_space<vmem>>) target(%dma_start3A_173 : memref<10240x128xf32, #tpu.memory_space<vmem_shared>>) offsets(%arg8 : memref<80xi32, #tpu.memory_space<vmem>>) semaphore(%arg26 : memref<!tpu.dma_semaphore, #tpu.memory_space<semaphore_mem>>) {add = true}
      %dma_wait3A_174 = arith.constant 0 : i32
      %dma_wait3A_175 = arith.constant 0 : i32
      %dma_wait3A_176 = tpu.memref_slice %arg5[%dma_wait3A_174, %dma_wait3A_175] : memref<10240x128xf32, #tpu.memory_space<vmem_shared>> -> memref<10240x128xf32, #tpu.memory_space<vmem_shared>>
      tpu.wait_indirect_dma semaphore(%arg25 : memref<!tpu.dma_semaphore, #tpu.memory_space<semaphore_mem>>) src(%arg23 : memref<80x128xf32, #tpu.memory_space<vmem>>) dst(%dma_wait3A_176 : memref<10240x128xf32, #tpu.memory_space<vmem_shared>>)
      %dma_wait3A_177 = arith.constant 0 : i32
      %dma_wait3A_178 = arith.constant 0 : i32
      %dma_wait3A_179 = tpu.memref_slice %arg5[%dma_wait3A_177, %dma_wait3A_178] : memref<10240x128xf32, #tpu.memory_space<vmem_shared>> -> memref<10240x128xf32, #tpu.memory_space<vmem_shared>>
      tpu.wait_indirect_dma semaphore(%arg27 : memref<!tpu.dma_semaphore, #tpu.memory_space<semaphore_mem>>) src(%arg22 : memref<80x128xf32, #tpu.memory_space<vmem>>) dst(%dma_wait3A_179 : memref<10240x128xf32, #tpu.memory_space<vmem_shared>>)
      %dma_wait3A_180 = tpu.memref_slice %arg2[%add3A_134] : memref<320000xi32, #tpu.memory_space<hbm>> -> memref<80xi32, #tpu.memory_space<hbm>>
      %dma_wait3A_181 = tpu.memref_slice %arg2[%add3A_134] : memref<320000xi32, #tpu.memory_space<hbm>> -> memref<80xi32, #tpu.memory_space<hbm>>
      tpu.wait_dma2 semaphore(%arg17 : memref<!tpu.dma_semaphore, #tpu.memory_space<semaphore_mem>>) src(%dma_wait3A_181 : memref<80xi32, #tpu.memory_space<hbm>>) dst(%arg13 : memref<80xi32, #tpu.memory_space<vmem>>)
      %dma_wait3A_182 = tpu.memref_slice %arg3[%add3A_134] : memref<320000xi32, #tpu.memory_space<hbm>> -> memref<80xi32, #tpu.memory_space<hbm>>
      %dma_wait3A_183 = tpu.memref_slice %arg3[%add3A_134] : memref<320000xi32, #tpu.memory_space<hbm>> -> memref<80xi32, #tpu.memory_space<hbm>>
      tpu.wait_dma2 semaphore(%arg21 : memref<!tpu.dma_semaphore, #tpu.memory_space<semaphore_mem>>) src(%dma_wait3A_183 : memref<80xi32, #tpu.memory_space<hbm>>) dst(%arg9 : memref<80xi32, #tpu.memory_space<vmem>>)
      %dma_start3A_184 = arith.constant 0 : i32
      %dma_start3A_185 = arith.constant 0 : i32
      %dma_start3A_186 = tpu.memref_slice %arg5[%dma_start3A_184, %dma_start3A_185] : memref<10240x128xf32, #tpu.memory_space<vmem_shared>> -> memref<10240x128xf32, #tpu.memory_space<vmem_shared>>
      tpu.enqueue_indirect_dma source(%arg23 : memref<80x128xf32, #tpu.memory_space<vmem>>) target(%dma_start3A_186 : memref<10240x128xf32, #tpu.memory_space<vmem_shared>>) offsets(%arg13 : memref<80xi32, #tpu.memory_space<vmem>>) semaphore(%arg25 : memref<!tpu.dma_semaphore, #tpu.memory_space<semaphore_mem>>) {add = true}
      %dma_start3A_187 = arith.constant 0 : i32
      %dma_start3A_188 = arith.constant 0 : i32
      %dma_start3A_189 = tpu.memref_slice %arg5[%dma_start3A_187, %dma_start3A_188] : memref<10240x128xf32, #tpu.memory_space<vmem_shared>> -> memref<10240x128xf32, #tpu.memory_space<vmem_shared>>
      tpu.enqueue_indirect_dma source(%arg22 : memref<80x128xf32, #tpu.memory_space<vmem>>) target(%dma_start3A_189 : memref<10240x128xf32, #tpu.memory_space<vmem_shared>>) offsets(%arg9 : memref<80xi32, #tpu.memory_space<vmem>>) semaphore(%arg27 : memref<!tpu.dma_semaphore, #tpu.memory_space<semaphore_mem>>) {add = true}
      %dma_wait3A_190 = arith.constant 0 : i32
      %dma_wait3A_191 = arith.constant 0 : i32
      %dma_wait3A_192 = tpu.memref_slice %arg5[%dma_wait3A_190, %dma_wait3A_191] : memref<10240x128xf32, #tpu.memory_space<vmem_shared>> -> memref<10240x128xf32, #tpu.memory_space<vmem_shared>>
      tpu.wait_indirect_dma semaphore(%arg24 : memref<!tpu.dma_semaphore, #tpu.memory_space<semaphore_mem>>) src(%arg23 : memref<80x128xf32, #tpu.memory_space<vmem>>) dst(%dma_wait3A_192 : memref<10240x128xf32, #tpu.memory_space<vmem_shared>>)
      %dma_wait3A_193 = arith.constant 0 : i32
      %dma_wait3A_194 = arith.constant 0 : i32
      %dma_wait3A_195 = tpu.memref_slice %arg5[%dma_wait3A_193, %dma_wait3A_194] : memref<10240x128xf32, #tpu.memory_space<vmem_shared>> -> memref<10240x128xf32, #tpu.memory_space<vmem_shared>>
      tpu.wait_indirect_dma semaphore(%arg26 : memref<!tpu.dma_semaphore, #tpu.memory_space<semaphore_mem>>) src(%arg22 : memref<80x128xf32, #tpu.memory_space<vmem>>) dst(%dma_wait3A_195 : memref<10240x128xf32, #tpu.memory_space<vmem_shared>>)
      %dma_wait3A_196 = tpu.memref_slice %arg2[%add3A_163] : memref<320000xi32, #tpu.memory_space<hbm>> -> memref<80xi32, #tpu.memory_space<hbm>>
      %dma_wait3A_197 = tpu.memref_slice %arg2[%add3A_163] : memref<320000xi32, #tpu.memory_space<hbm>> -> memref<80xi32, #tpu.memory_space<hbm>>
      tpu.wait_dma2 semaphore(%arg14 : memref<!tpu.dma_semaphore, #tpu.memory_space<semaphore_mem>>) src(%dma_wait3A_197 : memref<80xi32, #tpu.memory_space<hbm>>) dst(%arg10 : memref<80xi32, #tpu.memory_space<vmem>>)
      %dma_wait3A_198 = tpu.memref_slice %arg3[%add3A_163] : memref<320000xi32, #tpu.memory_space<hbm>> -> memref<80xi32, #tpu.memory_space<hbm>>
      %dma_wait3A_199 = tpu.memref_slice %arg3[%add3A_163] : memref<320000xi32, #tpu.memory_space<hbm>> -> memref<80xi32, #tpu.memory_space<hbm>>
      tpu.wait_dma2 semaphore(%arg18 : memref<!tpu.dma_semaphore, #tpu.memory_space<semaphore_mem>>) src(%dma_wait3A_199 : memref<80xi32, #tpu.memory_space<hbm>>) dst(%arg6 : memref<80xi32, #tpu.memory_space<vmem>>)
      %dma_start3A_200 = arith.constant 0 : i32
      %dma_start3A_201 = arith.constant 0 : i32
      %dma_start3A_202 = tpu.memref_slice %arg5[%dma_start3A_200, %dma_start3A_201] : memref<10240x128xf32, #tpu.memory_space<vmem_shared>> -> memref<10240x128xf32, #tpu.memory_space<vmem_shared>>
      tpu.enqueue_indirect_dma source(%arg23 : memref<80x128xf32, #tpu.memory_space<vmem>>) target(%dma_start3A_202 : memref<10240x128xf32, #tpu.memory_space<vmem_shared>>) offsets(%arg10 : memref<80xi32, #tpu.memory_space<vmem>>) semaphore(%arg24 : memref<!tpu.dma_semaphore, #tpu.memory_space<semaphore_mem>>) {add = true}
      %dma_start3A_203 = arith.constant 0 : i32
      %dma_start3A_204 = arith.constant 0 : i32
      %dma_start3A_205 = tpu.memref_slice %arg5[%dma_start3A_203, %dma_start3A_204] : memref<10240x128xf32, #tpu.memory_space<vmem_shared>> -> memref<10240x128xf32, #tpu.memory_space<vmem_shared>>
      tpu.enqueue_indirect_dma source(%arg22 : memref<80x128xf32, #tpu.memory_space<vmem>>) target(%dma_start3A_205 : memref<10240x128xf32, #tpu.memory_space<vmem_shared>>) offsets(%arg6 : memref<80xi32, #tpu.memory_space<vmem>>) semaphore(%arg26 : memref<!tpu.dma_semaphore, #tpu.memory_space<semaphore_mem>>) {add = true}
      %dma_wait3A_206 = arith.constant 0 : i32
      %dma_wait3A_207 = arith.constant 0 : i32
      %dma_wait3A_208 = tpu.memref_slice %arg5[%dma_wait3A_206, %dma_wait3A_207] : memref<10240x128xf32, #tpu.memory_space<vmem_shared>> -> memref<10240x128xf32, #tpu.memory_space<vmem_shared>>
      tpu.wait_indirect_dma semaphore(%arg25 : memref<!tpu.dma_semaphore, #tpu.memory_space<semaphore_mem>>) src(%arg23 : memref<80x128xf32, #tpu.memory_space<vmem>>) dst(%dma_wait3A_208 : memref<10240x128xf32, #tpu.memory_space<vmem_shared>>)
      %dma_wait3A_209 = arith.constant 0 : i32
      %dma_wait3A_210 = arith.constant 0 : i32
      %dma_wait3A_211 = tpu.memref_slice %arg5[%dma_wait3A_209, %dma_wait3A_210] : memref<10240x128xf32, #tpu.memory_space<vmem_shared>> -> memref<10240x128xf32, #tpu.memory_space<vmem_shared>>
      tpu.wait_indirect_dma semaphore(%arg27 : memref<!tpu.dma_semaphore, #tpu.memory_space<semaphore_mem>>) src(%arg22 : memref<80x128xf32, #tpu.memory_space<vmem>>) dst(%dma_wait3A_211 : memref<10240x128xf32, #tpu.memory_space<vmem_shared>>)
      %dma_wait3A_212 = arith.constant 0 : i32
      %dma_wait3A_213 = arith.constant 0 : i32
      %dma_wait3A_214 = tpu.memref_slice %arg5[%dma_wait3A_212, %dma_wait3A_213] : memref<10240x128xf32, #tpu.memory_space<vmem_shared>> -> memref<10240x128xf32, #tpu.memory_space<vmem_shared>>
      tpu.wait_indirect_dma semaphore(%arg24 : memref<!tpu.dma_semaphore, #tpu.memory_space<semaphore_mem>>) src(%arg23 : memref<80x128xf32, #tpu.memory_space<vmem>>) dst(%dma_wait3A_214 : memref<10240x128xf32, #tpu.memory_space<vmem_shared>>)
      %dma_wait3A_215 = arith.constant 0 : i32
      %dma_wait3A_216 = arith.constant 0 : i32
      %dma_wait3A_217 = tpu.memref_slice %arg5[%dma_wait3A_215, %dma_wait3A_216] : memref<10240x128xf32, #tpu.memory_space<vmem_shared>> -> memref<10240x128xf32, #tpu.memory_space<vmem_shared>>
      tpu.wait_indirect_dma semaphore(%arg26 : memref<!tpu.dma_semaphore, #tpu.memory_space<semaphore_mem>>) src(%arg22 : memref<80x128xf32, #tpu.memory_space<vmem>>) dst(%dma_wait3A_217 : memref<10240x128xf32, #tpu.memory_space<vmem_shared>>)
      %scan3A_218 = arith.constant 0 : i32
      scf.yield %scan3A_218 : i32
    }
    %scan3A_67 = arith.constant 25 : i32
    %barrier3A_68 = arith.constant 0 : index
    tpu.barrier barrier_id(%barrier3A_68)
    %mul3A_69 = arith.constant 640 : i32
    %mul3A_70 = arith.muli %arg1, %mul3A_69 : i32
    %mul3A_71 = arith.constant 640 : i32
    %mul3A_72 = arith.muli %arg1, %mul3A_71 : i32
    "tpu.region"() ({
      %run_scoped3A = tpu.sem_alloc : memref<!tpu.dma_semaphore, #tpu.memory_space<semaphore_mem>>
      %dma_start3A = arith.constant 0 : i32
      %dma_start3A_73 = tpu.memref_slice %arg4[%arg0, %mul3A_72, %dma_start3A] : memref<2x10240x128xf32, #tpu.memory_space<hbm>> -> memref<1x640x128xf32, #tpu.memory_space<hbm>>
      %dma_start3A_74 = tpu.memref_squeeze %dma_start3A_73 : memref<1x640x128xf32, #tpu.memory_space<hbm>> -> memref<640x128xf32, #tpu.memory_space<hbm>>
      %dma_start3A_75 = arith.constant 0 : i32
      %dma_start3A_76 = tpu.memref_slice %arg5[%mul3A_70, %dma_start3A_75] : memref<10240x128xf32, #tpu.memory_space<vmem_shared>> -> memref<640x128xf32, #tpu.memory_space<vmem_shared>>
      tpu.enqueue_dma source(%dma_start3A_76 : memref<640x128xf32, #tpu.memory_space<vmem_shared>>) target(%dma_start3A_74 : memref<640x128xf32, #tpu.memory_space<hbm>>) target_semaphore(%run_scoped3A : memref<!tpu.dma_semaphore, #tpu.memory_space<semaphore_mem>>)
      %dma_wait3A = arith.constant 0 : i32
      %dma_wait3A_77 = tpu.memref_slice %arg4[%arg0, %mul3A_72, %dma_wait3A] : memref<2x10240x128xf32, #tpu.memory_space<hbm>> -> memref<1x640x128xf32, #tpu.memory_space<hbm>>
      %dma_wait3A_78 = tpu.memref_squeeze %dma_wait3A_77 : memref<1x640x128xf32, #tpu.memory_space<hbm>> -> memref<640x128xf32, #tpu.memory_space<hbm>>
      %dma_wait3A_79 = arith.constant 0 : i32
      %dma_wait3A_80 = tpu.memref_slice %arg5[%mul3A_70, %dma_wait3A_79] : memref<10240x128xf32, #tpu.memory_space<vmem_shared>> -> memref<640x128xf32, #tpu.memory_space<vmem_shared>>
      tpu.wait_dma2 semaphore(%run_scoped3A : memref<!tpu.dma_semaphore, #tpu.memory_space<semaphore_mem>>) src(%dma_wait3A_80 : memref<640x128xf32, #tpu.memory_space<vmem_shared>>) dst(%dma_wait3A_78 : memref<640x128xf32, #tpu.memory_space<hbm>>)
      tpu.yield
    }) : () -> ()
    return
  }
}

module attributes {stable_mosaic.version = 14 : i64} {
  func.func @_mm_norm_scale_body(%arg0: i32, %arg1: memref<2048x128xf32, #tpu.memory_space<vmem>>, %arg2: memref<128x128xf32, #tpu.memory_space<vmem>>, %arg3: memref<2x2048x128xf32, #tpu.memory_space<vmem>>, %arg4: memref<2048x128xf32, #tpu.memory_space<vmem>>, %arg5: memref<2048x16xf32, #tpu.memory_space<vmem>>, %arg6: memref<2048x16xf32, #tpu.memory_space<vmem>>) attributes {dimension_semantics = [#tpu.dimension_semantics<arbitrary>], iteration_bounds = array<i64: 5>, scalar_prefetch = 0 : i64, scratch_operands = 0 : i64, tpu.core_type = #tpu.core_type<tc>, window_params = [{transform_indices = @transform_0, window_bounds = array<i64: 2048, 128>}, {pipeline_mode = #tpu.pipeline_mode<synchronous>, transform_indices = @transform_1, window_bounds = array<i64: 128, 128>}, {transform_indices = @transform_2, window_bounds = array<i64: 2, 2048, 128>}, {transform_indices = @transform_3, window_bounds = array<i64: 2048, 128>}, {transform_indices = @transform_4, window_bounds = array<i64: 2048, 16>}, {transform_indices = @transform_5, window_bounds = array<i64: 2048, 16>}]} {
    %get3A = arith.constant 0 : index
    %get3A_0 = arith.constant 0 : index
    %get3A_1 = arith.constant 0 : index
    %get3A_2 = vector.load %arg3[%get3A, %get3A_0, %get3A_1] : memref<2x2048x128xf32, #tpu.memory_space<vmem>>, vector<2x2048x128xf32>
    %slice3A = vector.extract_strided_slice %get3A_2 {offsets = [0, 0, 0], sizes = [1, 2048, 128], strides = [1, 1, 1]} : vector<2x2048x128xf32> to vector<1x2048x128xf32>
    %squeeze3A = vector.shape_cast %slice3A : vector<1x2048x128xf32> to vector<2048x128xf32>
    %slice3A_3 = vector.extract_strided_slice %get3A_2 {offsets = [1, 0, 0], sizes = [1, 2048, 128], strides = [1, 1, 1]} : vector<2x2048x128xf32> to vector<1x2048x128xf32>
    %squeeze3A_4 = vector.shape_cast %slice3A_3 : vector<1x2048x128xf32> to vector<2048x128xf32>
    %add3A = arith.addf %squeeze3A, %squeeze3A_4 : vector<2048x128xf32>
    %slice3A_5 = vector.extract_strided_slice %add3A {offsets = [0, 0], sizes = [2048, 1], strides = [1, 1]} : vector<2048x128xf32> to vector<2048x1xf32>
    %slice3A_6 = vector.extract_strided_slice %add3A {offsets = [0, 1], sizes = [2048, 1], strides = [1, 1]} : vector<2048x128xf32> to vector<2048x1xf32>
    %gt3A = arith.constant 0.000000e+00 : f32
    %gt3A_7 = vector.broadcast %gt3A : f32 to vector<2048x1xf32>
    %gt3A_8 = arith.cmpf ogt, %slice3A_5, %gt3A_7 : vector<2048x1xf32>
    %rsqrt3A = math.rsqrt %slice3A_5 : vector<2048x1xf32>
    %jit3A = arith.constant 0.000000e+00 : f32
    %broadcast_in_dim3A = vector.broadcast %jit3A : f32 to vector<2048x1xf32>
    %select_n3A = arith.select %gt3A_8, %rsqrt3A, %broadcast_in_dim3A : vector<2048x1xi1>, vector<2048x1xf32>
    %gt3A_9 = arith.constant 0.000000e+00 : f32
    %gt3A_10 = vector.broadcast %gt3A_9 : f32 to vector<2048x1xf32>
    %gt3A_11 = arith.cmpf ogt, %slice3A_6, %gt3A_10 : vector<2048x1xf32>
    %rsqrt3A_12 = math.rsqrt %slice3A_6 : vector<2048x1xf32>
    %jit3A_13 = arith.constant 0.000000e+00 : f32
    %broadcast_in_dim3A_14 = vector.broadcast %jit3A_13 : f32 to vector<2048x1xf32>
    %select_n3A_15 = arith.select %gt3A_11, %rsqrt3A_12, %broadcast_in_dim3A_14 : vector<2048x1xi1>, vector<2048x1xf32>
    %broadcast_in_dim3A_16 = vector.shape_cast %select_n3A : vector<2048x1xf32> to vector<2048x1xf32>
    %broadcast_in_dim3A_17 = vector.broadcast %broadcast_in_dim3A_16 : vector<2048x1xf32> to vector<2048x16xf32>
    %swap3A = arith.constant 0 : index
    %swap3A_18 = arith.constant 0 : index
    %swap3A_19 = vector.load %arg5[%swap3A, %swap3A_18] : memref<2048x16xf32, #tpu.memory_space<vmem>>, vector<2048x16xf32>
    tpu.vector_store %arg5[%swap3A, %swap3A_18], %broadcast_in_dim3A_17 {strides = array<i32>} : memref<2048x16xf32, #tpu.memory_space<vmem>>, vector<2048x16xf32>,
    %broadcast_in_dim3A_20 = vector.shape_cast %select_n3A_15 : vector<2048x1xf32> to vector<2048x1xf32>
    %broadcast_in_dim3A_21 = vector.broadcast %broadcast_in_dim3A_20 : vector<2048x1xf32> to vector<2048x16xf32>
    %swap3A_22 = arith.constant 0 : index
    %swap3A_23 = arith.constant 0 : index
    %swap3A_24 = vector.load %arg6[%swap3A_22, %swap3A_23] : memref<2048x16xf32, #tpu.memory_space<vmem>>, vector<2048x16xf32>
    tpu.vector_store %arg6[%swap3A_22, %swap3A_23], %broadcast_in_dim3A_21 {strides = array<i32>} : memref<2048x16xf32, #tpu.memory_space<vmem>>, vector<2048x16xf32>,
    %get3A_25 = arith.constant 0 : index
    %get3A_26 = arith.constant 0 : index
    %get3A_27 = vector.load %arg1[%get3A_25, %get3A_26] : memref<2048x128xf32, #tpu.memory_space<vmem>>, vector<2048x128xf32>
    %get3A_28 = arith.constant 0 : index
    %get3A_29 = arith.constant 0 : index
    %get3A_30 = vector.load %arg2[%get3A_28, %get3A_29] : memref<128x128xf32, #tpu.memory_space<vmem>>, vector<128x128xf32>
    %dot_general3A = arith.constant dense<0.000000e+00> : vector<2048x128xf32>
    %dot_general3A_31 = tpu.matmul %get3A_27, %get3A_30, %dot_general3A {dimension_numbers = #tpu.dot_dimension_numbers<[1], [0], [0], [1], [0, 0, 1, 1], [], []>, transpose_lhs_hint = false} : vector<2048x128xf32>, vector<128x128xf32>, vector<2048x128xf32> -> vector<2048x128xf32>
    %mul3A = vector.broadcast %select_n3A : vector<2048x1xf32> to vector<2048x128xf32>
    %mul3A_32 = arith.mulf %dot_general3A_31, %mul3A : vector<2048x128xf32>
    %swap3A_33 = arith.constant 0 : index
    %swap3A_34 = arith.constant 0 : index
    %swap3A_35 = vector.load %arg4[%swap3A_33, %swap3A_34] : memref<2048x128xf32, #tpu.memory_space<vmem>>, vector<2048x128xf32>
    tpu.vector_store %arg4[%swap3A_33, %swap3A_34], %mul3A_32 {strides = array<i32>} : memref<2048x128xf32, #tpu.memory_space<vmem>>, vector<2048x128xf32>,
    return
  }
  func.func @transform_0(%arg0: i32) -> (i32, i32) {
    %c0_i32 = arith.constant 0 : i32
    %c0_i32_0 = arith.constant 0 : i32
    return %arg0, %c0_i32 : i32, i32
  }
  func.func @transform_1(%arg0: i32) -> (i32, i32) {
    %c0_i32 = arith.constant 0 : i32
    %c0_i32_0 = arith.constant 0 : i32
    %c0_i32_1 = arith.constant 0 : i32
    return %c0_i32, %c0_i32_0 : i32, i32
  }
  func.func @transform_2(%arg0: i32) -> (i32, i32, i32) {
    %c0_i32 = arith.constant 0 : i32
    %c0_i32_0 = arith.constant 0 : i32
    %c0_i32_1 = arith.constant 0 : i32
    return %c0_i32, %arg0, %c0_i32_0 : i32, i32, i32
  }
  func.func @transform_3(%arg0: i32) -> (i32, i32) {
    %c0_i32 = arith.constant 0 : i32
    %c0_i32_0 = arith.constant 0 : i32
    return %arg0, %c0_i32 : i32, i32
  }
  func.func @transform_4(%arg0: i32) -> (i32, i32) {
    %c0_i32 = arith.constant 0 : i32
    %c0_i32_0 = arith.constant 0 : i32
    return %arg0, %c0_i32 : i32, i32
  }
  func.func @transform_5(%arg0: i32) -> (i32, i32) {
    %c0_i32 = arith.constant 0 : i32
    %c0_i32_0 = arith.constant 0 : i32
    return %arg0, %c0_i32 : i32, i32
  }
}

module attributes {stable_mosaic.version = 14 : i64} {
  func.func @_mid_body(%arg0: i32, %arg1: memref<2x2048x128xf32, #tpu.memory_space<vmem>>, %arg2: memref<2048x16xf32, #tpu.memory_space<vmem>>, %arg3: memref<2048x16xf32, #tpu.memory_space<vmem>>, %arg4: memref<1x128xf32, #tpu.memory_space<vmem>>, %arg5: memref<2048x128xf32, #tpu.memory_space<vmem>>) attributes {dimension_semantics = [#tpu.dimension_semantics<arbitrary>], iteration_bounds = array<i64: 5>, scalar_prefetch = 0 : i64, scratch_operands = 0 : i64, tpu.core_type = #tpu.core_type<tc>, window_params = [{transform_indices = @transform_0, window_bounds = array<i64: 2, 2048, 128>}, {transform_indices = @transform_1, window_bounds = array<i64: 2048, 16>}, {transform_indices = @transform_2, window_bounds = array<i64: 2048, 16>}, {pipeline_mode = #tpu.pipeline_mode<synchronous>, transform_indices = @transform_3, window_bounds = array<i64: 1, 128>}, {transform_indices = @transform_4, window_bounds = array<i64: 2048, 128>}]} {
    %get3A = arith.constant 0 : index
    %get3A_0 = arith.constant 0 : index
    %get3A_1 = arith.constant 0 : index
    %get3A_2 = vector.load %arg1[%get3A, %get3A_0, %get3A_1] : memref<2x2048x128xf32, #tpu.memory_space<vmem>>, vector<2x2048x128xf32>
    %slice3A = vector.extract_strided_slice %get3A_2 {offsets = [0, 0, 0], sizes = [1, 2048, 128], strides = [1, 1, 1]} : vector<2x2048x128xf32> to vector<1x2048x128xf32>
    %squeeze3A = vector.shape_cast %slice3A : vector<1x2048x128xf32> to vector<2048x128xf32>
    %slice3A_3 = vector.extract_strided_slice %get3A_2 {offsets = [1, 0, 0], sizes = [1, 2048, 128], strides = [1, 1, 1]} : vector<2x2048x128xf32> to vector<1x2048x128xf32>
    %squeeze3A_4 = vector.shape_cast %slice3A_3 : vector<1x2048x128xf32> to vector<2048x128xf32>
    %add3A = arith.addf %squeeze3A, %squeeze3A_4 : vector<2048x128xf32>
    %get3A_5 = arith.constant 0 : index
    %get3A_6 = arith.constant 0 : index
    %get3A_7 = vector.load %arg3[%get3A_5, %get3A_6] : memref<2048x16xf32, #tpu.memory_space<vmem>>, vector<2048x16xf32>
    %slice3A_8 = vector.extract_strided_slice %get3A_7 {offsets = [0, 0], sizes = [2048, 1], strides = [1, 1]} : vector<2048x16xf32> to vector<2048x1xf32>
    %mul3A = vector.broadcast %slice3A_8 : vector<2048x1xf32> to vector<2048x128xf32>
    %mul3A_9 = arith.mulf %add3A, %mul3A : vector<2048x128xf32>
    %get3A_10 = arith.constant 0 : index
    %get3A_11 = arith.constant 0 : index
    %get3A_12 = vector.load %arg4[%get3A_10, %get3A_11] : memref<1x128xf32, #tpu.memory_space<vmem>>, vector<1x128xf32>
    %add3A_13 = vector.broadcast %get3A_12 : vector<1x128xf32> to vector<2048x128xf32>
    %add3A_14 = arith.addf %mul3A_9, %add3A_13 : vector<2048x128xf32>
    %max3A = arith.constant 0.000000e+00 : f32
    %max3A_15 = vector.broadcast %max3A : f32 to vector<2048x128xf32>
    %max3A_16 = arith.maximumf %add3A_14, %max3A_15 : vector<2048x128xf32>
    %get3A_17 = arith.constant 0 : index
    %get3A_18 = arith.constant 0 : index
    %get3A_19 = vector.load %arg2[%get3A_17, %get3A_18] : memref<2048x16xf32, #tpu.memory_space<vmem>>, vector<2048x16xf32>
    %slice3A_20 = vector.extract_strided_slice %get3A_19 {offsets = [0, 0], sizes = [2048, 1], strides = [1, 1]} : vector<2048x16xf32> to vector<2048x1xf32>
    %mul3A_21 = vector.broadcast %slice3A_20 : vector<2048x1xf32> to vector<2048x128xf32>
    %mul3A_22 = arith.mulf %max3A_16, %mul3A_21 : vector<2048x128xf32>
    %swap3A = arith.constant 0 : index
    %swap3A_23 = arith.constant 0 : index
    %swap3A_24 = vector.load %arg5[%swap3A, %swap3A_23] : memref<2048x128xf32, #tpu.memory_space<vmem>>, vector<2048x128xf32>
    tpu.vector_store %arg5[%swap3A, %swap3A_23], %mul3A_22 {strides = array<i32>} : memref<2048x128xf32, #tpu.memory_space<vmem>>, vector<2048x128xf32>,
    return
  }
  func.func @transform_0(%arg0: i32) -> (i32, i32, i32) {
    %c0_i32 = arith.constant 0 : i32
    %c0_i32_0 = arith.constant 0 : i32
    %c0_i32_1 = arith.constant 0 : i32
    return %c0_i32, %arg0, %c0_i32_0 : i32, i32, i32
  }
  func.func @transform_1(%arg0: i32) -> (i32, i32) {
    %c0_i32 = arith.constant 0 : i32
    %c0_i32_0 = arith.constant 0 : i32
    return %arg0, %c0_i32 : i32, i32
  }
  func.func @transform_2(%arg0: i32) -> (i32, i32) {
    %c0_i32 = arith.constant 0 : i32
    %c0_i32_0 = arith.constant 0 : i32
    return %arg0, %c0_i32 : i32, i32
  }
  func.func @transform_3(%arg0: i32) -> (i32, i32) {
    %c0_i32 = arith.constant 0 : i32
    %c0_i32_0 = arith.constant 0 : i32
    %c0_i32_1 = arith.constant 0 : i32
    return %c0_i32, %c0_i32_0 : i32, i32
  }
  func.func @transform_4(%arg0: i32) -> (i32, i32) {
    %c0_i32 = arith.constant 0 : i32
    %c0_i32_0 = arith.constant 0 : i32
    return %arg0, %c0_i32 : i32, i32
  }
}

module attributes {stable_mosaic.version = 14 : i64} {
  func.func @_final_body(%arg0: i32, %arg1: memref<2x2000x128xf32, #tpu.memory_space<vmem>>, %arg2: memref<2000x16xf32, #tpu.memory_space<vmem>>, %arg3: memref<128x128xf32, #tpu.memory_space<vmem>>, %arg4: memref<1x128xf32, #tpu.memory_space<vmem>>, %arg5: memref<2000x128xf32, #tpu.memory_space<vmem>>) attributes {dimension_semantics = [#tpu.dimension_semantics<arbitrary>], iteration_bounds = array<i64: 5>, scalar_prefetch = 0 : i64, scratch_operands = 0 : i64, tpu.core_type = #tpu.core_type<tc>, window_params = [{transform_indices = @transform_0, window_bounds = array<i64: 2, 2000, 128>}, {transform_indices = @transform_1, window_bounds = array<i64: 2000, 16>}, {pipeline_mode = #tpu.pipeline_mode<synchronous>, transform_indices = @transform_2, window_bounds = array<i64: 128, 128>}, {pipeline_mode = #tpu.pipeline_mode<synchronous>, transform_indices = @transform_3, window_bounds = array<i64: 1, 128>}, {transform_indices = @transform_4, window_bounds = array<i64: 2000, 128>}]} {
    %get3A = arith.constant 0 : index
    %get3A_0 = arith.constant 0 : index
    %get3A_1 = arith.constant 0 : index
    %get3A_2 = vector.load %arg1[%get3A, %get3A_0, %get3A_1] : memref<2x2000x128xf32, #tpu.memory_space<vmem>>, vector<2x2000x128xf32>
    %slice3A = vector.extract_strided_slice %get3A_2 {offsets = [0, 0, 0], sizes = [1, 2000, 128], strides = [1, 1, 1]} : vector<2x2000x128xf32> to vector<1x2000x128xf32>
    %squeeze3A = vector.shape_cast %slice3A : vector<1x2000x128xf32> to vector<2000x128xf32>
    %slice3A_3 = vector.extract_strided_slice %get3A_2 {offsets = [1, 0, 0], sizes = [1, 2000, 128], strides = [1, 1, 1]} : vector<2x2000x128xf32> to vector<1x2000x128xf32>
    %squeeze3A_4 = vector.shape_cast %slice3A_3 : vector<1x2000x128xf32> to vector<2000x128xf32>
    %add3A = arith.addf %squeeze3A, %squeeze3A_4 : vector<2000x128xf32>
    %get3A_5 = arith.constant 0 : index
    %get3A_6 = arith.constant 0 : index
    %get3A_7 = vector.load %arg2[%get3A_5, %get3A_6] : memref<2000x16xf32, #tpu.memory_space<vmem>>, vector<2000x16xf32>
    %slice3A_8 = vector.extract_strided_slice %get3A_7 {offsets = [0, 0], sizes = [2000, 1], strides = [1, 1]} : vector<2000x16xf32> to vector<2000x1xf32>
    %mul3A = vector.broadcast %slice3A_8 : vector<2000x1xf32> to vector<2000x128xf32>
    %mul3A_9 = arith.mulf %add3A, %mul3A : vector<2000x128xf32>
    %get3A_10 = arith.constant 0 : index
    %get3A_11 = arith.constant 0 : index
    %get3A_12 = vector.load %arg3[%get3A_10, %get3A_11] : memref<128x128xf32, #tpu.memory_space<vmem>>, vector<128x128xf32>
    %dot_general3A = arith.constant dense<0.000000e+00> : vector<2000x128xf32>
    %dot_general3A_13 = tpu.matmul %mul3A_9, %get3A_12, %dot_general3A {dimension_numbers = #tpu.dot_dimension_numbers<[1], [0], [0], [1], [0, 0, 1, 1], [], []>, transpose_lhs_hint = false} : vector<2000x128xf32>, vector<128x128xf32>, vector<2000x128xf32> -> vector<2000x128xf32>
    %get3A_14 = arith.constant 0 : index
    %get3A_15 = arith.constant 0 : index
    %get3A_16 = vector.load %arg4[%get3A_14, %get3A_15] : memref<1x128xf32, #tpu.memory_space<vmem>>, vector<1x128xf32>
    %add3A_17 = vector.broadcast %get3A_16 : vector<1x128xf32> to vector<2000x128xf32>
    %add3A_18 = arith.addf %dot_general3A_13, %add3A_17 : vector<2000x128xf32>
    %swap3A = arith.constant 0 : index
    %swap3A_19 = arith.constant 0 : index
    %swap3A_20 = vector.load %arg5[%swap3A, %swap3A_19] : memref<2000x128xf32, #tpu.memory_space<vmem>>, vector<2000x128xf32>
    tpu.vector_store %arg5[%swap3A, %swap3A_19], %add3A_18 {strides = array<i32>} : memref<2000x128xf32, #tpu.memory_space<vmem>>, vector<2000x128xf32>,
    return
  }
  func.func @transform_0(%arg0: i32) -> (i32, i32, i32) {
    %c0_i32 = arith.constant 0 : i32
    %c0_i32_0 = arith.constant 0 : i32
    %c0_i32_1 = arith.constant 0 : i32
    return %c0_i32, %arg0, %c0_i32_0 : i32, i32, i32
  }
  func.func @transform_1(%arg0: i32) -> (i32, i32) {
    %c0_i32 = arith.constant 0 : i32
    %c0_i32_0 = arith.constant 0 : i32
    return %arg0, %c0_i32 : i32, i32
  }
  func.func @transform_2(%arg0: i32) -> (i32, i32) {
    %c0_i32 = arith.constant 0 : i32
    %c0_i32_0 = arith.constant 0 : i32
    %c0_i32_1 = arith.constant 0 : i32
    return %c0_i32, %c0_i32_0 : i32, i32
  }
  func.func @transform_3(%arg0: i32) -> (i32, i32) {
    %c0_i32 = arith.constant 0 : i32
    %c0_i32_0 = arith.constant 0 : i32
    %c0_i32_1 = arith.constant 0 : i32
    return %c0_i32, %c0_i32_0 : i32, i32
  }
  func.func @transform_4(%arg0: i32) -> (i32, i32) {
    %c0_i32 = arith.constant 0 : i32
    %c0_i32_0 = arith.constant 0 : i32
    return %arg0, %c0_i32 : i32, i32
  }
}

</mosaic_0001>

<sc_bundles>
// kernel: kernel.11.cloned.1.call-start
scs
__scs_entry_jumppad:
0x0: {  	(pc) =	sbr.rel $0x88, $3  }
0x1: {  	(tag) =	ssettag $0x0;
	lr =	simm.s32 $0x1  }
0x2: {  	[smem:$0x3F9B] =	sst lr;
	_ =	strace $0xD0000000  }
0x3: {  	_ = 	snop  }
0x4: {  	_ = 	snop  }
0x5: {  	_ = 	snop  }
0x6: {  	_ = 	snop  }
0x7: {  	_ = 	snop  }
__scs_overlays_trampoline_lowered:
0x8: {  	[smem:$0x3FAA] =	sst s0  }
0x9: {  	[smem:$0x3FAB] =	sst s1  }
0xa: {  	[smem:$0x3FAC] =	sst s2  }
0xb: {  	[smem:$0x3FAD] =	sst s3  }
0xc: {  	[smem:$0x3FAE] =	sst s4  }
0xd: {  	[smem:$0x3FAF] =	sst s5  }
0xe: {  	[smem:$0x3FB0] =	sst s6  }
0xf: {  	[smem:$0x3FB1] =	sst s7  }
0x10: {  	[smem:$0x3FB2] =	sst s8  }
0x11: {  	[smem:$0x3FB3] =	sst s9;
	s0 =	simm.s32 @!p0 $0x0  }
0x12: {  	s1 =	sld [smem:$0x3F99];
	s0 =	simm.s32 @p0 $0x1  }
0x13: {  	[smem:$0x3FB4] =	sst s0;
	s0 =	simm.s32 @!p1 $0x0  }
0x14: {  	s2 =	sld [smem:$0x3F98];
	s0 =	simm.s32 @p1 $0x1  }
0x15: {  	[smem:$0x3FB5] =	sst s0;
	s0 =	simm.s32 @!p2 $0x0  }
0x16: {  	s3 =	sld [smem:$0x3FDB];
	s0 =	simm.s32 @p2 $0x1  }
0x17: {  	s4 =	simm.s32 $0x1BF5;
	[smem:$0x3FB7] =	sst s0  }
0x18: {  	s0 =	sld [smem:$0x3F9A];
	_ =	swait.ge [sflag:s4], $0x0  }
0x19: {  	s7 =	sld [smem:$0x3F9B]  }
0x1a: {  	s8 =	sadd.s32 $0xFFFFE003, lr  }
0x1b: {  	s9 =	sadd.s32 $0xFFFFFEF7, lr;
	s5 =	simm.s32 $0xFFFFFFFF;
	p2 =	slt.u32 s8, $0xFFFFF086  }
0x1c: {  	p1 =	slt.u32 s9, $0xF7A;
	s5 =	simm.s32 @!p2 $0x0  }
0x1d: {  	s5 =	simm.s32 @p1 $0x1;
	p0 =	seq.s32 s7, s2  }
0x1e: {  	s7 =	smul.u32 @!p0 $0xF7A, s2;
	p2 =	seq.s32 @!p0 s5, $0x0  }
0x1f: {  	s9 =	smul.u32 $0xF7A, s1;
	s8 =	simm.s32 @!p0 $0x1BF5;
	p2 =	por !p2, p0  }
0x20: {  	[sflag:s8] =	ssyncset.s32 @!p0 $0xFFFFF086;
	s6 =	sadd.s32 @!p0 s3, s7;
	s7 =	simm.s32 @!p0 $0x108  }
0x21: {  	s3 =	sadd.s32 s3, s9;
	s6 =	sadd.s32 @!p0 $0x88, s6;
	s7 =	simm.s32 @p2 $0x1082  }
0x22: {  	[simem:s7], [sflag:s8] =	dma.local @!p0 [hbm:s6], $0xF7A  }
0x23: {  	s9 =	sor.u32 $0xD0000000, s2;
	s6 =	simm.s32 $0x108;
	_ =	swait.ge @!p0 [sflag:s8], $0x0  }
0x24: {  	s3 =	sadd.s32 $0x88, s3;
	s6 =	simm.s32 @!p1 $0x1082;
	[sflag:s4] =	ssyncset.s32 $0xFFFFF086  }
0x25: {  	[simem:s6], [sflag:s4] =	dma.local [hbm:s3], $0xF7A  }
0x26: {  	[smem:$0x3F9B] =	sst s1;
	(tag) =	ssettag s2;
	_ =	strace s9  }
0x27: {  	s1 =	sld [smem:$0x3FAB]  }
0x28: {  	s2 =	sld [smem:$0x3FAC]  }
0x29: {  	s4 =	sld [smem:$0x3FAE]  }
0x2a: {  	p0 =	seq.s32 s5, $0x0;
	s5 =	sld [smem:$0x3FAF]  }
0x2b: {  	s6 =	sld [smem:$0x3FB0]  }
0x2c: {  	s7 =	sld [smem:$0x3FB1]  }
0x2d: {  	s3 =	simm.s32 $0x108;
	s8 =	sld [smem:$0x3FB2]  }
0x2e: {  	s3 =	simm.s32 @!p0 $0x1082;
	s9 =	sld [smem:$0x3FB3]  }
0x2f: {  	lr =	sadd.s32 s0, s3;
	s0 =	sld [smem:$0x3FAA]  }
0x30: {  	s3 =	sld [smem:$0x3FAD]  }
0x31: {  	[smem:$0x3FB6] =	sst s10  }
0x32: {  	s10 =	sld [smem:$0x3FB4];
	_ =	sdelay $0x3  }
0x33: {  	p0 =	seq.s32 s10, $0x1;
	s10 =	sld [smem:$0x3FB6];
	_ =	sdelay $0x3  }
0x34: {  	[smem:$0x3FB6] =	sst s10  }
0x35: {  	s10 =	sld [smem:$0x3FB5];
	_ =	sdelay $0x3  }
0x36: {  	p1 =	seq.s32 s10, $0x1;
	s10 =	sld [smem:$0x3FB6];
	_ =	sdelay $0x3  }
0x37: {  	[smem:$0x3FB6] =	sst s10  }
0x38: {  	s10 =	sld [smem:$0x3FB7]  }
0x39: {  	_ = 	snop;
	(pc) =	sbr.ind lr, $3  }
0x3a: {  	_ = 	snop  }
0x3b: {  	_ = 	snop  }
0x3c: {  	p2 =	seq.s32 s10, $0x1;
	s10 =	sld [smem:$0x3FB6]  }
0x3d: {  	_ =	shalt  }
0x3e: {  	_ =	shalt  }
0x3f: {  	_ =	shalt  }
0x40: {  	_ =	shalt  }
0x41: {  	_ =	shalt  }
0x42: {  	_ =	shalt  }
0x43: {  	_ =	shalt  }
0x44: {  	_ =	shalt  }
0x45: {  	_ =	shalt  }
0x46: {  	_ =	shalt  }
0x47: {  	_ =	shalt  }
0x48: {  	_ =	shalt  }
0x49: {  	_ =	shalt  }
0x4a: {  	_ =	shalt  }
0x4b: {  	_ =	shalt  }
0x4c: {  	_ =	shalt  }
0x4d: {  	_ =	shalt  }
0x4e: {  	_ =	shalt  }
0x4f: {  	_ =	shalt  }
0x50: {  	_ =	shalt  }
0x51: {  	_ =	shalt  }
0x52: {  	_ =	shalt  }
0x53: {  	_ =	shalt  }
0x54: {  	_ =	shalt  }
0x55: {  	_ =	shalt  }
0x56: {  	_ =	shalt  }
0x57: {  	_ =	shalt  }
0x58: {  	_ =	shalt  }
0x59: {  	_ =	shalt  }
0x5a: {  	_ =	shalt  }
0x5b: {  	_ =	shalt  }
0x5c: {  	_ =	shalt  }
0x5d: {  	_ =	shalt  }
0x5e: {  	_ =	shalt  }
0x5f: {  	_ =	shalt  }
0x60: {  	_ =	shalt  }
0x61: {  	_ =	shalt  }
0x62: {  	_ =	shalt  }
0x63: {  	_ =	shalt  }
0x64: {  	_ =	shalt  }
0x65: {  	_ =	shalt  }
0x66: {  	_ =	shalt  }
0x67: {  	_ =	shalt  }
0x68: {  	_ =	shalt  }
0x69: {  	_ =	shalt  }
0x6a: {  	_ =	shalt  }
0x6b: {  	_ =	shalt  }
0x6c: {  	_ =	shalt  }
0x6d: {  	_ =	shalt  }
0x6e: {  	_ =	shalt  }
0x6f: {  	_ =	shalt  }
0x70: {  	_ =	shalt  }
0x71: {  	_ =	shalt  }
0x72: {  	_ =	shalt  }
0x73: {  	_ =	shalt  }
0x74: {  	_ =	shalt  }
0x75: {  	_ =	shalt  }
0x76: {  	_ =	shalt  }
0x77: {  	_ =	shalt  }
0x78: {  	_ =	shalt  }
0x79: {  	_ =	shalt  }
0x7a: {  	_ =	shalt  }
0x7b: {  	_ =	shalt  }
0x7c: {  	_ =	shalt  }
0x7d: {  	_ =	shalt  }
0x7e: {  	_ =	shalt  }
0x7f: {  	_ =	shalt  }
0x80: {  	_ =	shalt  }
0x81: {  	_ =	shalt  }
0x82: {  	_ =	shalt  }
0x83: {  	_ =	shalt  }
0x84: {  	_ =	shalt  }
0x85: {  	_ =	shalt  }
0x86: {  	_ =	shalt  }
0x87: {  	_ =	shalt  }
.Lfunc_end0:
.L_simem_size_0:
called_computation.1_lowered:
.L_overlay_start_0:
0x88: {  	s2 =	sld [smem:$0x3FD9]  }
0x89: {  	s3 =	sld [smem:$0x3FFE];
	_ =	sdelay $0x1  }
0x8a: {  	s1 =	srdreg.scid  }
0x8b: {  	s0 =	sand.u32 $0x1, s1  }
0x8c: {  	s17 =	sshll.u32 s0, $0xA;
	s2 =	sadd.s32 s3, s2  }
0x8d: {  	s2 =	sadd.s32 s2, s17  }
0x8e: {  	[smem:$0x3FC2] =	sst s2  }
0x8f: {  	_ = 	snop  }
0x90: {  	s2 =	sld [smem:$0x3FD0];
	(tm) =	ssettm $0x1  }
0x91: {  	s18 =	sld [smem:$0x3FFB];
	_ =	sdelay $0x3  }
0x92: {  	_ =	strace s18  }
0x93: {  	s3 =	sld [smem:$0x3FFC];
	_ =	sdelay $0x3  }
0x94: {  	_ =	strace s3  }
0x95: {  	s3 =	sld [smem:$0x3FFD];
	_ =	sdelay $0x3  }
0x96: {  	_ =	strace s3  }
0x97: {  	_ =	strace $0x8FFFFFFF  }
0x98: {  	s19 =	sld [smem:$0x3FDB];
	_ =	sdelay $0x1  }
0x99: {  	s4 =	simm.s32 $_scs_section_size  }
0x9a: {  	s5 =	simm.s32 $_size__tile_overlayer_lowered;
	s6 =	simm.s32 $_tile_overlayer_lowered  }
0x9b: {  	s22 =	simm.s32 $0x1BFF;
	s21 =	sshll.u32 s6, $0x1;
	s3 =	sadd.s32 s4, s19  }
0x9c: {  	s7 =	simm.s32 $0x0;
	s20 =	sshll.u32 s5, $0x1;
	s5 =	sadd.s32 s21, s3  }
0x9d: {  	[timem:s7], [sflag:s22] =	dma.local [hbm:s5], s20  }
0x9e: {  	_ =	swait.ge [sflag:s22], s20  }
0x9f: {  	s4 =	ssub.s32 $0x0, s20;
	[sflag:s22] =	ssyncset.done $0x0  }
0xa0: {  	[sflag:s22] =	ssyncadd.s32 s4;
	_ =	sdelay $0x1  }
0xa1: {  	s23 =	simm.s32 $0x1B8B  }
0xa2: {  	_ =	swait.ge [sflag:s23], $0x1  }
0xa3: {  	[sflag:s23] =	ssyncset.done $0x0  }
0xa4: {  	s25 =	simm.s32 $0x1B8E;
	s24 =	sld [smem:$0x3FFE];
	[sflag:s23] =	ssyncadd.s32 $0xFFFFFFFF  }
0xa5: {  	s26 =	simm.s32 $execute0_lowered;
	[smem:$0x3FD2] =	sst s25  }
0xa6: {  	s5 =	sshll.u32 s26, $0x1;
	_ =	strace $0x80000049;
	[dreg:$0x1] =	wrdreg $0xFFFFFFFF  }
0xa7: {  	s28 =	simm.s32 $_size_execute0_lowered;
	s3 =	sadd.s32 s3, s5;
	[dreg:$0x0] =	wrdreg $0x0  }
0xa8: {  	s5 =	sshll.u32 s28, $0x1;
	[dreg:$0x2] =	wrdreg s3  }
0xa9: {  	[dreg:$0x3] =	wrdreg s5  }
0xaa: {  	[dreg:$0x4] =	wrdreg $0xC0  }
0xab: {  	_ =	task [dreg:s7], $0x5FFFF  }
0xac: {  	[dreg:$0x1] =	wrdreg $0xFFFFFFFF  }
0xad: {  	[dreg:$0x0] =	wrdreg $0x60  }
0xae: {  	[dreg:$0x2] =	wrdreg s24  }
0xaf: {  	[dreg:$0x3] =	wrdreg s2  }
0xb0: {  	[dreg:$0x4] =	wrdreg $0x0  }
0xb1: {  	[dreg:$0x5] =	wrdreg $0x9  }
0xb2: {  	_ =	task.clear_ibuf [dreg:s7], $0x6FFFF;
	_ =	strace $0x90000049  }
0xb3: {  	s29 =	simm.s32 $0x9;
	_ =	strace $0x8000004B  }
0xb4: {  	_ =	swait.ge [sflag:s29], $0x1  }
0xb5: {  	[sflag:s29] =	ssyncadd.s32 $0xFFFFFFFF  }
0xb6: {  	_ =	strace $0x9000004B  }
0xb7: {  	_ =	sfence  }
0xb8: {  	s30 =	sld [smem:$0x0];
	_ =	sdelay $0x2  }
0xb9: {  	s31 =	sshll.u32 s1, $0xD;
	s1 =	sshrl.u32 s1, $0x2  }
0xba: {  	s3 =	sand.u32 $0x4000, s31;
	s1 =	sadd.s32 s1, s30  }
0xbb: {  	s0 =	sor.u32 s3, s0;
	s1 =	sshll.u32 s1, $0x11  }
0xbc: {  	s0 =	sor.u32 s1, s0  }
0xbd: {  	s0 =	sadd.s32 $0x8F2B, s0  }
0xbe: {  	[sflag:s0] =	ssyncadd.remote.s32 $0x1  }
0xbf: {  	_ =	sfence.sel $0xFFFF  }
0xc0: {  	[dreg:$0x0] =	wrdreg $0xFFFFFFFF;
	(pc) =	sbr.abs _section_cstart, $3  }
0xc1: {  	[dreg:$0x1] =	wrdreg $0xFFFFFFFF  }
0xc2: {  	_ =	task.clear_ibuf [dreg:s7], $0x2FFFF;
	_ =	strace $0x9FFFFFFF  }
0xc3: {  	(tm) =	ssettm $0x7FFFFFFF  }
tec
execute0_lowered:
.L_overlay_start_1:
0x0: {  	(tag) =	ssettag $0x1  }
0x1: {  	s5 =	rddreg [dreg:$0x0]  }
0x2: {  	s0 =	rddreg [dreg:$0x1];
	s1 =	srdreg.scid  }
0x3: {  	s2 =	rddreg [dreg:$0x2];
	s10 =	stileid.u32;
	s3 =	simm.s32 $0x0  }
0x4: {  	s28 =	simm.s32 $0x80;
	s29 =	simm.s32 $0x14400;
	s4 =	smul.u32 $0x14000, s10  }
0x5: {  	s30 =	simm.s32 $0x4;
	s31 =	simm.s32 $0x8;
	s8 =	smul.u32 $0x50000, s10  }
0x6: {  	s6 =	sand.u32 $0x1, s1;
	[smem:$0x7FF] =	sst s3;
	s10 =	smul.u32 $0x5000, s10  }
0x7: {  	s1 =	smul.u32 $0x140000, s6;
	_ =	strace $0x8000004A;
	s8 =	sshrl.u32 s8, $0x2  }
0x8: {  	s9 =	ssub.s32 $0x2, s6;
	s15 =	smul.u32 $0x2800, s6;
	s17 =	sadd.s32 s8, s2  }
0x9: {  	s11 =	sshrl.u32 s9, $0x1;
	s16 =	sadd.s32 $0x2000, s17;
	[dreg:$0x18] =	wrdreg s17  }
0xa: {  	s7 =	sadd.s32 s4, s1;
	s18 =	sadd.s32 $0x4000, s17;
	[dreg:$0x19] =	wrdreg s16  }
0xb: {  	s4 =	sadd.s32 $0x2200, s5;
	s19 =	sadd.s32 $0x6000, s17;
	[dreg:$0x1a] =	wrdreg s18  }
0xc: {  	s1 =	sadd.s32 $0x65E00, s5;
	s20 =	sadd.s32 $0x8000, s17;
	[dreg:$0x1b] =	wrdreg s19  }
0xd: {  	s7 =	sshrl.u32 s7, $0x3;
	s21 =	sadd.s32 $0xA000, s17;
	[dreg:$0x1c] =	wrdreg s20  }
0xe: {  	s23 =	sadd.s32 $0xC000, s17;
	s24 =	sadd.s32 $0xE000, s17;
	[dreg:$0x1d] =	wrdreg s21  }
0xf: {  	s25 =	sadd.s32 $0x10000, s17;
	s6 =	sadd.s32 s7, s5;
	[dreg:$0x1e] =	wrdreg s23  }
0x10: {  	s5 =	ssub.s32 s9, s11;
	s7 =	sadd.s32 s15, s10;
	[dreg:$0x1f] =	wrdreg s24  }
0x11: {  	[smem:$0x7FA] =	sst s25;
	s22 =	sor.u32 $0x480, s7;
	s6 =	sadd.s32 $0x6FE00, s6  }
0x12: {  	s5 =	smax.u32 s5, $0x1;
	s8 =	sshrl.u32 s22, $0x3;
	[smem:$0x7FC] =	sst s6  }
0x13: {  	s10 =	sor.u32 $0x400, s7;
	[smem:$0x7FD] =	sst s5;
	s26 =	sadd.s32 s8, s1  }
0x14: {  	s11 =	sshrl.u32 s10, $0x3;
	s8 =	sadd.s32 s8, s0;
	[dreg:$0x4] =	wrdreg s26  }
0x15: {  	s13 =	sor.u32 $0x380, s7;
	s12 =	sadd.s32 s11, s1;
	[dreg:$0x5] =	wrdreg s8  }
0x16: {  	s15 =	sshrl.u32 s13, $0x3;
	s14 =	sadd.s32 s11, s0;
	[dreg:$0x6] =	wrdreg s12  }
0x17: {  	s18 =	sor.u32 $0x300, s7;
	s16 =	sadd.s32 s15, s1;
	[dreg:$0x7] =	wrdreg s14  }
0x18: {  	s20 =	sshrl.u32 s18, $0x3;
	s19 =	sadd.s32 s15, s0;
	[dreg:$0x8] =	wrdreg s16  }
0x19: {  	s22 =	sor.u32 $0x280, s7;
	s21 =	sadd.s32 s20, s1;
	[dreg:$0x9] =	wrdreg s19  }
0x1a: {  	s23 =	sadd.s32 s20, s0;
	s24 =	sshrl.u32 s22, $0x3;
	[dreg:$0xa] =	wrdreg s21  }
0x1b: {  	s6 =	simm.s32 $0x18400;
	[dreg:$0xb] =	wrdreg s23;
	s25 =	sadd.s32 s24, s1  }
0x1c: {  	s26 =	sor.u32 $0x200, s7;
	s9 =	sadd.s32 s24, s0;
	s12 =	sor.u32 $0x180, s7  }
0x1d: {  	s16 =	sor.u32 $0x100, s7;
	s21 =	sor.u32 $0x80, s7;
	s24 =	sadd.s32 $0x12000, s17  }
0x1e: {  	s7 =	sshrl.u32 s7, $0x3;
	s8 =	simm.s32 $0x5;
	[dreg:$0xc] =	wrdreg s25  }
0x1f: {  	s10 =	sshrl.u32 s26, $0x3;
	[dreg:$0xd] =	wrdreg s9;
	s14 =	sshrl.u32 s12, $0x3  }
0x20: {  	s19 =	sshrl.u32 s16, $0x3;
	[smem:$0x7FB] =	sst s24;
	s11 =	sadd.s32 s10, s1  }
0x21: {  	s23 =	sshrl.u32 s21, $0x3;
	s13 =	sadd.s32 s10, s0;
	[dreg:$0xe] =	wrdreg s11  }
0x22: {  	s21 =	simm.s32 $0x14280;
	s15 =	sadd.s32 s14, s1;
	[dreg:$0xf] =	wrdreg s13  }
0x23: {  	s24 =	simm.s32 $0x7;
	s18 =	sadd.s32 s14, s0;
	[dreg:$0x10] =	wrdreg s15  }
0x24: {  	s9 =	simm.s32 $0x9;
	s20 =	sadd.s32 s19, s1;
	[dreg:$0x11] =	wrdreg s18  }
0x25: {  	s12 =	simm.s32 $0x6;
	s22 =	sadd.s32 s19, s0;
	[dreg:$0x12] =	wrdreg s20  }
0x26: {  	s25 =	sadd.s32 s23, s1;
	s26 =	sadd.s32 s23, s0;
	[dreg:$0x13] =	wrdreg s22  }
0x27: {  	s1 =	sadd.s32 s7, s1;
	s0 =	sadd.s32 s7, s0;
	[dreg:$0x14] =	wrdreg s25  }
0x28: {  	s19 =	simm.s32 $0x14200;
	s23 =	simm.s32 $0x3;
	[dreg:$0x15] =	wrdreg s26  }
0x29: {  	s7 =	simm.s32 $0x1;
	s10 =	simm.s32 $0xB;
	[dreg:$0x16] =	wrdreg s1  }
0x2a: {  	s14 =	simm.s32 $0xC;
	[dreg:$0x17] =	wrdreg s0;
	s18 =	simm.s32 $0xD  }
0x2b: {  	s20 =	simm.s32 $0x14000;
	s22 =	simm.s32 $0x14080;
	s25 =	simm.s32 $0x14300  }
0x2c: {  	s26 =	simm.s32 $0x14100;
	s0 =	simm.s32 $0x14380;
	s1 =	simm.s32 $0x14180  }
0x2d: {  	v0 =	vimm.f32 $0.0e+00;
	s11 =	simm.s32 $0x2;
	s13 =	simm.s32 $0xA;
	s15 =	simm.s32 $0x0  }
.LBB2_1:
0x2e: {  	[smem:$0x7F9] =	sst s15;
	s5 =	simm.s32 $0x0;
	s16 =	simm.s32 $0x200  }
.LBB2_2:
0x2f: {  	p0 =	sne.s32 s16, $0x7E00;
	[tilespmem:s5+$0x1C470] =	vst v0  }
0x30: {  	[tilespmem:s5+$0x1C400] =	vst v0  }
0x31: {  	[tilespmem:s5+$0x1C410] =	vst v0  }
.Ltmp0:
0x32: {  	[tilespmem:s5+$0x1C420] =	vst v0;
	(pc) =	sbr.rel @p0 .LBB2_2-.Ltmp0, $4  }
0x33: {  	[tilespmem:s5+$0x1C430] =	vst v0  }
0x34: {  	[tilespmem:s5+$0x1C440] =	vst v0  }
0x35: {  	[tilespmem:s5+$0x1C450] =	vst v0  }
0x36: {  	[tilespmem:s5+$0x1C460] =	vst v0;
	s5 =	sshra.s32 s16, $0x2;
	s16 =	sadd.s32 $0x200, s16  }
0x37: {  	[tilespmem:s5+$0x1C470] =	vst v0  }
0x38: {  	[tilespmem:s5+$0x1C400] =	vst v0  }
0x39: {  	[tilespmem:s5+$0x1C410] =	vst v0  }
0x3a: {  	[tilespmem:s5+$0x1C420] =	vst v0  }
0x3b: {  	[tilespmem:s5+$0x1C430] =	vst v0  }
0x3c: {  	[tilespmem:s5+$0x1C440] =	vst v0  }
0x3d: {  	[tilespmem:s5+$0x1C450] =	vst v0  }
0x3e: {  	[tilespmem:s5+$0x1C460] =	vst v0;
	s15 =	simm.s32 $0x1C400  }
0x3f: {  	[spmem:s17] =	stream.linear.scatter [tilespmem:s15], [sflag:$0xD], $0x2000, $0x38;
	[tilespmem:$0x1E400] =	vst v63  }
0x40: {  	_ =	swait.ge [sflag:s18], $0x2000  }
0x41: {  	[sflag:s18] =	ssyncset.done $0x0  }
0x42: {  	s16 =	rddreg [dreg:$0x19];
	[sflag:s18] =	ssyncadd.s32 $0xFFFFE000  }
0x43: {  	[spmem:s16] =	stream.linear.scatter [tilespmem:s15], [sflag:$0xD], $0x2000, $0x38;
	[tilespmem:$0x1E400] =	vst v63  }
0x44: {  	_ =	swait.ge [sflag:s18], $0x2000  }
0x45: {  	[sflag:s18] =	ssyncset.done $0x0  }
0x46: {  	s17 =	rddreg [dreg:$0x1a];
	[sflag:s18] =	ssyncadd.s32 $0xFFFFE000  }
0x47: {  	[spmem:s17] =	stream.linear.scatter [tilespmem:s15], [sflag:$0xD], $0x2000, $0x38;
	[tilespmem:$0x1E400] =	vst v63  }
0x48: {  	_ =	swait.ge [sflag:s18], $0x2000  }
0x49: {  	[sflag:s18] =	ssyncset.done $0x0  }
0x4a: {  	s16 =	rddreg [dreg:$0x1b];
	[sflag:s18] =	ssyncadd.s32 $0xFFFFE000  }
0x4b: {  	[spmem:s16] =	stream.linear.scatter [tilespmem:s15], [sflag:$0xD], $0x2000, $0x38;
	[tilespmem:$0x1E400] =	vst v63  }
0x4c: {  	_ =	swait.ge [sflag:s18], $0x2000  }
0x4d: {  	[sflag:s18] =	ssyncset.done $0x0  }
0x4e: {  	s17 =	rddreg [dreg:$0x1c];
	[sflag:s18] =	ssyncadd.s32 $0xFFFFE000  }
0x4f: {  	[spmem:s17] =	stream.linear.scatter [tilespmem:s15], [sflag:$0xD], $0x2000, $0x38;
	[tilespmem:$0x1E400] =	vst v63  }
0x50: {  	_ =	swait.ge [sflag:s18], $0x2000  }
0x51: {  	[sflag:s18] =	ssyncset.done $0x0  }
0x52: {  	s16 =	rddreg [dreg:$0x1d];
	[sflag:s18] =	ssyncadd.s32 $0xFFFFE000  }
0x53: {  	[spmem:s16] =	stream.linear.scatter [tilespmem:s15], [sflag:$0xD], $0x2000, $0x38;
	[tilespmem:$0x1E400] =	vst v63  }
0x54: {  	_ =	swait.ge [sflag:s18], $0x2000  }
0x55: {  	[sflag:s18] =	ssyncset.done $0x0  }
0x56: {  	s17 =	rddreg [dreg:$0x1e];
	[sflag:s18] =	ssyncadd.s32 $0xFFFFE000  }
0x57: {  	[spmem:s17] =	stream.linear.scatter [tilespmem:s15], [sflag:$0xD], $0x2000, $0x38;
	[tilespmem:$0x1E400] =	vst v63  }
0x58: {  	_ =	swait.ge [sflag:s18], $0x2000  }
0x59: {  	[sflag:s18] =	ssyncset.done $0x0  }
0x5a: {  	s16 =	rddreg [dreg:$0x1f];
	[sflag:s18] =	ssyncadd.s32 $0xFFFFE000  }
0x5b: {  	[spmem:s16] =	stream.linear.scatter [tilespmem:s15], [sflag:$0xD], $0x2000, $0x38;
	[tilespmem:$0x1E400] =	vst v63  }
0x5c: {  	_ =	swait.ge [sflag:s18], $0x2000  }
0x5d: {  	s17 =	sld [smem:$0x7FA]  }
0x5e: {  	[sflag:s18] =	ssyncset.done $0x0  }
0x5f: {  	[sflag:s18] =	ssyncadd.s32 $0xFFFFE000  }
0x60: {  	[spmem:s17] =	stream.linear.scatter [tilespmem:s15], [sflag:$0xD], $0x2000, $0x38;
	[tilespmem:$0x1E400] =	vst v63  }
0x61: {  	_ =	swait.ge [sflag:s18], $0x2000  }
0x62: {  	s16 =	sld [smem:$0x7FB]  }
0x63: {  	[sflag:s18] =	ssyncset.done $0x0  }
0x64: {  	[sflag:s18] =	ssyncadd.s32 $0xFFFFE000  }
0x65: {  	[spmem:s16] =	stream.linear.scatter [tilespmem:s15], [sflag:$0xD], $0x2000, $0x38;
	[tilespmem:$0x1E400] =	vst v63  }
0x66: {  	_ =	swait.ge [sflag:s18], $0x2000  }
0x67: {  	[sflag:s18] =	ssyncset.done $0x0  }
0x68: {  	[sflag:s18] =	ssyncadd.s32 $0xFFFFE000  }
0x69: {  	[bflag:$0x0] =	sbarrier.arrive $0xFFFF  }
0x6a: {  	s17 =	rddreg [dreg:$0x17]  }
0x6b: {  	s18 =	rddreg [dreg:$0x16];
	s5 =	sadd.s32 $0x0, s17  }
0x6c: {  	[tilespmem:s19], [sflag:$0x3] =	stream.linear.gather [hbm4b:s5+s3], $0x80, $0x38;
	[tilespmem:$0x1E400] =	vst v63  }
0x6d: {  	s16 =	rddreg [dreg:$0x15];
	s15 =	sadd.s32 $0x0, s18  }
0x6e: {  	[tilespmem:s20], [sflag:$0x7] =	stream.linear.gather [hbm4b:s15+s3], $0x80, $0x38;
	[tilespmem:$0x1E400] =	vst v63  }
0x6f: {  	s17 =	rddreg [dreg:$0x14];
	s18 =	sadd.s32 $0x0, s16  }
0x70: {  	[tilespmem:s21], [sflag:$0x4] =	stream.linear.gather [hbm4b:s18+s3], $0x80, $0x38;
	[tilespmem:$0x1E400] =	vst v63  }
0x71: {  	s16 =	sadd.s32 $0x0, s17  }
0x72: {  	[tilespmem:s22], [sflag:$0x8] =	stream.linear.gather [hbm4b:s16+s3], $0x80, $0x38;
	[tilespmem:$0x1E400] =	vst v63  }
0x73: {  	_ =	swait.ge [sflag:s23], $0x80  }
0x74: {  	[sflag:s23] =	ssyncset.done $0x0  }
0x75: {  	[sflag:s23] =	ssyncadd.s32 $0xFFFFFF80  }
0x76: {  	_ =	swait.ge [sflag:s24], $0x80  }
0x77: {  	s17 =	rddreg [dreg:$0x13];
	[sflag:s24] =	ssyncset.done $0x0  }
0x78: {  	s18 =	rddreg [dreg:$0x12];
	[sflag:s24] =	ssyncadd.s32 $0xFFFFFF80;
	s5 =	sadd.s32 $0x0, s17  }
0x79: {  	[tilespmem:s25], [sflag:$0x5] =	stream.linear.gather [hbm4b:s5+s3], $0x80, $0x38;
	[tilespmem:$0x1E400] =	vst v63  }
0x7a: {  	s16 =	sadd.s32 $0x0, s18  }
0x7b: {  	[tilespmem:s26], [sflag:$0x9] =	stream.linear.gather [hbm4b:s16+s3], $0x80, $0x38;
	[tilespmem:$0x1E400] =	vst v63  }
0x7c: {  	_ = 	snop  }
0x7d: {  	[tilespmem:s29], [sflag:$0x1] =	stream.indirect.gather [hbm4b:s4+s28], $0x80, s19, s28, $0xb8;
	[tilespmem:$0x1E400] =	vst v63  }
0x7e: {  	_ =	swait.ge [sflag:s30], $0x80  }
0x7f: {  	[sflag:s30] =	ssyncset.done $0x0  }
0x80: {  	[sflag:s30] =	ssyncadd.s32 $0xFFFFFF80  }
0x81: {  	_ =	swait.ge [sflag:s31], $0x80  }
0x82: {  	s17 =	rddreg [dreg:$0x11];
	[sflag:s31] =	ssyncset.done $0x0  }
0x83: {  	s18 =	rddreg [dreg:$0x10];
	[sflag:s31] =	ssyncadd.s32 $0xFFFFFF80;
	s5 =	sadd.s32 $0x0, s17  }
0x84: {  	[tilespmem:s0], [sflag:$0x6] =	stream.linear.gather [hbm4b:s5+s3], $0x80, $0x38;
	[tilespmem:$0x1E400] =	vst v63  }
0x85: {  	s16 =	sadd.s32 $0x0, s18  }
0x86: {  	[tilespmem:s1], [sflag:$0xA] =	stream.linear.gather [hbm4b:s16+s3], $0x80, $0x38;
	[tilespmem:$0x1E400] =	vst v63  }
0x87: {  	_ = 	snop  }
0x88: {  	[tilespmem:s6], [sflag:$0x2] =	stream.indirect.gather [hbm4b:s4+s28], $0x80, s21, s28, $0xb8;
	[tilespmem:$0x1E400] =	vst v63  }
0x89: {  	_ =	swait.ge [sflag:s7], $0x4000  }
0x8a: {  	[sflag:s7] =	ssyncset.done $0x0  }
0x8b: {  	[sflag:s7] =	ssyncadd.s32 $0xFFFFC000  }
0x8c: {  	[spmem:s2] =	stream.indirect.scatter.add.f32 [tilespmem:s29], [sflag:$0xB], $0x80, s20, s28, $0xb8;
	[tilespmem:$0x1E400] =	vst v63  }
0x8d: {  	_ =	swait.ge [sflag:s8], $0x80  }
0x8e: {  	[sflag:s8] =	ssyncset.done $0x0  }
0x8f: {  	[sflag:s8] =	ssyncadd.s32 $0xFFFFFF80  }
0x90: {  	_ =	swait.ge [sflag:s9], $0x80  }
0x91: {  	[sflag:s9] =	ssyncset.done $0x0  }
0x92: {  	[sflag:s9] =	ssyncadd.s32 $0xFFFFFF80  }
0x93: {  	_ =	swait.ge [sflag:s10], $0x4000  }
0x94: {  	s17 =	rddreg [dreg:$0xf];
	[sflag:s10] =	ssyncset.done $0x0  }
0x95: {  	s18 =	rddreg [dreg:$0xe];
	[sflag:s10] =	ssyncadd.s32 $0xFFFFC000;
	s5 =	sadd.s32 $0x0, s17  }
0x96: {  	[tilespmem:s19], [sflag:$0x3] =	stream.linear.gather [hbm4b:s5+s3], $0x80, $0x38;
	[tilespmem:$0x1E400] =	vst v63  }
0x97: {  	s16 =	sadd.s32 $0x0, s18  }
0x98: {  	[tilespmem:s20], [sflag:$0x7] =	stream.linear.gather [hbm4b:s16+s3], $0x80, $0x38;
	[tilespmem:$0x1E400] =	vst v63  }
0x99: {  	_ = 	snop  }
0x9a: {  	[tilespmem:s29], [sflag:$0x1] =	stream.indirect.gather [hbm4b:s4+s28], $0x80, s25, s28, $0xb8;
	[tilespmem:$0x1E400] =	vst v63  }
0x9b: {  	_ =	swait.ge [sflag:s11], $0x4000  }
0x9c: {  	[sflag:s11] =	ssyncset.done $0x0  }
0x9d: {  	[sflag:s11] =	ssyncadd.s32 $0xFFFFC000  }
0x9e: {  	[spmem:s2] =	stream.indirect.scatter.add.f32 [tilespmem:s6], [sflag:$0xC], $0x80, s22, s28, $0xb8;
	[tilespmem:$0x1E400] =	vst v63  }
0x9f: {  	_ =	swait.ge [sflag:s12], $0x80  }
0xa0: {  	[sflag:s12] =	ssyncset.done $0x0  }
0xa1: {  	[sflag:s12] =	ssyncadd.s32 $0xFFFFFF80  }
0xa2: {  	_ =	swait.ge [sflag:s13], $0x80  }
0xa3: {  	[sflag:s13] =	ssyncset.done $0x0  }
0xa4: {  	[sflag:s13] =	ssyncadd.s32 $0xFFFFFF80  }
0xa5: {  	_ =	swait.ge [sflag:s14], $0x4000  }
0xa6: {  	s17 =	rddreg [dreg:$0xd];
	[sflag:s14] =	ssyncset.done $0x0  }
0xa7: {  	s18 =	rddreg [dreg:$0xc];
	[sflag:s14] =	ssyncadd.s32 $0xFFFFC000;
	s5 =	sadd.s32 $0x0, s17  }
0xa8: {  	[tilespmem:s21], [sflag:$0x4] =	stream.linear.gather [hbm4b:s5+s3], $0x80, $0x38;
	[tilespmem:$0x1E400] =	vst v63  }
0xa9: {  	s16 =	sadd.s32 $0x0, s18  }
0xaa: {  	[tilespmem:s22], [sflag:$0x8] =	stream.linear.gather [hbm4b:s16+s3], $0x80, $0x38;
	[tilespmem:$0x1E400] =	vst v63  }
0xab: {  	_ = 	snop  }
0xac: {  	[tilespmem:s6], [sflag:$0x2] =	stream.indirect.gather [hbm4b:s4+s28], $0x80, s0, s28, $0xb8;
	[tilespmem:$0x1E400] =	vst v63  }
0xad: {  	_ =	swait.ge [sflag:s7], $0x4000  }
0xae: {  	[sflag:s7] =	ssyncset.done $0x0  }
0xaf: {  	[sflag:s7] =	ssyncadd.s32 $0xFFFFC000  }
0xb0: {  	[spmem:s2] =	stream.indirect.scatter.add.f32 [tilespmem:s29], [sflag:$0xB], $0x80, s26, s28, $0xb8;
	[tilespmem:$0x1E400] =	vst v63  }
0xb1: {  	_ =	swait.ge [sflag:s23], $0x80  }
0xb2: {  	[sflag:s23] =	ssyncset.done $0x0  }
0xb3: {  	[sflag:s23] =	ssyncadd.s32 $0xFFFFFF80  }
0xb4: {  	_ =	swait.ge [sflag:s24], $0x80  }
0xb5: {  	[sflag:s24] =	ssyncset.done $0x0  }
0xb6: {  	[sflag:s24] =	ssyncadd.s32 $0xFFFFFF80  }
0xb7: {  	_ =	swait.ge [sflag:s10], $0x4000  }
0xb8: {  	s17 =	rddreg [dreg:$0xb];
	[sflag:s10] =	ssyncset.done $0x0  }
0xb9: {  	s18 =	rddreg [dreg:$0xa];
	[sflag:s10] =	ssyncadd.s32 $0xFFFFC000;
	s5 =	sadd.s32 $0x0, s17  }
0xba: {  	[tilespmem:s25], [sflag:$0x5] =	stream.linear.gather [hbm4b:s5+s3], $0x80, $0x38;
	[tilespmem:$0x1E400] =	vst v63  }
0xbb: {  	s16 =	sadd.s32 $0x0, s18  }
0xbc: {  	[tilespmem:s26], [sflag:$0x9] =	stream.linear.gather [hbm4b:s16+s3], $0x80, $0x38;
	[tilespmem:$0x1E400] =	vst v63  }
0xbd: {  	_ = 	snop  }
0xbe: {  	[tilespmem:s29], [sflag:$0x1] =	stream.indirect.gather [hbm4b:s4+s28], $0x80, s19, s28, $0xb8;
	[tilespmem:$0x1E400] =	vst v63  }
0xbf: {  	_ =	swait.ge [sflag:s11], $0x4000  }
0xc0: {  	[sflag:s11] =	ssyncset.done $0x0  }
0xc1: {  	[sflag:s11] =	ssyncadd.s32 $0xFFFFC000  }
0xc2: {  	[spmem:s2] =	stream.indirect.scatter.add.f32 [tilespmem:s6], [sflag:$0xC], $0x80, s1, s28, $0xb8;
	[tilespmem:$0x1E400] =	vst v63  }
0xc3: {  	_ =	swait.ge [sflag:s30], $0x80  }
0xc4: {  	[sflag:s30] =	ssyncset.done $0x0  }
0xc5: {  	[sflag:s30] =	ssyncadd.s32 $0xFFFFFF80  }
0xc6: {  	_ =	swait.ge [sflag:s31], $0x80  }
0xc7: {  	[sflag:s31] =	ssyncset.done $0x0  }
0xc8: {  	[sflag:s31] =	ssyncadd.s32 $0xFFFFFF80  }
0xc9: {  	_ =	swait.ge [sflag:s14], $0x4000  }
0xca: {  	s17 =	rddreg [dreg:$0x9];
	[sflag:s14] =	ssyncset.done $0x0  }
0xcb: {  	s18 =	rddreg [dreg:$0x8];
	[sflag:s14] =	ssyncadd.s32 $0xFFFFC000;
	s5 =	sadd.s32 $0x0, s17  }
0xcc: {  	[tilespmem:s0], [sflag:$0x6] =	stream.linear.gather [hbm4b:s5+s3], $0x80, $0x38;
	[tilespmem:$0x1E400] =	vst v63  }
0xcd: {  	s16 =	sadd.s32 $0x0, s18  }
0xce: {  	[tilespmem:s1], [sflag:$0xA] =	stream.linear.gather [hbm4b:s16+s3], $0x80, $0x38;
	[tilespmem:$0x1E400] =	vst v63  }
0xcf: {  	_ = 	snop  }
0xd0: {  	[tilespmem:s6], [sflag:$0x2] =	stream.indirect.gather [hbm4b:s4+s28], $0x80, s21, s28, $0xb8;
	[tilespmem:$0x1E400] =	vst v63  }
0xd1: {  	_ =	swait.ge [sflag:s7], $0x4000  }
0xd2: {  	[sflag:s7] =	ssyncset.done $0x0  }
0xd3: {  	[sflag:s7] =	ssyncadd.s32 $0xFFFFC000  }
0xd4: {  	[spmem:s2] =	stream.indirect.scatter.add.f32 [tilespmem:s29], [sflag:$0xB], $0x80, s20, s28, $0xb8;
	[tilespmem:$0x1E400] =	vst v63  }
0xd5: {  	_ =	swait.ge [sflag:s8], $0x80  }
0xd6: {  	[sflag:s8] =	ssyncset.done $0x0  }
0xd7: {  	[sflag:s8] =	ssyncadd.s32 $0xFFFFFF80  }
0xd8: {  	_ =	swait.ge [sflag:s9], $0x80  }
0xd9: {  	[sflag:s9] =	ssyncset.done $0x0  }
0xda: {  	[sflag:s9] =	ssyncadd.s32 $0xFFFFFF80  }
0xdb: {  	_ =	swait.ge [sflag:s10], $0x4000  }
0xdc: {  	s17 =	rddreg [dreg:$0x7];
	[sflag:s10] =	ssyncset.done $0x0  }
0xdd: {  	s18 =	rddreg [dreg:$0x6];
	[sflag:s10] =	ssyncadd.s32 $0xFFFFC000;
	s5 =	sadd.s32 $0x0, s17  }
0xde: {  	[tilespmem:s19], [sflag:$0x3] =	stream.linear.gather [hbm4b:s5+s3], $0x80, $0x38;
	[tilespmem:$0x1E400] =	vst v63  }
0xdf: {  	s16 =	sadd.s32 $0x0, s18  }
0xe0: {  	[tilespmem:s20], [sflag:$0x7] =	stream.linear.gather [hbm4b:s16+s3], $0x80, $0x38;
	[tilespmem:$0x1E400] =	vst v63  }
0xe1: {  	_ = 	snop  }
0xe2: {  	[tilespmem:s29], [sflag:$0x1] =	stream.indirect.gather [hbm4b:s4+s28], $0x80, s25, s28, $0xb8;
	[tilespmem:$0x1E400] =	vst v63  }
0xe3: {  	_ =	swait.ge [sflag:s11], $0x4000  }
0xe4: {  	[sflag:s11] =	ssyncset.done $0x0  }
0xe5: {  	[sflag:s11] =	ssyncadd.s32 $0xFFFFC000  }
0xe6: {  	[spmem:s2] =	stream.indirect.scatter.add.f32 [tilespmem:s6], [sflag:$0xC], $0x80, s22, s28, $0xb8;
	[tilespmem:$0x1E400] =	vst v63  }
0xe7: {  	_ =	swait.ge [sflag:s12], $0x80  }
0xe8: {  	[sflag:s12] =	ssyncset.done $0x0  }
0xe9: {  	[sflag:s12] =	ssyncadd.s32 $0xFFFFFF80  }
0xea: {  	_ =	swait.ge [sflag:s13], $0x80  }
0xeb: {  	[sflag:s13] =	ssyncset.done $0x0  }
0xec: {  	[sflag:s13] =	ssyncadd.s32 $0xFFFFFF80  }
0xed: {  	_ =	swait.ge [sflag:s14], $0x4000  }
0xee: {  	s17 =	rddreg [dreg:$0x5];
	[sflag:s14] =	ssyncset.done $0x0  }
0xef: {  	s18 =	rddreg [dreg:$0x4];
	[sflag:s14] =	ssyncadd.s32 $0xFFFFC000;
	s5 =	sadd.s32 $0x0, s17  }
0xf0: {  	[tilespmem:s21], [sflag:$0x4] =	stream.linear.gather [hbm4b:s5+s3], $0x80, $0x38;
	[tilespmem:$0x1E400] =	vst v63  }
0xf1: {  	s25 =	sadd.s32 $0x0, s18  }
0xf2: {  	[tilespmem:s22], [sflag:$0x8] =	stream.linear.gather [hbm4b:s25+s3], $0x80, $0x38;
	[tilespmem:$0x1E400] =	vst v63  }
0xf3: {  	_ = 	snop  }
0xf4: {  	[tilespmem:s6], [sflag:$0x2] =	stream.indirect.gather [hbm4b:s4+s28], $0x80, s0, s28, $0xb8;
	[tilespmem:$0x1E400] =	vst v63  }
0xf5: {  	_ =	swait.ge [sflag:s7], $0x4000  }
0xf6: {  	[sflag:s7] =	ssyncset.done $0x0  }
0xf7: {  	[sflag:s7] =	ssyncadd.s32 $0xFFFFC000  }
0xf8: {  	[spmem:s2] =	stream.indirect.scatter.add.f32 [tilespmem:s29], [sflag:$0xB], $0x80, s26, s28, $0xb8;
	[tilespmem:$0x1E400] =	vst v63  }
0xf9: {  	_ =	swait.ge [sflag:s23], $0x80  }
0xfa: {  	[sflag:s23] =	ssyncset.done $0x0  }
0xfb: {  	[sflag:s23] =	ssyncadd.s32 $0xFFFFFF80  }
0xfc: {  	_ =	swait.ge [sflag:s24], $0x80  }
0xfd: {  	[sflag:s24] =	ssyncset.done $0x0  }
0xfe: {  	[sflag:s24] =	ssyncadd.s32 $0xFFFFFF80  }
0xff: {  	_ =	swait.ge [sflag:s10], $0x4000  }
0x100: {  	[sflag:s10] =	ssyncset.done $0x0  }
0x101: {  	[sflag:s10] =	ssyncadd.s32 $0xFFFFC000  }
0x102: {  	[tilespmem:s29], [sflag:$0x1] =	stream.indirect.gather [hbm4b:s4+s28], $0x80, s19, s28, $0xb8;
	[tilespmem:$0x1E400] =	vst v63  }
0x103: {  	_ =	swait.ge [sflag:s11], $0x4000  }
0x104: {  	[sflag:s11] =	ssyncset.done $0x0  }
0x105: {  	[sflag:s11] =	ssyncadd.s32 $0xFFFFC000  }
0x106: {  	[spmem:s2] =	stream.indirect.scatter.add.f32 [tilespmem:s6], [sflag:$0xC], $0x80, s1, s28, $0xb8;
	[tilespmem:$0x1E400] =	vst v63  }
0x107: {  	_ =	swait.ge [sflag:s30], $0x80  }
0x108: {  	[sflag:s30] =	ssyncset.done $0x0  }
0x109: {  	[sflag:s30] =	ssyncadd.s32 $0xFFFFFF80  }
0x10a: {  	_ =	swait.ge [sflag:s31], $0x80  }
0x10b: {  	[sflag:s31] =	ssyncset.done $0x0  }
0x10c: {  	[sflag:s31] =	ssyncadd.s32 $0xFFFFFF80  }
0x10d: {  	_ =	swait.ge [sflag:s14], $0x4000  }
0x10e: {  	[sflag:s14] =	ssyncset.done $0x0  }
0x10f: {  	[sflag:s14] =	ssyncadd.s32 $0xFFFFC000  }
0x110: {  	[tilespmem:s6], [sflag:$0x2] =	stream.indirect.gather [hbm4b:s4+s28], $0x80, s21, s28, $0xb8;
	[tilespmem:$0x1E400] =	vst v63  }
0x111: {  	_ =	swait.ge [sflag:s7], $0x4000  }
0x112: {  	[sflag:s7] =	ssyncset.done $0x0  }
0x113: {  	[sflag:s7] =	ssyncadd.s32 $0xFFFFC000  }
0x114: {  	[spmem:s2] =	stream.indirect.scatter.add.f32 [tilespmem:s29], [sflag:$0xB], $0x80, s20, s28, $0xb8;
	[tilespmem:$0x1E400] =	vst v63  }
0x115: {  	_ =	swait.ge [sflag:s11], $0x4000  }
0x116: {  	[sflag:s11] =	ssyncset.done $0x0  }
0x117: {  	[sflag:s11] =	ssyncadd.s32 $0xFFFFC000  }
0x118: {  	[spmem:s2] =	stream.indirect.scatter.add.f32 [tilespmem:s6], [sflag:$0xC], $0x80, s22, s28, $0xb8;
	[tilespmem:$0x1E400] =	vst v63  }
0x119: {  	_ =	swait.ge [sflag:s10], $0x4000  }
0x11a: {  	[sflag:s10] =	ssyncset.done $0x0  }
0x11b: {  	[sflag:s10] =	ssyncadd.s32 $0xFFFFC000  }
0x11c: {  	s16 =	simm.s32 $0xA0;
	_ =	swait.ge [sflag:s14], $0x4000  }
0x11d: {  	s5 =	simm.s32 $0x140;
	s15 =	rddreg [dreg:$0x17];
	[sflag:s14] =	ssyncset.done $0x0  }
.LBB2_4:
0x11e: {  	[sflag:s14] =	ssyncadd.s32 $0xFFFFC000;
	s18 =	rddreg [dreg:$0x16];
	s15 =	sadd.s32 s16, s15  }
0x11f: {  	[tilespmem:s19], [sflag:$0x3] =	stream.linear.gather [hbm4b:s15+s3], $0x80, $0x38;
	[tilespmem:$0x1E400] =	vst v63  }
0x120: {  	s25 =	rddreg [dreg:$0x15];
	s15 =	sadd.s32 s16, s18  }
0x121: {  	[tilespmem:s20], [sflag:$0x7] =	stream.linear.gather [hbm4b:s15+s3], $0x80, $0x38;
	[tilespmem:$0x1E400] =	vst v63  }
0x122: {  	s18 =	rddreg [dreg:$0x14];
	s15 =	sadd.s32 s16, s25  }
0x123: {  	[tilespmem:s21], [sflag:$0x4] =	stream.linear.gather [hbm4b:s15+s3], $0x80, $0x38;
	[tilespmem:$0x1E400] =	vst v63  }
0x124: {  	s18 =	sadd.s32 s16, s18  }
0x125: {  	[tilespmem:s22], [sflag:$0x8] =	stream.linear.gather [hbm4b:s18+s3], $0x80, $0x38;
	[tilespmem:$0x1E400] =	vst v63  }
0x126: {  	_ =	swait.ge [sflag:s23], $0x80  }
0x127: {  	[sflag:s23] =	ssyncset.done $0x0  }
0x128: {  	[sflag:s23] =	ssyncadd.s32 $0xFFFFFF80  }
0x129: {  	_ =	swait.ge [sflag:s24], $0x80  }
0x12a: {  	s25 =	simm.s32 $0x14300;
	s15 =	rddreg [dreg:$0x13];
	[sflag:s24] =	ssyncset.done $0x0  }
0x12b: {  	s18 =	rddreg [dreg:$0x12];
	[sflag:s24] =	ssyncadd.s32 $0xFFFFFF80;
	s15 =	sadd.s32 s16, s15  }
0x12c: {  	[tilespmem:s25], [sflag:$0x5] =	stream.linear.gather [hbm4b:s15+s3], $0x80, $0x38;
	[tilespmem:$0x1E400] =	vst v63  }
0x12d: {  	s18 =	sadd.s32 s16, s18  }
0x12e: {  	[tilespmem:s26], [sflag:$0x9] =	stream.linear.gather [hbm4b:s18+s3], $0x80, $0x38;
	[tilespmem:$0x1E400] =	vst v63  }
0x12f: {  	_ = 	snop  }
0x130: {  	[tilespmem:s29], [sflag:$0x1] =	stream.indirect.gather [hbm4b:s4+s28], $0x80, s19, s28, $0xb8;
	[tilespmem:$0x1E400] =	vst v63  }
0x131: {  	_ =	swait.ge [sflag:s30], $0x80  }
0x132: {  	[sflag:s30] =	ssyncset.done $0x0  }
0x133: {  	[sflag:s30] =	ssyncadd.s32 $0xFFFFFF80  }
0x134: {  	_ =	swait.ge [sflag:s31], $0x80  }
0x135: {  	s15 =	rddreg [dreg:$0x11];
	[sflag:s31] =	ssyncset.done $0x0  }
0x136: {  	s18 =	rddreg [dreg:$0x10];
	[sflag:s31] =	ssyncadd.s32 $0xFFFFFF80;
	s15 =	sadd.s32 s16, s15  }
0x137: {  	[tilespmem:s0], [sflag:$0x6] =	stream.linear.gather [hbm4b:s15+s3], $0x80, $0x38;
	[tilespmem:$0x1E400] =	vst v63  }
0x138: {  	s18 =	sadd.s32 s16, s18  }
0x139: {  	[tilespmem:s1], [sflag:$0xA] =	stream.linear.gather [hbm4b:s18+s3], $0x80, $0x38;
	[tilespmem:$0x1E400] =	vst v63  }
0x13a: {  	_ = 	snop  }
0x13b: {  	[tilespmem:s6], [sflag:$0x2] =	stream.indirect.gather [hbm4b:s4+s28], $0x80, s21, s28, $0xb8;
	[tilespmem:$0x1E400] =	vst v63  }
0x13c: {  	_ =	swait.ge [sflag:s7], $0x4000  }
0x13d: {  	[sflag:s7] =	ssyncset.done $0x0  }
0x13e: {  	[sflag:s7] =	ssyncadd.s32 $0xFFFFC000  }
0x13f: {  	[spmem:s2] =	stream.indirect.scatter.add.f32 [tilespmem:s29], [sflag:$0xB], $0x80, s20, s28, $0xb8;
	[tilespmem:$0x1E400] =	vst v63  }
0x140: {  	_ =	swait.ge [sflag:s8], $0x80  }
0x141: {  	[sflag:s8] =	ssyncset.done $0x0  }
0x142: {  	[sflag:s8] =	ssyncadd.s32 $0xFFFFFF80  }
0x143: {  	_ =	swait.ge [sflag:s9], $0x80  }
0x144: {  	[sflag:s9] =	ssyncset.done $0x0  }
0x145: {  	[sflag:s9] =	ssyncadd.s32 $0xFFFFFF80  }
0x146: {  	_ =	swait.ge [sflag:s10], $0x4000  }
0x147: {  	s15 =	rddreg [dreg:$0xf];
	[sflag:s10] =	ssyncset.done $0x0  }
0x148: {  	s18 =	rddreg [dreg:$0xe];
	[sflag:s10] =	ssyncadd.s32 $0xFFFFC000;
	s15 =	sadd.s32 s16, s15  }
0x149: {  	[tilespmem:s19], [sflag:$0x3] =	stream.linear.gather [hbm4b:s15+s3], $0x80, $0x38;
	[tilespmem:$0x1E400] =	vst v63  }
0x14a: {  	s18 =	sadd.s32 s16, s18  }
0x14b: {  	[tilespmem:s20], [sflag:$0x7] =	stream.linear.gather [hbm4b:s18+s3], $0x80, $0x38;
	[tilespmem:$0x1E400] =	vst v63  }
0x14c: {  	_ = 	snop  }
0x14d: {  	[tilespmem:s29], [sflag:$0x1] =	stream.indirect.gather [hbm4b:s4+s28], $0x80, s25, s28, $0xb8;
	[tilespmem:$0x1E400] =	vst v63  }
0x14e: {  	_ =	swait.ge [sflag:s11], $0x4000  }
0x14f: {  	[sflag:s11] =	ssyncset.done $0x0  }
0x150: {  	[sflag:s11] =	ssyncadd.s32 $0xFFFFC000  }
0x151: {  	[spmem:s2] =	stream.indirect.scatter.add.f32 [tilespmem:s6], [sflag:$0xC], $0x80, s22, s28, $0xb8;
	[tilespmem:$0x1E400] =	vst v63  }
0x152: {  	_ =	swait.ge [sflag:s12], $0x80  }
0x153: {  	[sflag:s12] =	ssyncset.done $0x0  }
0x154: {  	[sflag:s12] =	ssyncadd.s32 $0xFFFFFF80  }
0x155: {  	_ =	swait.ge [sflag:s13], $0x80  }
0x156: {  	[sflag:s13] =	ssyncset.done $0x0  }
0x157: {  	[sflag:s13] =	ssyncadd.s32 $0xFFFFFF80  }
0x158: {  	_ =	swait.ge [sflag:s14], $0x4000  }
0x159: {  	s15 =	rddreg [dreg:$0xd];
	[sflag:s14] =	ssyncset.done $0x0  }
0x15a: {  	s18 =	rddreg [dreg:$0xc];
	[sflag:s14] =	ssyncadd.s32 $0xFFFFC000;
	s15 =	sadd.s32 s16, s15  }
0x15b: {  	[tilespmem:s21], [sflag:$0x4] =	stream.linear.gather [hbm4b:s15+s3], $0x80, $0x38;
	[tilespmem:$0x1E400] =	vst v63  }
0x15c: {  	s18 =	sadd.s32 s16, s18  }
0x15d: {  	[tilespmem:s22], [sflag:$0x8] =	stream.linear.gather [hbm4b:s18+s3], $0x80, $0x38;
	[tilespmem:$0x1E400] =	vst v63  }
0x15e: {  	_ = 	snop  }
0x15f: {  	[tilespmem:s6], [sflag:$0x2] =	stream.indirect.gather [hbm4b:s4+s28], $0x80, s0, s28, $0xb8;
	[tilespmem:$0x1E400] =	vst v63  }
0x160: {  	_ =	swait.ge [sflag:s7], $0x4000  }
0x161: {  	[sflag:s7] =	ssyncset.done $0x0  }
0x162: {  	[sflag:s7] =	ssyncadd.s32 $0xFFFFC000  }
0x163: {  	[spmem:s2] =	stream.indirect.scatter.add.f32 [tilespmem:s29], [sflag:$0xB], $0x80, s26, s28, $0xb8;
	[tilespmem:$0x1E400] =	vst v63  }
0x164: {  	_ =	swait.ge [sflag:s23], $0x80  }
0x165: {  	[sflag:s23] =	ssyncset.done $0x0  }
0x166: {  	[sflag:s23] =	ssyncadd.s32 $0xFFFFFF80  }
0x167: {  	_ =	swait.ge [sflag:s24], $0x80  }
0x168: {  	[sflag:s24] =	ssyncset.done $0x0  }
0x169: {  	[sflag:s24] =	ssyncadd.s32 $0xFFFFFF80  }
0x16a: {  	_ =	swait.ge [sflag:s10], $0x4000  }
0x16b: {  	s15 =	rddreg [dreg:$0xb];
	[sflag:s10] =	ssyncset.done $0x0  }
0x16c: {  	s18 =	rddreg [dreg:$0xa];
	[sflag:s10] =	ssyncadd.s32 $0xFFFFC000;
	s15 =	sadd.s32 s16, s15  }
0x16d: {  	[tilespmem:s25], [sflag:$0x5] =	stream.linear.gather [hbm4b:s15+s3], $0x80, $0x38;
	[tilespmem:$0x1E400] =	vst v63  }
0x16e: {  	s18 =	sadd.s32 s16, s18  }
0x16f: {  	[tilespmem:s26], [sflag:$0x9] =	stream.linear.gather [hbm4b:s18+s3], $0x80, $0x38;
	[tilespmem:$0x1E400] =	vst v63  }
0x170: {  	_ = 	snop  }
0x171: {  	[tilespmem:s29], [sflag:$0x1] =	stream.indirect.gather [hbm4b:s4+s28], $0x80, s19, s28, $0xb8;
	[tilespmem:$0x1E400] =	vst v63  }
0x172: {  	_ =	swait.ge [sflag:s11], $0x4000  }
0x173: {  	[sflag:s11] =	ssyncset.done $0x0  }
0x174: {  	[sflag:s11] =	ssyncadd.s32 $0xFFFFC000  }
0x175: {  	[spmem:s2] =	stream.indirect.scatter.add.f32 [tilespmem:s6], [sflag:$0xC], $0x80, s1, s28, $0xb8;
	[tilespmem:$0x1E400] =	vst v63  }
0x176: {  	_ =	swait.ge [sflag:s30], $0x80  }
0x177: {  	[sflag:s30] =	ssyncset.done $0x0  }
0x178: {  	[sflag:s30] =	ssyncadd.s32 $0xFFFFFF80  }
0x179: {  	_ =	swait.ge [sflag:s31], $0x80  }
0x17a: {  	[sflag:s31] =	ssyncset.done $0x0  }
0x17b: {  	[sflag:s31] =	ssyncadd.s32 $0xFFFFFF80  }
0x17c: {  	_ =	swait.ge [sflag:s14], $0x4000  }
0x17d: {  	s15 =	rddreg [dreg:$0x9];
	[sflag:s14] =	ssyncset.done $0x0  }
0x17e: {  	s18 =	rddreg [dreg:$0x8];
	[sflag:s14] =	ssyncadd.s32 $0xFFFFC000;
	s15 =	sadd.s32 s16, s15  }
0x17f: {  	[tilespmem:s0], [sflag:$0x6] =	stream.linear.gather [hbm4b:s15+s3], $0x80, $0x38;
	[tilespmem:$0x1E400] =	vst v63  }
0x180: {  	s18 =	sadd.s32 s16, s18  }
0x181: {  	[tilespmem:s1], [sflag:$0xA] =	stream.linear.gather [hbm4b:s18+s3], $0x80, $0x38;
	[tilespmem:$0x1E400] =	vst v63  }
0x182: {  	_ = 	snop  }
0x183: {  	[tilespmem:s6], [sflag:$0x2] =	stream.indirect.gather [hbm4b:s4+s28], $0x80, s21, s28, $0xb8;
	[tilespmem:$0x1E400] =	vst v63  }
0x184: {  	_ =	swait.ge [sflag:s7], $0x4000  }
0x185: {  	[sflag:s7] =	ssyncset.done $0x0  }
0x186: {  	[sflag:s7] =	ssyncadd.s32 $0xFFFFC000  }
0x187: {  	[spmem:s2] =	stream.indirect.scatter.add.f32 [tilespmem:s29], [sflag:$0xB], $0x80, s20, s28, $0xb8;
	[tilespmem:$0x1E400] =	vst v63  }
0x188: {  	_ =	swait.ge [sflag:s8], $0x80  }
0x189: {  	[sflag:s8] =	ssyncset.done $0x0  }
0x18a: {  	[sflag:s8] =	ssyncadd.s32 $0xFFFFFF80  }
0x18b: {  	_ =	swait.ge [sflag:s9], $0x80  }
0x18c: {  	[sflag:s9] =	ssyncset.done $0x0  }
0x18d: {  	[sflag:s9] =	ssyncadd.s32 $0xFFFFFF80  }
0x18e: {  	_ =	swait.ge [sflag:s10], $0x4000  }
0x18f: {  	s15 =	rddreg [dreg:$0x7];
	[sflag:s10] =	ssyncset.done $0x0  }
0x190: {  	s18 =	rddreg [dreg:$0x6];
	[sflag:s10] =	ssyncadd.s32 $0xFFFFC000;
	s15 =	sadd.s32 s16, s15  }
0x191: {  	[tilespmem:s19], [sflag:$0x3] =	stream.linear.gather [hbm4b:s15+s3], $0x80, $0x38;
	[tilespmem:$0x1E400] =	vst v63  }
0x192: {  	s18 =	sadd.s32 s16, s18  }
0x193: {  	[tilespmem:s20], [sflag:$0x7] =	stream.linear.gather [hbm4b:s18+s3], $0x80, $0x38;
	[tilespmem:$0x1E400] =	vst v63  }
0x194: {  	_ = 	snop  }
0x195: {  	[tilespmem:s29], [sflag:$0x1] =	stream.indirect.gather [hbm4b:s4+s28], $0x80, s25, s28, $0xb8;
	[tilespmem:$0x1E400] =	vst v63  }
0x196: {  	_ =	swait.ge [sflag:s11], $0x4000  }
0x197: {  	[sflag:s11] =	ssyncset.done $0x0  }
0x198: {  	[sflag:s11] =	ssyncadd.s32 $0xFFFFC000  }
0x199: {  	[spmem:s2] =	stream.indirect.scatter.add.f32 [tilespmem:s6], [sflag:$0xC], $0x80, s22, s28, $0xb8;
	[tilespmem:$0x1E400] =	vst v63  }
0x19a: {  	_ =	swait.ge [sflag:s12], $0x80  }
0x19b: {  	[sflag:s12] =	ssyncset.done $0x0  }
0x19c: {  	[sflag:s12] =	ssyncadd.s32 $0xFFFFFF80  }
0x19d: {  	_ =	swait.ge [sflag:s13], $0x80  }
0x19e: {  	[sflag:s13] =	ssyncset.done $0x0  }
0x19f: {  	[sflag:s13] =	ssyncadd.s32 $0xFFFFFF80  }
0x1a0: {  	_ =	swait.ge [sflag:s14], $0x4000  }
0x1a1: {  	s15 =	rddreg [dreg:$0x5];
	[sflag:s14] =	ssyncset.done $0x0  }
0x1a2: {  	s18 =	rddreg [dreg:$0x4];
	[sflag:s14] =	ssyncadd.s32 $0xFFFFC000;
	s15 =	sadd.s32 s16, s15  }
0x1a3: {  	[tilespmem:s21], [sflag:$0x4] =	stream.linear.gather [hbm4b:s15+s3], $0x80, $0x38;
	[tilespmem:$0x1E400] =	vst v63  }
0x1a4: {  	s18 =	sadd.s32 s16, s18  }
0x1a5: {  	[tilespmem:s22], [sflag:$0x8] =	stream.linear.gather [hbm4b:s18+s3], $0x80, $0x38;
	[tilespmem:$0x1E400] =	vst v63  }
0x1a6: {  	_ = 	snop  }
0x1a7: {  	[tilespmem:s6], [sflag:$0x2] =	stream.indirect.gather [hbm4b:s4+s28], $0x80, s0, s28, $0xb8;
	[tilespmem:$0x1E400] =	vst v63  }
0x1a8: {  	_ =	swait.ge [sflag:s7], $0x4000  }
0x1a9: {  	[sflag:s7] =	ssyncset.done $0x0  }
0x1aa: {  	[sflag:s7] =	ssyncadd.s32 $0xFFFFC000  }
0x1ab: {  	[spmem:s2] =	stream.indirect.scatter.add.f32 [tilespmem:s29], [sflag:$0xB], $0x80, s26, s28, $0xb8;
	[tilespmem:$0x1E400] =	vst v63  }
0x1ac: {  	_ =	swait.ge [sflag:s23], $0x80  }
0x1ad: {  	[sflag:s23] =	ssyncset.done $0x0  }
0x1ae: {  	[sflag:s23] =	ssyncadd.s32 $0xFFFFFF80  }
0x1af: {  	_ =	swait.ge [sflag:s24], $0x80  }
0x1b0: {  	[sflag:s24] =	ssyncset.done $0x0  }
0x1b1: {  	[sflag:s24] =	ssyncadd.s32 $0xFFFFFF80  }
0x1b2: {  	_ =	swait.ge [sflag:s10], $0x4000  }
0x1b3: {  	[sflag:s10] =	ssyncset.done $0x0  }
0x1b4: {  	[sflag:s10] =	ssyncadd.s32 $0xFFFFC000  }
0x1b5: {  	[tilespmem:s29], [sflag:$0x1] =	stream.indirect.gather [hbm4b:s4+s28], $0x80, s19, s28, $0xb8;
	[tilespmem:$0x1E400] =	vst v63  }
0x1b6: {  	_ =	swait.ge [sflag:s11], $0x4000  }
0x1b7: {  	[sflag:s11] =	ssyncset.done $0x0  }
0x1b8: {  	[sflag:s11] =	ssyncadd.s32 $0xFFFFC000  }
0x1b9: {  	[spmem:s2] =	stream.indirect.scatter.add.f32 [tilespmem:s6], [sflag:$0xC], $0x80, s1, s28, $0xb8;
	[tilespmem:$0x1E400] =	vst v63  }
0x1ba: {  	_ =	swait.ge [sflag:s30], $0x80  }
0x1bb: {  	[sflag:s30] =	ssyncset.done $0x0  }
0x1bc: {  	[sflag:s30] =	ssyncadd.s32 $0xFFFFFF80  }
0x1bd: {  	_ =	swait.ge [sflag:s31], $0x80  }
0x1be: {  	[sflag:s31] =	ssyncset.done $0x0  }
0x1bf: {  	[sflag:s31] =	ssyncadd.s32 $0xFFFFFF80  }
0x1c0: {  	_ =	swait.ge [sflag:s14], $0x4000  }
0x1c1: {  	[sflag:s14] =	ssyncset.done $0x0  }
0x1c2: {  	[sflag:s14] =	ssyncadd.s32 $0xFFFFC000  }
0x1c3: {  	[tilespmem:s6], [sflag:$0x2] =	stream.indirect.gather [hbm4b:s4+s28], $0x80, s21, s28, $0xb8;
	[tilespmem:$0x1E400] =	vst v63  }
0x1c4: {  	_ =	swait.ge [sflag:s7], $0x4000  }
0x1c5: {  	[sflag:s7] =	ssyncset.done $0x0  }
0x1c6: {  	[sflag:s7] =	ssyncadd.s32 $0xFFFFC000  }
0x1c7: {  	[spmem:s2] =	stream.indirect.scatter.add.f32 [tilespmem:s29], [sflag:$0xB], $0x80, s20, s28, $0xb8;
	[tilespmem:$0x1E400] =	vst v63  }
0x1c8: {  	_ =	swait.ge [sflag:s11], $0x4000  }
0x1c9: {  	[sflag:s11] =	ssyncset.done $0x0  }
0x1ca: {  	p0 =	sne.s32 s5, $0x460;
	[sflag:s11] =	ssyncadd.s32 $0xFFFFC000  }
0x1cb: {  	[spmem:s2] =	stream.indirect.scatter.add.f32 [tilespmem:s6], [sflag:$0xC], $0x80, s22, s28, $0xb8;
	[tilespmem:$0x1E400] =	vst v63  }
.Ltmp1:
0x1cc: {  	_ =	swait.ge [sflag:s10], $0x4000;
	(pc) =	sbr.rel @p0 .LBB2_4-.Ltmp1, $4  }
0x1cd: {  	[sflag:s10] =	ssyncset.done $0x0  }
0x1ce: {  	[sflag:s10] =	ssyncadd.s32 $0xFFFFC000  }
0x1cf: {  	s17 =	smov.u32 s5;
	s5 =	sadd.s32 $0xA0, s5;
	_ =	swait.ge [sflag:s14], $0x4000  }
0x1d0: {  	s16 =	smov.u32 s17;
	s15 =	rddreg [dreg:$0x17];
	[sflag:s14] =	ssyncset.done $0x0  }
0x1d1: {  	s5 =	rddreg [dreg:$0x16];
	[sflag:s14] =	ssyncadd.s32 $0xFFFFC000;
	s15 =	sadd.s32 s16, s15  }
0x1d2: {  	[tilespmem:s19], [sflag:$0x3] =	stream.linear.gather [hbm4b:s15+s3], $0x80, $0x38;
	[tilespmem:$0x1E400] =	vst v63  }
0x1d3: {  	s17 =	rddreg [dreg:$0x15];
	s5 =	sadd.s32 s16, s5  }
0x1d4: {  	[tilespmem:s20], [sflag:$0x7] =	stream.linear.gather [hbm4b:s5+s3], $0x80, $0x38;
	[tilespmem:$0x1E400] =	vst v63  }
0x1d5: {  	s18 =	rddreg [dreg:$0x14];
	s15 =	sadd.s32 s16, s17  }
0x1d6: {  	[tilespmem:s21], [sflag:$0x4] =	stream.linear.gather [hbm4b:s15+s3], $0x80, $0x38;
	[tilespmem:$0x1E400] =	vst v63  }
0x1d7: {  	s5 =	sadd.s32 s16, s18  }
0x1d8: {  	[tilespmem:s22], [sflag:$0x8] =	stream.linear.gather [hbm4b:s5+s3], $0x80, $0x38;
	[tilespmem:$0x1E400] =	vst v63  }
0x1d9: {  	_ =	swait.ge [sflag:s23], $0x80  }
0x1da: {  	[sflag:s23] =	ssyncset.done $0x0  }
0x1db: {  	[sflag:s23] =	ssyncadd.s32 $0xFFFFFF80  }
0x1dc: {  	_ =	swait.ge [sflag:s24], $0x80  }
0x1dd: {  	s15 =	rddreg [dreg:$0x13];
	[sflag:s24] =	ssyncset.done $0x0  }
0x1de: {  	s17 =	rddreg [dreg:$0x12];
	[sflag:s24] =	ssyncadd.s32 $0xFFFFFF80;
	s5 =	sadd.s32 s16, s15  }
0x1df: {  	[tilespmem:s25], [sflag:$0x5] =	stream.linear.gather [hbm4b:s5+s3], $0x80, $0x38;
	[tilespmem:$0x1E400] =	vst v63  }
0x1e0: {  	s18 =	sadd.s32 s16, s17  }
0x1e1: {  	[tilespmem:s26], [sflag:$0x9] =	stream.linear.gather [hbm4b:s18+s3], $0x80, $0x38;
	[tilespmem:$0x1E400] =	vst v63  }
0x1e2: {  	_ = 	snop  }
0x1e3: {  	[tilespmem:s29], [sflag:$0x1] =	stream.indirect.gather [hbm4b:s4+s28], $0x80, s19, s28, $0xb8;
	[tilespmem:$0x1E400] =	vst v63  }
0x1e4: {  	_ =	swait.ge [sflag:s30], $0x80  }
0x1e5: {  	[sflag:s30] =	ssyncset.done $0x0  }
0x1e6: {  	[sflag:s30] =	ssyncadd.s32 $0xFFFFFF80  }
0x1e7: {  	_ =	swait.ge [sflag:s31], $0x80  }
0x1e8: {  	s15 =	rddreg [dreg:$0x11];
	[sflag:s31] =	ssyncset.done $0x0  }
0x1e9: {  	s17 =	rddreg [dreg:$0x10];
	[sflag:s31] =	ssyncadd.s32 $0xFFFFFF80;
	s5 =	sadd.s32 s16, s15  }
0x1ea: {  	[tilespmem:s0], [sflag:$0x6] =	stream.linear.gather [hbm4b:s5+s3], $0x80, $0x38;
	[tilespmem:$0x1E400] =	vst v63  }
0x1eb: {  	s18 =	sadd.s32 s16, s17  }
0x1ec: {  	[tilespmem:s1], [sflag:$0xA] =	stream.linear.gather [hbm4b:s18+s3], $0x80, $0x38;
	[tilespmem:$0x1E400] =	vst v63  }
0x1ed: {  	_ = 	snop  }
0x1ee: {  	[tilespmem:s6], [sflag:$0x2] =	stream.indirect.gather [hbm4b:s4+s28], $0x80, s21, s28, $0xb8;
	[tilespmem:$0x1E400] =	vst v63  }
0x1ef: {  	_ =	swait.ge [sflag:s7], $0x4000  }
0x1f0: {  	[sflag:s7] =	ssyncset.done $0x0  }
0x1f1: {  	[sflag:s7] =	ssyncadd.s32 $0xFFFFC000  }
0x1f2: {  	[spmem:s2] =	stream.indirect.scatter.add.f32 [tilespmem:s29], [sflag:$0xB], $0x80, s20, s28, $0xb8;
	[tilespmem:$0x1E400] =	vst v63  }
0x1f3: {  	_ =	swait.ge [sflag:s8], $0x80  }
0x1f4: {  	[sflag:s8] =	ssyncset.done $0x0  }
0x1f5: {  	[sflag:s8] =	ssyncadd.s32 $0xFFFFFF80  }
0x1f6: {  	_ =	swait.ge [sflag:s9], $0x80  }
0x1f7: {  	[sflag:s9] =	ssyncset.done $0x0  }
0x1f8: {  	[sflag:s9] =	ssyncadd.s32 $0xFFFFFF80  }
0x1f9: {  	_ =	swait.ge [sflag:s10], $0x4000  }
0x1fa: {  	s15 =	rddreg [dreg:$0xf];
	[sflag:s10] =	ssyncset.done $0x0  }
0x1fb: {  	s17 =	rddreg [dreg:$0xe];
	[sflag:s10] =	ssyncadd.s32 $0xFFFFC000;
	s5 =	sadd.s32 s16, s15  }
0x1fc: {  	[tilespmem:s19], [sflag:$0x3] =	stream.linear.gather [hbm4b:s5+s3], $0x80, $0x38;
	[tilespmem:$0x1E400] =	vst v63  }
0x1fd: {  	s18 =	sadd.s32 s16, s17  }
0x1fe: {  	[tilespmem:s20], [sflag:$0x7] =	stream.linear.gather [hbm4b:s18+s3], $0x80, $0x38;
	[tilespmem:$0x1E400] =	vst v63  }
0x1ff: {  	_ = 	snop  }
0x200: {  	[tilespmem:s29], [sflag:$0x1] =	stream.indirect.gather [hbm4b:s4+s28], $0x80, s25, s28, $0xb8;
	[tilespmem:$0x1E400] =	vst v63  }
0x201: {  	_ =	swait.ge [sflag:s11], $0x4000  }
0x202: {  	[sflag:s11] =	ssyncset.done $0x0  }
0x203: {  	[sflag:s11] =	ssyncadd.s32 $0xFFFFC000  }
0x204: {  	[spmem:s2] =	stream.indirect.scatter.add.f32 [tilespmem:s6], [sflag:$0xC], $0x80, s22, s28, $0xb8;
	[tilespmem:$0x1E400] =	vst v63  }
0x205: {  	_ =	swait.ge [sflag:s12], $0x80  }
0x206: {  	[sflag:s12] =	ssyncset.done $0x0  }
0x207: {  	[sflag:s12] =	ssyncadd.s32 $0xFFFFFF80  }
0x208: {  	_ =	swait.ge [sflag:s13], $0x80  }
0x209: {  	[sflag:s13] =	ssyncset.done $0x0  }
0x20a: {  	[sflag:s13] =	ssyncadd.s32 $0xFFFFFF80  }
0x20b: {  	_ =	swait.ge [sflag:s14], $0x4000  }
0x20c: {  	s15 =	rddreg [dreg:$0xd];
	[sflag:s14] =	ssyncset.done $0x0  }
0x20d: {  	s17 =	rddreg [dreg:$0xc];
	[sflag:s14] =	ssyncadd.s32 $0xFFFFC000;
	s5 =	sadd.s32 s16, s15  }
0x20e: {  	[tilespmem:s21], [sflag:$0x4] =	stream.linear.gather [hbm4b:s5+s3], $0x80, $0x38;
	[tilespmem:$0x1E400] =	vst v63  }
0x20f: {  	s18 =	sadd.s32 s16, s17  }
0x210: {  	[tilespmem:s22], [sflag:$0x8] =	stream.linear.gather [hbm4b:s18+s3], $0x80, $0x38;
	[tilespmem:$0x1E400] =	vst v63  }
0x211: {  	_ = 	snop  }
0x212: {  	[tilespmem:s6], [sflag:$0x2] =	stream.indirect.gather [hbm4b:s4+s28], $0x80, s0, s28, $0xb8;
	[tilespmem:$0x1E400] =	vst v63  }
0x213: {  	_ =	swait.ge [sflag:s7], $0x4000  }
0x214: {  	[sflag:s7] =	ssyncset.done $0x0  }
0x215: {  	[sflag:s7] =	ssyncadd.s32 $0xFFFFC000  }
0x216: {  	[spmem:s2] =	stream.indirect.scatter.add.f32 [tilespmem:s29], [sflag:$0xB], $0x80, s26, s28, $0xb8;
	[tilespmem:$0x1E400] =	vst v63  }
0x217: {  	_ =	swait.ge [sflag:s23], $0x80  }
0x218: {  	[sflag:s23] =	ssyncset.done $0x0  }
0x219: {  	[sflag:s23] =	ssyncadd.s32 $0xFFFFFF80  }
0x21a: {  	_ =	swait.ge [sflag:s24], $0x80  }
0x21b: {  	[sflag:s24] =	ssyncset.done $0x0  }
0x21c: {  	[sflag:s24] =	ssyncadd.s32 $0xFFFFFF80  }
0x21d: {  	_ =	swait.ge [sflag:s10], $0x4000  }
0x21e: {  	s15 =	rddreg [dreg:$0xb];
	[sflag:s10] =	ssyncset.done $0x0  }
0x21f: {  	s17 =	rddreg [dreg:$0xa];
	[sflag:s10] =	ssyncadd.s32 $0xFFFFC000;
	s5 =	sadd.s32 s16, s15  }
0x220: {  	[tilespmem:s25], [sflag:$0x5] =	stream.linear.gather [hbm4b:s5+s3], $0x80, $0x38;
	[tilespmem:$0x1E400] =	vst v63  }
0x221: {  	s18 =	sadd.s32 s16, s17  }
0x222: {  	[tilespmem:s26], [sflag:$0x9] =	stream.linear.gather [hbm4b:s18+s3], $0x80, $0x38;
	[tilespmem:$0x1E400] =	vst v63  }
0x223: {  	_ = 	snop  }
0x224: {  	[tilespmem:s29], [sflag:$0x1] =	stream.indirect.gather [hbm4b:s4+s28], $0x80, s19, s28, $0xb8;
	[tilespmem:$0x1E400] =	vst v63  }
0x225: {  	_ =	swait.ge [sflag:s11], $0x4000  }
0x226: {  	[sflag:s11] =	ssyncset.done $0x0  }
0x227: {  	[sflag:s11] =	ssyncadd.s32 $0xFFFFC000  }
0x228: {  	[spmem:s2] =	stream.indirect.scatter.add.f32 [tilespmem:s6], [sflag:$0xC], $0x80, s1, s28, $0xb8;
	[tilespmem:$0x1E400] =	vst v63  }
0x229: {  	_ =	swait.ge [sflag:s30], $0x80  }
0x22a: {  	[sflag:s30] =	ssyncset.done $0x0  }
0x22b: {  	[sflag:s30] =	ssyncadd.s32 $0xFFFFFF80  }
0x22c: {  	_ =	swait.ge [sflag:s31], $0x80  }
0x22d: {  	[sflag:s31] =	ssyncset.done $0x0  }
0x22e: {  	[sflag:s31] =	ssyncadd.s32 $0xFFFFFF80  }
0x22f: {  	_ =	swait.ge [sflag:s14], $0x4000  }
0x230: {  	s15 =	rddreg [dreg:$0x9];
	[sflag:s14] =	ssyncset.done $0x0  }
0x231: {  	s17 =	rddreg [dreg:$0x8];
	[sflag:s14] =	ssyncadd.s32 $0xFFFFC000;
	s5 =	sadd.s32 s16, s15  }
0x232: {  	[tilespmem:s0], [sflag:$0x6] =	stream.linear.gather [hbm4b:s5+s3], $0x80, $0x38;
	[tilespmem:$0x1E400] =	vst v63  }
0x233: {  	s18 =	sadd.s32 s16, s17  }
0x234: {  	[tilespmem:s1], [sflag:$0xA] =	stream.linear.gather [hbm4b:s18+s3], $0x80, $0x38;
	[tilespmem:$0x1E400] =	vst v63  }
0x235: {  	_ = 	snop  }
0x236: {  	[tilespmem:s6], [sflag:$0x2] =	stream.indirect.gather [hbm4b:s4+s28], $0x80, s21, s28, $0xb8;
	[tilespmem:$0x1E400] =	vst v63  }
0x237: {  	_ =	swait.ge [sflag:s7], $0x4000  }
0x238: {  	[sflag:s7] =	ssyncset.done $0x0  }
0x239: {  	[sflag:s7] =	ssyncadd.s32 $0xFFFFC000  }
0x23a: {  	[spmem:s2] =	stream.indirect.scatter.add.f32 [tilespmem:s29], [sflag:$0xB], $0x80, s20, s28, $0xb8;
	[tilespmem:$0x1E400] =	vst v63  }
0x23b: {  	_ =	swait.ge [sflag:s8], $0x80  }
0x23c: {  	[sflag:s8] =	ssyncset.done $0x0  }
0x23d: {  	[sflag:s8] =	ssyncadd.s32 $0xFFFFFF80  }
0x23e: {  	_ =	swait.ge [sflag:s9], $0x80  }
0x23f: {  	[sflag:s9] =	ssyncset.done $0x0  }
0x240: {  	[sflag:s9] =	ssyncadd.s32 $0xFFFFFF80  }
0x241: {  	_ =	swait.ge [sflag:s10], $0x4000  }
0x242: {  	s15 =	rddreg [dreg:$0x7];
	[sflag:s10] =	ssyncset.done $0x0  }
0x243: {  	s17 =	rddreg [dreg:$0x6];
	[sflag:s10] =	ssyncadd.s32 $0xFFFFC000;
	s5 =	sadd.s32 s16, s15  }
0x244: {  	[tilespmem:s19], [sflag:$0x3] =	stream.linear.gather [hbm4b:s5+s3], $0x80, $0x38;
	[tilespmem:$0x1E400] =	vst v63  }
0x245: {  	s18 =	sadd.s32 s16, s17  }
0x246: {  	[tilespmem:s20], [sflag:$0x7] =	stream.linear.gather [hbm4b:s18+s3], $0x80, $0x38;
	[tilespmem:$0x1E400] =	vst v63  }
0x247: {  	_ = 	snop  }
0x248: {  	[tilespmem:s29], [sflag:$0x1] =	stream.indirect.gather [hbm4b:s4+s28], $0x80, s25, s28, $0xb8;
	[tilespmem:$0x1E400] =	vst v63  }
0x249: {  	_ =	swait.ge [sflag:s11], $0x4000  }
0x24a: {  	[sflag:s11] =	ssyncset.done $0x0  }
0x24b: {  	[sflag:s11] =	ssyncadd.s32 $0xFFFFC000  }
0x24c: {  	[spmem:s2] =	stream.indirect.scatter.add.f32 [tilespmem:s6], [sflag:$0xC], $0x80, s22, s28, $0xb8;
	[tilespmem:$0x1E400] =	vst v63  }
0x24d: {  	_ =	swait.ge [sflag:s12], $0x80  }
0x24e: {  	[sflag:s12] =	ssyncset.done $0x0  }
0x24f: {  	[sflag:s12] =	ssyncadd.s32 $0xFFFFFF80  }
0x250: {  	_ =	swait.ge [sflag:s13], $0x80  }
0x251: {  	[sflag:s13] =	ssyncset.done $0x0  }
0x252: {  	[sflag:s13] =	ssyncadd.s32 $0xFFFFFF80  }
0x253: {  	_ =	swait.ge [sflag:s14], $0x4000  }
0x254: {  	s15 =	rddreg [dreg:$0x5];
	[sflag:s14] =	ssyncset.done $0x0  }
0x255: {  	s17 =	rddreg [dreg:$0x4];
	[sflag:s14] =	ssyncadd.s32 $0xFFFFC000;
	s5 =	sadd.s32 s16, s15  }
0x256: {  	[tilespmem:s21], [sflag:$0x4] =	stream.linear.gather [hbm4b:s5+s3], $0x80, $0x38;
	[tilespmem:$0x1E400] =	vst v63  }
0x257: {  	s18 =	sadd.s32 s16, s17  }
0x258: {  	[tilespmem:s22], [sflag:$0x8] =	stream.linear.gather [hbm4b:s18+s3], $0x80, $0x38;
	[tilespmem:$0x1E400] =	vst v63  }
0x259: {  	_ = 	snop  }
0x25a: {  	[tilespmem:s6], [sflag:$0x2] =	stream.indirect.gather [hbm4b:s4+s28], $0x80, s0, s28, $0xb8;
	[tilespmem:$0x1E400] =	vst v63  }
0x25b: {  	_ =	swait.ge [sflag:s7], $0x4000  }
0x25c: {  	[sflag:s7] =	ssyncset.done $0x0  }
0x25d: {  	[sflag:s7] =	ssyncadd.s32 $0xFFFFC000  }
0x25e: {  	[spmem:s2] =	stream.indirect.scatter.add.f32 [tilespmem:s29], [sflag:$0xB], $0x80, s26, s28, $0xb8;
	[tilespmem:$0x1E400] =	vst v63  }
0x25f: {  	_ =	swait.ge [sflag:s23], $0x80  }
0x260: {  	[sflag:s23] =	ssyncset.done $0x0  }
0x261: {  	[sflag:s23] =	ssyncadd.s32 $0xFFFFFF80  }
0x262: {  	_ =	swait.ge [sflag:s24], $0x80  }
0x263: {  	[sflag:s24] =	ssyncset.done $0x0  }
0x264: {  	[sflag:s24] =	ssyncadd.s32 $0xFFFFFF80  }
0x265: {  	_ =	swait.ge [sflag:s10], $0x4000  }
0x266: {  	[sflag:s10] =	ssyncset.done $0x0  }
0x267: {  	[sflag:s10] =	ssyncadd.s32 $0xFFFFC000  }
0x268: {  	[tilespmem:s29], [sflag:$0x1] =	stream.indirect.gather [hbm4b:s4+s28], $0x80, s19, s28, $0xb8;
	[tilespmem:$0x1E400] =	vst v63  }
0x269: {  	_ =	swait.ge [sflag:s11], $0x4000  }
0x26a: {  	[sflag:s11] =	ssyncset.done $0x0  }
0x26b: {  	[sflag:s11] =	ssyncadd.s32 $0xFFFFC000  }
0x26c: {  	[spmem:s2] =	stream.indirect.scatter.add.f32 [tilespmem:s6], [sflag:$0xC], $0x80, s1, s28, $0xb8;
	[tilespmem:$0x1E400] =	vst v63  }
0x26d: {  	_ =	swait.ge [sflag:s30], $0x80  }
0x26e: {  	[sflag:s30] =	ssyncset.done $0x0  }
0x26f: {  	[sflag:s30] =	ssyncadd.s32 $0xFFFFFF80  }
0x270: {  	_ =	swait.ge [sflag:s31], $0x80  }
0x271: {  	[sflag:s31] =	ssyncset.done $0x0  }
0x272: {  	[sflag:s31] =	ssyncadd.s32 $0xFFFFFF80  }
0x273: {  	_ =	swait.ge [sflag:s14], $0x4000  }
0x274: {  	[sflag:s14] =	ssyncset.done $0x0  }
0x275: {  	[sflag:s14] =	ssyncadd.s32 $0xFFFFC000  }
0x276: {  	[tilespmem:s6], [sflag:$0x2] =	stream.indirect.gather [hbm4b:s4+s28], $0x80, s21, s28, $0xb8;
	[tilespmem:$0x1E400] =	vst v63  }
0x277: {  	_ =	swait.ge [sflag:s7], $0x4000  }
0x278: {  	[sflag:s7] =	ssyncset.done $0x0  }
0x279: {  	[sflag:s7] =	ssyncadd.s32 $0xFFFFC000  }
0x27a: {  	[spmem:s2] =	stream.indirect.scatter.add.f32 [tilespmem:s29], [sflag:$0xB], $0x80, s20, s28, $0xb8;
	[tilespmem:$0x1E400] =	vst v63  }
0x27b: {  	_ =	swait.ge [sflag:s11], $0x4000  }
0x27c: {  	[sflag:s11] =	ssyncset.done $0x0  }
0x27d: {  	[sflag:s11] =	ssyncadd.s32 $0xFFFFC000  }
0x27e: {  	[spmem:s2] =	stream.indirect.scatter.add.f32 [tilespmem:s6], [sflag:$0xC], $0x80, s22, s28, $0xb8;
	[tilespmem:$0x1E400] =	vst v63  }
0x27f: {  	_ =	swait.ge [sflag:s10], $0x4000  }
0x280: {  	[sflag:s10] =	ssyncset.done $0x0  }
0x281: {  	[sflag:s10] =	ssyncadd.s32 $0xFFFFC000  }
0x282: {  	_ =	swait.ge [sflag:s14], $0x4000  }
0x283: {  	[sflag:s14] =	ssyncset.done $0x0  }
0x284: {  	[sflag:s14] =	ssyncadd.s32 $0xFFFFC000  }
0x285: {  	[bflag:$0x0] =	sbarrier.arrive $0xFFFF  }
0x286: {  	s15 =	stileid.u32;
	s18 =	sld [smem:$0x7FC]  }
0x287: {  	s5 =	sshll.u32 s15, $0x6;
	s17 =	rddreg [dreg:$0x18]  }
0x288: {  	s5 =	sor.u32 $0x1C0D, s5;
	s16 =	sshrl.u32 s17, $0x3  }
0x289: {  	[hbm:s18], [sflag:s5] =	dma.local [spmem:s16], $0x2800  }
0x28a: {  	s18 =	simm.s32 $0xD  }
0x28b: {  	_ =	swait.ge [sflag:s18], $0x2800  }
0x28c: {  	s5 =	sld [smem:$0x7F9]  }
0x28d: {  	s16 =	sld [smem:$0x7FD];
	_ =	sdelay $0x1  }
0x28e: {  	s15 =	sadd.s32 $0x1, s5  }
0x28f: {  	p0 =	sne.s32 s15, s16  }
.Ltmp2:
0x290: {  	_ = 	snop;
	(pc) =	sbr.rel @p0 .LBB2_1-.Ltmp2, $3  }
0x291: {  	_ =	sdelay $0x1  }
0x292: {  	[sflag:s18] =	ssyncset.done $0x0  }
0x293: {  	[sflag:s18] =	ssyncadd.s32 $0xFFFFD800  }
0x294: {  	_ =	sfence.sel $0x180000  }
0x295: {  	[bflag:$0x0] =	sbarrier.arrive $0xFFFF  }
0x296: {  	_ =	strace $0x9000004A  }
0x297: {  	s0 =	stileid.u32;
	[bflag:$0x2] =	sbarrier.arrive $0xFFFF  }
0x298: {  	p0 =	sne.s32 s0, $0x0;
	s0 =	rddreg [dreg:$0x3]  }
0x299: {  	s0 =	sadd.s32 @!p0 $0x100000, s0  }
0x29a: {  	[sflag:s0] =	ssyncadd.tile.s32 @!p0 $0x1;
	_ =	shalt  }
.Lfunc_end2:
_tile_overlayer_lowered:
.L_overlay_start_2:
0x29b: {  	(tag) =	ssettag $0x2  }
0x29c: {  	s0 =	rddreg [dreg:$0x0];
	s2 =	stileid.u32  }
0x29d: {  	s1 =	rddreg [dreg:$0x1];
	p0 =	sne.s32 s2, $0x0  }
0x29e: {  	s3 =	rddreg [dreg:$0x2];
	[bflag:$0x3] =	sbarrier.arrive $0xFFFF;
	s2 =	simm.s32 @!p0 $0x1C0D  }
0x29f: {  	[timem:s3], [sflag:s2] =	dma.local @!p0 [hbm:s0], s1  }
0x2a0: {  	s0 =	simm.s32 @!p0 $0xD  }
0x2a1: {  	_ =	swait.ge @!p0 [sflag:s0], s1  }
0x2a2: {  	s1 =	ssub.s32 @!p0 $0x0, s1;
	[sflag:s0] =	ssyncset.done @!p0 $0x0  }
0x2a3: {  	[sflag:s0] =	ssyncadd.s32 @!p0 s1  }
0x2a4: {  	[bflag:$0x3] =	sbarrier.arrive $0xFFFF  }
0x2a5: {  	_ =	shalt  }

// kernel: kernel.14.cloned.1.call-start
scs
__scs_entry_jumppad:
0x0: {  	(pc) =	sbr.rel $0x88, $3  }
0x1: {  	(tag) =	ssettag $0x0;
	lr =	simm.s32 $0x1  }
0x2: {  	[smem:$0x3F9B] =	sst lr;
	_ =	strace $0xD0000000  }
0x3: {  	_ = 	snop  }
0x4: {  	_ = 	snop  }
0x5: {  	_ = 	snop  }
0x6: {  	_ = 	snop  }
0x7: {  	_ = 	snop  }
__scs_overlays_trampoline_lowered:
0x8: {  	[smem:$0x3FAA] =	sst s0  }
0x9: {  	[smem:$0x3FAB] =	sst s1  }
0xa: {  	[smem:$0x3FAC] =	sst s2  }
0xb: {  	[smem:$0x3FAD] =	sst s3  }
0xc: {  	[smem:$0x3FAE] =	sst s4  }
0xd: {  	[smem:$0x3FAF] =	sst s5  }
0xe: {  	[smem:$0x3FB0] =	sst s6  }
0xf: {  	[smem:$0x3FB1] =	sst s7  }
0x10: {  	[smem:$0x3FB2] =	sst s8  }
0x11: {  	[smem:$0x3FB3] =	sst s9;
	s0 =	simm.s32 @!p0 $0x0  }
0x12: {  	s1 =	sld [smem:$0x3F99];
	s0 =	simm.s32 @p0 $0x1  }
0x13: {  	[smem:$0x3FB4] =	sst s0;
	s0 =	simm.s32 @!p1 $0x0  }
0x14: {  	s2 =	sld [smem:$0x3F98];
	s0 =	simm.s32 @p1 $0x1  }
0x15: {  	[smem:$0x3FB5] =	sst s0;
	s0 =	simm.s32 @!p2 $0x0  }
0x16: {  	s3 =	sld [smem:$0x3FDB];
	s0 =	simm.s32 @p2 $0x1  }
0x17: {  	s4 =	simm.s32 $0x1BF5;
	[smem:$0x3FB7] =	sst s0  }
0x18: {  	s0 =	sld [smem:$0x3F9A];
	_ =	swait.ge [sflag:s4], $0x0  }
0x19: {  	s7 =	sld [smem:$0x3F9B]  }
0x1a: {  	s8 =	sadd.s32 $0xFFFFE003, lr  }
0x1b: {  	s9 =	sadd.s32 $0xFFFFFEF7, lr;
	s5 =	simm.s32 $0xFFFFFFFF;
	p2 =	slt.u32 s8, $0xFFFFF086  }
0x1c: {  	p1 =	slt.u32 s9, $0xF7A;
	s5 =	simm.s32 @!p2 $0x0  }
0x1d: {  	s5 =	simm.s32 @p1 $0x1;
	p0 =	seq.s32 s7, s2  }
0x1e: {  	s7 =	smul.u32 @!p0 $0xF7A, s2;
	p2 =	seq.s32 @!p0 s5, $0x0  }
0x1f: {  	s9 =	smul.u32 $0xF7A, s1;
	s8 =	simm.s32 @!p0 $0x1BF5;
	p2 =	por !p2, p0  }
0x20: {  	[sflag:s8] =	ssyncset.s32 @!p0 $0xFFFFF086;
	s6 =	sadd.s32 @!p0 s3, s7;
	s7 =	simm.s32 @!p0 $0x108  }
0x21: {  	s3 =	sadd.s32 s3, s9;
	s6 =	sadd.s32 @!p0 $0x88, s6;
	s7 =	simm.s32 @p2 $0x1082  }
0x22: {  	[simem:s7], [sflag:s8] =	dma.local @!p0 [hbm:s6], $0xF7A  }
0x23: {  	s9 =	sor.u32 $0xD0000000, s2;
	s6 =	simm.s32 $0x108;
	_ =	swait.ge @!p0 [sflag:s8], $0x0  }
0x24: {  	s3 =	sadd.s32 $0x88, s3;
	s6 =	simm.s32 @!p1 $0x1082;
	[sflag:s4] =	ssyncset.s32 $0xFFFFF086  }
0x25: {  	[simem:s6], [sflag:s4] =	dma.local [hbm:s3], $0xF7A  }
0x26: {  	[smem:$0x3F9B] =	sst s1;
	(tag) =	ssettag s2;
	_ =	strace s9  }
0x27: {  	s1 =	sld [smem:$0x3FAB]  }
0x28: {  	s2 =	sld [smem:$0x3FAC]  }
0x29: {  	s4 =	sld [smem:$0x3FAE]  }
0x2a: {  	p0 =	seq.s32 s5, $0x0;
	s5 =	sld [smem:$0x3FAF]  }
0x2b: {  	s6 =	sld [smem:$0x3FB0]  }
0x2c: {  	s7 =	sld [smem:$0x3FB1]  }
0x2d: {  	s3 =	simm.s32 $0x108;
	s8 =	sld [smem:$0x3FB2]  }
0x2e: {  	s3 =	simm.s32 @!p0 $0x1082;
	s9 =	sld [smem:$0x3FB3]  }
0x2f: {  	lr =	sadd.s32 s0, s3;
	s0 =	sld [smem:$0x3FAA]  }
0x30: {  	s3 =	sld [smem:$0x3FAD]  }
0x31: {  	[smem:$0x3FB6] =	sst s10  }
0x32: {  	s10 =	sld [smem:$0x3FB4];
	_ =	sdelay $0x3  }
0x33: {  	p0 =	seq.s32 s10, $0x1;
	s10 =	sld [smem:$0x3FB6];
	_ =	sdelay $0x3  }
0x34: {  	[smem:$0x3FB6] =	sst s10  }
0x35: {  	s10 =	sld [smem:$0x3FB5];
	_ =	sdelay $0x3  }
0x36: {  	p1 =	seq.s32 s10, $0x1;
	s10 =	sld [smem:$0x3FB6];
	_ =	sdelay $0x3  }
0x37: {  	[smem:$0x3FB6] =	sst s10  }
0x38: {  	s10 =	sld [smem:$0x3FB7]  }
0x39: {  	_ = 	snop;
	(pc) =	sbr.ind lr, $3  }
0x3a: {  	_ = 	snop  }
0x3b: {  	_ = 	snop  }
0x3c: {  	p2 =	seq.s32 s10, $0x1;
	s10 =	sld [smem:$0x3FB6]  }
0x3d: {  	_ =	shalt  }
0x3e: {  	_ =	shalt  }
0x3f: {  	_ =	shalt  }
0x40: {  	_ =	shalt  }
0x41: {  	_ =	shalt  }
0x42: {  	_ =	shalt  }
0x43: {  	_ =	shalt  }
0x44: {  	_ =	shalt  }
0x45: {  	_ =	shalt  }
0x46: {  	_ =	shalt  }
0x47: {  	_ =	shalt  }
0x48: {  	_ =	shalt  }
0x49: {  	_ =	shalt  }
0x4a: {  	_ =	shalt  }
0x4b: {  	_ =	shalt  }
0x4c: {  	_ =	shalt  }
0x4d: {  	_ =	shalt  }
0x4e: {  	_ =	shalt  }
0x4f: {  	_ =	shalt  }
0x50: {  	_ =	shalt  }
0x51: {  	_ =	shalt  }
0x52: {  	_ =	shalt  }
0x53: {  	_ =	shalt  }
0x54: {  	_ =	shalt  }
0x55: {  	_ =	shalt  }
0x56: {  	_ =	shalt  }
0x57: {  	_ =	shalt  }
0x58: {  	_ =	shalt  }
0x59: {  	_ =	shalt  }
0x5a: {  	_ =	shalt  }
0x5b: {  	_ =	shalt  }
0x5c: {  	_ =	shalt  }
0x5d: {  	_ =	shalt  }
0x5e: {  	_ =	shalt  }
0x5f: {  	_ =	shalt  }
0x60: {  	_ =	shalt  }
0x61: {  	_ =	shalt  }
0x62: {  	_ =	shalt  }
0x63: {  	_ =	shalt  }
0x64: {  	_ =	shalt  }
0x65: {  	_ =	shalt  }
0x66: {  	_ =	shalt  }
0x67: {  	_ =	shalt  }
0x68: {  	_ =	shalt  }
0x69: {  	_ =	shalt  }
0x6a: {  	_ =	shalt  }
0x6b: {  	_ =	shalt  }
0x6c: {  	_ =	shalt  }
0x6d: {  	_ =	shalt  }
0x6e: {  	_ =	shalt  }
0x6f: {  	_ =	shalt  }
0x70: {  	_ =	shalt  }
0x71: {  	_ =	shalt  }
0x72: {  	_ =	shalt  }
0x73: {  	_ =	shalt  }
0x74: {  	_ =	shalt  }
0x75: {  	_ =	shalt  }
0x76: {  	_ =	shalt  }
0x77: {  	_ =	shalt  }
0x78: {  	_ =	shalt  }
0x79: {  	_ =	shalt  }
0x7a: {  	_ =	shalt  }
0x7b: {  	_ =	shalt  }
0x7c: {  	_ =	shalt  }
0x7d: {  	_ =	shalt  }
0x7e: {  	_ =	shalt  }
0x7f: {  	_ =	shalt  }
0x80: {  	_ =	shalt  }
0x81: {  	_ =	shalt  }
0x82: {  	_ =	shalt  }
0x83: {  	_ =	shalt  }
0x84: {  	_ =	shalt  }
0x85: {  	_ =	shalt  }
0x86: {  	_ =	shalt  }
0x87: {  	_ =	shalt  }
.Lfunc_end0:
.L_simem_size_0:
called_computation.2_lowered:
.L_overlay_start_0:
0x88: {  	s2 =	sld [smem:$0x3FD9]  }
0x89: {  	s3 =	sld [smem:$0x3FFE];
	_ =	sdelay $0x1  }
0x8a: {  	s1 =	srdreg.scid  }
0x8b: {  	s0 =	sand.u32 $0x1, s1  }
0x8c: {  	s17 =	sshll.u32 s0, $0xA;
	s2 =	sadd.s32 s3, s2  }
0x8d: {  	s2 =	sadd.s32 s2, s17  }
0x8e: {  	[smem:$0x3FC2] =	sst s2  }
0x8f: {  	_ = 	snop  }
0x90: {  	s2 =	sld [smem:$0x3FD0];
	(tm) =	ssettm $0x1  }
0x91: {  	s18 =	sld [smem:$0x3FFB];
	_ =	sdelay $0x3  }
0x92: {  	_ =	strace s18  }
0x93: {  	s3 =	sld [smem:$0x3FFC];
	_ =	sdelay $0x3  }
0x94: {  	_ =	strace s3  }
0x95: {  	s3 =	sld [smem:$0x3FFD];
	_ =	sdelay $0x3  }
0x96: {  	_ =	strace s3  }
0x97: {  	_ =	strace $0x8FFFFFFF  }
0x98: {  	s19 =	sld [smem:$0x3FDB];
	_ =	sdelay $0x1  }
0x99: {  	s4 =	simm.s32 $_scs_section_size  }
0x9a: {  	s5 =	simm.s32 $_size__tile_overlayer_lowered;
	s6 =	simm.s32 $_tile_overlayer_lowered  }
0x9b: {  	s22 =	simm.s32 $0x1BFF;
	s21 =	sshll.u32 s6, $0x1;
	s3 =	sadd.s32 s4, s19  }
0x9c: {  	s7 =	simm.s32 $0x0;
	s20 =	sshll.u32 s5, $0x1;
	s5 =	sadd.s32 s21, s3  }
0x9d: {  	[timem:s7], [sflag:s22] =	dma.local [hbm:s5], s20  }
0x9e: {  	_ =	swait.ge [sflag:s22], s20  }
0x9f: {  	s4 =	ssub.s32 $0x0, s20;
	[sflag:s22] =	ssyncset.done $0x0  }
0xa0: {  	[sflag:s22] =	ssyncadd.s32 s4;
	_ =	sdelay $0x1  }
0xa1: {  	s23 =	simm.s32 $0x1B8B  }
0xa2: {  	_ =	swait.ge [sflag:s23], $0x1  }
0xa3: {  	[sflag:s23] =	ssyncset.done $0x0  }
0xa4: {  	s25 =	simm.s32 $0x1B8E;
	s24 =	sld [smem:$0x3FFE];
	[sflag:s23] =	ssyncadd.s32 $0xFFFFFFFF  }
0xa5: {  	s26 =	simm.s32 $execute0_lowered;
	[smem:$0x3FD2] =	sst s25  }
0xa6: {  	s5 =	sshll.u32 s26, $0x1;
	_ =	strace $0x8000004C;
	[dreg:$0x1] =	wrdreg $0xFFFFFFFF  }
0xa7: {  	s28 =	simm.s32 $_size_execute0_lowered;
	s3 =	sadd.s32 s3, s5;
	[dreg:$0x0] =	wrdreg $0x0  }
0xa8: {  	s5 =	sshll.u32 s28, $0x1;
	[dreg:$0x2] =	wrdreg s3  }
0xa9: {  	[dreg:$0x3] =	wrdreg s5  }
0xaa: {  	[dreg:$0x4] =	wrdreg $0xC0  }
0xab: {  	_ =	task [dreg:s7], $0x5FFFF  }
0xac: {  	[dreg:$0x1] =	wrdreg $0xFFFFFFFF  }
0xad: {  	[dreg:$0x0] =	wrdreg $0x60  }
0xae: {  	[dreg:$0x2] =	wrdreg s24  }
0xaf: {  	[dreg:$0x3] =	wrdreg s2  }
0xb0: {  	[dreg:$0x4] =	wrdreg $0x0  }
0xb1: {  	[dreg:$0x5] =	wrdreg $0x9  }
0xb2: {  	_ =	task.clear_ibuf [dreg:s7], $0x6FFFF;
	_ =	strace $0x9000004C  }
0xb3: {  	s29 =	simm.s32 $0x9;
	_ =	strace $0x8000004E  }
0xb4: {  	_ =	swait.ge [sflag:s29], $0x1  }
0xb5: {  	[sflag:s29] =	ssyncadd.s32 $0xFFFFFFFF  }
0xb6: {  	_ =	strace $0x9000004E  }
0xb7: {  	_ =	sfence  }
0xb8: {  	s30 =	sld [smem:$0x0];
	_ =	sdelay $0x2  }
0xb9: {  	s31 =	sshll.u32 s1, $0xD;
	s1 =	sshrl.u32 s1, $0x2  }
0xba: {  	s3 =	sand.u32 $0x4000, s31;
	s1 =	sadd.s32 s1, s30  }
0xbb: {  	s0 =	sor.u32 s3, s0;
	s1 =	sshll.u32 s1, $0x11  }
0xbc: {  	s0 =	sor.u32 s1, s0  }
0xbd: {  	s0 =	sadd.s32 $0x8F2B, s0  }
0xbe: {  	[sflag:s0] =	ssyncadd.remote.s32 $0x1  }
0xbf: {  	_ =	sfence.sel $0xFFFF  }
0xc0: {  	[dreg:$0x0] =	wrdreg $0xFFFFFFFF;
	(pc) =	sbr.abs _section_cstart, $3  }
0xc1: {  	[dreg:$0x1] =	wrdreg $0xFFFFFFFF  }
0xc2: {  	_ =	task.clear_ibuf [dreg:s7], $0x2FFFF;
	_ =	strace $0x9FFFFFFF  }
0xc3: {  	(tm) =	ssettm $0x7FFFFFFF  }
tec
execute0_lowered:
.L_overlay_start_1:
0x0: {  	(tag) =	ssettag $0x1  }
0x1: {  	s5 =	rddreg [dreg:$0x0]  }
0x2: {  	s0 =	rddreg [dreg:$0x1];
	s1 =	srdreg.scid  }
0x3: {  	s2 =	rddreg [dreg:$0x2];
	s10 =	stileid.u32;
	s3 =	simm.s32 $0x0  }
0x4: {  	s28 =	simm.s32 $0x80;
	s29 =	simm.s32 $0x14400;
	s4 =	smul.u32 $0x14000, s10  }
0x5: {  	s30 =	simm.s32 $0x4;
	s31 =	simm.s32 $0x8;
	s8 =	smul.u32 $0x50000, s10  }
0x6: {  	s6 =	sand.u32 $0x1, s1;
	[smem:$0x7FF] =	sst s3;
	s10 =	smul.u32 $0x5000, s10  }
0x7: {  	s1 =	smul.u32 $0x140000, s6;
	_ =	strace $0x8000004D;
	s8 =	sshrl.u32 s8, $0x2  }
0x8: {  	s9 =	ssub.s32 $0x2, s6;
	s15 =	smul.u32 $0x2800, s6;
	s17 =	sadd.s32 s8, s2  }
0x9: {  	s11 =	sshrl.u32 s9, $0x1;
	s16 =	sadd.s32 $0x2000, s17;
	[dreg:$0x18] =	wrdreg s17  }
0xa: {  	s7 =	sadd.s32 s4, s1;
	s18 =	sadd.s32 $0x4000, s17;
	[dreg:$0x19] =	wrdreg s16  }
0xb: {  	s4 =	sadd.s32 $0x2200, s5;
	s19 =	sadd.s32 $0x6000, s17;
	[dreg:$0x1a] =	wrdreg s18  }
0xc: {  	s1 =	sadd.s32 $0x65E00, s5;
	s20 =	sadd.s32 $0x8000, s17;
	[dreg:$0x1b] =	wrdreg s19  }
0xd: {  	s7 =	sshrl.u32 s7, $0x3;
	s21 =	sadd.s32 $0xA000, s17;
	[dreg:$0x1c] =	wrdreg s20  }
0xe: {  	s23 =	sadd.s32 $0xC000, s17;
	s24 =	sadd.s32 $0xE000, s17;
	[dreg:$0x1d] =	wrdreg s21  }
0xf: {  	s25 =	sadd.s32 $0x10000, s17;
	s6 =	sadd.s32 s7, s5;
	[dreg:$0x1e] =	wrdreg s23  }
0x10: {  	s5 =	ssub.s32 s9, s11;
	s7 =	sadd.s32 s15, s10;
	[dreg:$0x1f] =	wrdreg s24  }
0x11: {  	[smem:$0x7FA] =	sst s25;
	s22 =	sor.u32 $0x480, s7;
	s6 =	sadd.s32 $0x6FE00, s6  }
0x12: {  	s5 =	smax.u32 s5, $0x1;
	s8 =	sshrl.u32 s22, $0x3;
	[smem:$0x7FC] =	sst s6  }
0x13: {  	s10 =	sor.u32 $0x400, s7;
	[smem:$0x7FD] =	sst s5;
	s26 =	sadd.s32 s8, s1  }
0x14: {  	s11 =	sshrl.u32 s10, $0x3;
	s8 =	sadd.s32 s8, s0;
	[dreg:$0x4] =	wrdreg s26  }
0x15: {  	s13 =	sor.u32 $0x380, s7;
	s12 =	sadd.s32 s11, s1;
	[dreg:$0x5] =	wrdreg s8  }
0x16: {  	s15 =	sshrl.u32 s13, $0x3;
	s14 =	sadd.s32 s11, s0;
	[dreg:$0x6] =	wrdreg s12  }
0x17: {  	s18 =	sor.u32 $0x300, s7;
	s16 =	sadd.s32 s15, s1;
	[dreg:$0x7] =	wrdreg s14  }
0x18: {  	s20 =	sshrl.u32 s18, $0x3;
	s19 =	sadd.s32 s15, s0;
	[dreg:$0x8] =	wrdreg s16  }
0x19: {  	s22 =	sor.u32 $0x280, s7;
	s21 =	sadd.s32 s20, s1;
	[dreg:$0x9] =	wrdreg s19  }
0x1a: {  	s23 =	sadd.s32 s20, s0;
	s24 =	sshrl.u32 s22, $0x3;
	[dreg:$0xa] =	wrdreg s21  }
0x1b: {  	s6 =	simm.s32 $0x18400;
	[dreg:$0xb] =	wrdreg s23;
	s25 =	sadd.s32 s24, s1  }
0x1c: {  	s26 =	sor.u32 $0x200, s7;
	s9 =	sadd.s32 s24, s0;
	s12 =	sor.u32 $0x180, s7  }
0x1d: {  	s16 =	sor.u32 $0x100, s7;
	s21 =	sor.u32 $0x80, s7;
	s24 =	sadd.s32 $0x12000, s17  }
0x1e: {  	s7 =	sshrl.u32 s7, $0x3;
	s8 =	simm.s32 $0x5;
	[dreg:$0xc] =	wrdreg s25  }
0x1f: {  	s10 =	sshrl.u32 s26, $0x3;
	[dreg:$0xd] =	wrdreg s9;
	s14 =	sshrl.u32 s12, $0x3  }
0x20: {  	s19 =	sshrl.u32 s16, $0x3;
	[smem:$0x7FB] =	sst s24;
	s11 =	sadd.s32 s10, s1  }
0x21: {  	s23 =	sshrl.u32 s21, $0x3;
	s13 =	sadd.s32 s10, s0;
	[dreg:$0xe] =	wrdreg s11  }
0x22: {  	s21 =	simm.s32 $0x14280;
	s15 =	sadd.s32 s14, s1;
	[dreg:$0xf] =	wrdreg s13  }
0x23: {  	s24 =	simm.s32 $0x7;
	s18 =	sadd.s32 s14, s0;
	[dreg:$0x10] =	wrdreg s15  }
0x24: {  	s9 =	simm.s32 $0x9;
	s20 =	sadd.s32 s19, s1;
	[dreg:$0x11] =	wrdreg s18  }
0x25: {  	s12 =	simm.s32 $0x6;
	s22 =	sadd.s32 s19, s0;
	[dreg:$0x12] =	wrdreg s20  }
0x26: {  	s25 =	sadd.s32 s23, s1;
	s26 =	sadd.s32 s23, s0;
	[dreg:$0x13] =	wrdreg s22  }
0x27: {  	s1 =	sadd.s32 s7, s1;
	s0 =	sadd.s32 s7, s0;
	[dreg:$0x14] =	wrdreg s25  }
0x28: {  	s19 =	simm.s32 $0x14200;
	s23 =	simm.s32 $0x3;
	[dreg:$0x15] =	wrdreg s26  }
0x29: {  	s7 =	simm.s32 $0x1;
	s10 =	simm.s32 $0xB;
	[dreg:$0x16] =	wrdreg s1  }
0x2a: {  	s14 =	simm.s32 $0xC;
	[dreg:$0x17] =	wrdreg s0;
	s18 =	simm.s32 $0xD  }
0x2b: {  	s20 =	simm.s32 $0x14000;
	s22 =	simm.s32 $0x14080;
	s25 =	simm.s32 $0x14300  }
0x2c: {  	s26 =	simm.s32 $0x14100;
	s0 =	simm.s32 $0x14380;
	s1 =	simm.s32 $0x14180  }
0x2d: {  	v0 =	vimm.f32 $0.0e+00;
	s11 =	simm.s32 $0x2;
	s13 =	simm.s32 $0xA;
	s15 =	simm.s32 $0x0  }
.LBB2_1:
0x2e: {  	[smem:$0x7F9] =	sst s15;
	s5 =	simm.s32 $0x0;
	s16 =	simm.s32 $0x200  }
.LBB2_2:
0x2f: {  	p0 =	sne.s32 s16, $0x7E00;
	[tilespmem:s5+$0x1C470] =	vst v0  }
0x30: {  	[tilespmem:s5+$0x1C400] =	vst v0  }
0x31: {  	[tilespmem:s5+$0x1C410] =	vst v0  }
.Ltmp0:
0x32: {  	[tilespmem:s5+$0x1C420] =	vst v0;
	(pc) =	sbr.rel @p0 .LBB2_2-.Ltmp0, $4  }
0x33: {  	[tilespmem:s5+$0x1C430] =	vst v0  }
0x34: {  	[tilespmem:s5+$0x1C440] =	vst v0  }
0x35: {  	[tilespmem:s5+$0x1C450] =	vst v0  }
0x36: {  	[tilespmem:s5+$0x1C460] =	vst v0;
	s5 =	sshra.s32 s16, $0x2;
	s16 =	sadd.s32 $0x200, s16  }
0x37: {  	[tilespmem:s5+$0x1C470] =	vst v0  }
0x38: {  	[tilespmem:s5+$0x1C400] =	vst v0  }
0x39: {  	[tilespmem:s5+$0x1C410] =	vst v0  }
0x3a: {  	[tilespmem:s5+$0x1C420] =	vst v0  }
0x3b: {  	[tilespmem:s5+$0x1C430] =	vst v0  }
0x3c: {  	[tilespmem:s5+$0x1C440] =	vst v0  }
0x3d: {  	[tilespmem:s5+$0x1C450] =	vst v0  }
0x3e: {  	[tilespmem:s5+$0x1C460] =	vst v0;
	s15 =	simm.s32 $0x1C400  }
0x3f: {  	[spmem:s17] =	stream.linear.scatter [tilespmem:s15], [sflag:$0xD], $0x2000, $0x38;
	[tilespmem:$0x1E400] =	vst v63  }
0x40: {  	_ =	swait.ge [sflag:s18], $0x2000  }
0x41: {  	[sflag:s18] =	ssyncset.done $0x0  }
0x42: {  	s16 =	rddreg [dreg:$0x19];
	[sflag:s18] =	ssyncadd.s32 $0xFFFFE000  }
0x43: {  	[spmem:s16] =	stream.linear.scatter [tilespmem:s15], [sflag:$0xD], $0x2000, $0x38;
	[tilespmem:$0x1E400] =	vst v63  }
0x44: {  	_ =	swait.ge [sflag:s18], $0x2000  }
0x45: {  	[sflag:s18] =	ssyncset.done $0x0  }
0x46: {  	s17 =	rddreg [dreg:$0x1a];
	[sflag:s18] =	ssyncadd.s32 $0xFFFFE000  }
0x47: {  	[spmem:s17] =	stream.linear.scatter [tilespmem:s15], [sflag:$0xD], $0x2000, $0x38;
	[tilespmem:$0x1E400] =	vst v63  }
0x48: {  	_ =	swait.ge [sflag:s18], $0x2000  }
0x49: {  	[sflag:s18] =	ssyncset.done $0x0  }
0x4a: {  	s16 =	rddreg [dreg:$0x1b];
	[sflag:s18] =	ssyncadd.s32 $0xFFFFE000  }
0x4b: {  	[spmem:s16] =	stream.linear.scatter [tilespmem:s15], [sflag:$0xD], $0x2000, $0x38;
	[tilespmem:$0x1E400] =	vst v63  }
0x4c: {  	_ =	swait.ge [sflag:s18], $0x2000  }
0x4d: {  	[sflag:s18] =	ssyncset.done $0x0  }
0x4e: {  	s17 =	rddreg [dreg:$0x1c];
	[sflag:s18] =	ssyncadd.s32 $0xFFFFE000  }
0x4f: {  	[spmem:s17] =	stream.linear.scatter [tilespmem:s15], [sflag:$0xD], $0x2000, $0x38;
	[tilespmem:$0x1E400] =	vst v63  }
0x50: {  	_ =	swait.ge [sflag:s18], $0x2000  }
0x51: {  	[sflag:s18] =	ssyncset.done $0x0  }
0x52: {  	s16 =	rddreg [dreg:$0x1d];
	[sflag:s18] =	ssyncadd.s32 $0xFFFFE000  }
0x53: {  	[spmem:s16] =	stream.linear.scatter [tilespmem:s15], [sflag:$0xD], $0x2000, $0x38;
	[tilespmem:$0x1E400] =	vst v63  }
0x54: {  	_ =	swait.ge [sflag:s18], $0x2000  }
0x55: {  	[sflag:s18] =	ssyncset.done $0x0  }
0x56: {  	s17 =	rddreg [dreg:$0x1e];
	[sflag:s18] =	ssyncadd.s32 $0xFFFFE000  }
0x57: {  	[spmem:s17] =	stream.linear.scatter [tilespmem:s15], [sflag:$0xD], $0x2000, $0x38;
	[tilespmem:$0x1E400] =	vst v63  }
0x58: {  	_ =	swait.ge [sflag:s18], $0x2000  }
0x59: {  	[sflag:s18] =	ssyncset.done $0x0  }
0x5a: {  	s16 =	rddreg [dreg:$0x1f];
	[sflag:s18] =	ssyncadd.s32 $0xFFFFE000  }
0x5b: {  	[spmem:s16] =	stream.linear.scatter [tilespmem:s15], [sflag:$0xD], $0x2000, $0x38;
	[tilespmem:$0x1E400] =	vst v63  }
0x5c: {  	_ =	swait.ge [sflag:s18], $0x2000  }
0x5d: {  	s17 =	sld [smem:$0x7FA]  }
0x5e: {  	[sflag:s18] =	ssyncset.done $0x0  }
0x5f: {  	[sflag:s18] =	ssyncadd.s32 $0xFFFFE000  }
0x60: {  	[spmem:s17] =	stream.linear.scatter [tilespmem:s15], [sflag:$0xD], $0x2000, $0x38;
	[tilespmem:$0x1E400] =	vst v63  }
0x61: {  	_ =	swait.ge [sflag:s18], $0x2000  }
0x62: {  	s16 =	sld [smem:$0x7FB]  }
0x63: {  	[sflag:s18] =	ssyncset.done $0x0  }
0x64: {  	[sflag:s18] =	ssyncadd.s32 $0xFFFFE000  }
0x65: {  	[spmem:s16] =	stream.linear.scatter [tilespmem:s15], [sflag:$0xD], $0x2000, $0x38;
	[tilespmem:$0x1E400] =	vst v63  }
0x66: {  	_ =	swait.ge [sflag:s18], $0x2000  }
0x67: {  	[sflag:s18] =	ssyncset.done $0x0  }
0x68: {  	[sflag:s18] =	ssyncadd.s32 $0xFFFFE000  }
0x69: {  	[bflag:$0x0] =	sbarrier.arrive $0xFFFF  }
0x6a: {  	s17 =	rddreg [dreg:$0x17]  }
0x6b: {  	s18 =	rddreg [dreg:$0x16];
	s5 =	sadd.s32 $0x0, s17  }
0x6c: {  	[tilespmem:s19], [sflag:$0x3] =	stream.linear.gather [hbm4b:s5+s3], $0x80, $0x38;
	[tilespmem:$0x1E400] =	vst v63  }
0x6d: {  	s16 =	rddreg [dreg:$0x15];
	s15 =	sadd.s32 $0x0, s18  }
0x6e: {  	[tilespmem:s20], [sflag:$0x7] =	stream.linear.gather [hbm4b:s15+s3], $0x80, $0x38;
	[tilespmem:$0x1E400] =	vst v63  }
0x6f: {  	s17 =	rddreg [dreg:$0x14];
	s18 =	sadd.s32 $0x0, s16  }
0x70: {  	[tilespmem:s21], [sflag:$0x4] =	stream.linear.gather [hbm4b:s18+s3], $0x80, $0x38;
	[tilespmem:$0x1E400] =	vst v63  }
0x71: {  	s16 =	sadd.s32 $0x0, s17  }
0x72: {  	[tilespmem:s22], [sflag:$0x8] =	stream.linear.gather [hbm4b:s16+s3], $0x80, $0x38;
	[tilespmem:$0x1E400] =	vst v63  }
0x73: {  	_ =	swait.ge [sflag:s23], $0x80  }
0x74: {  	[sflag:s23] =	ssyncset.done $0x0  }
0x75: {  	[sflag:s23] =	ssyncadd.s32 $0xFFFFFF80  }
0x76: {  	_ =	swait.ge [sflag:s24], $0x80  }
0x77: {  	s17 =	rddreg [dreg:$0x13];
	[sflag:s24] =	ssyncset.done $0x0  }
0x78: {  	s18 =	rddreg [dreg:$0x12];
	[sflag:s24] =	ssyncadd.s32 $0xFFFFFF80;
	s5 =	sadd.s32 $0x0, s17  }
0x79: {  	[tilespmem:s25], [sflag:$0x5] =	stream.linear.gather [hbm4b:s5+s3], $0x80, $0x38;
	[tilespmem:$0x1E400] =	vst v63  }
0x7a: {  	s16 =	sadd.s32 $0x0, s18  }
0x7b: {  	[tilespmem:s26], [sflag:$0x9] =	stream.linear.gather [hbm4b:s16+s3], $0x80, $0x38;
	[tilespmem:$0x1E400] =	vst v63  }
0x7c: {  	_ = 	snop  }
0x7d: {  	[tilespmem:s29], [sflag:$0x1] =	stream.indirect.gather [hbm4b:s4+s28], $0x80, s19, s28, $0xb8;
	[tilespmem:$0x1E400] =	vst v63  }
0x7e: {  	_ =	swait.ge [sflag:s30], $0x80  }
0x7f: {  	[sflag:s30] =	ssyncset.done $0x0  }
0x80: {  	[sflag:s30] =	ssyncadd.s32 $0xFFFFFF80  }
0x81: {  	_ =	swait.ge [sflag:s31], $0x80  }
0x82: {  	s17 =	rddreg [dreg:$0x11];
	[sflag:s31] =	ssyncset.done $0x0  }
0x83: {  	s18 =	rddreg [dreg:$0x10];
	[sflag:s31] =	ssyncadd.s32 $0xFFFFFF80;
	s5 =	sadd.s32 $0x0, s17  }
0x84: {  	[tilespmem:s0], [sflag:$0x6] =	stream.linear.gather [hbm4b:s5+s3], $0x80, $0x38;
	[tilespmem:$0x1E400] =	vst v63  }
0x85: {  	s16 =	sadd.s32 $0x0, s18  }
0x86: {  	[tilespmem:s1], [sflag:$0xA] =	stream.linear.gather [hbm4b:s16+s3], $0x80, $0x38;
	[tilespmem:$0x1E400] =	vst v63  }
0x87: {  	_ = 	snop  }
0x88: {  	[tilespmem:s6], [sflag:$0x2] =	stream.indirect.gather [hbm4b:s4+s28], $0x80, s21, s28, $0xb8;
	[tilespmem:$0x1E400] =	vst v63  }
0x89: {  	_ =	swait.ge [sflag:s7], $0x4000  }
0x8a: {  	[sflag:s7] =	ssyncset.done $0x0  }
0x8b: {  	[sflag:s7] =	ssyncadd.s32 $0xFFFFC000  }
0x8c: {  	[spmem:s2] =	stream.indirect.scatter.add.f32 [tilespmem:s29], [sflag:$0xB], $0x80, s20, s28, $0xb8;
	[tilespmem:$0x1E400] =	vst v63  }
0x8d: {  	_ =	swait.ge [sflag:s8], $0x80  }
0x8e: {  	[sflag:s8] =	ssyncset.done $0x0  }
0x8f: {  	[sflag:s8] =	ssyncadd.s32 $0xFFFFFF80  }
0x90: {  	_ =	swait.ge [sflag:s9], $0x80  }
0x91: {  	[sflag:s9] =	ssyncset.done $0x0  }
0x92: {  	[sflag:s9] =	ssyncadd.s32 $0xFFFFFF80  }
0x93: {  	_ =	swait.ge [sflag:s10], $0x4000  }
0x94: {  	s17 =	rddreg [dreg:$0xf];
	[sflag:s10] =	ssyncset.done $0x0  }
0x95: {  	s18 =	rddreg [dreg:$0xe];
	[sflag:s10] =	ssyncadd.s32 $0xFFFFC000;
	s5 =	sadd.s32 $0x0, s17  }
0x96: {  	[tilespmem:s19], [sflag:$0x3] =	stream.linear.gather [hbm4b:s5+s3], $0x80, $0x38;
	[tilespmem:$0x1E400] =	vst v63  }
0x97: {  	s16 =	sadd.s32 $0x0, s18  }
0x98: {  	[tilespmem:s20], [sflag:$0x7] =	stream.linear.gather [hbm4b:s16+s3], $0x80, $0x38;
	[tilespmem:$0x1E400] =	vst v63  }
0x99: {  	_ = 	snop  }
0x9a: {  	[tilespmem:s29], [sflag:$0x1] =	stream.indirect.gather [hbm4b:s4+s28], $0x80, s25, s28, $0xb8;
	[tilespmem:$0x1E400] =	vst v63  }
0x9b: {  	_ =	swait.ge [sflag:s11], $0x4000  }
0x9c: {  	[sflag:s11] =	ssyncset.done $0x0  }
0x9d: {  	[sflag:s11] =	ssyncadd.s32 $0xFFFFC000  }
0x9e: {  	[spmem:s2] =	stream.indirect.scatter.add.f32 [tilespmem:s6], [sflag:$0xC], $0x80, s22, s28, $0xb8;
	[tilespmem:$0x1E400] =	vst v63  }
0x9f: {  	_ =	swait.ge [sflag:s12], $0x80  }
0xa0: {  	[sflag:s12] =	ssyncset.done $0x0  }
0xa1: {  	[sflag:s12] =	ssyncadd.s32 $0xFFFFFF80  }
0xa2: {  	_ =	swait.ge [sflag:s13], $0x80  }
0xa3: {  	[sflag:s13] =	ssyncset.done $0x0  }
0xa4: {  	[sflag:s13] =	ssyncadd.s32 $0xFFFFFF80  }
0xa5: {  	_ =	swait.ge [sflag:s14], $0x4000  }
0xa6: {  	s17 =	rddreg [dreg:$0xd];
	[sflag:s14] =	ssyncset.done $0x0  }
0xa7: {  	s18 =	rddreg [dreg:$0xc];
	[sflag:s14] =	ssyncadd.s32 $0xFFFFC000;
	s5 =	sadd.s32 $0x0, s17  }
0xa8: {  	[tilespmem:s21], [sflag:$0x4] =	stream.linear.gather [hbm4b:s5+s3], $0x80, $0x38;
	[tilespmem:$0x1E400] =	vst v63  }
0xa9: {  	s16 =	sadd.s32 $0x0, s18  }
0xaa: {  	[tilespmem:s22], [sflag:$0x8] =	stream.linear.gather [hbm4b:s16+s3], $0x80, $0x38;
	[tilespmem:$0x1E400] =	vst v63  }
0xab: {  	_ = 	snop  }
0xac: {  	[tilespmem:s6], [sflag:$0x2] =	stream.indirect.gather [hbm4b:s4+s28], $0x80, s0, s28, $0xb8;
	[tilespmem:$0x1E400] =	vst v63  }
0xad: {  	_ =	swait.ge [sflag:s7], $0x4000  }
0xae: {  	[sflag:s7] =	ssyncset.done $0x0  }
0xaf: {  	[sflag:s7] =	ssyncadd.s32 $0xFFFFC000  }
0xb0: {  	[spmem:s2] =	stream.indirect.scatter.add.f32 [tilespmem:s29], [sflag:$0xB], $0x80, s26, s28, $0xb8;
	[tilespmem:$0x1E400] =	vst v63  }
0xb1: {  	_ =	swait.ge [sflag:s23], $0x80  }
0xb2: {  	[sflag:s23] =	ssyncset.done $0x0  }
0xb3: {  	[sflag:s23] =	ssyncadd.s32 $0xFFFFFF80  }
0xb4: {  	_ =	swait.ge [sflag:s24], $0x80  }
0xb5: {  	[sflag:s24] =	ssyncset.done $0x0  }
0xb6: {  	[sflag:s24] =	ssyncadd.s32 $0xFFFFFF80  }
0xb7: {  	_ =	swait.ge [sflag:s10], $0x4000  }
0xb8: {  	s17 =	rddreg [dreg:$0xb];
	[sflag:s10] =	ssyncset.done $0x0  }
0xb9: {  	s18 =	rddreg [dreg:$0xa];
	[sflag:s10] =	ssyncadd.s32 $0xFFFFC000;
	s5 =	sadd.s32 $0x0, s17  }
0xba: {  	[tilespmem:s25], [sflag:$0x5] =	stream.linear.gather [hbm4b:s5+s3], $0x80, $0x38;
	[tilespmem:$0x1E400] =	vst v63  }
0xbb: {  	s16 =	sadd.s32 $0x0, s18  }
0xbc: {  	[tilespmem:s26], [sflag:$0x9] =	stream.linear.gather [hbm4b:s16+s3], $0x80, $0x38;
	[tilespmem:$0x1E400] =	vst v63  }
0xbd: {  	_ = 	snop  }
0xbe: {  	[tilespmem:s29], [sflag:$0x1] =	stream.indirect.gather [hbm4b:s4+s28], $0x80, s19, s28, $0xb8;
	[tilespmem:$0x1E400] =	vst v63  }
0xbf: {  	_ =	swait.ge [sflag:s11], $0x4000  }
0xc0: {  	[sflag:s11] =	ssyncset.done $0x0  }
0xc1: {  	[sflag:s11] =	ssyncadd.s32 $0xFFFFC000  }
0xc2: {  	[spmem:s2] =	stream.indirect.scatter.add.f32 [tilespmem:s6], [sflag:$0xC], $0x80, s1, s28, $0xb8;
	[tilespmem:$0x1E400] =	vst v63  }
0xc3: {  	_ =	swait.ge [sflag:s30], $0x80  }
0xc4: {  	[sflag:s30] =	ssyncset.done $0x0  }
0xc5: {  	[sflag:s30] =	ssyncadd.s32 $0xFFFFFF80  }
0xc6: {  	_ =	swait.ge [sflag:s31], $0x80  }
0xc7: {  	[sflag:s31] =	ssyncset.done $0x0  }
0xc8: {  	[sflag:s31] =	ssyncadd.s32 $0xFFFFFF80  }
0xc9: {  	_ =	swait.ge [sflag:s14], $0x4000  }
0xca: {  	s17 =	rddreg [dreg:$0x9];
	[sflag:s14] =	ssyncset.done $0x0  }
0xcb: {  	s18 =	rddreg [dreg:$0x8];
	[sflag:s14] =	ssyncadd.s32 $0xFFFFC000;
	s5 =	sadd.s32 $0x0, s17  }
0xcc: {  	[tilespmem:s0], [sflag:$0x6] =	stream.linear.gather [hbm4b:s5+s3], $0x80, $0x38;
	[tilespmem:$0x1E400] =	vst v63  }
0xcd: {  	s16 =	sadd.s32 $0x0, s18  }
0xce: {  	[tilespmem:s1], [sflag:$0xA] =	stream.linear.gather [hbm4b:s16+s3], $0x80, $0x38;
	[tilespmem:$0x1E400] =	vst v63  }
0xcf: {  	_ = 	snop  }
0xd0: {  	[tilespmem:s6], [sflag:$0x2] =	stream.indirect.gather [hbm4b:s4+s28], $0x80, s21, s28, $0xb8;
	[tilespmem:$0x1E400] =	vst v63  }
0xd1: {  	_ =	swait.ge [sflag:s7], $0x4000  }
0xd2: {  	[sflag:s7] =	ssyncset.done $0x0  }
0xd3: {  	[sflag:s7] =	ssyncadd.s32 $0xFFFFC000  }
0xd4: {  	[spmem:s2] =	stream.indirect.scatter.add.f32 [tilespmem:s29], [sflag:$0xB], $0x80, s20, s28, $0xb8;
	[tilespmem:$0x1E400] =	vst v63  }
0xd5: {  	_ =	swait.ge [sflag:s8], $0x80  }
0xd6: {  	[sflag:s8] =	ssyncset.done $0x0  }
0xd7: {  	[sflag:s8] =	ssyncadd.s32 $0xFFFFFF80  }
0xd8: {  	_ =	swait.ge [sflag:s9], $0x80  }
0xd9: {  	[sflag:s9] =	ssyncset.done $0x0  }
0xda: {  	[sflag:s9] =	ssyncadd.s32 $0xFFFFFF80  }
0xdb: {  	_ =	swait.ge [sflag:s10], $0x4000  }
0xdc: {  	s17 =	rddreg [dreg:$0x7];
	[sflag:s10] =	ssyncset.done $0x0  }
0xdd: {  	s18 =	rddreg [dreg:$0x6];
	[sflag:s10] =	ssyncadd.s32 $0xFFFFC000;
	s5 =	sadd.s32 $0x0, s17  }
0xde: {  	[tilespmem:s19], [sflag:$0x3] =	stream.linear.gather [hbm4b:s5+s3], $0x80, $0x38;
	[tilespmem:$0x1E400] =	vst v63  }
0xdf: {  	s16 =	sadd.s32 $0x0, s18  }
0xe0: {  	[tilespmem:s20], [sflag:$0x7] =	stream.linear.gather [hbm4b:s16+s3], $0x80, $0x38;
	[tilespmem:$0x1E400] =	vst v63  }
0xe1: {  	_ = 	snop  }
0xe2: {  	[tilespmem:s29], [sflag:$0x1] =	stream.indirect.gather [hbm4b:s4+s28], $0x80, s25, s28, $0xb8;
	[tilespmem:$0x1E400] =	vst v63  }
0xe3: {  	_ =	swait.ge [sflag:s11], $0x4000  }
0xe4: {  	[sflag:s11] =	ssyncset.done $0x0  }
0xe5: {  	[sflag:s11] =	ssyncadd.s32 $0xFFFFC000  }
0xe6: {  	[spmem:s2] =	stream.indirect.scatter.add.f32 [tilespmem:s6], [sflag:$0xC], $0x80, s22, s28, $0xb8;
	[tilespmem:$0x1E400] =	vst v63  }
0xe7: {  	_ =	swait.ge [sflag:s12], $0x80  }
0xe8: {  	[sflag:s12] =	ssyncset.done $0x0  }
0xe9: {  	[sflag:s12] =	ssyncadd.s32 $0xFFFFFF80  }
0xea: {  	_ =	swait.ge [sflag:s13], $0x80  }
0xeb: {  	[sflag:s13] =	ssyncset.done $0x0  }
0xec: {  	[sflag:s13] =	ssyncadd.s32 $0xFFFFFF80  }
0xed: {  	_ =	swait.ge [sflag:s14], $0x4000  }
0xee: {  	s17 =	rddreg [dreg:$0x5];
	[sflag:s14] =	ssyncset.done $0x0  }
0xef: {  	s18 =	rddreg [dreg:$0x4];
	[sflag:s14] =	ssyncadd.s32 $0xFFFFC000;
	s5 =	sadd.s32 $0x0, s17  }
0xf0: {  	[tilespmem:s21], [sflag:$0x4] =	stream.linear.gather [hbm4b:s5+s3], $0x80, $0x38;
	[tilespmem:$0x1E400] =	vst v63  }
0xf1: {  	s25 =	sadd.s32 $0x0, s18  }
0xf2: {  	[tilespmem:s22], [sflag:$0x8] =	stream.linear.gather [hbm4b:s25+s3], $0x80, $0x38;
	[tilespmem:$0x1E400] =	vst v63  }
0xf3: {  	_ = 	snop  }
0xf4: {  	[tilespmem:s6], [sflag:$0x2] =	stream.indirect.gather [hbm4b:s4+s28], $0x80, s0, s28, $0xb8;
	[tilespmem:$0x1E400] =	vst v63  }
0xf5: {  	_ =	swait.ge [sflag:s7], $0x4000  }
0xf6: {  	[sflag:s7] =	ssyncset.done $0x0  }
0xf7: {  	[sflag:s7] =	ssyncadd.s32 $0xFFFFC000  }
0xf8: {  	[spmem:s2] =	stream.indirect.scatter.add.f32 [tilespmem:s29], [sflag:$0xB], $0x80, s26, s28, $0xb8;
	[tilespmem:$0x1E400] =	vst v63  }
0xf9: {  	_ =	swait.ge [sflag:s23], $0x80  }
0xfa: {  	[sflag:s23] =	ssyncset.done $0x0  }
0xfb: {  	[sflag:s23] =	ssyncadd.s32 $0xFFFFFF80  }
0xfc: {  	_ =	swait.ge [sflag:s24], $0x80  }
0xfd: {  	[sflag:s24] =	ssyncset.done $0x0  }
0xfe: {  	[sflag:s24] =	ssyncadd.s32 $0xFFFFFF80  }
0xff: {  	_ =	swait.ge [sflag:s10], $0x4000  }
0x100: {  	[sflag:s10] =	ssyncset.done $0x0  }
0x101: {  	[sflag:s10] =	ssyncadd.s32 $0xFFFFC000  }
0x102: {  	[tilespmem:s29], [sflag:$0x1] =	stream.indirect.gather [hbm4b:s4+s28], $0x80, s19, s28, $0xb8;
	[tilespmem:$0x1E400] =	vst v63  }
0x103: {  	_ =	swait.ge [sflag:s11], $0x4000  }
0x104: {  	[sflag:s11] =	ssyncset.done $0x0  }
0x105: {  	[sflag:s11] =	ssyncadd.s32 $0xFFFFC000  }
0x106: {  	[spmem:s2] =	stream.indirect.scatter.add.f32 [tilespmem:s6], [sflag:$0xC], $0x80, s1, s28, $0xb8;
	[tilespmem:$0x1E400] =	vst v63  }
0x107: {  	_ =	swait.ge [sflag:s30], $0x80  }
0x108: {  	[sflag:s30] =	ssyncset.done $0x0  }
0x109: {  	[sflag:s30] =	ssyncadd.s32 $0xFFFFFF80  }
0x10a: {  	_ =	swait.ge [sflag:s31], $0x80  }
0x10b: {  	[sflag:s31] =	ssyncset.done $0x0  }
0x10c: {  	[sflag:s31] =	ssyncadd.s32 $0xFFFFFF80  }
0x10d: {  	_ =	swait.ge [sflag:s14], $0x4000  }
0x10e: {  	[sflag:s14] =	ssyncset.done $0x0  }
0x10f: {  	[sflag:s14] =	ssyncadd.s32 $0xFFFFC000  }
0x110: {  	[tilespmem:s6], [sflag:$0x2] =	stream.indirect.gather [hbm4b:s4+s28], $0x80, s21, s28, $0xb8;
	[tilespmem:$0x1E400] =	vst v63  }
0x111: {  	_ =	swait.ge [sflag:s7], $0x4000  }
0x112: {  	[sflag:s7] =	ssyncset.done $0x0  }
0x113: {  	[sflag:s7] =	ssyncadd.s32 $0xFFFFC000  }
0x114: {  	[spmem:s2] =	stream.indirect.scatter.add.f32 [tilespmem:s29], [sflag:$0xB], $0x80, s20, s28, $0xb8;
	[tilespmem:$0x1E400] =	vst v63  }
0x115: {  	_ =	swait.ge [sflag:s11], $0x4000  }
0x116: {  	[sflag:s11] =	ssyncset.done $0x0  }
0x117: {  	[sflag:s11] =	ssyncadd.s32 $0xFFFFC000  }
0x118: {  	[spmem:s2] =	stream.indirect.scatter.add.f32 [tilespmem:s6], [sflag:$0xC], $0x80, s22, s28, $0xb8;
	[tilespmem:$0x1E400] =	vst v63  }
0x119: {  	_ =	swait.ge [sflag:s10], $0x4000  }
0x11a: {  	[sflag:s10] =	ssyncset.done $0x0  }
0x11b: {  	[sflag:s10] =	ssyncadd.s32 $0xFFFFC000  }
0x11c: {  	s16 =	simm.s32 $0xA0;
	_ =	swait.ge [sflag:s14], $0x4000  }
0x11d: {  	s5 =	simm.s32 $0x140;
	s15 =	rddreg [dreg:$0x17];
	[sflag:s14] =	ssyncset.done $0x0  }
.LBB2_4:
0x11e: {  	[sflag:s14] =	ssyncadd.s32 $0xFFFFC000;
	s18 =	rddreg [dreg:$0x16];
	s15 =	sadd.s32 s16, s15  }
0x11f: {  	[tilespmem:s19], [sflag:$0x3] =	stream.linear.gather [hbm4b:s15+s3], $0x80, $0x38;
	[tilespmem:$0x1E400] =	vst v63  }
0x120: {  	s25 =	rddreg [dreg:$0x15];
	s15 =	sadd.s32 s16, s18  }
0x121: {  	[tilespmem:s20], [sflag:$0x7] =	stream.linear.gather [hbm4b:s15+s3], $0x80, $0x38;
	[tilespmem:$0x1E400] =	vst v63  }
0x122: {  	s18 =	rddreg [dreg:$0x14];
	s15 =	sadd.s32 s16, s25  }
0x123: {  	[tilespmem:s21], [sflag:$0x4] =	stream.linear.gather [hbm4b:s15+s3], $0x80, $0x38;
	[tilespmem:$0x1E400] =	vst v63  }
0x124: {  	s18 =	sadd.s32 s16, s18  }
0x125: {  	[tilespmem:s22], [sflag:$0x8] =	stream.linear.gather [hbm4b:s18+s3], $0x80, $0x38;
	[tilespmem:$0x1E400] =	vst v63  }
0x126: {  	_ =	swait.ge [sflag:s23], $0x80  }
0x127: {  	[sflag:s23] =	ssyncset.done $0x0  }
0x128: {  	[sflag:s23] =	ssyncadd.s32 $0xFFFFFF80  }
0x129: {  	_ =	swait.ge [sflag:s24], $0x80  }
0x12a: {  	s25 =	simm.s32 $0x14300;
	s15 =	rddreg [dreg:$0x13];
	[sflag:s24] =	ssyncset.done $0x0  }
0x12b: {  	s18 =	rddreg [dreg:$0x12];
	[sflag:s24] =	ssyncadd.s32 $0xFFFFFF80;
	s15 =	sadd.s32 s16, s15  }
0x12c: {  	[tilespmem:s25], [sflag:$0x5] =	stream.linear.gather [hbm4b:s15+s3], $0x80, $0x38;
	[tilespmem:$0x1E400] =	vst v63  }
0x12d: {  	s18 =	sadd.s32 s16, s18  }
0x12e: {  	[tilespmem:s26], [sflag:$0x9] =	stream.linear.gather [hbm4b:s18+s3], $0x80, $0x38;
	[tilespmem:$0x1E400] =	vst v63  }
0x12f: {  	_ = 	snop  }
0x130: {  	[tilespmem:s29], [sflag:$0x1] =	stream.indirect.gather [hbm4b:s4+s28], $0x80, s19, s28, $0xb8;
	[tilespmem:$0x1E400] =	vst v63  }
0x131: {  	_ =	swait.ge [sflag:s30], $0x80  }
0x132: {  	[sflag:s30] =	ssyncset.done $0x0  }
0x133: {  	[sflag:s30] =	ssyncadd.s32 $0xFFFFFF80  }
0x134: {  	_ =	swait.ge [sflag:s31], $0x80  }
0x135: {  	s15 =	rddreg [dreg:$0x11];
	[sflag:s31] =	ssyncset.done $0x0  }
0x136: {  	s18 =	rddreg [dreg:$0x10];
	[sflag:s31] =	ssyncadd.s32 $0xFFFFFF80;
	s15 =	sadd.s32 s16, s15  }
0x137: {  	[tilespmem:s0], [sflag:$0x6] =	stream.linear.gather [hbm4b:s15+s3], $0x80, $0x38;
	[tilespmem:$0x1E400] =	vst v63  }
0x138: {  	s18 =	sadd.s32 s16, s18  }
0x139: {  	[tilespmem:s1], [sflag:$0xA] =	stream.linear.gather [hbm4b:s18+s3], $0x80, $0x38;
	[tilespmem:$0x1E400] =	vst v63  }
0x13a: {  	_ = 	snop  }
0x13b: {  	[tilespmem:s6], [sflag:$0x2] =	stream.indirect.gather [hbm4b:s4+s28], $0x80, s21, s28, $0xb8;
	[tilespmem:$0x1E400] =	vst v63  }
0x13c: {  	_ =	swait.ge [sflag:s7], $0x4000  }
0x13d: {  	[sflag:s7] =	ssyncset.done $0x0  }
0x13e: {  	[sflag:s7] =	ssyncadd.s32 $0xFFFFC000  }
0x13f: {  	[spmem:s2] =	stream.indirect.scatter.add.f32 [tilespmem:s29], [sflag:$0xB], $0x80, s20, s28, $0xb8;
	[tilespmem:$0x1E400] =	vst v63  }
0x140: {  	_ =	swait.ge [sflag:s8], $0x80  }
0x141: {  	[sflag:s8] =	ssyncset.done $0x0  }
0x142: {  	[sflag:s8] =	ssyncadd.s32 $0xFFFFFF80  }
0x143: {  	_ =	swait.ge [sflag:s9], $0x80  }
0x144: {  	[sflag:s9] =	ssyncset.done $0x0  }
0x145: {  	[sflag:s9] =	ssyncadd.s32 $0xFFFFFF80  }
0x146: {  	_ =	swait.ge [sflag:s10], $0x4000  }
0x147: {  	s15 =	rddreg [dreg:$0xf];
	[sflag:s10] =	ssyncset.done $0x0  }
0x148: {  	s18 =	rddreg [dreg:$0xe];
	[sflag:s10] =	ssyncadd.s32 $0xFFFFC000;
	s15 =	sadd.s32 s16, s15  }
0x149: {  	[tilespmem:s19], [sflag:$0x3] =	stream.linear.gather [hbm4b:s15+s3], $0x80, $0x38;
	[tilespmem:$0x1E400] =	vst v63  }
0x14a: {  	s18 =	sadd.s32 s16, s18  }
0x14b: {  	[tilespmem:s20], [sflag:$0x7] =	stream.linear.gather [hbm4b:s18+s3], $0x80, $0x38;
	[tilespmem:$0x1E400] =	vst v63  }
0x14c: {  	_ = 	snop  }
0x14d: {  	[tilespmem:s29], [sflag:$0x1] =	stream.indirect.gather [hbm4b:s4+s28], $0x80, s25, s28, $0xb8;
	[tilespmem:$0x1E400] =	vst v63  }
0x14e: {  	_ =	swait.ge [sflag:s11], $0x4000  }
0x14f: {  	[sflag:s11] =	ssyncset.done $0x0  }
0x150: {  	[sflag:s11] =	ssyncadd.s32 $0xFFFFC000  }
0x151: {  	[spmem:s2] =	stream.indirect.scatter.add.f32 [tilespmem:s6], [sflag:$0xC], $0x80, s22, s28, $0xb8;
	[tilespmem:$0x1E400] =	vst v63  }
0x152: {  	_ =	swait.ge [sflag:s12], $0x80  }
0x153: {  	[sflag:s12] =	ssyncset.done $0x0  }
0x154: {  	[sflag:s12] =	ssyncadd.s32 $0xFFFFFF80  }
0x155: {  	_ =	swait.ge [sflag:s13], $0x80  }
0x156: {  	[sflag:s13] =	ssyncset.done $0x0  }
0x157: {  	[sflag:s13] =	ssyncadd.s32 $0xFFFFFF80  }
0x158: {  	_ =	swait.ge [sflag:s14], $0x4000  }
0x159: {  	s15 =	rddreg [dreg:$0xd];
	[sflag:s14] =	ssyncset.done $0x0  }
0x15a: {  	s18 =	rddreg [dreg:$0xc];
	[sflag:s14] =	ssyncadd.s32 $0xFFFFC000;
	s15 =	sadd.s32 s16, s15  }
0x15b: {  	[tilespmem:s21], [sflag:$0x4] =	stream.linear.gather [hbm4b:s15+s3], $0x80, $0x38;
	[tilespmem:$0x1E400] =	vst v63  }
0x15c: {  	s18 =	sadd.s32 s16, s18  }
0x15d: {  	[tilespmem:s22], [sflag:$0x8] =	stream.linear.gather [hbm4b:s18+s3], $0x80, $0x38;
	[tilespmem:$0x1E400] =	vst v63  }
0x15e: {  	_ = 	snop  }
0x15f: {  	[tilespmem:s6], [sflag:$0x2] =	stream.indirect.gather [hbm4b:s4+s28], $0x80, s0, s28, $0xb8;
	[tilespmem:$0x1E400] =	vst v63  }
0x160: {  	_ =	swait.ge [sflag:s7], $0x4000  }
0x161: {  	[sflag:s7] =	ssyncset.done $0x0  }
0x162: {  	[sflag:s7] =	ssyncadd.s32 $0xFFFFC000  }
0x163: {  	[spmem:s2] =	stream.indirect.scatter.add.f32 [tilespmem:s29], [sflag:$0xB], $0x80, s26, s28, $0xb8;
	[tilespmem:$0x1E400] =	vst v63  }
0x164: {  	_ =	swait.ge [sflag:s23], $0x80  }
0x165: {  	[sflag:s23] =	ssyncset.done $0x0  }
0x166: {  	[sflag:s23] =	ssyncadd.s32 $0xFFFFFF80  }
0x167: {  	_ =	swait.ge [sflag:s24], $0x80  }
0x168: {  	[sflag:s24] =	ssyncset.done $0x0  }
0x169: {  	[sflag:s24] =	ssyncadd.s32 $0xFFFFFF80  }
0x16a: {  	_ =	swait.ge [sflag:s10], $0x4000  }
0x16b: {  	s15 =	rddreg [dreg:$0xb];
	[sflag:s10] =	ssyncset.done $0x0  }
0x16c: {  	s18 =	rddreg [dreg:$0xa];
	[sflag:s10] =	ssyncadd.s32 $0xFFFFC000;
	s15 =	sadd.s32 s16, s15  }
0x16d: {  	[tilespmem:s25], [sflag:$0x5] =	stream.linear.gather [hbm4b:s15+s3], $0x80, $0x38;
	[tilespmem:$0x1E400] =	vst v63  }
0x16e: {  	s18 =	sadd.s32 s16, s18  }
0x16f: {  	[tilespmem:s26], [sflag:$0x9] =	stream.linear.gather [hbm4b:s18+s3], $0x80, $0x38;
	[tilespmem:$0x1E400] =	vst v63  }
0x170: {  	_ = 	snop  }
0x171: {  	[tilespmem:s29], [sflag:$0x1] =	stream.indirect.gather [hbm4b:s4+s28], $0x80, s19, s28, $0xb8;
	[tilespmem:$0x1E400] =	vst v63  }
0x172: {  	_ =	swait.ge [sflag:s11], $0x4000  }
0x173: {  	[sflag:s11] =	ssyncset.done $0x0  }
0x174: {  	[sflag:s11] =	ssyncadd.s32 $0xFFFFC000  }
0x175: {  	[spmem:s2] =	stream.indirect.scatter.add.f32 [tilespmem:s6], [sflag:$0xC], $0x80, s1, s28, $0xb8;
	[tilespmem:$0x1E400] =	vst v63  }
0x176: {  	_ =	swait.ge [sflag:s30], $0x80  }
0x177: {  	[sflag:s30] =	ssyncset.done $0x0  }
0x178: {  	[sflag:s30] =	ssyncadd.s32 $0xFFFFFF80  }
0x179: {  	_ =	swait.ge [sflag:s31], $0x80  }
0x17a: {  	[sflag:s31] =	ssyncset.done $0x0  }
0x17b: {  	[sflag:s31] =	ssyncadd.s32 $0xFFFFFF80  }
0x17c: {  	_ =	swait.ge [sflag:s14], $0x4000  }
0x17d: {  	s15 =	rddreg [dreg:$0x9];
	[sflag:s14] =	ssyncset.done $0x0  }
0x17e: {  	s18 =	rddreg [dreg:$0x8];
	[sflag:s14] =	ssyncadd.s32 $0xFFFFC000;
	s15 =	sadd.s32 s16, s15  }
0x17f: {  	[tilespmem:s0], [sflag:$0x6] =	stream.linear.gather [hbm4b:s15+s3], $0x80, $0x38;
	[tilespmem:$0x1E400] =	vst v63  }
0x180: {  	s18 =	sadd.s32 s16, s18  }
0x181: {  	[tilespmem:s1], [sflag:$0xA] =	stream.linear.gather [hbm4b:s18+s3], $0x80, $0x38;
	[tilespmem:$0x1E400] =	vst v63  }
0x182: {  	_ = 	snop  }
0x183: {  	[tilespmem:s6], [sflag:$0x2] =	stream.indirect.gather [hbm4b:s4+s28], $0x80, s21, s28, $0xb8;
	[tilespmem:$0x1E400] =	vst v63  }
0x184: {  	_ =	swait.ge [sflag:s7], $0x4000  }
0x185: {  	[sflag:s7] =	ssyncset.done $0x0  }
0x186: {  	[sflag:s7] =	ssyncadd.s32 $0xFFFFC000  }
0x187: {  	[spmem:s2] =	stream.indirect.scatter.add.f32 [tilespmem:s29], [sflag:$0xB], $0x80, s20, s28, $0xb8;
	[tilespmem:$0x1E400] =	vst v63  }
0x188: {  	_ =	swait.ge [sflag:s8], $0x80  }
0x189: {  	[sflag:s8] =	ssyncset.done $0x0  }
0x18a: {  	[sflag:s8] =	ssyncadd.s32 $0xFFFFFF80  }
0x18b: {  	_ =	swait.ge [sflag:s9], $0x80  }
0x18c: {  	[sflag:s9] =	ssyncset.done $0x0  }
0x18d: {  	[sflag:s9] =	ssyncadd.s32 $0xFFFFFF80  }
0x18e: {  	_ =	swait.ge [sflag:s10], $0x4000  }
0x18f: {  	s15 =	rddreg [dreg:$0x7];
	[sflag:s10] =	ssyncset.done $0x0  }
0x190: {  	s18 =	rddreg [dreg:$0x6];
	[sflag:s10] =	ssyncadd.s32 $0xFFFFC000;
	s15 =	sadd.s32 s16, s15  }
0x191: {  	[tilespmem:s19], [sflag:$0x3] =	stream.linear.gather [hbm4b:s15+s3], $0x80, $0x38;
	[tilespmem:$0x1E400] =	vst v63  }
0x192: {  	s18 =	sadd.s32 s16, s18  }
0x193: {  	[tilespmem:s20], [sflag:$0x7] =	stream.linear.gather [hbm4b:s18+s3], $0x80, $0x38;
	[tilespmem:$0x1E400] =	vst v63  }
0x194: {  	_ = 	snop  }
0x195: {  	[tilespmem:s29], [sflag:$0x1] =	stream.indirect.gather [hbm4b:s4+s28], $0x80, s25, s28, $0xb8;
	[tilespmem:$0x1E400] =	vst v63  }
0x196: {  	_ =	swait.ge [sflag:s11], $0x4000  }
0x197: {  	[sflag:s11] =	ssyncset.done $0x0  }
0x198: {  	[sflag:s11] =	ssyncadd.s32 $0xFFFFC000  }
0x199: {  	[spmem:s2] =	stream.indirect.scatter.add.f32 [tilespmem:s6], [sflag:$0xC], $0x80, s22, s28, $0xb8;
	[tilespmem:$0x1E400] =	vst v63  }
0x19a: {  	_ =	swait.ge [sflag:s12], $0x80  }
0x19b: {  	[sflag:s12] =	ssyncset.done $0x0  }
0x19c: {  	[sflag:s12] =	ssyncadd.s32 $0xFFFFFF80  }
0x19d: {  	_ =	swait.ge [sflag:s13], $0x80  }
0x19e: {  	[sflag:s13] =	ssyncset.done $0x0  }
0x19f: {  	[sflag:s13] =	ssyncadd.s32 $0xFFFFFF80  }
0x1a0: {  	_ =	swait.ge [sflag:s14], $0x4000  }
0x1a1: {  	s15 =	rddreg [dreg:$0x5];
	[sflag:s14] =	ssyncset.done $0x0  }
0x1a2: {  	s18 =	rddreg [dreg:$0x4];
	[sflag:s14] =	ssyncadd.s32 $0xFFFFC000;
	s15 =	sadd.s32 s16, s15  }
0x1a3: {  	[tilespmem:s21], [sflag:$0x4] =	stream.linear.gather [hbm4b:s15+s3], $0x80, $0x38;
	[tilespmem:$0x1E400] =	vst v63  }
0x1a4: {  	s18 =	sadd.s32 s16, s18  }
0x1a5: {  	[tilespmem:s22], [sflag:$0x8] =	stream.linear.gather [hbm4b:s18+s3], $0x80, $0x38;
	[tilespmem:$0x1E400] =	vst v63  }
0x1a6: {  	_ = 	snop  }
0x1a7: {  	[tilespmem:s6], [sflag:$0x2] =	stream.indirect.gather [hbm4b:s4+s28], $0x80, s0, s28, $0xb8;
	[tilespmem:$0x1E400] =	vst v63  }
0x1a8: {  	_ =	swait.ge [sflag:s7], $0x4000  }
0x1a9: {  	[sflag:s7] =	ssyncset.done $0x0  }
0x1aa: {  	[sflag:s7] =	ssyncadd.s32 $0xFFFFC000  }
0x1ab: {  	[spmem:s2] =	stream.indirect.scatter.add.f32 [tilespmem:s29], [sflag:$0xB], $0x80, s26, s28, $0xb8;
	[tilespmem:$0x1E400] =	vst v63  }
0x1ac: {  	_ =	swait.ge [sflag:s23], $0x80  }
0x1ad: {  	[sflag:s23] =	ssyncset.done $0x0  }
0x1ae: {  	[sflag:s23] =	ssyncadd.s32 $0xFFFFFF80  }
0x1af: {  	_ =	swait.ge [sflag:s24], $0x80  }
0x1b0: {  	[sflag:s24] =	ssyncset.done $0x0  }
0x1b1: {  	[sflag:s24] =	ssyncadd.s32 $0xFFFFFF80  }
0x1b2: {  	_ =	swait.ge [sflag:s10], $0x4000  }
0x1b3: {  	[sflag:s10] =	ssyncset.done $0x0  }
0x1b4: {  	[sflag:s10] =	ssyncadd.s32 $0xFFFFC000  }
0x1b5: {  	[tilespmem:s29], [sflag:$0x1] =	stream.indirect.gather [hbm4b:s4+s28], $0x80, s19, s28, $0xb8;
	[tilespmem:$0x1E400] =	vst v63  }
0x1b6: {  	_ =	swait.ge [sflag:s11], $0x4000  }
0x1b7: {  	[sflag:s11] =	ssyncset.done $0x0  }
0x1b8: {  	[sflag:s11] =	ssyncadd.s32 $0xFFFFC000  }
0x1b9: {  	[spmem:s2] =	stream.indirect.scatter.add.f32 [tilespmem:s6], [sflag:$0xC], $0x80, s1, s28, $0xb8;
	[tilespmem:$0x1E400] =	vst v63  }
0x1ba: {  	_ =	swait.ge [sflag:s30], $0x80  }
0x1bb: {  	[sflag:s30] =	ssyncset.done $0x0  }
0x1bc: {  	[sflag:s30] =	ssyncadd.s32 $0xFFFFFF80  }
0x1bd: {  	_ =	swait.ge [sflag:s31], $0x80  }
0x1be: {  	[sflag:s31] =	ssyncset.done $0x0  }
0x1bf: {  	[sflag:s31] =	ssyncadd.s32 $0xFFFFFF80  }
0x1c0: {  	_ =	swait.ge [sflag:s14], $0x4000  }
0x1c1: {  	[sflag:s14] =	ssyncset.done $0x0  }
0x1c2: {  	[sflag:s14] =	ssyncadd.s32 $0xFFFFC000  }
0x1c3: {  	[tilespmem:s6], [sflag:$0x2] =	stream.indirect.gather [hbm4b:s4+s28], $0x80, s21, s28, $0xb8;
	[tilespmem:$0x1E400] =	vst v63  }
0x1c4: {  	_ =	swait.ge [sflag:s7], $0x4000  }
0x1c5: {  	[sflag:s7] =	ssyncset.done $0x0  }
0x1c6: {  	[sflag:s7] =	ssyncadd.s32 $0xFFFFC000  }
0x1c7: {  	[spmem:s2] =	stream.indirect.scatter.add.f32 [tilespmem:s29], [sflag:$0xB], $0x80, s20, s28, $0xb8;
	[tilespmem:$0x1E400] =	vst v63  }
0x1c8: {  	_ =	swait.ge [sflag:s11], $0x4000  }
0x1c9: {  	[sflag:s11] =	ssyncset.done $0x0  }
0x1ca: {  	p0 =	sne.s32 s5, $0x460;
	[sflag:s11] =	ssyncadd.s32 $0xFFFFC000  }
0x1cb: {  	[spmem:s2] =	stream.indirect.scatter.add.f32 [tilespmem:s6], [sflag:$0xC], $0x80, s22, s28, $0xb8;
	[tilespmem:$0x1E400] =	vst v63  }
.Ltmp1:
0x1cc: {  	_ =	swait.ge [sflag:s10], $0x4000;
	(pc) =	sbr.rel @p0 .LBB2_4-.Ltmp1, $4  }
0x1cd: {  	[sflag:s10] =	ssyncset.done $0x0  }
0x1ce: {  	[sflag:s10] =	ssyncadd.s32 $0xFFFFC000  }
0x1cf: {  	s17 =	smov.u32 s5;
	s5 =	sadd.s32 $0xA0, s5;
	_ =	swait.ge [sflag:s14], $0x4000  }
0x1d0: {  	s16 =	smov.u32 s17;
	s15 =	rddreg [dreg:$0x17];
	[sflag:s14] =	ssyncset.done $0x0  }
0x1d1: {  	s5 =	rddreg [dreg:$0x16];
	[sflag:s14] =	ssyncadd.s32 $0xFFFFC000;
	s15 =	sadd.s32 s16, s15  }
0x1d2: {  	[tilespmem:s19], [sflag:$0x3] =	stream.linear.gather [hbm4b:s15+s3], $0x80, $0x38;
	[tilespmem:$0x1E400] =	vst v63  }
0x1d3: {  	s17 =	rddreg [dreg:$0x15];
	s5 =	sadd.s32 s16, s5  }
0x1d4: {  	[tilespmem:s20], [sflag:$0x7] =	stream.linear.gather [hbm4b:s5+s3], $0x80, $0x38;
	[tilespmem:$0x1E400] =	vst v63  }
0x1d5: {  	s18 =	rddreg [dreg:$0x14];
	s15 =	sadd.s32 s16, s17  }
0x1d6: {  	[tilespmem:s21], [sflag:$0x4] =	stream.linear.gather [hbm4b:s15+s3], $0x80, $0x38;
	[tilespmem:$0x1E400] =	vst v63  }
0x1d7: {  	s5 =	sadd.s32 s16, s18  }
0x1d8: {  	[tilespmem:s22], [sflag:$0x8] =	stream.linear.gather [hbm4b:s5+s3], $0x80, $0x38;
	[tilespmem:$0x1E400] =	vst v63  }
0x1d9: {  	_ =	swait.ge [sflag:s23], $0x80  }
0x1da: {  	[sflag:s23] =	ssyncset.done $0x0  }
0x1db: {  	[sflag:s23] =	ssyncadd.s32 $0xFFFFFF80  }
0x1dc: {  	_ =	swait.ge [sflag:s24], $0x80  }
0x1dd: {  	s15 =	rddreg [dreg:$0x13];
	[sflag:s24] =	ssyncset.done $0x0  }
0x1de: {  	s17 =	rddreg [dreg:$0x12];
	[sflag:s24] =	ssyncadd.s32 $0xFFFFFF80;
	s5 =	sadd.s32 s16, s15  }
0x1df: {  	[tilespmem:s25], [sflag:$0x5] =	stream.linear.gather [hbm4b:s5+s3], $0x80, $0x38;
	[tilespmem:$0x1E400] =	vst v63  }
0x1e0: {  	s18 =	sadd.s32 s16, s17  }
0x1e1: {  	[tilespmem:s26], [sflag:$0x9] =	stream.linear.gather [hbm4b:s18+s3], $0x80, $0x38;
	[tilespmem:$0x1E400] =	vst v63  }
0x1e2: {  	_ = 	snop  }
0x1e3: {  	[tilespmem:s29], [sflag:$0x1] =	stream.indirect.gather [hbm4b:s4+s28], $0x80, s19, s28, $0xb8;
	[tilespmem:$0x1E400] =	vst v63  }
0x1e4: {  	_ =	swait.ge [sflag:s30], $0x80  }
0x1e5: {  	[sflag:s30] =	ssyncset.done $0x0  }
0x1e6: {  	[sflag:s30] =	ssyncadd.s32 $0xFFFFFF80  }
0x1e7: {  	_ =	swait.ge [sflag:s31], $0x80  }
0x1e8: {  	s15 =	rddreg [dreg:$0x11];
	[sflag:s31] =	ssyncset.done $0x0  }
0x1e9: {  	s17 =	rddreg [dreg:$0x10];
	[sflag:s31] =	ssyncadd.s32 $0xFFFFFF80;
	s5 =	sadd.s32 s16, s15  }
0x1ea: {  	[tilespmem:s0], [sflag:$0x6] =	stream.linear.gather [hbm4b:s5+s3], $0x80, $0x38;
	[tilespmem:$0x1E400] =	vst v63  }
0x1eb: {  	s18 =	sadd.s32 s16, s17  }
0x1ec: {  	[tilespmem:s1], [sflag:$0xA] =	stream.linear.gather [hbm4b:s18+s3], $0x80, $0x38;
	[tilespmem:$0x1E400] =	vst v63  }
0x1ed: {  	_ = 	snop  }
0x1ee: {  	[tilespmem:s6], [sflag:$0x2] =	stream.indirect.gather [hbm4b:s4+s28], $0x80, s21, s28, $0xb8;
	[tilespmem:$0x1E400] =	vst v63  }
0x1ef: {  	_ =	swait.ge [sflag:s7], $0x4000  }
0x1f0: {  	[sflag:s7] =	ssyncset.done $0x0  }
0x1f1: {  	[sflag:s7] =	ssyncadd.s32 $0xFFFFC000  }
0x1f2: {  	[spmem:s2] =	stream.indirect.scatter.add.f32 [tilespmem:s29], [sflag:$0xB], $0x80, s20, s28, $0xb8;
	[tilespmem:$0x1E400] =	vst v63  }
0x1f3: {  	_ =	swait.ge [sflag:s8], $0x80  }
0x1f4: {  	[sflag:s8] =	ssyncset.done $0x0  }
0x1f5: {  	[sflag:s8] =	ssyncadd.s32 $0xFFFFFF80  }
0x1f6: {  	_ =	swait.ge [sflag:s9], $0x80  }
0x1f7: {  	[sflag:s9] =	ssyncset.done $0x0  }
0x1f8: {  	[sflag:s9] =	ssyncadd.s32 $0xFFFFFF80  }
0x1f9: {  	_ =	swait.ge [sflag:s10], $0x4000  }
0x1fa: {  	s15 =	rddreg [dreg:$0xf];
	[sflag:s10] =	ssyncset.done $0x0  }
0x1fb: {  	s17 =	rddreg [dreg:$0xe];
	[sflag:s10] =	ssyncadd.s32 $0xFFFFC000;
	s5 =	sadd.s32 s16, s15  }
0x1fc: {  	[tilespmem:s19], [sflag:$0x3] =	stream.linear.gather [hbm4b:s5+s3], $0x80, $0x38;
	[tilespmem:$0x1E400] =	vst v63  }
0x1fd: {  	s18 =	sadd.s32 s16, s17  }
0x1fe: {  	[tilespmem:s20], [sflag:$0x7] =	stream.linear.gather [hbm4b:s18+s3], $0x80, $0x38;
	[tilespmem:$0x1E400] =	vst v63  }
0x1ff: {  	_ = 	snop  }
0x200: {  	[tilespmem:s29], [sflag:$0x1] =	stream.indirect.gather [hbm4b:s4+s28], $0x80, s25, s28, $0xb8;
	[tilespmem:$0x1E400] =	vst v63  }
0x201: {  	_ =	swait.ge [sflag:s11], $0x4000  }
0x202: {  	[sflag:s11] =	ssyncset.done $0x0  }
0x203: {  	[sflag:s11] =	ssyncadd.s32 $0xFFFFC000  }
0x204: {  	[spmem:s2] =	stream.indirect.scatter.add.f32 [tilespmem:s6], [sflag:$0xC], $0x80, s22, s28, $0xb8;
	[tilespmem:$0x1E400] =	vst v63  }
0x205: {  	_ =	swait.ge [sflag:s12], $0x80  }
0x206: {  	[sflag:s12] =	ssyncset.done $0x0  }
0x207: {  	[sflag:s12] =	ssyncadd.s32 $0xFFFFFF80  }
0x208: {  	_ =	swait.ge [sflag:s13], $0x80  }
0x209: {  	[sflag:s13] =	ssyncset.done $0x0  }
0x20a: {  	[sflag:s13] =	ssyncadd.s32 $0xFFFFFF80  }
0x20b: {  	_ =	swait.ge [sflag:s14], $0x4000  }
0x20c: {  	s15 =	rddreg [dreg:$0xd];
	[sflag:s14] =	ssyncset.done $0x0  }
0x20d: {  	s17 =	rddreg [dreg:$0xc];
	[sflag:s14] =	ssyncadd.s32 $0xFFFFC000;
	s5 =	sadd.s32 s16, s15  }
0x20e: {  	[tilespmem:s21], [sflag:$0x4] =	stream.linear.gather [hbm4b:s5+s3], $0x80, $0x38;
	[tilespmem:$0x1E400] =	vst v63  }
0x20f: {  	s18 =	sadd.s32 s16, s17  }
0x210: {  	[tilespmem:s22], [sflag:$0x8] =	stream.linear.gather [hbm4b:s18+s3], $0x80, $0x38;
	[tilespmem:$0x1E400] =	vst v63  }
0x211: {  	_ = 	snop  }
0x212: {  	[tilespmem:s6], [sflag:$0x2] =	stream.indirect.gather [hbm4b:s4+s28], $0x80, s0, s28, $0xb8;
	[tilespmem:$0x1E400] =	vst v63  }
0x213: {  	_ =	swait.ge [sflag:s7], $0x4000  }
0x214: {  	[sflag:s7] =	ssyncset.done $0x0  }
0x215: {  	[sflag:s7] =	ssyncadd.s32 $0xFFFFC000  }
0x216: {  	[spmem:s2] =	stream.indirect.scatter.add.f32 [tilespmem:s29], [sflag:$0xB], $0x80, s26, s28, $0xb8;
	[tilespmem:$0x1E400] =	vst v63  }
0x217: {  	_ =	swait.ge [sflag:s23], $0x80  }
0x218: {  	[sflag:s23] =	ssyncset.done $0x0  }
0x219: {  	[sflag:s23] =	ssyncadd.s32 $0xFFFFFF80  }
0x21a: {  	_ =	swait.ge [sflag:s24], $0x80  }
0x21b: {  	[sflag:s24] =	ssyncset.done $0x0  }
0x21c: {  	[sflag:s24] =	ssyncadd.s32 $0xFFFFFF80  }
0x21d: {  	_ =	swait.ge [sflag:s10], $0x4000  }
0x21e: {  	s15 =	rddreg [dreg:$0xb];
	[sflag:s10] =	ssyncset.done $0x0  }
0x21f: {  	s17 =	rddreg [dreg:$0xa];
	[sflag:s10] =	ssyncadd.s32 $0xFFFFC000;
	s5 =	sadd.s32 s16, s15  }
0x220: {  	[tilespmem:s25], [sflag:$0x5] =	stream.linear.gather [hbm4b:s5+s3], $0x80, $0x38;
	[tilespmem:$0x1E400] =	vst v63  }
0x221: {  	s18 =	sadd.s32 s16, s17  }
0x222: {  	[tilespmem:s26], [sflag:$0x9] =	stream.linear.gather [hbm4b:s18+s3], $0x80, $0x38;
	[tilespmem:$0x1E400] =	vst v63  }
0x223: {  	_ = 	snop  }
0x224: {  	[tilespmem:s29], [sflag:$0x1] =	stream.indirect.gather [hbm4b:s4+s28], $0x80, s19, s28, $0xb8;
	[tilespmem:$0x1E400] =	vst v63  }
0x225: {  	_ =	swait.ge [sflag:s11], $0x4000  }
0x226: {  	[sflag:s11] =	ssyncset.done $0x0  }
0x227: {  	[sflag:s11] =	ssyncadd.s32 $0xFFFFC000  }
0x228: {  	[spmem:s2] =	stream.indirect.scatter.add.f32 [tilespmem:s6], [sflag:$0xC], $0x80, s1, s28, $0xb8;
	[tilespmem:$0x1E400] =	vst v63  }
0x229: {  	_ =	swait.ge [sflag:s30], $0x80  }
0x22a: {  	[sflag:s30] =	ssyncset.done $0x0  }
0x22b: {  	[sflag:s30] =	ssyncadd.s32 $0xFFFFFF80  }
0x22c: {  	_ =	swait.ge [sflag:s31], $0x80  }
0x22d: {  	[sflag:s31] =	ssyncset.done $0x0  }
0x22e: {  	[sflag:s31] =	ssyncadd.s32 $0xFFFFFF80  }
0x22f: {  	_ =	swait.ge [sflag:s14], $0x4000  }
0x230: {  	s15 =	rddreg [dreg:$0x9];
	[sflag:s14] =	ssyncset.done $0x0  }
0x231: {  	s17 =	rddreg [dreg:$0x8];
	[sflag:s14] =	ssyncadd.s32 $0xFFFFC000;
	s5 =	sadd.s32 s16, s15  }
0x232: {  	[tilespmem:s0], [sflag:$0x6] =	stream.linear.gather [hbm4b:s5+s3], $0x80, $0x38;
	[tilespmem:$0x1E400] =	vst v63  }
0x233: {  	s18 =	sadd.s32 s16, s17  }
0x234: {  	[tilespmem:s1], [sflag:$0xA] =	stream.linear.gather [hbm4b:s18+s3], $0x80, $0x38;
	[tilespmem:$0x1E400] =	vst v63  }
0x235: {  	_ = 	snop  }
0x236: {  	[tilespmem:s6], [sflag:$0x2] =	stream.indirect.gather [hbm4b:s4+s28], $0x80, s21, s28, $0xb8;
	[tilespmem:$0x1E400] =	vst v63  }
0x237: {  	_ =	swait.ge [sflag:s7], $0x4000  }
0x238: {  	[sflag:s7] =	ssyncset.done $0x0  }
0x239: {  	[sflag:s7] =	ssyncadd.s32 $0xFFFFC000  }
0x23a: {  	[spmem:s2] =	stream.indirect.scatter.add.f32 [tilespmem:s29], [sflag:$0xB], $0x80, s20, s28, $0xb8;
	[tilespmem:$0x1E400] =	vst v63  }
0x23b: {  	_ =	swait.ge [sflag:s8], $0x80  }
0x23c: {  	[sflag:s8] =	ssyncset.done $0x0  }
0x23d: {  	[sflag:s8] =	ssyncadd.s32 $0xFFFFFF80  }
0x23e: {  	_ =	swait.ge [sflag:s9], $0x80  }
0x23f: {  	[sflag:s9] =	ssyncset.done $0x0  }
0x240: {  	[sflag:s9] =	ssyncadd.s32 $0xFFFFFF80  }
0x241: {  	_ =	swait.ge [sflag:s10], $0x4000  }
0x242: {  	s15 =	rddreg [dreg:$0x7];
	[sflag:s10] =	ssyncset.done $0x0  }
0x243: {  	s17 =	rddreg [dreg:$0x6];
	[sflag:s10] =	ssyncadd.s32 $0xFFFFC000;
	s5 =	sadd.s32 s16, s15  }
0x244: {  	[tilespmem:s19], [sflag:$0x3] =	stream.linear.gather [hbm4b:s5+s3], $0x80, $0x38;
	[tilespmem:$0x1E400] =	vst v63  }
0x245: {  	s18 =	sadd.s32 s16, s17  }
0x246: {  	[tilespmem:s20], [sflag:$0x7] =	stream.linear.gather [hbm4b:s18+s3], $0x80, $0x38;
	[tilespmem:$0x1E400] =	vst v63  }
0x247: {  	_ = 	snop  }
0x248: {  	[tilespmem:s29], [sflag:$0x1] =	stream.indirect.gather [hbm4b:s4+s28], $0x80, s25, s28, $0xb8;
	[tilespmem:$0x1E400] =	vst v63  }
0x249: {  	_ =	swait.ge [sflag:s11], $0x4000  }
0x24a: {  	[sflag:s11] =	ssyncset.done $0x0  }
0x24b: {  	[sflag:s11] =	ssyncadd.s32 $0xFFFFC000  }
0x24c: {  	[spmem:s2] =	stream.indirect.scatter.add.f32 [tilespmem:s6], [sflag:$0xC], $0x80, s22, s28, $0xb8;
	[tilespmem:$0x1E400] =	vst v63  }
0x24d: {  	_ =	swait.ge [sflag:s12], $0x80  }
0x24e: {  	[sflag:s12] =	ssyncset.done $0x0  }
0x24f: {  	[sflag:s12] =	ssyncadd.s32 $0xFFFFFF80  }
0x250: {  	_ =	swait.ge [sflag:s13], $0x80  }
0x251: {  	[sflag:s13] =	ssyncset.done $0x0  }
0x252: {  	[sflag:s13] =	ssyncadd.s32 $0xFFFFFF80  }
0x253: {  	_ =	swait.ge [sflag:s14], $0x4000  }
0x254: {  	s15 =	rddreg [dreg:$0x5];
	[sflag:s14] =	ssyncset.done $0x0  }
0x255: {  	s17 =	rddreg [dreg:$0x4];
	[sflag:s14] =	ssyncadd.s32 $0xFFFFC000;
	s5 =	sadd.s32 s16, s15  }
0x256: {  	[tilespmem:s21], [sflag:$0x4] =	stream.linear.gather [hbm4b:s5+s3], $0x80, $0x38;
	[tilespmem:$0x1E400] =	vst v63  }
0x257: {  	s18 =	sadd.s32 s16, s17  }
0x258: {  	[tilespmem:s22], [sflag:$0x8] =	stream.linear.gather [hbm4b:s18+s3], $0x80, $0x38;
	[tilespmem:$0x1E400] =	vst v63  }
0x259: {  	_ = 	snop  }
0x25a: {  	[tilespmem:s6], [sflag:$0x2] =	stream.indirect.gather [hbm4b:s4+s28], $0x80, s0, s28, $0xb8;
	[tilespmem:$0x1E400] =	vst v63  }
0x25b: {  	_ =	swait.ge [sflag:s7], $0x4000  }
0x25c: {  	[sflag:s7] =	ssyncset.done $0x0  }
0x25d: {  	[sflag:s7] =	ssyncadd.s32 $0xFFFFC000  }
0x25e: {  	[spmem:s2] =	stream.indirect.scatter.add.f32 [tilespmem:s29], [sflag:$0xB], $0x80, s26, s28, $0xb8;
	[tilespmem:$0x1E400] =	vst v63  }
0x25f: {  	_ =	swait.ge [sflag:s23], $0x80  }
0x260: {  	[sflag:s23] =	ssyncset.done $0x0  }
0x261: {  	[sflag:s23] =	ssyncadd.s32 $0xFFFFFF80  }
0x262: {  	_ =	swait.ge [sflag:s24], $0x80  }
0x263: {  	[sflag:s24] =	ssyncset.done $0x0  }
0x264: {  	[sflag:s24] =	ssyncadd.s32 $0xFFFFFF80  }
0x265: {  	_ =	swait.ge [sflag:s10], $0x4000  }
0x266: {  	[sflag:s10] =	ssyncset.done $0x0  }
0x267: {  	[sflag:s10] =	ssyncadd.s32 $0xFFFFC000  }
0x268: {  	[tilespmem:s29], [sflag:$0x1] =	stream.indirect.gather [hbm4b:s4+s28], $0x80, s19, s28, $0xb8;
	[tilespmem:$0x1E400] =	vst v63  }
0x269: {  	_ =	swait.ge [sflag:s11], $0x4000  }
0x26a: {  	[sflag:s11] =	ssyncset.done $0x0  }
0x26b: {  	[sflag:s11] =	ssyncadd.s32 $0xFFFFC000  }
0x26c: {  	[spmem:s2] =	stream.indirect.scatter.add.f32 [tilespmem:s6], [sflag:$0xC], $0x80, s1, s28, $0xb8;
	[tilespmem:$0x1E400] =	vst v63  }
0x26d: {  	_ =	swait.ge [sflag:s30], $0x80  }
0x26e: {  	[sflag:s30] =	ssyncset.done $0x0  }
0x26f: {  	[sflag:s30] =	ssyncadd.s32 $0xFFFFFF80  }
0x270: {  	_ =	swait.ge [sflag:s31], $0x80  }
0x271: {  	[sflag:s31] =	ssyncset.done $0x0  }
0x272: {  	[sflag:s31] =	ssyncadd.s32 $0xFFFFFF80  }
0x273: {  	_ =	swait.ge [sflag:s14], $0x4000  }
0x274: {  	[sflag:s14] =	ssyncset.done $0x0  }
0x275: {  	[sflag:s14] =	ssyncadd.s32 $0xFFFFC000  }
0x276: {  	[tilespmem:s6], [sflag:$0x2] =	stream.indirect.gather [hbm4b:s4+s28], $0x80, s21, s28, $0xb8;
	[tilespmem:$0x1E400] =	vst v63  }
0x277: {  	_ =	swait.ge [sflag:s7], $0x4000  }
0x278: {  	[sflag:s7] =	ssyncset.done $0x0  }
0x279: {  	[sflag:s7] =	ssyncadd.s32 $0xFFFFC000  }
0x27a: {  	[spmem:s2] =	stream.indirect.scatter.add.f32 [tilespmem:s29], [sflag:$0xB], $0x80, s20, s28, $0xb8;
	[tilespmem:$0x1E400] =	vst v63  }
0x27b: {  	_ =	swait.ge [sflag:s11], $0x4000  }
0x27c: {  	[sflag:s11] =	ssyncset.done $0x0  }
0x27d: {  	[sflag:s11] =	ssyncadd.s32 $0xFFFFC000  }
0x27e: {  	[spmem:s2] =	stream.indirect.scatter.add.f32 [tilespmem:s6], [sflag:$0xC], $0x80, s22, s28, $0xb8;
	[tilespmem:$0x1E400] =	vst v63  }
0x27f: {  	_ =	swait.ge [sflag:s10], $0x4000  }
0x280: {  	[sflag:s10] =	ssyncset.done $0x0  }
0x281: {  	[sflag:s10] =	ssyncadd.s32 $0xFFFFC000  }
0x282: {  	_ =	swait.ge [sflag:s14], $0x4000  }
0x283: {  	[sflag:s14] =	ssyncset.done $0x0  }
0x284: {  	[sflag:s14] =	ssyncadd.s32 $0xFFFFC000  }
0x285: {  	[bflag:$0x0] =	sbarrier.arrive $0xFFFF  }
0x286: {  	s15 =	stileid.u32;
	s18 =	sld [smem:$0x7FC]  }
0x287: {  	s5 =	sshll.u32 s15, $0x6;
	s17 =	rddreg [dreg:$0x18]  }
0x288: {  	s5 =	sor.u32 $0x1C0D, s5;
	s16 =	sshrl.u32 s17, $0x3  }
0x289: {  	[hbm:s18], [sflag:s5] =	dma.local [spmem:s16], $0x2800  }
0x28a: {  	s18 =	simm.s32 $0xD  }
0x28b: {  	_ =	swait.ge [sflag:s18], $0x2800  }
0x28c: {  	s5 =	sld [smem:$0x7F9]  }
0x28d: {  	s16 =	sld [smem:$0x7FD];
	_ =	sdelay $0x1  }
0x28e: {  	s15 =	sadd.s32 $0x1, s5  }
0x28f: {  	p0 =	sne.s32 s15, s16  }
.Ltmp2:
0x290: {  	_ = 	snop;
	(pc) =	sbr.rel @p0 .LBB2_1-.Ltmp2, $3  }
0x291: {  	_ =	sdelay $0x1  }
0x292: {  	[sflag:s18] =	ssyncset.done $0x0  }
0x293: {  	[sflag:s18] =	ssyncadd.s32 $0xFFFFD800  }
0x294: {  	_ =	sfence.sel $0x180000  }
0x295: {  	[bflag:$0x0] =	sbarrier.arrive $0xFFFF  }
0x296: {  	_ =	strace $0x9000004D  }
0x297: {  	s0 =	stileid.u32;
	[bflag:$0x2] =	sbarrier.arrive $0xFFFF  }
0x298: {  	p0 =	sne.s32 s0, $0x0;
	s0 =	rddreg [dreg:$0x3]  }
0x299: {  	s0 =	sadd.s32 @!p0 $0x100000, s0  }
0x29a: {  	[sflag:s0] =	ssyncadd.tile.s32 @!p0 $0x1;
	_ =	shalt  }
.Lfunc_end2:
_tile_overlayer_lowered:
.L_overlay_start_2:
0x29b: {  	(tag) =	ssettag $0x2  }
0x29c: {  	s0 =	rddreg [dreg:$0x0];
	s2 =	stileid.u32  }
0x29d: {  	s1 =	rddreg [dreg:$0x1];
	p0 =	sne.s32 s2, $0x0  }
0x29e: {  	s3 =	rddreg [dreg:$0x2];
	[bflag:$0x3] =	sbarrier.arrive $0xFFFF;
	s2 =	simm.s32 @!p0 $0x1C0D  }
0x29f: {  	[timem:s3], [sflag:s2] =	dma.local @!p0 [hbm:s0], s1  }
0x2a0: {  	s0 =	simm.s32 @!p0 $0xD  }
0x2a1: {  	_ =	swait.ge @!p0 [sflag:s0], s1  }
0x2a2: {  	s1 =	ssub.s32 @!p0 $0x0, s1;
	[sflag:s0] =	ssyncset.done @!p0 $0x0  }
0x2a3: {  	[sflag:s0] =	ssyncadd.s32 @!p0 s1  }
0x2a4: {  	[bflag:$0x3] =	sbarrier.arrive $0xFFFF  }
0x2a5: {  	_ =	shalt  }

// kernel: kernel.8.cloned.1.call-start
scs
__scs_entry_jumppad:
0x0: {  	(pc) =	sbr.rel $0x88, $3  }
0x1: {  	(tag) =	ssettag $0x0;
	lr =	simm.s32 $0x1  }
0x2: {  	[smem:$0x3F9B] =	sst lr;
	_ =	strace $0xD0000000  }
0x3: {  	_ = 	snop  }
0x4: {  	_ = 	snop  }
0x5: {  	_ = 	snop  }
0x6: {  	_ = 	snop  }
0x7: {  	_ = 	snop  }
__scs_overlays_trampoline_lowered:
0x8: {  	[smem:$0x3FAA] =	sst s0  }
0x9: {  	[smem:$0x3FAB] =	sst s1  }
0xa: {  	[smem:$0x3FAC] =	sst s2  }
0xb: {  	[smem:$0x3FAD] =	sst s3  }
0xc: {  	[smem:$0x3FAE] =	sst s4  }
0xd: {  	[smem:$0x3FAF] =	sst s5  }
0xe: {  	[smem:$0x3FB0] =	sst s6  }
0xf: {  	[smem:$0x3FB1] =	sst s7  }
0x10: {  	[smem:$0x3FB2] =	sst s8  }
0x11: {  	[smem:$0x3FB3] =	sst s9;
	s0 =	simm.s32 @!p0 $0x0  }
0x12: {  	s1 =	sld [smem:$0x3F99];
	s0 =	simm.s32 @p0 $0x1  }
0x13: {  	[smem:$0x3FB4] =	sst s0;
	s0 =	simm.s32 @!p1 $0x0  }
0x14: {  	s2 =	sld [smem:$0x3F98];
	s0 =	simm.s32 @p1 $0x1  }
0x15: {  	[smem:$0x3FB5] =	sst s0;
	s0 =	simm.s32 @!p2 $0x0  }
0x16: {  	s3 =	sld [smem:$0x3FDB];
	s0 =	simm.s32 @p2 $0x1  }
0x17: {  	s4 =	simm.s32 $0x1BF5;
	[smem:$0x3FB7] =	sst s0  }
0x18: {  	s0 =	sld [smem:$0x3F9A];
	_ =	swait.ge [sflag:s4], $0x0  }
0x19: {  	s7 =	sld [smem:$0x3F9B]  }
0x1a: {  	s8 =	sadd.s32 $0xFFFFE003, lr  }
0x1b: {  	s9 =	sadd.s32 $0xFFFFFEF7, lr;
	s5 =	simm.s32 $0xFFFFFFFF;
	p2 =	slt.u32 s8, $0xFFFFF086  }
0x1c: {  	p1 =	slt.u32 s9, $0xF7A;
	s5 =	simm.s32 @!p2 $0x0  }
0x1d: {  	s5 =	simm.s32 @p1 $0x1;
	p0 =	seq.s32 s7, s2  }
0x1e: {  	s7 =	smul.u32 @!p0 $0xF7A, s2;
	p2 =	seq.s32 @!p0 s5, $0x0  }
0x1f: {  	s9 =	smul.u32 $0xF7A, s1;
	s8 =	simm.s32 @!p0 $0x1BF5;
	p2 =	por !p2, p0  }
0x20: {  	[sflag:s8] =	ssyncset.s32 @!p0 $0xFFFFF086;
	s6 =	sadd.s32 @!p0 s3, s7;
	s7 =	simm.s32 @!p0 $0x108  }
0x21: {  	s3 =	sadd.s32 s3, s9;
	s6 =	sadd.s32 @!p0 $0x88, s6;
	s7 =	simm.s32 @p2 $0x1082  }
0x22: {  	[simem:s7], [sflag:s8] =	dma.local @!p0 [hbm:s6], $0xF7A  }
0x23: {  	s9 =	sor.u32 $0xD0000000, s2;
	s6 =	simm.s32 $0x108;
	_ =	swait.ge @!p0 [sflag:s8], $0x0  }
0x24: {  	s3 =	sadd.s32 $0x88, s3;
	s6 =	simm.s32 @!p1 $0x1082;
	[sflag:s4] =	ssyncset.s32 $0xFFFFF086  }
0x25: {  	[simem:s6], [sflag:s4] =	dma.local [hbm:s3], $0xF7A  }
0x26: {  	[smem:$0x3F9B] =	sst s1;
	(tag) =	ssettag s2;
	_ =	strace s9  }
0x27: {  	s1 =	sld [smem:$0x3FAB]  }
0x28: {  	s2 =	sld [smem:$0x3FAC]  }
0x29: {  	s4 =	sld [smem:$0x3FAE]  }
0x2a: {  	p0 =	seq.s32 s5, $0x0;
	s5 =	sld [smem:$0x3FAF]  }
0x2b: {  	s6 =	sld [smem:$0x3FB0]  }
0x2c: {  	s7 =	sld [smem:$0x3FB1]  }
0x2d: {  	s3 =	simm.s32 $0x108;
	s8 =	sld [smem:$0x3FB2]  }
0x2e: {  	s3 =	simm.s32 @!p0 $0x1082;
	s9 =	sld [smem:$0x3FB3]  }
0x2f: {  	lr =	sadd.s32 s0, s3;
	s0 =	sld [smem:$0x3FAA]  }
0x30: {  	s3 =	sld [smem:$0x3FAD]  }
0x31: {  	[smem:$0x3FB6] =	sst s10  }
0x32: {  	s10 =	sld [smem:$0x3FB4];
	_ =	sdelay $0x3  }
0x33: {  	p0 =	seq.s32 s10, $0x1;
	s10 =	sld [smem:$0x3FB6];
	_ =	sdelay $0x3  }
0x34: {  	[smem:$0x3FB6] =	sst s10  }
0x35: {  	s10 =	sld [smem:$0x3FB5];
	_ =	sdelay $0x3  }
0x36: {  	p1 =	seq.s32 s10, $0x1;
	s10 =	sld [smem:$0x3FB6];
	_ =	sdelay $0x3  }
0x37: {  	[smem:$0x3FB6] =	sst s10  }
0x38: {  	s10 =	sld [smem:$0x3FB7]  }
0x39: {  	_ = 	snop;
	(pc) =	sbr.ind lr, $3  }
0x3a: {  	_ = 	snop  }
0x3b: {  	_ = 	snop  }
0x3c: {  	p2 =	seq.s32 s10, $0x1;
	s10 =	sld [smem:$0x3FB6]  }
0x3d: {  	_ =	shalt  }
0x3e: {  	_ =	shalt  }
0x3f: {  	_ =	shalt  }
0x40: {  	_ =	shalt  }
0x41: {  	_ =	shalt  }
0x42: {  	_ =	shalt  }
0x43: {  	_ =	shalt  }
0x44: {  	_ =	shalt  }
0x45: {  	_ =	shalt  }
0x46: {  	_ =	shalt  }
0x47: {  	_ =	shalt  }
0x48: {  	_ =	shalt  }
0x49: {  	_ =	shalt  }
0x4a: {  	_ =	shalt  }
0x4b: {  	_ =	shalt  }
0x4c: {  	_ =	shalt  }
0x4d: {  	_ =	shalt  }
0x4e: {  	_ =	shalt  }
0x4f: {  	_ =	shalt  }
0x50: {  	_ =	shalt  }
0x51: {  	_ =	shalt  }
0x52: {  	_ =	shalt  }
0x53: {  	_ =	shalt  }
0x54: {  	_ =	shalt  }
0x55: {  	_ =	shalt  }
0x56: {  	_ =	shalt  }
0x57: {  	_ =	shalt  }
0x58: {  	_ =	shalt  }
0x59: {  	_ =	shalt  }
0x5a: {  	_ =	shalt  }
0x5b: {  	_ =	shalt  }
0x5c: {  	_ =	shalt  }
0x5d: {  	_ =	shalt  }
0x5e: {  	_ =	shalt  }
0x5f: {  	_ =	shalt  }
0x60: {  	_ =	shalt  }
0x61: {  	_ =	shalt  }
0x62: {  	_ =	shalt  }
0x63: {  	_ =	shalt  }
0x64: {  	_ =	shalt  }
0x65: {  	_ =	shalt  }
0x66: {  	_ =	shalt  }
0x67: {  	_ =	shalt  }
0x68: {  	_ =	shalt  }
0x69: {  	_ =	shalt  }
0x6a: {  	_ =	shalt  }
0x6b: {  	_ =	shalt  }
0x6c: {  	_ =	shalt  }
0x6d: {  	_ =	shalt  }
0x6e: {  	_ =	shalt  }
0x6f: {  	_ =	shalt  }
0x70: {  	_ =	shalt  }
0x71: {  	_ =	shalt  }
0x72: {  	_ =	shalt  }
0x73: {  	_ =	shalt  }
0x74: {  	_ =	shalt  }
0x75: {  	_ =	shalt  }
0x76: {  	_ =	shalt  }
0x77: {  	_ =	shalt  }
0x78: {  	_ =	shalt  }
0x79: {  	_ =	shalt  }
0x7a: {  	_ =	shalt  }
0x7b: {  	_ =	shalt  }
0x7c: {  	_ =	shalt  }
0x7d: {  	_ =	shalt  }
0x7e: {  	_ =	shalt  }
0x7f: {  	_ =	shalt  }
0x80: {  	_ =	shalt  }
0x81: {  	_ =	shalt  }
0x82: {  	_ =	shalt  }
0x83: {  	_ =	shalt  }
0x84: {  	_ =	shalt  }
0x85: {  	_ =	shalt  }
0x86: {  	_ =	shalt  }
0x87: {  	_ =	shalt  }
.Lfunc_end0:
.L_simem_size_0:
called_computation_lowered:
.L_overlay_start_0:
0x88: {  	s2 =	sld [smem:$0x3FD9]  }
0x89: {  	s3 =	sld [smem:$0x3FFE];
	_ =	sdelay $0x1  }
0x8a: {  	s1 =	srdreg.scid  }
0x8b: {  	s0 =	sand.u32 $0x1, s1  }
0x8c: {  	s16 =	sshll.u32 s0, $0xA;
	s2 =	sadd.s32 s3, s2  }
0x8d: {  	s2 =	sadd.s32 s2, s16  }
0x8e: {  	[smem:$0x3FC2] =	sst s2  }
0x8f: {  	_ = 	snop  }
0x90: {  	(tm) =	ssettm $0x1  }
0x91: {  	s17 =	sld [smem:$0x3FFB];
	_ =	sdelay $0x3  }
0x92: {  	_ =	strace s17  }
0x93: {  	s2 =	sld [smem:$0x3FFC];
	_ =	sdelay $0x3  }
0x94: {  	_ =	strace s2  }
0x95: {  	s2 =	sld [smem:$0x3FFD];
	_ =	sdelay $0x3  }
0x96: {  	_ =	strace s2  }
0x97: {  	_ =	strace $0x8FFFFFFF  }
0x98: {  	s18 =	sld [smem:$0x3FDB];
	_ =	sdelay $0x1  }
0x99: {  	s19 =	simm.s32 $_scs_section_size  }
0x9a: {  	s4 =	simm.s32 $_size__tile_overlayer_lowered;
	s5 =	simm.s32 $_tile_overlayer_lowered  }
0x9b: {  	s22 =	simm.s32 $0x1BFF;
	s21 =	sshll.u32 s5, $0x1;
	s2 =	sadd.s32 s19, s18  }
0x9c: {  	s6 =	simm.s32 $0x0;
	s20 =	sshll.u32 s4, $0x1;
	s4 =	sadd.s32 s21, s2  }
0x9d: {  	[timem:s6], [sflag:s22] =	dma.local [hbm:s4], s20  }
0x9e: {  	_ =	swait.ge [sflag:s22], s20  }
0x9f: {  	s3 =	ssub.s32 $0x0, s20;
	[sflag:s22] =	ssyncset.done $0x0  }
0xa0: {  	[sflag:s22] =	ssyncadd.s32 s3;
	_ =	sdelay $0x1  }
0xa1: {  	s23 =	simm.s32 $0x1B8B  }
0xa2: {  	_ =	swait.ge [sflag:s23], $0x1  }
0xa3: {  	[sflag:s23] =	ssyncset.done $0x0  }
0xa4: {  	s25 =	simm.s32 $0x1B8E;
	s24 =	sld [smem:$0x3FFE];
	[sflag:s23] =	ssyncadd.s32 $0xFFFFFFFF  }
0xa5: {  	s26 =	simm.s32 $execute0_lowered;
	[smem:$0x3FD2] =	sst s25  }
0xa6: {  	s4 =	sshll.u32 s26, $0x1;
	_ =	strace $0x80000046;
	[dreg:$0x1] =	wrdreg $0xFFFFFFFF  }
0xa7: {  	s28 =	simm.s32 $_size_execute0_lowered;
	s2 =	sadd.s32 s2, s4;
	[dreg:$0x0] =	wrdreg $0x0  }
0xa8: {  	s4 =	sshll.u32 s28, $0x1;
	[dreg:$0x2] =	wrdreg s2  }
0xa9: {  	[dreg:$0x3] =	wrdreg s4  }
0xaa: {  	[dreg:$0x4] =	wrdreg $0xC0  }
0xab: {  	_ =	task [dreg:s6], $0x5FFFF  }
0xac: {  	[dreg:$0x1] =	wrdreg $0xFFFFFFFF  }
0xad: {  	[dreg:$0x0] =	wrdreg $0x60  }
0xae: {  	[dreg:$0x2] =	wrdreg s24  }
0xaf: {  	[dreg:$0x3] =	wrdreg $0x0  }
0xb0: {  	[dreg:$0x4] =	wrdreg $0x9  }
0xb1: {  	_ =	task.clear_ibuf [dreg:s6], $0x5FFFF;
	_ =	strace $0x90000046  }
0xb2: {  	s29 =	simm.s32 $0x9;
	_ =	strace $0x80000048  }
0xb3: {  	_ =	swait.ge [sflag:s29], $0x1  }
0xb4: {  	[sflag:s29] =	ssyncadd.s32 $0xFFFFFFFF  }
0xb5: {  	_ =	strace $0x90000048  }
0xb6: {  	_ =	sfence  }
0xb7: {  	s30 =	sld [smem:$0x0];
	_ =	sdelay $0x2  }
0xb8: {  	s31 =	sshll.u32 s1, $0xD;
	s1 =	sshrl.u32 s1, $0x2  }
0xb9: {  	s3 =	sand.u32 $0x4000, s31;
	s1 =	sadd.s32 s1, s30  }
0xba: {  	s0 =	sor.u32 s3, s0;
	s1 =	sshll.u32 s1, $0x11  }
0xbb: {  	s0 =	sor.u32 s1, s0  }
0xbc: {  	s0 =	sadd.s32 $0x8F2B, s0  }
0xbd: {  	[sflag:s0] =	ssyncadd.remote.s32 $0x1  }
0xbe: {  	_ =	sfence.sel $0xFFFF  }
0xbf: {  	[dreg:$0x0] =	wrdreg $0xFFFFFFFF;
	(pc) =	sbr.abs _section_cstart, $3  }
0xc0: {  	[dreg:$0x1] =	wrdreg $0xFFFFFFFF  }
0xc1: {  	_ =	task.clear_ibuf [dreg:s6], $0x2FFFF;
	_ =	strace $0x9FFFFFFF  }
0xc2: {  	(tm) =	ssettm $0x7FFFFFFF  }
0xc3: {  	_ =	shalt  }
tec
execute0_lowered:
.L_overlay_start_1:
0x0: {  	(tag) =	ssettag $0x1  }
0x1: {  	s0 =	rddreg [dreg:$0x0];
	s1 =	srdreg.scid  }
0x2: {  	s2 =	rddreg [dreg:$0x1];
	s9 =	stileid.u32  }
0x3: {  	s3 =	simm.s32 $0x0;
	s28 =	simm.s32 $0x16C00;
	s5 =	smul.u32 $0x14000, s9  }
0x4: {  	s29 =	simm.s32 $0x14400;
	s30 =	simm.s32 $0x2;
	s20 =	smul.u32 $0x50000, s9  }
0x5: {  	s31 =	simm.s32 $0x6;
	s1 =	sand.u32 $0x1, s1;
	s9 =	smul.u32 $0x4E20, s9  }
0x6: {  	[smem:$0x7FF] =	sst s3;
	s6 =	sadd.s32 $0xC000, s0;
	s4 =	smul.u32 $0x140000, s1  }
0x7: {  	s7 =	sadd.s32 $0x2200, s0;
	s8 =	ssub.s32 $0x2, s1;
	s1 =	smul.u32 $0x2710, s1  }
0x8: {  	_ =	strace $0x80000047;
	s4 =	sadd.s32 s5, s4;
	s5 =	sshrl.u32 s20, $0x2  }
0x9: {  	s10 =	sshrl.u32 s8, $0x1;
	s1 =	sadd.s32 s1, s9;
	s17 =	sadd.s32 s5, s2  }
0xa: {  	s4 =	sshrl.u32 s4, $0x3;
	s5 =	sadd.s32 $0x2000, s17;
	[dreg:$0xd] =	wrdreg s17  }
0xb: {  	s25 =	sadd.s32 $0x140, s1;
	s21 =	sadd.s32 $0x4000, s17;
	[dreg:$0xe] =	wrdreg s5  }
0xc: {  	s14 =	sadd.s32 $0xA0, s1;
	s22 =	sadd.s32 $0x6000, s17;
	[dreg:$0xf] =	wrdreg s21  }
0xd: {  	s19 =	sadd.s32 $0x50, s1;
	s23 =	sadd.s32 $0x8000, s17;
	[dreg:$0x10] =	wrdreg s22  }
0xe: {  	s0 =	sadd.s32 s4, s0;
	s24 =	sadd.s32 $0xA000, s17;
	[dreg:$0x11] =	wrdreg s23  }
0xf: {  	s4 =	ssub.s32 s8, s10;
	s26 =	sadd.s32 $0xC000, s17;
	[dreg:$0x12] =	wrdreg s24  }
0x10: {  	s9 =	sadd.s32 $0xE000, s17;
	s10 =	sadd.s32 $0x10000, s17;
	[dreg:$0x13] =	wrdreg s26  }
0x11: {  	s16 =	sshrl.u32 s14, $0x3;
	s8 =	simm.s32 $0x7;
	[dreg:$0x14] =	wrdreg s9  }
0x12: {  	s14 =	simm.s32 $0x0;
	s5 =	sshrl.u32 s25, $0x3;
	[dreg:$0x15] =	wrdreg s10  }
0x13: {  	s9 =	sadd.s32 $0xF0, s1;
	s18 =	sadd.s32 s16, s7;
	s20 =	sadd.s32 s16, s6  }
0x14: {  	s21 =	sshrl.u32 s19, $0x3;
	s22 =	sadd.s32 $0x12000, s17;
	s1 =	sshrl.u32 s1, $0x3  }
0x15: {  	s0 =	sadd.s32 $0x15E00, s0;
	s4 =	smax.u32 s4, $0x1;
	[dreg:$0x7] =	wrdreg s18  }
0x16: {  	s19 =	simm.s32 $0x14000;
	s10 =	simm.s32 $0xC;
	[dreg:$0x16] =	wrdreg s22  }
0x17: {  	s11 =	sadd.s32 s5, s7;
	s5 =	sadd.s32 s5, s6;
	[dreg:$0x8] =	wrdreg s20  }
0x18: {  	s12 =	sshrl.u32 s9, $0x3;
	s23 =	sadd.s32 s21, s7;
	[dreg:$0x17] =	wrdreg s0  }
0x19: {  	s24 =	sadd.s32 s21, s6;
	s25 =	sadd.s32 s1, s7;
	[dreg:$0x18] =	wrdreg s4  }
0x1a: {  	s26 =	sadd.s32 s1, s6;
	s18 =	simm.s32 $0x14200;
	[dreg:$0x3] =	wrdreg s11  }
0x1b: {  	s20 =	simm.s32 $0x14280;
	s21 =	simm.s32 $0x14080;
	[dreg:$0x4] =	wrdreg s5  }
0x1c: {  	s22 =	simm.s32 $0x1;
	s0 =	simm.s32 $0x14380;
	[dreg:$0x9] =	wrdreg s23  }
0x1d: {  	s1 =	simm.s32 $0x14180;
	s9 =	simm.s32 $0xA;
	[dreg:$0xa] =	wrdreg s24  }
0x1e: {  	s13 =	sadd.s32 s12, s7;
	s15 =	sadd.s32 s12, s6;
	[dreg:$0xb] =	wrdreg s25  }
0x1f: {  	[dreg:$0xc] =	wrdreg s26;
	s23 =	simm.s32 $0x5;
	s24 =	simm.s32 $0x14300  }
0x20: {  	s25 =	simm.s32 $0x14100;
	s26 =	simm.s32 $0x50;
	s5 =	simm.s32 $0x9  }
0x21: {  	vm0 =	vcmask $0x300;
	v0 =	vimm.f32 $0.0e+00;
	vm1 =	vcmask $0x704;
	s6 =	simm.s32 $0xB;
	s7 =	simm.s32 $0x3;
	[dreg:$0x5] =	wrdreg s13  }
0x22: {  	v1 =	vsel vm0, $0x3F800000, v0;
	v2 =	vsel vm1, $0x3F800000, v0;
	s11 =	simm.s32 $0x4;
	s12 =	simm.s32 $0x8;
	[dreg:$0x6] =	wrdreg s15  }
.LBB2_1:
0x23: {  	s4 =	simm.s32 $0x16C40  }
0x24: {  	[dreg:$0x19] =	wrdreg s14;
	s14 =	simm.s32 $0x14440;
	[tilespmem:s4+$0xFFFFFFC0] =	vst v1  }
0x25: {  	[tilespmem:s14+$0xFFFFFFC0] =	vst v2  }
0x26: {  	[tilespmem:s4+$0xFFFFFFD0] =	vst v0  }
0x27: {  	[tilespmem:s14+$0xFFFFFFD0] =	vst v0  }
0x28: {  	[tilespmem:s4+$0xFFFFFFE0] =	vst v0  }
0x29: {  	[tilespmem:s14+$0xFFFFFFE0] =	vst v0  }
0x2a: {  	[tilespmem:s4+$0xFFFFFFF0] =	vst v0  }
0x2b: {  	[tilespmem:s14+$0xFFFFFFF0] =	vst v0  }
0x2c: {  	[tilespmem:s4+$0x0] =	vst v0  }
0x2d: {  	[tilespmem:s14+$0x0] =	vst v0  }
0x2e: {  	[tilespmem:s4+$0x10] =	vst v0  }
0x2f: {  	[tilespmem:s14+$0x10] =	vst v0  }
0x30: {  	[tilespmem:s4+$0x20] =	vst v0  }
0x31: {  	[tilespmem:s14+$0x20] =	vst v0  }
0x32: {  	[tilespmem:s4+$0x30] =	vst v0  }
0x33: {  	s16 =	sand.u32 $0x1F80, s3;
	s15 =	simm.s32 $0x80;
	[tilespmem:s14+$0x30] =	vst v0  }
.LBB2_2:
0x34: {  	p0 =	sne.s32 s15, $0x2780;
	[tilespmem:s16+$0x19400] =	vst v0  }
0x35: {  	[tilespmem:s16+$0x19410] =	vst v0  }
0x36: {  	[tilespmem:s16+$0x19420] =	vst v0  }
0x37: {  	[tilespmem:s16+$0x19430] =	vst v0  }
0x38: {  	[tilespmem:s16+$0x19440] =	vst v0  }
0x39: {  	[tilespmem:s16+$0x19450] =	vst v0  }
0x3a: {  	[tilespmem:s16+$0x19460] =	vst v0  }
0x3b: {  	s4 =	sadd.s32 $0x80, s4;
	[tilespmem:s16+$0x19470] =	vst v0  }
0x3c: {  	s14 =	sadd.s32 $0x80, s14;
	[tilespmem:s4+$0xFFFFFFC0] =	vst v1  }
0x3d: {  	[tilespmem:s14+$0xFFFFFFC0] =	vst v2  }
0x3e: {  	[tilespmem:s4+$0xFFFFFFD0] =	vst v0  }
0x3f: {  	[tilespmem:s14+$0xFFFFFFD0] =	vst v0  }
0x40: {  	[tilespmem:s4+$0xFFFFFFE0] =	vst v0  }
0x41: {  	[tilespmem:s14+$0xFFFFFFE0] =	vst v0  }
0x42: {  	[tilespmem:s4+$0xFFFFFFF0] =	vst v0  }
0x43: {  	[tilespmem:s14+$0xFFFFFFF0] =	vst v0  }
0x44: {  	[tilespmem:s4+$0x0] =	vst v0  }
0x45: {  	[tilespmem:s14+$0x0] =	vst v0  }
0x46: {  	[tilespmem:s4+$0x10] =	vst v0  }
.Ltmp0:
0x47: {  	[tilespmem:s14+$0x10] =	vst v0;
	(pc) =	sbr.rel @p0 .LBB2_2-.Ltmp0, $4  }
0x48: {  	[tilespmem:s4+$0x20] =	vst v0  }
0x49: {  	[tilespmem:s14+$0x20] =	vst v0  }
0x4a: {  	[tilespmem:s4+$0x30] =	vst v0  }
0x4b: {  	s16 =	sand.u32 $0x1F80, s15;
	s15 =	sadd.s32 $0x80, s15;
	[tilespmem:s14+$0x30] =	vst v0  }
0x4c: {  	[tilespmem:s16+$0x19400] =	vst v0  }
0x4d: {  	[tilespmem:s16+$0x19410] =	vst v0  }
0x4e: {  	[tilespmem:s16+$0x19420] =	vst v0  }
0x4f: {  	[tilespmem:s16+$0x19430] =	vst v0  }
0x50: {  	[tilespmem:s16+$0x19440] =	vst v0  }
0x51: {  	[tilespmem:s16+$0x19450] =	vst v0  }
0x52: {  	[tilespmem:s16+$0x19460] =	vst v0  }
0x53: {  	[tilespmem:s16+$0x19470] =	vst v0;
	s13 =	simm.s32 $0x19400;
	s14 =	simm.s32 $0xD  }
0x54: {  	[spmem:s17] =	stream.linear.scatter [tilespmem:s13], [sflag:$0xD], $0x2000, $0x38;
	[tilespmem:$0x1B400] =	vst v63  }
0x55: {  	_ =	swait.ge [sflag:s14], $0x2000  }
0x56: {  	[sflag:s14] =	ssyncset.done $0x0  }
0x57: {  	s4 =	rddreg [dreg:$0xe];
	[sflag:s14] =	ssyncadd.s32 $0xFFFFE000  }
0x58: {  	[spmem:s4] =	stream.linear.scatter [tilespmem:s13], [sflag:$0xD], $0x2000, $0x38;
	[tilespmem:$0x1B400] =	vst v63  }
0x59: {  	_ =	swait.ge [sflag:s14], $0x2000  }
0x5a: {  	[sflag:s14] =	ssyncset.done $0x0  }
0x5b: {  	s15 =	rddreg [dreg:$0xf];
	[sflag:s14] =	ssyncadd.s32 $0xFFFFE000  }
0x5c: {  	[spmem:s15] =	stream.linear.scatter [tilespmem:s13], [sflag:$0xD], $0x2000, $0x38;
	[tilespmem:$0x1B400] =	vst v63  }
0x5d: {  	_ =	swait.ge [sflag:s14], $0x2000  }
0x5e: {  	[sflag:s14] =	ssyncset.done $0x0  }
0x5f: {  	s16 =	rddreg [dreg:$0x10];
	[sflag:s14] =	ssyncadd.s32 $0xFFFFE000  }
0x60: {  	[spmem:s16] =	stream.linear.scatter [tilespmem:s13], [sflag:$0xD], $0x2000, $0x38;
	[tilespmem:$0x1B400] =	vst v63  }
0x61: {  	_ =	swait.ge [sflag:s14], $0x2000  }
0x62: {  	[sflag:s14] =	ssyncset.done $0x0  }
0x63: {  	s17 =	rddreg [dreg:$0x11];
	[sflag:s14] =	ssyncadd.s32 $0xFFFFE000  }
0x64: {  	[spmem:s17] =	stream.linear.scatter [tilespmem:s13], [sflag:$0xD], $0x2000, $0x38;
	[tilespmem:$0x1B400] =	vst v63  }
0x65: {  	_ =	swait.ge [sflag:s14], $0x2000  }
0x66: {  	[sflag:s14] =	ssyncset.done $0x0  }
0x67: {  	s15 =	rddreg [dreg:$0x12];
	[sflag:s14] =	ssyncadd.s32 $0xFFFFE000  }
0x68: {  	[spmem:s15] =	stream.linear.scatter [tilespmem:s13], [sflag:$0xD], $0x2000, $0x38;
	[tilespmem:$0x1B400] =	vst v63  }
0x69: {  	_ =	swait.ge [sflag:s14], $0x2000  }
0x6a: {  	[sflag:s14] =	ssyncset.done $0x0  }
0x6b: {  	s16 =	rddreg [dreg:$0x13];
	[sflag:s14] =	ssyncadd.s32 $0xFFFFE000  }
0x6c: {  	[spmem:s16] =	stream.linear.scatter [tilespmem:s13], [sflag:$0xD], $0x2000, $0x38;
	[tilespmem:$0x1B400] =	vst v63  }
0x6d: {  	_ =	swait.ge [sflag:s14], $0x2000  }
0x6e: {  	[sflag:s14] =	ssyncset.done $0x0  }
0x6f: {  	s17 =	rddreg [dreg:$0x14];
	[sflag:s14] =	ssyncadd.s32 $0xFFFFE000  }
0x70: {  	[spmem:s17] =	stream.linear.scatter [tilespmem:s13], [sflag:$0xD], $0x2000, $0x38;
	[tilespmem:$0x1B400] =	vst v63  }
0x71: {  	_ =	swait.ge [sflag:s14], $0x2000  }
0x72: {  	[sflag:s14] =	ssyncset.done $0x0  }
0x73: {  	s15 =	rddreg [dreg:$0x15];
	[sflag:s14] =	ssyncadd.s32 $0xFFFFE000  }
0x74: {  	[spmem:s15] =	stream.linear.scatter [tilespmem:s13], [sflag:$0xD], $0x2000, $0x38;
	[tilespmem:$0x1B400] =	vst v63  }
0x75: {  	_ =	swait.ge [sflag:s14], $0x2000  }
0x76: {  	[sflag:s14] =	ssyncset.done $0x0  }
0x77: {  	s16 =	rddreg [dreg:$0x16];
	[sflag:s14] =	ssyncadd.s32 $0xFFFFE000  }
0x78: {  	[spmem:s16] =	stream.linear.scatter [tilespmem:s13], [sflag:$0xD], $0x2000, $0x38;
	[tilespmem:$0x1B400] =	vst v63  }
0x79: {  	_ =	swait.ge [sflag:s14], $0x2000  }
0x7a: {  	[sflag:s14] =	ssyncset.done $0x0  }
0x7b: {  	[sflag:s14] =	ssyncadd.s32 $0xFFFFE000  }
0x7c: {  	[bflag:$0x0] =	sbarrier.arrive $0xFFFF  }
0x7d: {  	s17 =	rddreg [dreg:$0xc]  }
0x7e: {  	s13 =	rddreg [dreg:$0xb];
	s4 =	sadd.s32 $0x0, s17  }
0x7f: {  	[tilespmem:s18], [sflag:$0x1] =	stream.linear.gather [hbm4b:s4+s3], $0x50, $0x38;
	[tilespmem:$0x1B400] =	vst v63  }
0x80: {  	s15 =	rddreg [dreg:$0xa];
	s14 =	sadd.s32 $0x0, s13  }
0x81: {  	[tilespmem:s19], [sflag:$0x5] =	stream.linear.gather [hbm4b:s14+s3], $0x50, $0x38;
	[tilespmem:$0x1B400] =	vst v63  }
0x82: {  	s16 =	rddreg [dreg:$0x9];
	s17 =	sadd.s32 $0x0, s15  }
0x83: {  	[tilespmem:s20], [sflag:$0x2] =	stream.linear.gather [hbm4b:s17+s3], $0x50, $0x38;
	[tilespmem:$0x1B400] =	vst v63  }
0x84: {  	s13 =	sadd.s32 $0x0, s16  }
0x85: {  	[tilespmem:s21], [sflag:$0x6] =	stream.linear.gather [hbm4b:s13+s3], $0x50, $0x38;
	[tilespmem:$0x1B400] =	vst v63  }
0x86: {  	_ =	swait.ge [sflag:s22], $0x50  }
0x87: {  	[sflag:s22] =	ssyncset.done $0x0  }
0x88: {  	[sflag:s22] =	ssyncadd.s32 $0xFFFFFFB0  }
0x89: {  	_ =	swait.ge [sflag:s23], $0x50  }
0x8a: {  	s14 =	rddreg [dreg:$0x8];
	[sflag:s23] =	ssyncset.done $0x0  }
0x8b: {  	s15 =	rddreg [dreg:$0x7];
	[sflag:s23] =	ssyncadd.s32 $0xFFFFFFB0;
	s4 =	sadd.s32 $0x0, s14  }
0x8c: {  	[tilespmem:s24], [sflag:$0x3] =	stream.linear.gather [hbm4b:s4+s3], $0x50, $0x38;
	[tilespmem:$0x1B400] =	vst v63  }
0x8d: {  	s16 =	sadd.s32 $0x0, s15  }
0x8e: {  	[tilespmem:s25], [sflag:$0x7] =	stream.linear.gather [hbm4b:s16+s3], $0x50, $0x38;
	[tilespmem:$0x1B400] =	vst v63  }
0x8f: {  	_ = 	snop  }
0x90: {  	[spmem:s2] =	stream.indirect.scatter.add.f32 [tilespmem:s28], [sflag:$0x9], $0x80, s18, s26, $0xb8;
	[tilespmem:$0x1B400] =	vst v63  }
0x91: {  	_ = 	snop  }
0x92: {  	[spmem:s2] =	stream.indirect.scatter.add.f32 [tilespmem:s29], [sflag:$0xB], $0x80, s19, s26, $0xb8;
	[tilespmem:$0x1B400] =	vst v63  }
0x93: {  	_ =	swait.ge [sflag:s30], $0x50  }
0x94: {  	[sflag:s30] =	ssyncset.done $0x0  }
0x95: {  	[sflag:s30] =	ssyncadd.s32 $0xFFFFFFB0  }
0x96: {  	_ =	swait.ge [sflag:s31], $0x50  }
0x97: {  	s17 =	rddreg [dreg:$0x6];
	[sflag:s31] =	ssyncset.done $0x0  }
0x98: {  	s13 =	rddreg [dreg:$0x5];
	[sflag:s31] =	ssyncadd.s32 $0xFFFFFFB0;
	s4 =	sadd.s32 $0x0, s17  }
0x99: {  	[tilespmem:s0], [sflag:$0x4] =	stream.linear.gather [hbm4b:s4+s3], $0x50, $0x38;
	[tilespmem:$0x1B400] =	vst v63  }
0x9a: {  	s14 =	sadd.s32 $0x0, s13  }
0x9b: {  	[tilespmem:s1], [sflag:$0x8] =	stream.linear.gather [hbm4b:s14+s3], $0x50, $0x38;
	[tilespmem:$0x1B400] =	vst v63  }
0x9c: {  	_ = 	snop  }
0x9d: {  	[spmem:s2] =	stream.indirect.scatter.add.f32 [tilespmem:s28], [sflag:$0xA], $0x80, s20, s26, $0xb8;
	[tilespmem:$0x1B400] =	vst v63  }
0x9e: {  	_ = 	snop  }
0x9f: {  	[spmem:s2] =	stream.indirect.scatter.add.f32 [tilespmem:s29], [sflag:$0xC], $0x80, s21, s26, $0xb8;
	[tilespmem:$0x1B400] =	vst v63  }
0xa0: {  	_ =	swait.ge [sflag:s5], $0x2800  }
0xa1: {  	[sflag:s5] =	ssyncset.done $0x0  }
0xa2: {  	[sflag:s5] =	ssyncadd.s32 $0xFFFFD800  }
0xa3: {  	_ =	swait.ge [sflag:s6], $0x2800  }
0xa4: {  	[sflag:s6] =	ssyncset.done $0x0  }
0xa5: {  	[sflag:s6] =	ssyncadd.s32 $0xFFFFD800  }
0xa6: {  	_ =	swait.ge [sflag:s7], $0x50  }
0xa7: {  	[sflag:s7] =	ssyncset.done $0x0  }
0xa8: {  	[sflag:s7] =	ssyncadd.s32 $0xFFFFFFB0  }
0xa9: {  	_ =	swait.ge [sflag:s8], $0x50  }
0xaa: {  	s15 =	rddreg [dreg:$0x4];
	[sflag:s8] =	ssyncset.done $0x0  }
0xab: {  	s16 =	rddreg [dreg:$0x3];
	[sflag:s8] =	ssyncadd.s32 $0xFFFFFFB0;
	s4 =	sadd.s32 $0x0, s15  }
0xac: {  	[tilespmem:s18], [sflag:$0x1] =	stream.linear.gather [hbm4b:s4+s3], $0x50, $0x38;
	[tilespmem:$0x1B400] =	vst v63  }
0xad: {  	s17 =	sadd.s32 $0x0, s16  }
0xae: {  	[tilespmem:s19], [sflag:$0x5] =	stream.linear.gather [hbm4b:s17+s3], $0x50, $0x38;
	[tilespmem:$0x1B400] =	vst v63  }
0xaf: {  	_ = 	snop  }
0xb0: {  	[spmem:s2] =	stream.indirect.scatter.add.f32 [tilespmem:s28], [sflag:$0x9], $0x80, s24, s26, $0xb8;
	[tilespmem:$0x1B400] =	vst v63  }
0xb1: {  	_ = 	snop  }
0xb2: {  	[spmem:s2] =	stream.indirect.scatter.add.f32 [tilespmem:s29], [sflag:$0xB], $0x80, s25, s26, $0xb8;
	[tilespmem:$0x1B400] =	vst v63  }
0xb3: {  	_ =	swait.ge [sflag:s9], $0x2800  }
0xb4: {  	[sflag:s9] =	ssyncset.done $0x0  }
0xb5: {  	[sflag:s9] =	ssyncadd.s32 $0xFFFFD800  }
0xb6: {  	_ =	swait.ge [sflag:s10], $0x2800  }
0xb7: {  	[sflag:s10] =	ssyncset.done $0x0  }
0xb8: {  	[sflag:s10] =	ssyncadd.s32 $0xFFFFD800  }
0xb9: {  	_ =	swait.ge [sflag:s11], $0x50  }
0xba: {  	[sflag:s11] =	ssyncset.done $0x0  }
0xbb: {  	[sflag:s11] =	ssyncadd.s32 $0xFFFFFFB0  }
0xbc: {  	_ =	swait.ge [sflag:s12], $0x50  }
0xbd: {  	[sflag:s12] =	ssyncset.done $0x0  }
0xbe: {  	[sflag:s12] =	ssyncadd.s32 $0xFFFFFFB0  }
0xbf: {  	[spmem:s2] =	stream.indirect.scatter.add.f32 [tilespmem:s28], [sflag:$0xA], $0x80, s0, s26, $0xb8;
	[tilespmem:$0x1B400] =	vst v63  }
0xc0: {  	_ = 	snop  }
0xc1: {  	[spmem:s2] =	stream.indirect.scatter.add.f32 [tilespmem:s29], [sflag:$0xC], $0x80, s1, s26, $0xb8;
	[tilespmem:$0x1B400] =	vst v63  }
0xc2: {  	_ =	swait.ge [sflag:s5], $0x2800  }
0xc3: {  	[sflag:s5] =	ssyncset.done $0x0  }
0xc4: {  	[sflag:s5] =	ssyncadd.s32 $0xFFFFD800  }
0xc5: {  	_ =	swait.ge [sflag:s6], $0x2800  }
0xc6: {  	[sflag:s6] =	ssyncset.done $0x0  }
0xc7: {  	[sflag:s6] =	ssyncadd.s32 $0xFFFFD800  }
0xc8: {  	_ =	swait.ge [sflag:s22], $0x50  }
0xc9: {  	[sflag:s22] =	ssyncset.done $0x0  }
0xca: {  	[sflag:s22] =	ssyncadd.s32 $0xFFFFFFB0  }
0xcb: {  	_ =	swait.ge [sflag:s23], $0x50  }
0xcc: {  	[sflag:s23] =	ssyncset.done $0x0  }
0xcd: {  	[sflag:s23] =	ssyncadd.s32 $0xFFFFFFB0  }
0xce: {  	[spmem:s2] =	stream.indirect.scatter.add.f32 [tilespmem:s28], [sflag:$0x9], $0x80, s18, s26, $0xb8;
	[tilespmem:$0x1B400] =	vst v63  }
0xcf: {  	_ = 	snop  }
0xd0: {  	[spmem:s2] =	stream.indirect.scatter.add.f32 [tilespmem:s29], [sflag:$0xB], $0x80, s19, s26, $0xb8;
	[tilespmem:$0x1B400] =	vst v63  }
0xd1: {  	_ =	swait.ge [sflag:s9], $0x2800  }
0xd2: {  	[sflag:s9] =	ssyncset.done $0x0  }
0xd3: {  	[sflag:s9] =	ssyncadd.s32 $0xFFFFD800  }
0xd4: {  	_ =	swait.ge [sflag:s10], $0x2800  }
0xd5: {  	[sflag:s10] =	ssyncset.done $0x0  }
0xd6: {  	[sflag:s10] =	ssyncadd.s32 $0xFFFFD800  }
0xd7: {  	_ =	swait.ge [sflag:s5], $0x2800  }
0xd8: {  	[sflag:s5] =	ssyncset.done $0x0  }
0xd9: {  	[sflag:s5] =	ssyncadd.s32 $0xFFFFD800  }
0xda: {  	s14 =	simm.s32 $0x32;
	_ =	swait.ge [sflag:s6], $0x2800  }
0xdb: {  	s15 =	simm.s32 $0x64;
	s16 =	rddreg [dreg:$0xc];
	[sflag:s6] =	ssyncset.done $0x0  }
.LBB2_4:
0xdc: {  	[sflag:s6] =	ssyncadd.s32 $0xFFFFD800;
	s13 =	rddreg [dreg:$0xb];
	s16 =	sadd.s32 s14, s16  }
0xdd: {  	[tilespmem:s18], [sflag:$0x1] =	stream.linear.gather [hbm4b:s16+s3], $0x50, $0x38;
	[tilespmem:$0x1B400] =	vst v63  }
0xde: {  	s17 =	rddreg [dreg:$0xa];
	s13 =	sadd.s32 s14, s13  }
0xdf: {  	[tilespmem:s19], [sflag:$0x5] =	stream.linear.gather [hbm4b:s13+s3], $0x50, $0x38;
	[tilespmem:$0x1B400] =	vst v63  }
0xe0: {  	s16 =	rddreg [dreg:$0x9];
	s17 =	sadd.s32 s14, s17  }
0xe1: {  	[tilespmem:s20], [sflag:$0x2] =	stream.linear.gather [hbm4b:s17+s3], $0x50, $0x38;
	[tilespmem:$0x1B400] =	vst v63  }
0xe2: {  	s17 =	sadd.s32 s14, s16  }
0xe3: {  	[tilespmem:s21], [sflag:$0x6] =	stream.linear.gather [hbm4b:s17+s3], $0x50, $0x38;
	[tilespmem:$0x1B400] =	vst v63  }
0xe4: {  	_ =	swait.ge [sflag:s22], $0x50  }
0xe5: {  	[sflag:s22] =	ssyncset.done $0x0  }
0xe6: {  	[sflag:s22] =	ssyncadd.s32 $0xFFFFFFB0  }
0xe7: {  	_ =	swait.ge [sflag:s23], $0x50  }
0xe8: {  	s16 =	rddreg [dreg:$0x8];
	[sflag:s23] =	ssyncset.done $0x0  }
0xe9: {  	s17 =	rddreg [dreg:$0x7];
	[sflag:s23] =	ssyncadd.s32 $0xFFFFFFB0;
	s13 =	sadd.s32 s14, s16  }
0xea: {  	[tilespmem:s24], [sflag:$0x3] =	stream.linear.gather [hbm4b:s13+s3], $0x50, $0x38;
	[tilespmem:$0x1B400] =	vst v63  }
0xeb: {  	s17 =	sadd.s32 s14, s17  }
0xec: {  	[tilespmem:s25], [sflag:$0x7] =	stream.linear.gather [hbm4b:s17+s3], $0x50, $0x38;
	[tilespmem:$0x1B400] =	vst v63  }
0xed: {  	_ = 	snop  }
0xee: {  	[spmem:s2] =	stream.indirect.scatter.add.f32 [tilespmem:s28], [sflag:$0x9], $0x80, s18, s26, $0xb8;
	[tilespmem:$0x1B400] =	vst v63  }
0xef: {  	_ = 	snop  }
0xf0: {  	[spmem:s2] =	stream.indirect.scatter.add.f32 [tilespmem:s29], [sflag:$0xB], $0x80, s19, s26, $0xb8;
	[tilespmem:$0x1B400] =	vst v63  }
0xf1: {  	_ =	swait.ge [sflag:s30], $0x50  }
0xf2: {  	[sflag:s30] =	ssyncset.done $0x0  }
0xf3: {  	[sflag:s30] =	ssyncadd.s32 $0xFFFFFFB0  }
0xf4: {  	_ =	swait.ge [sflag:s31], $0x50  }
0xf5: {  	s16 =	rddreg [dreg:$0x6];
	[sflag:s31] =	ssyncset.done $0x0  }
0xf6: {  	s17 =	rddreg [dreg:$0x5];
	[sflag:s31] =	ssyncadd.s32 $0xFFFFFFB0;
	s13 =	sadd.s32 s14, s16  }
0xf7: {  	[tilespmem:s0], [sflag:$0x4] =	stream.linear.gather [hbm4b:s13+s3], $0x50, $0x38;
	[tilespmem:$0x1B400] =	vst v63  }
0xf8: {  	s17 =	sadd.s32 s14, s17  }
0xf9: {  	[tilespmem:s1], [sflag:$0x8] =	stream.linear.gather [hbm4b:s17+s3], $0x50, $0x38;
	[tilespmem:$0x1B400] =	vst v63  }
0xfa: {  	_ = 	snop  }
0xfb: {  	[spmem:s2] =	stream.indirect.scatter.add.f32 [tilespmem:s28], [sflag:$0xA], $0x80, s20, s26, $0xb8;
	[tilespmem:$0x1B400] =	vst v63  }
0xfc: {  	_ = 	snop  }
0xfd: {  	[spmem:s2] =	stream.indirect.scatter.add.f32 [tilespmem:s29], [sflag:$0xC], $0x80, s21, s26, $0xb8;
	[tilespmem:$0x1B400] =	vst v63  }
0xfe: {  	_ =	swait.ge [sflag:s5], $0x2800  }
0xff: {  	[sflag:s5] =	ssyncset.done $0x0  }
0x100: {  	[sflag:s5] =	ssyncadd.s32 $0xFFFFD800  }
0x101: {  	_ =	swait.ge [sflag:s6], $0x2800  }
0x102: {  	[sflag:s6] =	ssyncset.done $0x0  }
0x103: {  	[sflag:s6] =	ssyncadd.s32 $0xFFFFD800  }
0x104: {  	_ =	swait.ge [sflag:s7], $0x50  }
0x105: {  	[sflag:s7] =	ssyncset.done $0x0  }
0x106: {  	[sflag:s7] =	ssyncadd.s32 $0xFFFFFFB0  }
0x107: {  	_ =	swait.ge [sflag:s8], $0x50  }
0x108: {  	s16 =	rddreg [dreg:$0x4];
	[sflag:s8] =	ssyncset.done $0x0  }
0x109: {  	s17 =	rddreg [dreg:$0x3];
	[sflag:s8] =	ssyncadd.s32 $0xFFFFFFB0;
	s13 =	sadd.s32 s14, s16  }
0x10a: {  	[tilespmem:s18], [sflag:$0x1] =	stream.linear.gather [hbm4b:s13+s3], $0x50, $0x38;
	[tilespmem:$0x1B400] =	vst v63  }
0x10b: {  	s17 =	sadd.s32 s14, s17  }
0x10c: {  	[tilespmem:s19], [sflag:$0x5] =	stream.linear.gather [hbm4b:s17+s3], $0x50, $0x38;
	[tilespmem:$0x1B400] =	vst v63  }
0x10d: {  	_ = 	snop  }
0x10e: {  	[spmem:s2] =	stream.indirect.scatter.add.f32 [tilespmem:s28], [sflag:$0x9], $0x80, s24, s26, $0xb8;
	[tilespmem:$0x1B400] =	vst v63  }
0x10f: {  	_ = 	snop  }
0x110: {  	[spmem:s2] =	stream.indirect.scatter.add.f32 [tilespmem:s29], [sflag:$0xB], $0x80, s25, s26, $0xb8;
	[tilespmem:$0x1B400] =	vst v63  }
0x111: {  	_ =	swait.ge [sflag:s9], $0x2800  }
0x112: {  	[sflag:s9] =	ssyncset.done $0x0  }
0x113: {  	[sflag:s9] =	ssyncadd.s32 $0xFFFFD800  }
0x114: {  	_ =	swait.ge [sflag:s10], $0x2800  }
0x115: {  	[sflag:s10] =	ssyncset.done $0x0  }
0x116: {  	[sflag:s10] =	ssyncadd.s32 $0xFFFFD800  }
0x117: {  	_ =	swait.ge [sflag:s11], $0x50  }
0x118: {  	[sflag:s11] =	ssyncset.done $0x0  }
0x119: {  	[sflag:s11] =	ssyncadd.s32 $0xFFFFFFB0  }
0x11a: {  	_ =	swait.ge [sflag:s12], $0x50  }
0x11b: {  	[sflag:s12] =	ssyncset.done $0x0  }
0x11c: {  	[sflag:s12] =	ssyncadd.s32 $0xFFFFFFB0  }
0x11d: {  	[spmem:s2] =	stream.indirect.scatter.add.f32 [tilespmem:s28], [sflag:$0xA], $0x80, s0, s26, $0xb8;
	[tilespmem:$0x1B400] =	vst v63  }
0x11e: {  	_ = 	snop  }
0x11f: {  	[spmem:s2] =	stream.indirect.scatter.add.f32 [tilespmem:s29], [sflag:$0xC], $0x80, s1, s26, $0xb8;
	[tilespmem:$0x1B400] =	vst v63  }
0x120: {  	_ =	swait.ge [sflag:s5], $0x2800  }
0x121: {  	[sflag:s5] =	ssyncset.done $0x0  }
0x122: {  	[sflag:s5] =	ssyncadd.s32 $0xFFFFD800  }
0x123: {  	_ =	swait.ge [sflag:s6], $0x2800  }
0x124: {  	[sflag:s6] =	ssyncset.done $0x0  }
0x125: {  	[sflag:s6] =	ssyncadd.s32 $0xFFFFD800  }
0x126: {  	_ =	swait.ge [sflag:s22], $0x50  }
0x127: {  	[sflag:s22] =	ssyncset.done $0x0  }
0x128: {  	[sflag:s22] =	ssyncadd.s32 $0xFFFFFFB0  }
0x129: {  	_ =	swait.ge [sflag:s23], $0x50  }
0x12a: {  	[sflag:s23] =	ssyncset.done $0x0  }
0x12b: {  	[sflag:s23] =	ssyncadd.s32 $0xFFFFFFB0  }
0x12c: {  	[spmem:s2] =	stream.indirect.scatter.add.f32 [tilespmem:s28], [sflag:$0x9], $0x80, s18, s26, $0xb8;
	[tilespmem:$0x1B400] =	vst v63  }
0x12d: {  	_ = 	snop  }
0x12e: {  	[spmem:s2] =	stream.indirect.scatter.add.f32 [tilespmem:s29], [sflag:$0xB], $0x80, s19, s26, $0xb8;
	[tilespmem:$0x1B400] =	vst v63  }
0x12f: {  	_ =	swait.ge [sflag:s9], $0x2800  }
0x130: {  	[sflag:s9] =	ssyncset.done $0x0  }
0x131: {  	[sflag:s9] =	ssyncadd.s32 $0xFFFFD800  }
0x132: {  	_ =	swait.ge [sflag:s10], $0x2800  }
0x133: {  	[sflag:s10] =	ssyncset.done $0x0  }
0x134: {  	p0 =	sne.s32 s15, $0x4B0;
	[sflag:s10] =	ssyncadd.s32 $0xFFFFD800  }
.Ltmp1:
0x135: {  	_ =	swait.ge [sflag:s5], $0x2800;
	(pc) =	sbr.rel @p0 .LBB2_4-.Ltmp1, $4  }
0x136: {  	[sflag:s5] =	ssyncset.done $0x0  }
0x137: {  	[sflag:s5] =	ssyncadd.s32 $0xFFFFD800  }
0x138: {  	s4 =	smov.u32 s15;
	s15 =	sadd.s32 $0x32, s15;
	_ =	swait.ge [sflag:s6], $0x2800  }
0x139: {  	s14 =	smov.u32 s4;
	s16 =	rddreg [dreg:$0xc];
	[sflag:s6] =	ssyncset.done $0x0  }
0x13a: {  	s4 =	rddreg [dreg:$0xb];
	[sflag:s6] =	ssyncadd.s32 $0xFFFFD800;
	s13 =	sadd.s32 s14, s16  }
0x13b: {  	[tilespmem:s18], [sflag:$0x1] =	stream.linear.gather [hbm4b:s13+s3], $0x50, $0x38;
	[tilespmem:$0x1B400] =	vst v63  }
0x13c: {  	s17 =	rddreg [dreg:$0xa];
	s4 =	sadd.s32 s14, s4  }
0x13d: {  	[tilespmem:s19], [sflag:$0x5] =	stream.linear.gather [hbm4b:s4+s3], $0x50, $0x38;
	[tilespmem:$0x1B400] =	vst v63  }
0x13e: {  	s15 =	rddreg [dreg:$0x9];
	s13 =	sadd.s32 s14, s17  }
0x13f: {  	[tilespmem:s20], [sflag:$0x2] =	stream.linear.gather [hbm4b:s13+s3], $0x50, $0x38;
	[tilespmem:$0x1B400] =	vst v63  }
0x140: {  	s4 =	sadd.s32 s14, s15  }
0x141: {  	[tilespmem:s21], [sflag:$0x6] =	stream.linear.gather [hbm4b:s4+s3], $0x50, $0x38;
	[tilespmem:$0x1B400] =	vst v63  }
0x142: {  	_ =	swait.ge [sflag:s22], $0x50  }
0x143: {  	[sflag:s22] =	ssyncset.done $0x0  }
0x144: {  	[sflag:s22] =	ssyncadd.s32 $0xFFFFFFB0  }
0x145: {  	_ =	swait.ge [sflag:s23], $0x50  }
0x146: {  	s16 =	rddreg [dreg:$0x8];
	[sflag:s23] =	ssyncset.done $0x0  }
0x147: {  	s17 =	rddreg [dreg:$0x7];
	[sflag:s23] =	ssyncadd.s32 $0xFFFFFFB0;
	s4 =	sadd.s32 s14, s16  }
0x148: {  	[tilespmem:s24], [sflag:$0x3] =	stream.linear.gather [hbm4b:s4+s3], $0x50, $0x38;
	[tilespmem:$0x1B400] =	vst v63  }
0x149: {  	s15 =	sadd.s32 s14, s17  }
0x14a: {  	[tilespmem:s25], [sflag:$0x7] =	stream.linear.gather [hbm4b:s15+s3], $0x50, $0x38;
	[tilespmem:$0x1B400] =	vst v63  }
0x14b: {  	_ = 	snop  }
0x14c: {  	[spmem:s2] =	stream.indirect.scatter.add.f32 [tilespmem:s28], [sflag:$0x9], $0x80, s18, s26, $0xb8;
	[tilespmem:$0x1B400] =	vst v63  }
0x14d: {  	_ = 	snop  }
0x14e: {  	[spmem:s2] =	stream.indirect.scatter.add.f32 [tilespmem:s29], [sflag:$0xB], $0x80, s19, s26, $0xb8;
	[tilespmem:$0x1B400] =	vst v63  }
0x14f: {  	_ =	swait.ge [sflag:s30], $0x50  }
0x150: {  	[sflag:s30] =	ssyncset.done $0x0  }
0x151: {  	[sflag:s30] =	ssyncadd.s32 $0xFFFFFFB0  }
0x152: {  	_ =	swait.ge [sflag:s31], $0x50  }
0x153: {  	s16 =	rddreg [dreg:$0x6];
	[sflag:s31] =	ssyncset.done $0x0  }
0x154: {  	s17 =	rddreg [dreg:$0x5];
	[sflag:s31] =	ssyncadd.s32 $0xFFFFFFB0;
	s4 =	sadd.s32 s14, s16  }
0x155: {  	[tilespmem:s0], [sflag:$0x4] =	stream.linear.gather [hbm4b:s4+s3], $0x50, $0x38;
	[tilespmem:$0x1B400] =	vst v63  }
0x156: {  	s15 =	sadd.s32 s14, s17  }
0x157: {  	[tilespmem:s1], [sflag:$0x8] =	stream.linear.gather [hbm4b:s15+s3], $0x50, $0x38;
	[tilespmem:$0x1B400] =	vst v63  }
0x158: {  	_ = 	snop  }
0x159: {  	[spmem:s2] =	stream.indirect.scatter.add.f32 [tilespmem:s28], [sflag:$0xA], $0x80, s20, s26, $0xb8;
	[tilespmem:$0x1B400] =	vst v63  }
0x15a: {  	_ = 	snop  }
0x15b: {  	[spmem:s2] =	stream.indirect.scatter.add.f32 [tilespmem:s29], [sflag:$0xC], $0x80, s21, s26, $0xb8;
	[tilespmem:$0x1B400] =	vst v63  }
0x15c: {  	_ =	swait.ge [sflag:s5], $0x2800  }
0x15d: {  	[sflag:s5] =	ssyncset.done $0x0  }
0x15e: {  	[sflag:s5] =	ssyncadd.s32 $0xFFFFD800  }
0x15f: {  	_ =	swait.ge [sflag:s6], $0x2800  }
0x160: {  	[sflag:s6] =	ssyncset.done $0x0  }
0x161: {  	[sflag:s6] =	ssyncadd.s32 $0xFFFFD800  }
0x162: {  	_ =	swait.ge [sflag:s7], $0x50  }
0x163: {  	[sflag:s7] =	ssyncset.done $0x0  }
0x164: {  	[sflag:s7] =	ssyncadd.s32 $0xFFFFFFB0  }
0x165: {  	_ =	swait.ge [sflag:s8], $0x50  }
0x166: {  	s16 =	rddreg [dreg:$0x4];
	[sflag:s8] =	ssyncset.done $0x0  }
0x167: {  	s17 =	rddreg [dreg:$0x3];
	[sflag:s8] =	ssyncadd.s32 $0xFFFFFFB0;
	s4 =	sadd.s32 s14, s16  }
0x168: {  	[tilespmem:s18], [sflag:$0x1] =	stream.linear.gather [hbm4b:s4+s3], $0x50, $0x38;
	[tilespmem:$0x1B400] =	vst v63  }
0x169: {  	s13 =	sadd.s32 s14, s17  }
0x16a: {  	[tilespmem:s19], [sflag:$0x5] =	stream.linear.gather [hbm4b:s13+s3], $0x50, $0x38;
	[tilespmem:$0x1B400] =	vst v63  }
0x16b: {  	_ = 	snop  }
0x16c: {  	[spmem:s2] =	stream.indirect.scatter.add.f32 [tilespmem:s28], [sflag:$0x9], $0x80, s24, s26, $0xb8;
	[tilespmem:$0x1B400] =	vst v63  }
0x16d: {  	_ = 	snop  }
0x16e: {  	[spmem:s2] =	stream.indirect.scatter.add.f32 [tilespmem:s29], [sflag:$0xB], $0x80, s25, s26, $0xb8;
	[tilespmem:$0x1B400] =	vst v63  }
0x16f: {  	_ =	swait.ge [sflag:s9], $0x2800  }
0x170: {  	[sflag:s9] =	ssyncset.done $0x0  }
0x171: {  	[sflag:s9] =	ssyncadd.s32 $0xFFFFD800  }
0x172: {  	_ =	swait.ge [sflag:s10], $0x2800  }
0x173: {  	[sflag:s10] =	ssyncset.done $0x0  }
0x174: {  	[sflag:s10] =	ssyncadd.s32 $0xFFFFD800  }
0x175: {  	_ =	swait.ge [sflag:s11], $0x50  }
0x176: {  	[sflag:s11] =	ssyncset.done $0x0  }
0x177: {  	[sflag:s11] =	ssyncadd.s32 $0xFFFFFFB0  }
0x178: {  	_ =	swait.ge [sflag:s12], $0x50  }
0x179: {  	[sflag:s12] =	ssyncset.done $0x0  }
0x17a: {  	[sflag:s12] =	ssyncadd.s32 $0xFFFFFFB0  }
0x17b: {  	[spmem:s2] =	stream.indirect.scatter.add.f32 [tilespmem:s28], [sflag:$0xA], $0x80, s0, s26, $0xb8;
	[tilespmem:$0x1B400] =	vst v63  }
0x17c: {  	_ = 	snop  }
0x17d: {  	[spmem:s2] =	stream.indirect.scatter.add.f32 [tilespmem:s29], [sflag:$0xC], $0x80, s1, s26, $0xb8;
	[tilespmem:$0x1B400] =	vst v63  }
0x17e: {  	_ =	swait.ge [sflag:s5], $0x2800  }
0x17f: {  	[sflag:s5] =	ssyncset.done $0x0  }
0x180: {  	[sflag:s5] =	ssyncadd.s32 $0xFFFFD800  }
0x181: {  	_ =	swait.ge [sflag:s6], $0x2800  }
0x182: {  	[sflag:s6] =	ssyncset.done $0x0  }
0x183: {  	[sflag:s6] =	ssyncadd.s32 $0xFFFFD800  }
0x184: {  	_ =	swait.ge [sflag:s22], $0x50  }
0x185: {  	[sflag:s22] =	ssyncset.done $0x0  }
0x186: {  	[sflag:s22] =	ssyncadd.s32 $0xFFFFFFB0  }
0x187: {  	_ =	swait.ge [sflag:s23], $0x50  }
0x188: {  	[sflag:s23] =	ssyncset.done $0x0  }
0x189: {  	[sflag:s23] =	ssyncadd.s32 $0xFFFFFFB0  }
0x18a: {  	[spmem:s2] =	stream.indirect.scatter.add.f32 [tilespmem:s28], [sflag:$0x9], $0x80, s18, s26, $0xb8;
	[tilespmem:$0x1B400] =	vst v63  }
0x18b: {  	_ = 	snop  }
0x18c: {  	[spmem:s2] =	stream.indirect.scatter.add.f32 [tilespmem:s29], [sflag:$0xB], $0x80, s19, s26, $0xb8;
	[tilespmem:$0x1B400] =	vst v63  }
0x18d: {  	_ =	swait.ge [sflag:s9], $0x2800  }
0x18e: {  	[sflag:s9] =	ssyncset.done $0x0  }
0x18f: {  	[sflag:s9] =	ssyncadd.s32 $0xFFFFD800  }
0x190: {  	_ =	swait.ge [sflag:s10], $0x2800  }
0x191: {  	[sflag:s10] =	ssyncset.done $0x0  }
0x192: {  	[sflag:s10] =	ssyncadd.s32 $0xFFFFD800  }
0x193: {  	_ =	swait.ge [sflag:s5], $0x2800  }
0x194: {  	[sflag:s5] =	ssyncset.done $0x0  }
0x195: {  	[sflag:s5] =	ssyncadd.s32 $0xFFFFD800  }
0x196: {  	_ =	swait.ge [sflag:s6], $0x2800  }
0x197: {  	[sflag:s6] =	ssyncset.done $0x0  }
0x198: {  	s14 =	stileid.u32;
	[sflag:s6] =	ssyncadd.s32 $0xFFFFD800  }
0x199: {  	s4 =	sshll.u32 s14, $0x6;
	[bflag:$0x0] =	sbarrier.arrive $0xFFFF  }
0x19a: {  	s4 =	sor.u32 $0x1C0D, s4;
	s17 =	rddreg [dreg:$0xd]  }
0x19b: {  	s13 =	simm.s32 $0xD;
	s16 =	rddreg [dreg:$0x17];
	s15 =	sshrl.u32 s17, $0x3  }
0x19c: {  	[hbm:s16], [sflag:s4] =	dma.local [spmem:s15], $0x2800  }
0x19d: {  	_ =	swait.ge [sflag:s13], $0x2800  }
0x19e: {  	s15 =	rddreg [dreg:$0x19]  }
0x19f: {  	s16 =	rddreg [dreg:$0x18];
	s14 =	sadd.s32 $0x1, s15  }
0x1a0: {  	p0 =	sne.s32 s14, s16  }
.Ltmp2:
0x1a1: {  	_ = 	snop;
	(pc) =	sbr.rel @p0 .LBB2_1-.Ltmp2, $3  }
0x1a2: {  	_ =	sdelay $0x1  }
0x1a3: {  	[sflag:s13] =	ssyncset.done $0x0  }
0x1a4: {  	[sflag:s13] =	ssyncadd.s32 $0xFFFFD800  }
0x1a5: {  	_ =	sfence.sel $0x180000  }
0x1a6: {  	[bflag:$0x0] =	sbarrier.arrive $0xFFFF  }
0x1a7: {  	_ =	strace $0x90000047  }
0x1a8: {  	s0 =	stileid.u32;
	[bflag:$0x2] =	sbarrier.arrive $0xFFFF  }
0x1a9: {  	p0 =	sne.s32 s0, $0x0;
	s0 =	rddreg [dreg:$0x2]  }
0x1aa: {  	s0 =	sadd.s32 @!p0 $0x100000, s0  }
0x1ab: {  	[sflag:s0] =	ssyncadd.tile.s32 @!p0 $0x1;
	_ =	shalt  }
.Lfunc_end2:
_tile_overlayer_lowered:
.L_overlay_start_2:
0x1ac: {  	(tag) =	ssettag $0x2  }
0x1ad: {  	s0 =	rddreg [dreg:$0x0];
	s2 =	stileid.u32  }
0x1ae: {  	s1 =	rddreg [dreg:$0x1];
	p0 =	sne.s32 s2, $0x0  }
0x1af: {  	s3 =	rddreg [dreg:$0x2];
	[bflag:$0x3] =	sbarrier.arrive $0xFFFF;
	s2 =	simm.s32 @!p0 $0x1C0D  }
0x1b0: {  	[timem:s3], [sflag:s2] =	dma.local @!p0 [hbm:s0], s1  }
0x1b1: {  	s0 =	simm.s32 @!p0 $0xD  }
0x1b2: {  	_ =	swait.ge @!p0 [sflag:s0], s1  }
0x1b3: {  	s1 =	ssub.s32 @!p0 $0x0, s1;
	[sflag:s0] =	ssyncset.done @!p0 $0x0  }
0x1b4: {  	[sflag:s0] =	ssyncadd.s32 @!p0 s1  }
0x1b5: {  	[bflag:$0x3] =	sbarrier.arrive $0xFFFF  }
0x1b6: {  	_ =	shalt  }

</sc_bundles>
